<compile_context>
chip_gen: v7x
topology: tpu7x:2x2x1
jax: 0.10.2.dev20260603
libtpu: 0.0.44.dev20260713+nightly
codegen_flags: <defaults>
</compile_context>

<pallas_src>
import functools

import jax
import jax.numpy as jnp
from jax import lax
from jax.experimental import pallas as pl
from jax.experimental.pallas import tpu as pltpu
from jax.experimental.pallas import tpu_sc as plsc

NC = 2
NS = 16
L = 16
NW = NC * NS


def _make_unpool(rows, w, r_chunk):
    outw = 4 * w
    rpw = rows // NW
    nit = rpw // r_chunk
    assert rpw * NW == rows and nit * r_chunk == rpw and nit % 2 == 0
    groups = w // L
    shift = (2 * w).bit_length() - 1

    mesh = plsc.VectorSubcoreMesh(
        core_axis_name="c", subcore_axis_name="s", num_cores=NC, num_subcores=NS
    )

    @functools.partial(
        pl.kernel,
        out_type=jax.ShapeDtypeStruct((2 * rows, 2 * w), jnp.float32),
        mesh=mesh,
        scratch_types=[
            pltpu.VMEM((r_chunk, w), jnp.float32),
            pltpu.VMEM((r_chunk, w), jnp.float32),
            pltpu.VMEM((r_chunk, w), jnp.int32),
            pltpu.VMEM((r_chunk, w), jnp.int32),
            pltpu.VMEM((2 * r_chunk, 2 * w), jnp.float32),
            pltpu.VMEM((2 * r_chunk, 2 * w), jnp.float32),
            pltpu.SemaphoreType.DMA,
            pltpu.SemaphoreType.DMA,
            pltpu.SemaphoreType.DMA,
            pltpu.SemaphoreType.DMA,
        ],
        compiler_params=pltpu.CompilerParams(
            use_tc_tiling_on_sc=True, needs_layout_passes=False
        ),
    )
    def unpool(x_hbm, idx_hbm, out_hbm, xv0, xv1, iv0, iv1, ov0, ov1,
               isem0, isem1, osem0, osem1):
        wid = lax.axis_index("c") * NS + lax.axis_index("s")
        base_row = wid * rpw
        xvs = (xv0, xv1)
        ivs = (iv0, iv1)
        ovs = (ov0, ov1)
        isems = (isem0, isem1)
        osems = (osem0, osem1)
        zeros = jnp.zeros((L,), jnp.float32)

        def start_in(it, slot):
            row0 = base_row + it * r_chunk
            pltpu.async_copy(x_hbm.at[pl.ds(row0, r_chunk)], xvs[slot], isems[slot])
            pltpu.async_copy(idx_hbm.at[pl.ds(row0, r_chunk)], ivs[slot], isems[slot])

        def wait_in(it, slot):
            row0 = base_row + it * r_chunk
            pltpu.make_async_copy(
                x_hbm.at[pl.ds(row0, r_chunk)], xvs[slot], isems[slot]
            ).wait()
            pltpu.make_async_copy(
                idx_hbm.at[pl.ds(row0, r_chunk)], ivs[slot], isems[slot]
            ).wait()

        start_in(0, 0)
        start_in(1, 1)

        def step(it, slot):
            row0 = base_row + it * r_chunk

            @pl.when(it >= 2)
            def _():
                pltpu.make_async_copy(
                    ovs[slot],
                    out_hbm.at[pl.ds(2 * (row0 - 2 * r_chunk), 2 * r_chunk)],
                    osems[slot],
                ).wait()

            @plsc.parallel_loop(0, 2 * r_chunk, 1, unroll=2)
            def _(orow):
                for cc in range(2 * w // L):
                    ovs[slot][orow, pl.ds(cc * L, L)] = zeros

            wait_in(it, slot)

            @plsc.parallel_loop(0, r_chunk, 1, unroll=2)
            def _(rr):
                row2 = jnp.full((L,), 2 * rr, jnp.int32)
                for gg in range(groups):
                    idxv = ivs[slot][rr, pl.ds(gg * L, L)]
                    vals = xvs[slot][rr, pl.ds(gg * L, L)]
                    local = lax.bitwise_and(idxv, jnp.int32(outw - 1))
                    rowv = row2 + lax.shift_right_logical(local, shift)
                    colv = lax.bitwise_and(local, jnp.int32(2 * w - 1))
                    plsc.store_scatter(ovs[slot], [rowv, colv], vals)

            pltpu.async_copy(
                ovs[slot], out_hbm.at[pl.ds(2 * row0, 2 * r_chunk)], osems[slot]
            )

            @pl.when(it + 2 < nit)
            def _():
                start_in(it + 2, slot)

        def outer(i, carry):
            step(2 * i, 0)
            step(2 * i + 1, 1)
            return carry

        lax.fori_loop(0, nit // 2, outer, 0)

        last0 = base_row + (nit - 2) * r_chunk
        pltpu.make_async_copy(
            ovs[0], out_hbm.at[pl.ds(2 * last0, 2 * r_chunk)], osems[0]
        ).wait()
        pltpu.make_async_copy(
            ovs[1], out_hbm.at[pl.ds(2 * (last0 + r_chunk), 2 * r_chunk)], osems[1]
        ).wait()

    return unpool


def kernel(x, indices, output_size):
    del output_size
    B, C, H, W = x.shape
    OH, OW = 2 * H, 2 * W
    rows = B * C * H
    xf = x.reshape(rows, W)
    idxf = indices.astype(jnp.int32).reshape(rows, W)
    out = _make_unpool(rows, W, 32)(xf, idxf)
    return out.reshape(B, C, OH, OW)

# --- scband reference (transcript-rebuilt; emitter-appended) ---
"""Pipeline reference for scband-max-unpooling-21148418966239 (READ-ONLY COPY).

The authoritative reference and input builder live on the scoring server;
editing this copy changes nothing except your own understanding.
"""

import jax, jax.numpy as jnp
import numpy as np


def setup_inputs(seed: int = 0) -> dict:
    key = jax.random.key(seed)
    k1, k2, k3 = jax.random.split(key, 3)
    B, C, H, W = 2, 96, 256, 256
    OH, OW = 512, 512
    x = jax.random.normal(k1, (B, C, H, W), dtype=jnp.float32)
    # Build valid (unique per window) max-pool indices into the OHxOW output grid,
    # mimicking torch.nn.MaxPool2d(return_indices=True) flat index semantics.
    r = jax.random.randint(k2, (B, C, H, W), 0, 2)
    c = jax.random.randint(k3, (B, C, H, W), 0, 2)
    rows = 2 * jnp.arange(H)[None, None, :, None] + r
    cols = 2 * jnp.arange(W)[None, None, None, :] + c
    indices = (rows * OW + cols).astype(jnp.int64)
    return {"x": x, "indices": indices, "output_size": (OH, OW)}


def reference(x, indices, output_size):
    B, C, H, W = x.shape
    OH, OW = 2 * H, 2 * W
    oh_t, ow_t = output_size
    flat_x = x.reshape(B * C, H * W)
    flat_idx = indices.reshape(B * C, H * W) + (oh_t * ow_t - OH * OW)
    out = jnp.zeros((B * C, OH * OW), dtype=x.dtype)
    row_ids = jnp.arange(B * C)[:, None]
    out = out.at[row_ids, flat_idx].set(flat_x)
    return out.reshape(B, C, OH, OW)

if __name__ == "__main__":
    import jax
    _d = setup_inputs()
    print(jax.jit(kernel)(*tuple(_d.values())))

</pallas_src>

<mosaic_0001>
#map = affine_map<(d0, d1) -> (0, 0)>
module attributes {stable_mosaic.version = 14 : i64} {
  func.func @unpool(%arg0: i32, %arg1: i32, %arg2: memref<49152x256xf32, #tpu.memory_space<hbm>>, %arg3: memref<49152x256xi32, #tpu.memory_space<hbm>>, %arg4: memref<98304x512xf32, #tpu.memory_space<hbm>>, %arg5: memref<32x256xf32, #tpu.memory_space<vmem>>, %arg6: memref<32x256xf32, #tpu.memory_space<vmem>>, %arg7: memref<32x256xi32, #tpu.memory_space<vmem>>, %arg8: memref<32x256xi32, #tpu.memory_space<vmem>>, %arg9: memref<64x512xf32, #tpu.memory_space<vmem>>, %arg10: memref<64x512xf32, #tpu.memory_space<vmem>>, %arg11: memref<!tpu.dma_semaphore, #tpu.memory_space<semaphore_mem>>, %arg12: memref<!tpu.dma_semaphore, #tpu.memory_space<semaphore_mem>>, %arg13: memref<!tpu.dma_semaphore, #tpu.memory_space<semaphore_mem>>, %arg14: memref<!tpu.dma_semaphore, #tpu.memory_space<semaphore_mem>>) attributes {dimension_semantics = [#tpu.dimension_semantics<core_parallel>, #tpu.dimension_semantics<subcore_parallel>], iteration_bounds = array<i64: 2, 16>, scalar_prefetch = 0 : i64, scratch_operands = 10 : i64, tpu.core_type = #tpu.core_type<sc_vector_subcore>, window_params = [{transform_indices = #map}, {transform_indices = #map}, {transform_indices = #map}]} {
    %mul3A = arith.constant 16 : i32
    %mul3A_0 = arith.muli %arg0, %mul3A : i32
    %add3A = arith.addi %mul3A_0, %arg1 : i32
    %mul3A_1 = arith.constant 1536 : i32
    %mul3A_2 = arith.muli %add3A, %mul3A_1 : i32
    %broadcast_in_dim3A = arith.constant 0.000000e+00 : f32
    %broadcast_in_dim3A_3 = vector.broadcast %broadcast_in_dim3A : f32 to vector<16xf32>
    %add3A_4 = arith.constant 0 : i32
    %add3A_5 = arith.addi %mul3A_2, %add3A_4 : i32
    %dma_start3A = arith.constant 0 : i32
    %dma_start3A_6 = tpu.memref_slice %arg2[%add3A_5, %dma_start3A] : memref<49152x256xf32, #tpu.memory_space<hbm>> -> memref<32x256xf32, #tpu.memory_space<hbm>>
    %dma_start3A_7 = arith.constant 0 : i32
    %dma_start3A_8 = tpu.memref_slice %arg2[%add3A_5, %dma_start3A_7] : memref<49152x256xf32, #tpu.memory_space<hbm>> -> memref<32x256xf32, #tpu.memory_space<hbm>>
    tpu.enqueue_dma source(%dma_start3A_8 : memref<32x256xf32, #tpu.memory_space<hbm>>) target(%arg5 : memref<32x256xf32, #tpu.memory_space<vmem>>) target_semaphore(%arg11 : memref<!tpu.dma_semaphore, #tpu.memory_space<semaphore_mem>>)
    %dma_start3A_9 = arith.constant 0 : i32
    %dma_start3A_10 = tpu.memref_slice %arg3[%add3A_5, %dma_start3A_9] : memref<49152x256xi32, #tpu.memory_space<hbm>> -> memref<32x256xi32, #tpu.memory_space<hbm>>
    %dma_start3A_11 = arith.constant 0 : i32
    %dma_start3A_12 = tpu.memref_slice %arg3[%add3A_5, %dma_start3A_11] : memref<49152x256xi32, #tpu.memory_space<hbm>> -> memref<32x256xi32, #tpu.memory_space<hbm>>
    tpu.enqueue_dma source(%dma_start3A_12 : memref<32x256xi32, #tpu.memory_space<hbm>>) target(%arg7 : memref<32x256xi32, #tpu.memory_space<vmem>>) target_semaphore(%arg11 : memref<!tpu.dma_semaphore, #tpu.memory_space<semaphore_mem>>)
    %add3A_13 = arith.constant 32 : i32
    %add3A_14 = arith.addi %mul3A_2, %add3A_13 : i32
    %dma_start3A_15 = arith.constant 0 : i32
    %dma_start3A_16 = tpu.memref_slice %arg2[%add3A_14, %dma_start3A_15] : memref<49152x256xf32, #tpu.memory_space<hbm>> -> memref<32x256xf32, #tpu.memory_space<hbm>>
    %dma_start3A_17 = arith.constant 0 : i32
    %dma_start3A_18 = tpu.memref_slice %arg2[%add3A_14, %dma_start3A_17] : memref<49152x256xf32, #tpu.memory_space<hbm>> -> memref<32x256xf32, #tpu.memory_space<hbm>>
    tpu.enqueue_dma source(%dma_start3A_18 : memref<32x256xf32, #tpu.memory_space<hbm>>) target(%arg6 : memref<32x256xf32, #tpu.memory_space<vmem>>) target_semaphore(%arg12 : memref<!tpu.dma_semaphore, #tpu.memory_space<semaphore_mem>>)
    %dma_start3A_19 = arith.constant 0 : i32
    %dma_start3A_20 = tpu.memref_slice %arg3[%add3A_14, %dma_start3A_19] : memref<49152x256xi32, #tpu.memory_space<hbm>> -> memref<32x256xi32, #tpu.memory_space<hbm>>
    %dma_start3A_21 = arith.constant 0 : i32
    %dma_start3A_22 = tpu.memref_slice %arg3[%add3A_14, %dma_start3A_21] : memref<49152x256xi32, #tpu.memory_space<hbm>> -> memref<32x256xi32, #tpu.memory_space<hbm>>
    tpu.enqueue_dma source(%dma_start3A_22 : memref<32x256xi32, #tpu.memory_space<hbm>>) target(%arg8 : memref<32x256xi32, #tpu.memory_space<vmem>>) target_semaphore(%arg12 : memref<!tpu.dma_semaphore, #tpu.memory_space<semaphore_mem>>)
    %scan3A = arith.constant 0 : i32
    %scan3A_23 = arith.constant 0 : i32
    %scan3A_24 = arith.constant 24 : i32
    %scan3A_25 = arith.addi %scan3A_23, %scan3A_24 : i32
    %scan3A_26 = arith.constant 1 : i32
    scf.for %scan3A_43 = %scan3A_23 to %scan3A_25 step %scan3A_26  : i32 {
      %mul3A_44 = arith.constant 2 : i32
      %mul3A_45 = arith.muli %mul3A_44, %scan3A_43 : i32
      %mul3A_46 = arith.constant 32 : i32
      %mul3A_47 = arith.muli %mul3A_45, %mul3A_46 : i32
      %add3A_48 = arith.addi %mul3A_2, %mul3A_47 : i32
      %ge3A = arith.constant 2 : i32
      %ge3A_49 = arith.cmpi sge, %mul3A_45, %ge3A : i32
      %convert_element_type3A = arith.extui %ge3A_49 : i1 to i32
      %cond3A = arith.constant 0 : i32
      %cond3A_50 = arith.cmpi ne, %convert_element_type3A, %cond3A : i32
      scf.if %cond3A_50 {
        %sub3A = arith.constant 64 : i32
        %sub3A_121 = arith.subi %add3A_48, %sub3A : i32
        %mul3A_122 = arith.constant 2 : i32
        %mul3A_123 = arith.muli %mul3A_122, %sub3A_121 : i32
        %dma_wait3A_124 = arith.constant 0 : i32
        %dma_wait3A_125 = tpu.memref_slice %arg4[%mul3A_123, %dma_wait3A_124] : memref<98304x512xf32, #tpu.memory_space<hbm>> -> memref<64x512xf32, #tpu.memory_space<hbm>>
        %dma_wait3A_126 = arith.constant 0 : i32
        %dma_wait3A_127 = tpu.memref_slice %arg4[%mul3A_123, %dma_wait3A_126] : memref<98304x512xf32, #tpu.memory_space<hbm>> -> memref<64x512xf32, #tpu.memory_space<hbm>>
        tpu.wait_dma2 semaphore(%arg13 : memref<!tpu.dma_semaphore, #tpu.memory_space<semaphore_mem>>) src(%arg9 : memref<64x512xf32, #tpu.memory_space<vmem>>) dst(%dma_wait3A_127 : memref<64x512xf32, #tpu.memory_space<hbm>>)
      } else {
      }
      %parallel_loop3A = arith.constant 0 : i32
      %parallel_loop3A_51 = arith.constant 64 : i32
      %parallel_loop3A_52 = arith.constant 1 : i32
      scf.for %parallel_loop3A_121 = %parallel_loop3A to %parallel_loop3A_51 step %parallel_loop3A_52  : i32 {
        %parallel_loop3A_122 = arith.index_cast %parallel_loop3A_121 : i32 to index
        %parallel_loop3A_123 = arith.constant 0 : index
        %parallel_loop3A_124 = tpu.vector_load %arg9[%parallel_loop3A_122, %parallel_loop3A_123] {strides = array<i32>} : memref<64x512xf32, #tpu.memory_space<vmem>>, vector<16xf32>,
        tpu.vector_store %arg9[%parallel_loop3A_122, %parallel_loop3A_123], %broadcast_in_dim3A_3 {strides = array<i32>} : memref<64x512xf32, #tpu.memory_space<vmem>>, vector<16xf32>,
        %parallel_loop3A_125 = arith.index_cast %parallel_loop3A_121 : i32 to index
        %parallel_loop3A_126 = arith.constant 16 : index
        %parallel_loop3A_127 = tpu.vector_load %arg9[%parallel_loop3A_125, %parallel_loop3A_126] {strides = array<i32>} : memref<64x512xf32, #tpu.memory_space<vmem>>, vector<16xf32>,
        tpu.vector_store %arg9[%parallel_loop3A_125, %parallel_loop3A_126], %broadcast_in_dim3A_3 {strides = array<i32>} : memref<64x512xf32, #tpu.memory_space<vmem>>, vector<16xf32>,
        %parallel_loop3A_128 = arith.index_cast %parallel_loop3A_121 : i32 to index
        %parallel_loop3A_129 = arith.constant 32 : index
        %parallel_loop3A_130 = tpu.vector_load %arg9[%parallel_loop3A_128, %parallel_loop3A_129] {strides = array<i32>} : memref<64x512xf32, #tpu.memory_space<vmem>>, vector<16xf32>,
        tpu.vector_store %arg9[%parallel_loop3A_128, %parallel_loop3A_129], %broadcast_in_dim3A_3 {strides = array<i32>} : memref<64x512xf32, #tpu.memory_space<vmem>>, vector<16xf32>,
        %parallel_loop3A_131 = arith.index_cast %parallel_loop3A_121 : i32 to index
        %parallel_loop3A_132 = arith.constant 48 : index
        %parallel_loop3A_133 = tpu.vector_load %arg9[%parallel_loop3A_131, %parallel_loop3A_132] {strides = array<i32>} : memref<64x512xf32, #tpu.memory_space<vmem>>, vector<16xf32>,
        tpu.vector_store %arg9[%parallel_loop3A_131, %parallel_loop3A_132], %broadcast_in_dim3A_3 {strides = array<i32>} : memref<64x512xf32, #tpu.memory_space<vmem>>, vector<16xf32>,
        %parallel_loop3A_134 = arith.index_cast %parallel_loop3A_121 : i32 to index
        %parallel_loop3A_135 = arith.constant 64 : index
        %parallel_loop3A_136 = tpu.vector_load %arg9[%parallel_loop3A_134, %parallel_loop3A_135] {strides = array<i32>} : memref<64x512xf32, #tpu.memory_space<vmem>>, vector<16xf32>,
        tpu.vector_store %arg9[%parallel_loop3A_134, %parallel_loop3A_135], %broadcast_in_dim3A_3 {strides = array<i32>} : memref<64x512xf32, #tpu.memory_space<vmem>>, vector<16xf32>,
        %parallel_loop3A_137 = arith.index_cast %parallel_loop3A_121 : i32 to index
        %parallel_loop3A_138 = arith.constant 80 : index
        %parallel_loop3A_139 = tpu.vector_load %arg9[%parallel_loop3A_137, %parallel_loop3A_138] {strides = array<i32>} : memref<64x512xf32, #tpu.memory_space<vmem>>, vector<16xf32>,
        tpu.vector_store %arg9[%parallel_loop3A_137, %parallel_loop3A_138], %broadcast_in_dim3A_3 {strides = array<i32>} : memref<64x512xf32, #tpu.memory_space<vmem>>, vector<16xf32>,
        %parallel_loop3A_140 = arith.index_cast %parallel_loop3A_121 : i32 to index
        %parallel_loop3A_141 = arith.constant 96 : index
        %parallel_loop3A_142 = tpu.vector_load %arg9[%parallel_loop3A_140, %parallel_loop3A_141] {strides = array<i32>} : memref<64x512xf32, #tpu.memory_space<vmem>>, vector<16xf32>,
        tpu.vector_store %arg9[%parallel_loop3A_140, %parallel_loop3A_141], %broadcast_in_dim3A_3 {strides = array<i32>} : memref<64x512xf32, #tpu.memory_space<vmem>>, vector<16xf32>,
        %parallel_loop3A_143 = arith.index_cast %parallel_loop3A_121 : i32 to index
        %parallel_loop3A_144 = arith.constant 112 : index
        %parallel_loop3A_145 = tpu.vector_load %arg9[%parallel_loop3A_143, %parallel_loop3A_144] {strides = array<i32>} : memref<64x512xf32, #tpu.memory_space<vmem>>, vector<16xf32>,
        tpu.vector_store %arg9[%parallel_loop3A_143, %parallel_loop3A_144], %broadcast_in_dim3A_3 {strides = array<i32>} : memref<64x512xf32, #tpu.memory_space<vmem>>, vector<16xf32>,
        %parallel_loop3A_146 = arith.index_cast %parallel_loop3A_121 : i32 to index
        %parallel_loop3A_147 = arith.constant 128 : index
        %parallel_loop3A_148 = tpu.vector_load %arg9[%parallel_loop3A_146, %parallel_loop3A_147] {strides = array<i32>} : memref<64x512xf32, #tpu.memory_space<vmem>>, vector<16xf32>,
        tpu.vector_store %arg9[%parallel_loop3A_146, %parallel_loop3A_147], %broadcast_in_dim3A_3 {strides = array<i32>} : memref<64x512xf32, #tpu.memory_space<vmem>>, vector<16xf32>,
        %parallel_loop3A_149 = arith.index_cast %parallel_loop3A_121 : i32 to index
        %parallel_loop3A_150 = arith.constant 144 : index
        %parallel_loop3A_151 = tpu.vector_load %arg9[%parallel_loop3A_149, %parallel_loop3A_150] {strides = array<i32>} : memref<64x512xf32, #tpu.memory_space<vmem>>, vector<16xf32>,
        tpu.vector_store %arg9[%parallel_loop3A_149, %parallel_loop3A_150], %broadcast_in_dim3A_3 {strides = array<i32>} : memref<64x512xf32, #tpu.memory_space<vmem>>, vector<16xf32>,
        %parallel_loop3A_152 = arith.index_cast %parallel_loop3A_121 : i32 to index
        %parallel_loop3A_153 = arith.constant 160 : index
        %parallel_loop3A_154 = tpu.vector_load %arg9[%parallel_loop3A_152, %parallel_loop3A_153] {strides = array<i32>} : memref<64x512xf32, #tpu.memory_space<vmem>>, vector<16xf32>,
        tpu.vector_store %arg9[%parallel_loop3A_152, %parallel_loop3A_153], %broadcast_in_dim3A_3 {strides = array<i32>} : memref<64x512xf32, #tpu.memory_space<vmem>>, vector<16xf32>,
        %parallel_loop3A_155 = arith.index_cast %parallel_loop3A_121 : i32 to index
        %parallel_loop3A_156 = arith.constant 176 : index
        %parallel_loop3A_157 = tpu.vector_load %arg9[%parallel_loop3A_155, %parallel_loop3A_156] {strides = array<i32>} : memref<64x512xf32, #tpu.memory_space<vmem>>, vector<16xf32>,
        tpu.vector_store %arg9[%parallel_loop3A_155, %parallel_loop3A_156], %broadcast_in_dim3A_3 {strides = array<i32>} : memref<64x512xf32, #tpu.memory_space<vmem>>, vector<16xf32>,
        %parallel_loop3A_158 = arith.index_cast %parallel_loop3A_121 : i32 to index
        %parallel_loop3A_159 = arith.constant 192 : index
        %parallel_loop3A_160 = tpu.vector_load %arg9[%parallel_loop3A_158, %parallel_loop3A_159] {strides = array<i32>} : memref<64x512xf32, #tpu.memory_space<vmem>>, vector<16xf32>,
        tpu.vector_store %arg9[%parallel_loop3A_158, %parallel_loop3A_159], %broadcast_in_dim3A_3 {strides = array<i32>} : memref<64x512xf32, #tpu.memory_space<vmem>>, vector<16xf32>,
        %parallel_loop3A_161 = arith.index_cast %parallel_loop3A_121 : i32 to index
        %parallel_loop3A_162 = arith.constant 208 : index
        %parallel_loop3A_163 = tpu.vector_load %arg9[%parallel_loop3A_161, %parallel_loop3A_162] {strides = array<i32>} : memref<64x512xf32, #tpu.memory_space<vmem>>, vector<16xf32>,
        tpu.vector_store %arg9[%parallel_loop3A_161, %parallel_loop3A_162], %broadcast_in_dim3A_3 {strides = array<i32>} : memref<64x512xf32, #tpu.memory_space<vmem>>, vector<16xf32>,
        %parallel_loop3A_164 = arith.index_cast %parallel_loop3A_121 : i32 to index
        %parallel_loop3A_165 = arith.constant 224 : index
        %parallel_loop3A_166 = tpu.vector_load %arg9[%parallel_loop3A_164, %parallel_loop3A_165] {strides = array<i32>} : memref<64x512xf32, #tpu.memory_space<vmem>>, vector<16xf32>,
        tpu.vector_store %arg9[%parallel_loop3A_164, %parallel_loop3A_165], %broadcast_in_dim3A_3 {strides = array<i32>} : memref<64x512xf32, #tpu.memory_space<vmem>>, vector<16xf32>,
        %parallel_loop3A_167 = arith.index_cast %parallel_loop3A_121 : i32 to index
        %parallel_loop3A_168 = arith.constant 240 : index
        %parallel_loop3A_169 = tpu.vector_load %arg9[%parallel_loop3A_167, %parallel_loop3A_168] {strides = array<i32>} : memref<64x512xf32, #tpu.memory_space<vmem>>, vector<16xf32>,
        tpu.vector_store %arg9[%parallel_loop3A_167, %parallel_loop3A_168], %broadcast_in_dim3A_3 {strides = array<i32>} : memref<64x512xf32, #tpu.memory_space<vmem>>, vector<16xf32>,
        %parallel_loop3A_170 = arith.index_cast %parallel_loop3A_121 : i32 to index
        %parallel_loop3A_171 = arith.constant 256 : index
        %parallel_loop3A_172 = tpu.vector_load %arg9[%parallel_loop3A_170, %parallel_loop3A_171] {strides = array<i32>} : memref<64x512xf32, #tpu.memory_space<vmem>>, vector<16xf32>,
        tpu.vector_store %arg9[%parallel_loop3A_170, %parallel_loop3A_171], %broadcast_in_dim3A_3 {strides = array<i32>} : memref<64x512xf32, #tpu.memory_space<vmem>>, vector<16xf32>,
        %parallel_loop3A_173 = arith.index_cast %parallel_loop3A_121 : i32 to index
        %parallel_loop3A_174 = arith.constant 272 : index
        %parallel_loop3A_175 = tpu.vector_load %arg9[%parallel_loop3A_173, %parallel_loop3A_174] {strides = array<i32>} : memref<64x512xf32, #tpu.memory_space<vmem>>, vector<16xf32>,
        tpu.vector_store %arg9[%parallel_loop3A_173, %parallel_loop3A_174], %broadcast_in_dim3A_3 {strides = array<i32>} : memref<64x512xf32, #tpu.memory_space<vmem>>, vector<16xf32>,
        %parallel_loop3A_176 = arith.index_cast %parallel_loop3A_121 : i32 to index
        %parallel_loop3A_177 = arith.constant 288 : index
        %parallel_loop3A_178 = tpu.vector_load %arg9[%parallel_loop3A_176, %parallel_loop3A_177] {strides = array<i32>} : memref<64x512xf32, #tpu.memory_space<vmem>>, vector<16xf32>,
        tpu.vector_store %arg9[%parallel_loop3A_176, %parallel_loop3A_177], %broadcast_in_dim3A_3 {strides = array<i32>} : memref<64x512xf32, #tpu.memory_space<vmem>>, vector<16xf32>,
        %parallel_loop3A_179 = arith.index_cast %parallel_loop3A_121 : i32 to index
        %parallel_loop3A_180 = arith.constant 304 : index
        %parallel_loop3A_181 = tpu.vector_load %arg9[%parallel_loop3A_179, %parallel_loop3A_180] {strides = array<i32>} : memref<64x512xf32, #tpu.memory_space<vmem>>, vector<16xf32>,
        tpu.vector_store %arg9[%parallel_loop3A_179, %parallel_loop3A_180], %broadcast_in_dim3A_3 {strides = array<i32>} : memref<64x512xf32, #tpu.memory_space<vmem>>, vector<16xf32>,
        %parallel_loop3A_182 = arith.index_cast %parallel_loop3A_121 : i32 to index
        %parallel_loop3A_183 = arith.constant 320 : index
        %parallel_loop3A_184 = tpu.vector_load %arg9[%parallel_loop3A_182, %parallel_loop3A_183] {strides = array<i32>} : memref<64x512xf32, #tpu.memory_space<vmem>>, vector<16xf32>,
        tpu.vector_store %arg9[%parallel_loop3A_182, %parallel_loop3A_183], %broadcast_in_dim3A_3 {strides = array<i32>} : memref<64x512xf32, #tpu.memory_space<vmem>>, vector<16xf32>,
        %parallel_loop3A_185 = arith.index_cast %parallel_loop3A_121 : i32 to index
        %parallel_loop3A_186 = arith.constant 336 : index
        %parallel_loop3A_187 = tpu.vector_load %arg9[%parallel_loop3A_185, %parallel_loop3A_186] {strides = array<i32>} : memref<64x512xf32, #tpu.memory_space<vmem>>, vector<16xf32>,
        tpu.vector_store %arg9[%parallel_loop3A_185, %parallel_loop3A_186], %broadcast_in_dim3A_3 {strides = array<i32>} : memref<64x512xf32, #tpu.memory_space<vmem>>, vector<16xf32>,
        %parallel_loop3A_188 = arith.index_cast %parallel_loop3A_121 : i32 to index
        %parallel_loop3A_189 = arith.constant 352 : index
        %parallel_loop3A_190 = tpu.vector_load %arg9[%parallel_loop3A_188, %parallel_loop3A_189] {strides = array<i32>} : memref<64x512xf32, #tpu.memory_space<vmem>>, vector<16xf32>,
        tpu.vector_store %arg9[%parallel_loop3A_188, %parallel_loop3A_189], %broadcast_in_dim3A_3 {strides = array<i32>} : memref<64x512xf32, #tpu.memory_space<vmem>>, vector<16xf32>,
        %parallel_loop3A_191 = arith.index_cast %parallel_loop3A_121 : i32 to index
        %parallel_loop3A_192 = arith.constant 368 : index
        %parallel_loop3A_193 = tpu.vector_load %arg9[%parallel_loop3A_191, %parallel_loop3A_192] {strides = array<i32>} : memref<64x512xf32, #tpu.memory_space<vmem>>, vector<16xf32>,
        tpu.vector_store %arg9[%parallel_loop3A_191, %parallel_loop3A_192], %broadcast_in_dim3A_3 {strides = array<i32>} : memref<64x512xf32, #tpu.memory_space<vmem>>, vector<16xf32>,
        %parallel_loop3A_194 = arith.index_cast %parallel_loop3A_121 : i32 to index
        %parallel_loop3A_195 = arith.constant 384 : index
        %parallel_loop3A_196 = tpu.vector_load %arg9[%parallel_loop3A_194, %parallel_loop3A_195] {strides = array<i32>} : memref<64x512xf32, #tpu.memory_space<vmem>>, vector<16xf32>,
        tpu.vector_store %arg9[%parallel_loop3A_194, %parallel_loop3A_195], %broadcast_in_dim3A_3 {strides = array<i32>} : memref<64x512xf32, #tpu.memory_space<vmem>>, vector<16xf32>,
        %parallel_loop3A_197 = arith.index_cast %parallel_loop3A_121 : i32 to index
        %parallel_loop3A_198 = arith.constant 400 : index
        %parallel_loop3A_199 = tpu.vector_load %arg9[%parallel_loop3A_197, %parallel_loop3A_198] {strides = array<i32>} : memref<64x512xf32, #tpu.memory_space<vmem>>, vector<16xf32>,
        tpu.vector_store %arg9[%parallel_loop3A_197, %parallel_loop3A_198], %broadcast_in_dim3A_3 {strides = array<i32>} : memref<64x512xf32, #tpu.memory_space<vmem>>, vector<16xf32>,
        %parallel_loop3A_200 = arith.index_cast %parallel_loop3A_121 : i32 to index
        %parallel_loop3A_201 = arith.constant 416 : index
        %parallel_loop3A_202 = tpu.vector_load %arg9[%parallel_loop3A_200, %parallel_loop3A_201] {strides = array<i32>} : memref<64x512xf32, #tpu.memory_space<vmem>>, vector<16xf32>,
        tpu.vector_store %arg9[%parallel_loop3A_200, %parallel_loop3A_201], %broadcast_in_dim3A_3 {strides = array<i32>} : memref<64x512xf32, #tpu.memory_space<vmem>>, vector<16xf32>,
        %parallel_loop3A_203 = arith.index_cast %parallel_loop3A_121 : i32 to index
        %parallel_loop3A_204 = arith.constant 432 : index
        %parallel_loop3A_205 = tpu.vector_load %arg9[%parallel_loop3A_203, %parallel_loop3A_204] {strides = array<i32>} : memref<64x512xf32, #tpu.memory_space<vmem>>, vector<16xf32>,
        tpu.vector_store %arg9[%parallel_loop3A_203, %parallel_loop3A_204], %broadcast_in_dim3A_3 {strides = array<i32>} : memref<64x512xf32, #tpu.memory_space<vmem>>, vector<16xf32>,
        %parallel_loop3A_206 = arith.index_cast %parallel_loop3A_121 : i32 to index
        %parallel_loop3A_207 = arith.constant 448 : index
        %parallel_loop3A_208 = tpu.vector_load %arg9[%parallel_loop3A_206, %parallel_loop3A_207] {strides = array<i32>} : memref<64x512xf32, #tpu.memory_space<vmem>>, vector<16xf32>,
        tpu.vector_store %arg9[%parallel_loop3A_206, %parallel_loop3A_207], %broadcast_in_dim3A_3 {strides = array<i32>} : memref<64x512xf32, #tpu.memory_space<vmem>>, vector<16xf32>,
        %parallel_loop3A_209 = arith.index_cast %parallel_loop3A_121 : i32 to index
        %parallel_loop3A_210 = arith.constant 464 : index
        %parallel_loop3A_211 = tpu.vector_load %arg9[%parallel_loop3A_209, %parallel_loop3A_210] {strides = array<i32>} : memref<64x512xf32, #tpu.memory_space<vmem>>, vector<16xf32>,
        tpu.vector_store %arg9[%parallel_loop3A_209, %parallel_loop3A_210], %broadcast_in_dim3A_3 {strides = array<i32>} : memref<64x512xf32, #tpu.memory_space<vmem>>, vector<16xf32>,
        %parallel_loop3A_212 = arith.index_cast %parallel_loop3A_121 : i32 to index
        %parallel_loop3A_213 = arith.constant 480 : index
        %parallel_loop3A_214 = tpu.vector_load %arg9[%parallel_loop3A_212, %parallel_loop3A_213] {strides = array<i32>} : memref<64x512xf32, #tpu.memory_space<vmem>>, vector<16xf32>,
        tpu.vector_store %arg9[%parallel_loop3A_212, %parallel_loop3A_213], %broadcast_in_dim3A_3 {strides = array<i32>} : memref<64x512xf32, #tpu.memory_space<vmem>>, vector<16xf32>,
        %parallel_loop3A_215 = arith.index_cast %parallel_loop3A_121 : i32 to index
        %parallel_loop3A_216 = arith.constant 496 : index
        %parallel_loop3A_217 = tpu.vector_load %arg9[%parallel_loop3A_215, %parallel_loop3A_216] {strides = array<i32>} : memref<64x512xf32, #tpu.memory_space<vmem>>, vector<16xf32>,
        tpu.vector_store %arg9[%parallel_loop3A_215, %parallel_loop3A_216], %broadcast_in_dim3A_3 {strides = array<i32>} : memref<64x512xf32, #tpu.memory_space<vmem>>, vector<16xf32>,
      } {sc.loop_unroll_factor = 2 : i64, sc.parallel_access}
      %mul3A_53 = arith.constant 32 : i32
      %mul3A_54 = arith.muli %mul3A_45, %mul3A_53 : i32
      %add3A_55 = arith.addi %mul3A_2, %mul3A_54 : i32
      %dma_wait3A_56 = arith.constant 0 : i32
      %dma_wait3A_57 = tpu.memref_slice %arg2[%add3A_55, %dma_wait3A_56] : memref<49152x256xf32, #tpu.memory_space<hbm>> -> memref<32x256xf32, #tpu.memory_space<hbm>>
      %dma_wait3A_58 = arith.constant 0 : i32
      %dma_wait3A_59 = tpu.memref_slice %arg2[%add3A_55, %dma_wait3A_58] : memref<49152x256xf32, #tpu.memory_space<hbm>> -> memref<32x256xf32, #tpu.memory_space<hbm>>
      tpu.wait_dma2 semaphore(%arg11 : memref<!tpu.dma_semaphore, #tpu.memory_space<semaphore_mem>>) src(%dma_wait3A_59 : memref<32x256xf32, #tpu.memory_space<hbm>>) dst(%arg5 : memref<32x256xf32, #tpu.memory_space<vmem>>)
      %dma_wait3A_60 = arith.constant 0 : i32
      %dma_wait3A_61 = tpu.memref_slice %arg3[%add3A_55, %dma_wait3A_60] : memref<49152x256xi32, #tpu.memory_space<hbm>> -> memref<32x256xi32, #tpu.memory_space<hbm>>
      %dma_wait3A_62 = arith.constant 0 : i32
      %dma_wait3A_63 = tpu.memref_slice %arg3[%add3A_55, %dma_wait3A_62] : memref<49152x256xi32, #tpu.memory_space<hbm>> -> memref<32x256xi32, #tpu.memory_space<hbm>>
      tpu.wait_dma2 semaphore(%arg11 : memref<!tpu.dma_semaphore, #tpu.memory_space<semaphore_mem>>) src(%dma_wait3A_63 : memref<32x256xi32, #tpu.memory_space<hbm>>) dst(%arg7 : memref<32x256xi32, #tpu.memory_space<vmem>>)
      %parallel_loop3A_64 = arith.constant 0 : i32
      %parallel_loop3A_65 = arith.constant 32 : i32
      %parallel_loop3A_66 = arith.constant 1 : i32
      scf.for %parallel_loop3A_121 = %parallel_loop3A_64 to %parallel_loop3A_65 step %parallel_loop3A_66  : i32 {
        %parallel_loop3A_122 = arith.constant 2 : i32
        %parallel_loop3A_123 = arith.muli %parallel_loop3A_122, %parallel_loop3A_121 : i32
        %parallel_loop3A_124 = vector.broadcast %parallel_loop3A_123 : i32 to vector<16xi32>
        %parallel_loop3A_125 = arith.index_cast %parallel_loop3A_121 : i32 to index
        %parallel_loop3A_126 = arith.constant 0 : index
        %parallel_loop3A_127 = tpu.vector_load %arg7[%parallel_loop3A_125, %parallel_loop3A_126] {strides = array<i32>} : memref<32x256xi32, #tpu.memory_space<vmem>>, vector<16xi32>,
        %parallel_loop3A_128 = arith.index_cast %parallel_loop3A_121 : i32 to index
        %parallel_loop3A_129 = arith.constant 0 : index
        %parallel_loop3A_130 = tpu.vector_load %arg5[%parallel_loop3A_128, %parallel_loop3A_129] {strides = array<i32>} : memref<32x256xf32, #tpu.memory_space<vmem>>, vector<16xf32>,
        %parallel_loop3A_131 = arith.constant 1023 : i32
        %parallel_loop3A_132 = vector.broadcast %parallel_loop3A_131 : i32 to vector<16xi32>
        %parallel_loop3A_133 = arith.andi %parallel_loop3A_127, %parallel_loop3A_132 : vector<16xi32>
        %parallel_loop3A_134 = arith.constant 9 : i32
        %parallel_loop3A_135 = vector.broadcast %parallel_loop3A_134 : i32 to vector<16xi32>
        %parallel_loop3A_136 = arith.shrui %parallel_loop3A_133, %parallel_loop3A_135 : vector<16xi32>
        %parallel_loop3A_137 = arith.addi %parallel_loop3A_124, %parallel_loop3A_136 : vector<16xi32>
        %parallel_loop3A_138 = arith.constant 511 : i32
        %parallel_loop3A_139 = vector.broadcast %parallel_loop3A_138 : i32 to vector<16xi32>
        %parallel_loop3A_140 = arith.andi %parallel_loop3A_133, %parallel_loop3A_139 : vector<16xi32>
        tpu.vector_store_idx %arg9[%parallel_loop3A_137, %parallel_loop3A_140], %parallel_loop3A_130 : memref<64x512xf32, #tpu.memory_space<vmem>>[vector<16xi32>, vector<16xi32>], vector<16xf32>,
        %parallel_loop3A_141 = arith.index_cast %parallel_loop3A_121 : i32 to index
        %parallel_loop3A_142 = arith.constant 16 : index
        %parallel_loop3A_143 = tpu.vector_load %arg7[%parallel_loop3A_141, %parallel_loop3A_142] {strides = array<i32>} : memref<32x256xi32, #tpu.memory_space<vmem>>, vector<16xi32>,
        %parallel_loop3A_144 = arith.index_cast %parallel_loop3A_121 : i32 to index
        %parallel_loop3A_145 = arith.constant 16 : index
        %parallel_loop3A_146 = tpu.vector_load %arg5[%parallel_loop3A_144, %parallel_loop3A_145] {strides = array<i32>} : memref<32x256xf32, #tpu.memory_space<vmem>>, vector<16xf32>,
        %parallel_loop3A_147 = arith.constant 1023 : i32
        %parallel_loop3A_148 = vector.broadcast %parallel_loop3A_147 : i32 to vector<16xi32>
        %parallel_loop3A_149 = arith.andi %parallel_loop3A_143, %parallel_loop3A_148 : vector<16xi32>
        %parallel_loop3A_150 = arith.constant 9 : i32
        %parallel_loop3A_151 = vector.broadcast %parallel_loop3A_150 : i32 to vector<16xi32>
        %parallel_loop3A_152 = arith.shrui %parallel_loop3A_149, %parallel_loop3A_151 : vector<16xi32>
        %parallel_loop3A_153 = arith.addi %parallel_loop3A_124, %parallel_loop3A_152 : vector<16xi32>
        %parallel_loop3A_154 = arith.constant 511 : i32
        %parallel_loop3A_155 = vector.broadcast %parallel_loop3A_154 : i32 to vector<16xi32>
        %parallel_loop3A_156 = arith.andi %parallel_loop3A_149, %parallel_loop3A_155 : vector<16xi32>
        tpu.vector_store_idx %arg9[%parallel_loop3A_153, %parallel_loop3A_156], %parallel_loop3A_146 : memref<64x512xf32, #tpu.memory_space<vmem>>[vector<16xi32>, vector<16xi32>], vector<16xf32>,
        %parallel_loop3A_157 = arith.index_cast %parallel_loop3A_121 : i32 to index
        %parallel_loop3A_158 = arith.constant 32 : index
        %parallel_loop3A_159 = tpu.vector_load %arg7[%parallel_loop3A_157, %parallel_loop3A_158] {strides = array<i32>} : memref<32x256xi32, #tpu.memory_space<vmem>>, vector<16xi32>,
        %parallel_loop3A_160 = arith.index_cast %parallel_loop3A_121 : i32 to index
        %parallel_loop3A_161 = arith.constant 32 : index
        %parallel_loop3A_162 = tpu.vector_load %arg5[%parallel_loop3A_160, %parallel_loop3A_161] {strides = array<i32>} : memref<32x256xf32, #tpu.memory_space<vmem>>, vector<16xf32>,
        %parallel_loop3A_163 = arith.constant 1023 : i32
        %parallel_loop3A_164 = vector.broadcast %parallel_loop3A_163 : i32 to vector<16xi32>
        %parallel_loop3A_165 = arith.andi %parallel_loop3A_159, %parallel_loop3A_164 : vector<16xi32>
        %parallel_loop3A_166 = arith.constant 9 : i32
        %parallel_loop3A_167 = vector.broadcast %parallel_loop3A_166 : i32 to vector<16xi32>
        %parallel_loop3A_168 = arith.shrui %parallel_loop3A_165, %parallel_loop3A_167 : vector<16xi32>
        %parallel_loop3A_169 = arith.addi %parallel_loop3A_124, %parallel_loop3A_168 : vector<16xi32>
        %parallel_loop3A_170 = arith.constant 511 : i32
        %parallel_loop3A_171 = vector.broadcast %parallel_loop3A_170 : i32 to vector<16xi32>
        %parallel_loop3A_172 = arith.andi %parallel_loop3A_165, %parallel_loop3A_171 : vector<16xi32>
        tpu.vector_store_idx %arg9[%parallel_loop3A_169, %parallel_loop3A_172], %parallel_loop3A_162 : memref<64x512xf32, #tpu.memory_space<vmem>>[vector<16xi32>, vector<16xi32>], vector<16xf32>,
        %parallel_loop3A_173 = arith.index_cast %parallel_loop3A_121 : i32 to index
        %parallel_loop3A_174 = arith.constant 48 : index
        %parallel_loop3A_175 = tpu.vector_load %arg7[%parallel_loop3A_173, %parallel_loop3A_174] {strides = array<i32>} : memref<32x256xi32, #tpu.memory_space<vmem>>, vector<16xi32>,
        %parallel_loop3A_176 = arith.index_cast %parallel_loop3A_121 : i32 to index
        %parallel_loop3A_177 = arith.constant 48 : index
        %parallel_loop3A_178 = tpu.vector_load %arg5[%parallel_loop3A_176, %parallel_loop3A_177] {strides = array<i32>} : memref<32x256xf32, #tpu.memory_space<vmem>>, vector<16xf32>,
        %parallel_loop3A_179 = arith.constant 1023 : i32
        %parallel_loop3A_180 = vector.broadcast %parallel_loop3A_179 : i32 to vector<16xi32>
        %parallel_loop3A_181 = arith.andi %parallel_loop3A_175, %parallel_loop3A_180 : vector<16xi32>
        %parallel_loop3A_182 = arith.constant 9 : i32
        %parallel_loop3A_183 = vector.broadcast %parallel_loop3A_182 : i32 to vector<16xi32>
        %parallel_loop3A_184 = arith.shrui %parallel_loop3A_181, %parallel_loop3A_183 : vector<16xi32>
        %parallel_loop3A_185 = arith.addi %parallel_loop3A_124, %parallel_loop3A_184 : vector<16xi32>
        %parallel_loop3A_186 = arith.constant 511 : i32
        %parallel_loop3A_187 = vector.broadcast %parallel_loop3A_186 : i32 to vector<16xi32>
        %parallel_loop3A_188 = arith.andi %parallel_loop3A_181, %parallel_loop3A_187 : vector<16xi32>
        tpu.vector_store_idx %arg9[%parallel_loop3A_185, %parallel_loop3A_188], %parallel_loop3A_178 : memref<64x512xf32, #tpu.memory_space<vmem>>[vector<16xi32>, vector<16xi32>], vector<16xf32>,
        %parallel_loop3A_189 = arith.index_cast %parallel_loop3A_121 : i32 to index
        %parallel_loop3A_190 = arith.constant 64 : index
        %parallel_loop3A_191 = tpu.vector_load %arg7[%parallel_loop3A_189, %parallel_loop3A_190] {strides = array<i32>} : memref<32x256xi32, #tpu.memory_space<vmem>>, vector<16xi32>,
        %parallel_loop3A_192 = arith.index_cast %parallel_loop3A_121 : i32 to index
        %parallel_loop3A_193 = arith.constant 64 : index
        %parallel_loop3A_194 = tpu.vector_load %arg5[%parallel_loop3A_192, %parallel_loop3A_193] {strides = array<i32>} : memref<32x256xf32, #tpu.memory_space<vmem>>, vector<16xf32>,
        %parallel_loop3A_195 = arith.constant 1023 : i32
        %parallel_loop3A_196 = vector.broadcast %parallel_loop3A_195 : i32 to vector<16xi32>
        %parallel_loop3A_197 = arith.andi %parallel_loop3A_191, %parallel_loop3A_196 : vector<16xi32>
        %parallel_loop3A_198 = arith.constant 9 : i32
        %parallel_loop3A_199 = vector.broadcast %parallel_loop3A_198 : i32 to vector<16xi32>
        %parallel_loop3A_200 = arith.shrui %parallel_loop3A_197, %parallel_loop3A_199 : vector<16xi32>
        %parallel_loop3A_201 = arith.addi %parallel_loop3A_124, %parallel_loop3A_200 : vector<16xi32>
        %parallel_loop3A_202 = arith.constant 511 : i32
        %parallel_loop3A_203 = vector.broadcast %parallel_loop3A_202 : i32 to vector<16xi32>
        %parallel_loop3A_204 = arith.andi %parallel_loop3A_197, %parallel_loop3A_203 : vector<16xi32>
        tpu.vector_store_idx %arg9[%parallel_loop3A_201, %parallel_loop3A_204], %parallel_loop3A_194 : memref<64x512xf32, #tpu.memory_space<vmem>>[vector<16xi32>, vector<16xi32>], vector<16xf32>,
        %parallel_loop3A_205 = arith.index_cast %parallel_loop3A_121 : i32 to index
        %parallel_loop3A_206 = arith.constant 80 : index
        %parallel_loop3A_207 = tpu.vector_load %arg7[%parallel_loop3A_205, %parallel_loop3A_206] {strides = array<i32>} : memref<32x256xi32, #tpu.memory_space<vmem>>, vector<16xi32>,
        %parallel_loop3A_208 = arith.index_cast %parallel_loop3A_121 : i32 to index
        %parallel_loop3A_209 = arith.constant 80 : index
        %parallel_loop3A_210 = tpu.vector_load %arg5[%parallel_loop3A_208, %parallel_loop3A_209] {strides = array<i32>} : memref<32x256xf32, #tpu.memory_space<vmem>>, vector<16xf32>,
        %parallel_loop3A_211 = arith.constant 1023 : i32
        %parallel_loop3A_212 = vector.broadcast %parallel_loop3A_211 : i32 to vector<16xi32>
        %parallel_loop3A_213 = arith.andi %parallel_loop3A_207, %parallel_loop3A_212 : vector<16xi32>
        %parallel_loop3A_214 = arith.constant 9 : i32
        %parallel_loop3A_215 = vector.broadcast %parallel_loop3A_214 : i32 to vector<16xi32>
        %parallel_loop3A_216 = arith.shrui %parallel_loop3A_213, %parallel_loop3A_215 : vector<16xi32>
        %parallel_loop3A_217 = arith.addi %parallel_loop3A_124, %parallel_loop3A_216 : vector<16xi32>
        %parallel_loop3A_218 = arith.constant 511 : i32
        %parallel_loop3A_219 = vector.broadcast %parallel_loop3A_218 : i32 to vector<16xi32>
        %parallel_loop3A_220 = arith.andi %parallel_loop3A_213, %parallel_loop3A_219 : vector<16xi32>
        tpu.vector_store_idx %arg9[%parallel_loop3A_217, %parallel_loop3A_220], %parallel_loop3A_210 : memref<64x512xf32, #tpu.memory_space<vmem>>[vector<16xi32>, vector<16xi32>], vector<16xf32>,
        %parallel_loop3A_221 = arith.index_cast %parallel_loop3A_121 : i32 to index
        %parallel_loop3A_222 = arith.constant 96 : index
        %parallel_loop3A_223 = tpu.vector_load %arg7[%parallel_loop3A_221, %parallel_loop3A_222] {strides = array<i32>} : memref<32x256xi32, #tpu.memory_space<vmem>>, vector<16xi32>,
        %parallel_loop3A_224 = arith.index_cast %parallel_loop3A_121 : i32 to index
        %parallel_loop3A_225 = arith.constant 96 : index
        %parallel_loop3A_226 = tpu.vector_load %arg5[%parallel_loop3A_224, %parallel_loop3A_225] {strides = array<i32>} : memref<32x256xf32, #tpu.memory_space<vmem>>, vector<16xf32>,
        %parallel_loop3A_227 = arith.constant 1023 : i32
        %parallel_loop3A_228 = vector.broadcast %parallel_loop3A_227 : i32 to vector<16xi32>
        %parallel_loop3A_229 = arith.andi %parallel_loop3A_223, %parallel_loop3A_228 : vector<16xi32>
        %parallel_loop3A_230 = arith.constant 9 : i32
        %parallel_loop3A_231 = vector.broadcast %parallel_loop3A_230 : i32 to vector<16xi32>
        %parallel_loop3A_232 = arith.shrui %parallel_loop3A_229, %parallel_loop3A_231 : vector<16xi32>
        %parallel_loop3A_233 = arith.addi %parallel_loop3A_124, %parallel_loop3A_232 : vector<16xi32>
        %parallel_loop3A_234 = arith.constant 511 : i32
        %parallel_loop3A_235 = vector.broadcast %parallel_loop3A_234 : i32 to vector<16xi32>
        %parallel_loop3A_236 = arith.andi %parallel_loop3A_229, %parallel_loop3A_235 : vector<16xi32>
        tpu.vector_store_idx %arg9[%parallel_loop3A_233, %parallel_loop3A_236], %parallel_loop3A_226 : memref<64x512xf32, #tpu.memory_space<vmem>>[vector<16xi32>, vector<16xi32>], vector<16xf32>,
        %parallel_loop3A_237 = arith.index_cast %parallel_loop3A_121 : i32 to index
        %parallel_loop3A_238 = arith.constant 112 : index
        %parallel_loop3A_239 = tpu.vector_load %arg7[%parallel_loop3A_237, %parallel_loop3A_238] {strides = array<i32>} : memref<32x256xi32, #tpu.memory_space<vmem>>, vector<16xi32>,
        %parallel_loop3A_240 = arith.index_cast %parallel_loop3A_121 : i32 to index
        %parallel_loop3A_241 = arith.constant 112 : index
        %parallel_loop3A_242 = tpu.vector_load %arg5[%parallel_loop3A_240, %parallel_loop3A_241] {strides = array<i32>} : memref<32x256xf32, #tpu.memory_space<vmem>>, vector<16xf32>,
        %parallel_loop3A_243 = arith.constant 1023 : i32
        %parallel_loop3A_244 = vector.broadcast %parallel_loop3A_243 : i32 to vector<16xi32>
        %parallel_loop3A_245 = arith.andi %parallel_loop3A_239, %parallel_loop3A_244 : vector<16xi32>
        %parallel_loop3A_246 = arith.constant 9 : i32
        %parallel_loop3A_247 = vector.broadcast %parallel_loop3A_246 : i32 to vector<16xi32>
        %parallel_loop3A_248 = arith.shrui %parallel_loop3A_245, %parallel_loop3A_247 : vector<16xi32>
        %parallel_loop3A_249 = arith.addi %parallel_loop3A_124, %parallel_loop3A_248 : vector<16xi32>
        %parallel_loop3A_250 = arith.constant 511 : i32
        %parallel_loop3A_251 = vector.broadcast %parallel_loop3A_250 : i32 to vector<16xi32>
        %parallel_loop3A_252 = arith.andi %parallel_loop3A_245, %parallel_loop3A_251 : vector<16xi32>
        tpu.vector_store_idx %arg9[%parallel_loop3A_249, %parallel_loop3A_252], %parallel_loop3A_242 : memref<64x512xf32, #tpu.memory_space<vmem>>[vector<16xi32>, vector<16xi32>], vector<16xf32>,
        %parallel_loop3A_253 = arith.index_cast %parallel_loop3A_121 : i32 to index
        %parallel_loop3A_254 = arith.constant 128 : index
        %parallel_loop3A_255 = tpu.vector_load %arg7[%parallel_loop3A_253, %parallel_loop3A_254] {strides = array<i32>} : memref<32x256xi32, #tpu.memory_space<vmem>>, vector<16xi32>,
        %parallel_loop3A_256 = arith.index_cast %parallel_loop3A_121 : i32 to index
        %parallel_loop3A_257 = arith.constant 128 : index
        %parallel_loop3A_258 = tpu.vector_load %arg5[%parallel_loop3A_256, %parallel_loop3A_257] {strides = array<i32>} : memref<32x256xf32, #tpu.memory_space<vmem>>, vector<16xf32>,
        %parallel_loop3A_259 = arith.constant 1023 : i32
        %parallel_loop3A_260 = vector.broadcast %parallel_loop3A_259 : i32 to vector<16xi32>
        %parallel_loop3A_261 = arith.andi %parallel_loop3A_255, %parallel_loop3A_260 : vector<16xi32>
        %parallel_loop3A_262 = arith.constant 9 : i32
        %parallel_loop3A_263 = vector.broadcast %parallel_loop3A_262 : i32 to vector<16xi32>
        %parallel_loop3A_264 = arith.shrui %parallel_loop3A_261, %parallel_loop3A_263 : vector<16xi32>
        %parallel_loop3A_265 = arith.addi %parallel_loop3A_124, %parallel_loop3A_264 : vector<16xi32>
        %parallel_loop3A_266 = arith.constant 511 : i32
        %parallel_loop3A_267 = vector.broadcast %parallel_loop3A_266 : i32 to vector<16xi32>
        %parallel_loop3A_268 = arith.andi %parallel_loop3A_261, %parallel_loop3A_267 : vector<16xi32>
        tpu.vector_store_idx %arg9[%parallel_loop3A_265, %parallel_loop3A_268], %parallel_loop3A_258 : memref<64x512xf32, #tpu.memory_space<vmem>>[vector<16xi32>, vector<16xi32>], vector<16xf32>,
        %parallel_loop3A_269 = arith.index_cast %parallel_loop3A_121 : i32 to index
        %parallel_loop3A_270 = arith.constant 144 : index
        %parallel_loop3A_271 = tpu.vector_load %arg7[%parallel_loop3A_269, %parallel_loop3A_270] {strides = array<i32>} : memref<32x256xi32, #tpu.memory_space<vmem>>, vector<16xi32>,
        %parallel_loop3A_272 = arith.index_cast %parallel_loop3A_121 : i32 to index
        %parallel_loop3A_273 = arith.constant 144 : index
        %parallel_loop3A_274 = tpu.vector_load %arg5[%parallel_loop3A_272, %parallel_loop3A_273] {strides = array<i32>} : memref<32x256xf32, #tpu.memory_space<vmem>>, vector<16xf32>,
        %parallel_loop3A_275 = arith.constant 1023 : i32
        %parallel_loop3A_276 = vector.broadcast %parallel_loop3A_275 : i32 to vector<16xi32>
        %parallel_loop3A_277 = arith.andi %parallel_loop3A_271, %parallel_loop3A_276 : vector<16xi32>
        %parallel_loop3A_278 = arith.constant 9 : i32
        %parallel_loop3A_279 = vector.broadcast %parallel_loop3A_278 : i32 to vector<16xi32>
        %parallel_loop3A_280 = arith.shrui %parallel_loop3A_277, %parallel_loop3A_279 : vector<16xi32>
        %parallel_loop3A_281 = arith.addi %parallel_loop3A_124, %parallel_loop3A_280 : vector<16xi32>
        %parallel_loop3A_282 = arith.constant 511 : i32
        %parallel_loop3A_283 = vector.broadcast %parallel_loop3A_282 : i32 to vector<16xi32>
        %parallel_loop3A_284 = arith.andi %parallel_loop3A_277, %parallel_loop3A_283 : vector<16xi32>
        tpu.vector_store_idx %arg9[%parallel_loop3A_281, %parallel_loop3A_284], %parallel_loop3A_274 : memref<64x512xf32, #tpu.memory_space<vmem>>[vector<16xi32>, vector<16xi32>], vector<16xf32>,
        %parallel_loop3A_285 = arith.index_cast %parallel_loop3A_121 : i32 to index
        %parallel_loop3A_286 = arith.constant 160 : index
        %parallel_loop3A_287 = tpu.vector_load %arg7[%parallel_loop3A_285, %parallel_loop3A_286] {strides = array<i32>} : memref<32x256xi32, #tpu.memory_space<vmem>>, vector<16xi32>,
        %parallel_loop3A_288 = arith.index_cast %parallel_loop3A_121 : i32 to index
        %parallel_loop3A_289 = arith.constant 160 : index
        %parallel_loop3A_290 = tpu.vector_load %arg5[%parallel_loop3A_288, %parallel_loop3A_289] {strides = array<i32>} : memref<32x256xf32, #tpu.memory_space<vmem>>, vector<16xf32>,
        %parallel_loop3A_291 = arith.constant 1023 : i32
        %parallel_loop3A_292 = vector.broadcast %parallel_loop3A_291 : i32 to vector<16xi32>
        %parallel_loop3A_293 = arith.andi %parallel_loop3A_287, %parallel_loop3A_292 : vector<16xi32>
        %parallel_loop3A_294 = arith.constant 9 : i32
        %parallel_loop3A_295 = vector.broadcast %parallel_loop3A_294 : i32 to vector<16xi32>
        %parallel_loop3A_296 = arith.shrui %parallel_loop3A_293, %parallel_loop3A_295 : vector<16xi32>
        %parallel_loop3A_297 = arith.addi %parallel_loop3A_124, %parallel_loop3A_296 : vector<16xi32>
        %parallel_loop3A_298 = arith.constant 511 : i32
        %parallel_loop3A_299 = vector.broadcast %parallel_loop3A_298 : i32 to vector<16xi32>
        %parallel_loop3A_300 = arith.andi %parallel_loop3A_293, %parallel_loop3A_299 : vector<16xi32>
        tpu.vector_store_idx %arg9[%parallel_loop3A_297, %parallel_loop3A_300], %parallel_loop3A_290 : memref<64x512xf32, #tpu.memory_space<vmem>>[vector<16xi32>, vector<16xi32>], vector<16xf32>,
        %parallel_loop3A_301 = arith.index_cast %parallel_loop3A_121 : i32 to index
        %parallel_loop3A_302 = arith.constant 176 : index
        %parallel_loop3A_303 = tpu.vector_load %arg7[%parallel_loop3A_301, %parallel_loop3A_302] {strides = array<i32>} : memref<32x256xi32, #tpu.memory_space<vmem>>, vector<16xi32>,
        %parallel_loop3A_304 = arith.index_cast %parallel_loop3A_121 : i32 to index
        %parallel_loop3A_305 = arith.constant 176 : index
        %parallel_loop3A_306 = tpu.vector_load %arg5[%parallel_loop3A_304, %parallel_loop3A_305] {strides = array<i32>} : memref<32x256xf32, #tpu.memory_space<vmem>>, vector<16xf32>,
        %parallel_loop3A_307 = arith.constant 1023 : i32
        %parallel_loop3A_308 = vector.broadcast %parallel_loop3A_307 : i32 to vector<16xi32>
        %parallel_loop3A_309 = arith.andi %parallel_loop3A_303, %parallel_loop3A_308 : vector<16xi32>
        %parallel_loop3A_310 = arith.constant 9 : i32
        %parallel_loop3A_311 = vector.broadcast %parallel_loop3A_310 : i32 to vector<16xi32>
        %parallel_loop3A_312 = arith.shrui %parallel_loop3A_309, %parallel_loop3A_311 : vector<16xi32>
        %parallel_loop3A_313 = arith.addi %parallel_loop3A_124, %parallel_loop3A_312 : vector<16xi32>
        %parallel_loop3A_314 = arith.constant 511 : i32
        %parallel_loop3A_315 = vector.broadcast %parallel_loop3A_314 : i32 to vector<16xi32>
        %parallel_loop3A_316 = arith.andi %parallel_loop3A_309, %parallel_loop3A_315 : vector<16xi32>
        tpu.vector_store_idx %arg9[%parallel_loop3A_313, %parallel_loop3A_316], %parallel_loop3A_306 : memref<64x512xf32, #tpu.memory_space<vmem>>[vector<16xi32>, vector<16xi32>], vector<16xf32>,
        %parallel_loop3A_317 = arith.index_cast %parallel_loop3A_121 : i32 to index
        %parallel_loop3A_318 = arith.constant 192 : index
        %parallel_loop3A_319 = tpu.vector_load %arg7[%parallel_loop3A_317, %parallel_loop3A_318] {strides = array<i32>} : memref<32x256xi32, #tpu.memory_space<vmem>>, vector<16xi32>,
        %parallel_loop3A_320 = arith.index_cast %parallel_loop3A_121 : i32 to index
        %parallel_loop3A_321 = arith.constant 192 : index
        %parallel_loop3A_322 = tpu.vector_load %arg5[%parallel_loop3A_320, %parallel_loop3A_321] {strides = array<i32>} : memref<32x256xf32, #tpu.memory_space<vmem>>, vector<16xf32>,
        %parallel_loop3A_323 = arith.constant 1023 : i32
        %parallel_loop3A_324 = vector.broadcast %parallel_loop3A_323 : i32 to vector<16xi32>
        %parallel_loop3A_325 = arith.andi %parallel_loop3A_319, %parallel_loop3A_324 : vector<16xi32>
        %parallel_loop3A_326 = arith.constant 9 : i32
        %parallel_loop3A_327 = vector.broadcast %parallel_loop3A_326 : i32 to vector<16xi32>
        %parallel_loop3A_328 = arith.shrui %parallel_loop3A_325, %parallel_loop3A_327 : vector<16xi32>
        %parallel_loop3A_329 = arith.addi %parallel_loop3A_124, %parallel_loop3A_328 : vector<16xi32>
        %parallel_loop3A_330 = arith.constant 511 : i32
        %parallel_loop3A_331 = vector.broadcast %parallel_loop3A_330 : i32 to vector<16xi32>
        %parallel_loop3A_332 = arith.andi %parallel_loop3A_325, %parallel_loop3A_331 : vector<16xi32>
        tpu.vector_store_idx %arg9[%parallel_loop3A_329, %parallel_loop3A_332], %parallel_loop3A_322 : memref<64x512xf32, #tpu.memory_space<vmem>>[vector<16xi32>, vector<16xi32>], vector<16xf32>,
        %parallel_loop3A_333 = arith.index_cast %parallel_loop3A_121 : i32 to index
        %parallel_loop3A_334 = arith.constant 208 : index
        %parallel_loop3A_335 = tpu.vector_load %arg7[%parallel_loop3A_333, %parallel_loop3A_334] {strides = array<i32>} : memref<32x256xi32, #tpu.memory_space<vmem>>, vector<16xi32>,
        %parallel_loop3A_336 = arith.index_cast %parallel_loop3A_121 : i32 to index
        %parallel_loop3A_337 = arith.constant 208 : index
        %parallel_loop3A_338 = tpu.vector_load %arg5[%parallel_loop3A_336, %parallel_loop3A_337] {strides = array<i32>} : memref<32x256xf32, #tpu.memory_space<vmem>>, vector<16xf32>,
        %parallel_loop3A_339 = arith.constant 1023 : i32
        %parallel_loop3A_340 = vector.broadcast %parallel_loop3A_339 : i32 to vector<16xi32>
        %parallel_loop3A_341 = arith.andi %parallel_loop3A_335, %parallel_loop3A_340 : vector<16xi32>
        %parallel_loop3A_342 = arith.constant 9 : i32
        %parallel_loop3A_343 = vector.broadcast %parallel_loop3A_342 : i32 to vector<16xi32>
        %parallel_loop3A_344 = arith.shrui %parallel_loop3A_341, %parallel_loop3A_343 : vector<16xi32>
        %parallel_loop3A_345 = arith.addi %parallel_loop3A_124, %parallel_loop3A_344 : vector<16xi32>
        %parallel_loop3A_346 = arith.constant 511 : i32
        %parallel_loop3A_347 = vector.broadcast %parallel_loop3A_346 : i32 to vector<16xi32>
        %parallel_loop3A_348 = arith.andi %parallel_loop3A_341, %parallel_loop3A_347 : vector<16xi32>
        tpu.vector_store_idx %arg9[%parallel_loop3A_345, %parallel_loop3A_348], %parallel_loop3A_338 : memref<64x512xf32, #tpu.memory_space<vmem>>[vector<16xi32>, vector<16xi32>], vector<16xf32>,
        %parallel_loop3A_349 = arith.index_cast %parallel_loop3A_121 : i32 to index
        %parallel_loop3A_350 = arith.constant 224 : index
        %parallel_loop3A_351 = tpu.vector_load %arg7[%parallel_loop3A_349, %parallel_loop3A_350] {strides = array<i32>} : memref<32x256xi32, #tpu.memory_space<vmem>>, vector<16xi32>,
        %parallel_loop3A_352 = arith.index_cast %parallel_loop3A_121 : i32 to index
        %parallel_loop3A_353 = arith.constant 224 : index
        %parallel_loop3A_354 = tpu.vector_load %arg5[%parallel_loop3A_352, %parallel_loop3A_353] {strides = array<i32>} : memref<32x256xf32, #tpu.memory_space<vmem>>, vector<16xf32>,
        %parallel_loop3A_355 = arith.constant 1023 : i32
        %parallel_loop3A_356 = vector.broadcast %parallel_loop3A_355 : i32 to vector<16xi32>
        %parallel_loop3A_357 = arith.andi %parallel_loop3A_351, %parallel_loop3A_356 : vector<16xi32>
        %parallel_loop3A_358 = arith.constant 9 : i32
        %parallel_loop3A_359 = vector.broadcast %parallel_loop3A_358 : i32 to vector<16xi32>
        %parallel_loop3A_360 = arith.shrui %parallel_loop3A_357, %parallel_loop3A_359 : vector<16xi32>
        %parallel_loop3A_361 = arith.addi %parallel_loop3A_124, %parallel_loop3A_360 : vector<16xi32>
        %parallel_loop3A_362 = arith.constant 511 : i32
        %parallel_loop3A_363 = vector.broadcast %parallel_loop3A_362 : i32 to vector<16xi32>
        %parallel_loop3A_364 = arith.andi %parallel_loop3A_357, %parallel_loop3A_363 : vector<16xi32>
        tpu.vector_store_idx %arg9[%parallel_loop3A_361, %parallel_loop3A_364], %parallel_loop3A_354 : memref<64x512xf32, #tpu.memory_space<vmem>>[vector<16xi32>, vector<16xi32>], vector<16xf32>,
        %parallel_loop3A_365 = arith.index_cast %parallel_loop3A_121 : i32 to index
        %parallel_loop3A_366 = arith.constant 240 : index
        %parallel_loop3A_367 = tpu.vector_load %arg7[%parallel_loop3A_365, %parallel_loop3A_366] {strides = array<i32>} : memref<32x256xi32, #tpu.memory_space<vmem>>, vector<16xi32>,
        %parallel_loop3A_368 = arith.index_cast %parallel_loop3A_121 : i32 to index
        %parallel_loop3A_369 = arith.constant 240 : index
        %parallel_loop3A_370 = tpu.vector_load %arg5[%parallel_loop3A_368, %parallel_loop3A_369] {strides = array<i32>} : memref<32x256xf32, #tpu.memory_space<vmem>>, vector<16xf32>,
        %parallel_loop3A_371 = arith.constant 1023 : i32
        %parallel_loop3A_372 = vector.broadcast %parallel_loop3A_371 : i32 to vector<16xi32>
        %parallel_loop3A_373 = arith.andi %parallel_loop3A_367, %parallel_loop3A_372 : vector<16xi32>
        %parallel_loop3A_374 = arith.constant 9 : i32
        %parallel_loop3A_375 = vector.broadcast %parallel_loop3A_374 : i32 to vector<16xi32>
        %parallel_loop3A_376 = arith.shrui %parallel_loop3A_373, %parallel_loop3A_375 : vector<16xi32>
        %parallel_loop3A_377 = arith.addi %parallel_loop3A_124, %parallel_loop3A_376 : vector<16xi32>
        %parallel_loop3A_378 = arith.constant 511 : i32
        %parallel_loop3A_379 = vector.broadcast %parallel_loop3A_378 : i32 to vector<16xi32>
        %parallel_loop3A_380 = arith.andi %parallel_loop3A_373, %parallel_loop3A_379 : vector<16xi32>
        tpu.vector_store_idx %arg9[%parallel_loop3A_377, %parallel_loop3A_380], %parallel_loop3A_370 : memref<64x512xf32, #tpu.memory_space<vmem>>[vector<16xi32>, vector<16xi32>], vector<16xf32>,
      } {sc.loop_unroll_factor = 2 : i64, sc.parallel_access}
      %mul3A_67 = arith.constant 2 : i32
      %mul3A_68 = arith.muli %mul3A_67, %add3A_48 : i32
      %dma_start3A_69 = arith.constant 0 : i32
      %dma_start3A_70 = tpu.memref_slice %arg4[%mul3A_68, %dma_start3A_69] : memref<98304x512xf32, #tpu.memory_space<hbm>> -> memref<64x512xf32, #tpu.memory_space<hbm>>
      %dma_start3A_71 = arith.constant 0 : i32
      %dma_start3A_72 = tpu.memref_slice %arg4[%mul3A_68, %dma_start3A_71] : memref<98304x512xf32, #tpu.memory_space<hbm>> -> memref<64x512xf32, #tpu.memory_space<hbm>>
      tpu.enqueue_dma source(%arg9 : memref<64x512xf32, #tpu.memory_space<vmem>>) target(%dma_start3A_72 : memref<64x512xf32, #tpu.memory_space<hbm>>) target_semaphore(%arg13 : memref<!tpu.dma_semaphore, #tpu.memory_space<semaphore_mem>>)
      %add3A_73 = arith.constant 2 : i32
      %add3A_74 = arith.addi %mul3A_45, %add3A_73 : i32
      %lt3A = arith.constant 48 : i32
      %lt3A_75 = arith.cmpi slt, %add3A_74, %lt3A : i32
      %convert_element_type3A_76 = arith.extui %lt3A_75 : i1 to i32
      %cond3A_77 = arith.constant 0 : i32
      %cond3A_78 = arith.cmpi ne, %convert_element_type3A_76, %cond3A_77 : i32
      scf.if %cond3A_78 {
        %add3A_121 = arith.constant 2 : i32
        %add3A_122 = arith.addi %mul3A_45, %add3A_121 : i32
        %mul3A_123 = arith.constant 32 : i32
        %mul3A_124 = arith.muli %add3A_122, %mul3A_123 : i32
        %add3A_125 = arith.addi %mul3A_2, %mul3A_124 : i32
        %dma_start3A_126 = arith.constant 0 : i32
        %dma_start3A_127 = tpu.memref_slice %arg2[%add3A_125, %dma_start3A_126] : memref<49152x256xf32, #tpu.memory_space<hbm>> -> memref<32x256xf32, #tpu.memory_space<hbm>>
        %dma_start3A_128 = arith.constant 0 : i32
        %dma_start3A_129 = tpu.memref_slice %arg2[%add3A_125, %dma_start3A_128] : memref<49152x256xf32, #tpu.memory_space<hbm>> -> memref<32x256xf32, #tpu.memory_space<hbm>>
        tpu.enqueue_dma source(%dma_start3A_129 : memref<32x256xf32, #tpu.memory_space<hbm>>) target(%arg5 : memref<32x256xf32, #tpu.memory_space<vmem>>) target_semaphore(%arg11 : memref<!tpu.dma_semaphore, #tpu.memory_space<semaphore_mem>>)
        %dma_start3A_130 = arith.constant 0 : i32
        %dma_start3A_131 = tpu.memref_slice %arg3[%add3A_125, %dma_start3A_130] : memref<49152x256xi32, #tpu.memory_space<hbm>> -> memref<32x256xi32, #tpu.memory_space<hbm>>
        %dma_start3A_132 = arith.constant 0 : i32
        %dma_start3A_133 = tpu.memref_slice %arg3[%add3A_125, %dma_start3A_132] : memref<49152x256xi32, #tpu.memory_space<hbm>> -> memref<32x256xi32, #tpu.memory_space<hbm>>
        tpu.enqueue_dma source(%dma_start3A_133 : memref<32x256xi32, #tpu.memory_space<hbm>>) target(%arg7 : memref<32x256xi32, #tpu.memory_space<vmem>>) target_semaphore(%arg11 : memref<!tpu.dma_semaphore, #tpu.memory_space<semaphore_mem>>)
      } else {
      }
      %mul3A_79 = arith.constant 2 : i32
      %mul3A_80 = arith.muli %mul3A_79, %scan3A_43 : i32
      %add3A_81 = arith.constant 1 : i32
      %add3A_82 = arith.addi %mul3A_80, %add3A_81 : i32
      %mul3A_83 = arith.constant 32 : i32
      %mul3A_84 = arith.muli %add3A_82, %mul3A_83 : i32
      %add3A_85 = arith.addi %mul3A_2, %mul3A_84 : i32
      %ge3A_86 = arith.constant 2 : i32
      %ge3A_87 = arith.cmpi sge, %add3A_82, %ge3A_86 : i32
      %convert_element_type3A_88 = arith.extui %ge3A_87 : i1 to i32
      %cond3A_89 = arith.constant 0 : i32
      %cond3A_90 = arith.cmpi ne, %convert_element_type3A_88, %cond3A_89 : i32
      scf.if %cond3A_90 {
        %sub3A = arith.constant 64 : i32
        %sub3A_121 = arith.subi %add3A_85, %sub3A : i32
        %mul3A_122 = arith.constant 2 : i32
        %mul3A_123 = arith.muli %mul3A_122, %sub3A_121 : i32
        %dma_wait3A_124 = arith.constant 0 : i32
        %dma_wait3A_125 = tpu.memref_slice %arg4[%mul3A_123, %dma_wait3A_124] : memref<98304x512xf32, #tpu.memory_space<hbm>> -> memref<64x512xf32, #tpu.memory_space<hbm>>
        %dma_wait3A_126 = arith.constant 0 : i32
        %dma_wait3A_127 = tpu.memref_slice %arg4[%mul3A_123, %dma_wait3A_126] : memref<98304x512xf32, #tpu.memory_space<hbm>> -> memref<64x512xf32, #tpu.memory_space<hbm>>
        tpu.wait_dma2 semaphore(%arg14 : memref<!tpu.dma_semaphore, #tpu.memory_space<semaphore_mem>>) src(%arg10 : memref<64x512xf32, #tpu.memory_space<vmem>>) dst(%dma_wait3A_127 : memref<64x512xf32, #tpu.memory_space<hbm>>)
      } else {
      }
      %parallel_loop3A_91 = arith.constant 0 : i32
      %parallel_loop3A_92 = arith.constant 64 : i32
      %parallel_loop3A_93 = arith.constant 1 : i32
      scf.for %parallel_loop3A_121 = %parallel_loop3A_91 to %parallel_loop3A_92 step %parallel_loop3A_93  : i32 {
        %parallel_loop3A_122 = arith.index_cast %parallel_loop3A_121 : i32 to index
        %parallel_loop3A_123 = arith.constant 0 : index
        %parallel_loop3A_124 = tpu.vector_load %arg10[%parallel_loop3A_122, %parallel_loop3A_123] {strides = array<i32>} : memref<64x512xf32, #tpu.memory_space<vmem>>, vector<16xf32>,
        tpu.vector_store %arg10[%parallel_loop3A_122, %parallel_loop3A_123], %broadcast_in_dim3A_3 {strides = array<i32>} : memref<64x512xf32, #tpu.memory_space<vmem>>, vector<16xf32>,
        %parallel_loop3A_125 = arith.index_cast %parallel_loop3A_121 : i32 to index
        %parallel_loop3A_126 = arith.constant 16 : index
        %parallel_loop3A_127 = tpu.vector_load %arg10[%parallel_loop3A_125, %parallel_loop3A_126] {strides = array<i32>} : memref<64x512xf32, #tpu.memory_space<vmem>>, vector<16xf32>,
        tpu.vector_store %arg10[%parallel_loop3A_125, %parallel_loop3A_126], %broadcast_in_dim3A_3 {strides = array<i32>} : memref<64x512xf32, #tpu.memory_space<vmem>>, vector<16xf32>,
        %parallel_loop3A_128 = arith.index_cast %parallel_loop3A_121 : i32 to index
        %parallel_loop3A_129 = arith.constant 32 : index
        %parallel_loop3A_130 = tpu.vector_load %arg10[%parallel_loop3A_128, %parallel_loop3A_129] {strides = array<i32>} : memref<64x512xf32, #tpu.memory_space<vmem>>, vector<16xf32>,
        tpu.vector_store %arg10[%parallel_loop3A_128, %parallel_loop3A_129], %broadcast_in_dim3A_3 {strides = array<i32>} : memref<64x512xf32, #tpu.memory_space<vmem>>, vector<16xf32>,
        %parallel_loop3A_131 = arith.index_cast %parallel_loop3A_121 : i32 to index
        %parallel_loop3A_132 = arith.constant 48 : index
        %parallel_loop3A_133 = tpu.vector_load %arg10[%parallel_loop3A_131, %parallel_loop3A_132] {strides = array<i32>} : memref<64x512xf32, #tpu.memory_space<vmem>>, vector<16xf32>,
        tpu.vector_store %arg10[%parallel_loop3A_131, %parallel_loop3A_132], %broadcast_in_dim3A_3 {strides = array<i32>} : memref<64x512xf32, #tpu.memory_space<vmem>>, vector<16xf32>,
        %parallel_loop3A_134 = arith.index_cast %parallel_loop3A_121 : i32 to index
        %parallel_loop3A_135 = arith.constant 64 : index
        %parallel_loop3A_136 = tpu.vector_load %arg10[%parallel_loop3A_134, %parallel_loop3A_135] {strides = array<i32>} : memref<64x512xf32, #tpu.memory_space<vmem>>, vector<16xf32>,
        tpu.vector_store %arg10[%parallel_loop3A_134, %parallel_loop3A_135], %broadcast_in_dim3A_3 {strides = array<i32>} : memref<64x512xf32, #tpu.memory_space<vmem>>, vector<16xf32>,
        %parallel_loop3A_137 = arith.index_cast %parallel_loop3A_121 : i32 to index
        %parallel_loop3A_138 = arith.constant 80 : index
        %parallel_loop3A_139 = tpu.vector_load %arg10[%parallel_loop3A_137, %parallel_loop3A_138] {strides = array<i32>} : memref<64x512xf32, #tpu.memory_space<vmem>>, vector<16xf32>,
        tpu.vector_store %arg10[%parallel_loop3A_137, %parallel_loop3A_138], %broadcast_in_dim3A_3 {strides = array<i32>} : memref<64x512xf32, #tpu.memory_space<vmem>>, vector<16xf32>,
        %parallel_loop3A_140 = arith.index_cast %parallel_loop3A_121 : i32 to index
        %parallel_loop3A_141 = arith.constant 96 : index
        %parallel_loop3A_142 = tpu.vector_load %arg10[%parallel_loop3A_140, %parallel_loop3A_141] {strides = array<i32>} : memref<64x512xf32, #tpu.memory_space<vmem>>, vector<16xf32>,
        tpu.vector_store %arg10[%parallel_loop3A_140, %parallel_loop3A_141], %broadcast_in_dim3A_3 {strides = array<i32>} : memref<64x512xf32, #tpu.memory_space<vmem>>, vector<16xf32>,
        %parallel_loop3A_143 = arith.index_cast %parallel_loop3A_121 : i32 to index
        %parallel_loop3A_144 = arith.constant 112 : index
        %parallel_loop3A_145 = tpu.vector_load %arg10[%parallel_loop3A_143, %parallel_loop3A_144] {strides = array<i32>} : memref<64x512xf32, #tpu.memory_space<vmem>>, vector<16xf32>,
        tpu.vector_store %arg10[%parallel_loop3A_143, %parallel_loop3A_144], %broadcast_in_dim3A_3 {strides = array<i32>} : memref<64x512xf32, #tpu.memory_space<vmem>>, vector<16xf32>,
        %parallel_loop3A_146 = arith.index_cast %parallel_loop3A_121 : i32 to index
        %parallel_loop3A_147 = arith.constant 128 : index
        %parallel_loop3A_148 = tpu.vector_load %arg10[%parallel_loop3A_146, %parallel_loop3A_147] {strides = array<i32>} : memref<64x512xf32, #tpu.memory_space<vmem>>, vector<16xf32>,
        tpu.vector_store %arg10[%parallel_loop3A_146, %parallel_loop3A_147], %broadcast_in_dim3A_3 {strides = array<i32>} : memref<64x512xf32, #tpu.memory_space<vmem>>, vector<16xf32>,
        %parallel_loop3A_149 = arith.index_cast %parallel_loop3A_121 : i32 to index
        %parallel_loop3A_150 = arith.constant 144 : index
        %parallel_loop3A_151 = tpu.vector_load %arg10[%parallel_loop3A_149, %parallel_loop3A_150] {strides = array<i32>} : memref<64x512xf32, #tpu.memory_space<vmem>>, vector<16xf32>,
        tpu.vector_store %arg10[%parallel_loop3A_149, %parallel_loop3A_150], %broadcast_in_dim3A_3 {strides = array<i32>} : memref<64x512xf32, #tpu.memory_space<vmem>>, vector<16xf32>,
        %parallel_loop3A_152 = arith.index_cast %parallel_loop3A_121 : i32 to index
        %parallel_loop3A_153 = arith.constant 160 : index
        %parallel_loop3A_154 = tpu.vector_load %arg10[%parallel_loop3A_152, %parallel_loop3A_153] {strides = array<i32>} : memref<64x512xf32, #tpu.memory_space<vmem>>, vector<16xf32>,
        tpu.vector_store %arg10[%parallel_loop3A_152, %parallel_loop3A_153], %broadcast_in_dim3A_3 {strides = array<i32>} : memref<64x512xf32, #tpu.memory_space<vmem>>, vector<16xf32>,
        %parallel_loop3A_155 = arith.index_cast %parallel_loop3A_121 : i32 to index
        %parallel_loop3A_156 = arith.constant 176 : index
        %parallel_loop3A_157 = tpu.vector_load %arg10[%parallel_loop3A_155, %parallel_loop3A_156] {strides = array<i32>} : memref<64x512xf32, #tpu.memory_space<vmem>>, vector<16xf32>,
        tpu.vector_store %arg10[%parallel_loop3A_155, %parallel_loop3A_156], %broadcast_in_dim3A_3 {strides = array<i32>} : memref<64x512xf32, #tpu.memory_space<vmem>>, vector<16xf32>,
        %parallel_loop3A_158 = arith.index_cast %parallel_loop3A_121 : i32 to index
        %parallel_loop3A_159 = arith.constant 192 : index
        %parallel_loop3A_160 = tpu.vector_load %arg10[%parallel_loop3A_158, %parallel_loop3A_159] {strides = array<i32>} : memref<64x512xf32, #tpu.memory_space<vmem>>, vector<16xf32>,
        tpu.vector_store %arg10[%parallel_loop3A_158, %parallel_loop3A_159], %broadcast_in_dim3A_3 {strides = array<i32>} : memref<64x512xf32, #tpu.memory_space<vmem>>, vector<16xf32>,
        %parallel_loop3A_161 = arith.index_cast %parallel_loop3A_121 : i32 to index
        %parallel_loop3A_162 = arith.constant 208 : index
        %parallel_loop3A_163 = tpu.vector_load %arg10[%parallel_loop3A_161, %parallel_loop3A_162] {strides = array<i32>} : memref<64x512xf32, #tpu.memory_space<vmem>>, vector<16xf32>,
        tpu.vector_store %arg10[%parallel_loop3A_161, %parallel_loop3A_162], %broadcast_in_dim3A_3 {strides = array<i32>} : memref<64x512xf32, #tpu.memory_space<vmem>>, vector<16xf32>,
        %parallel_loop3A_164 = arith.index_cast %parallel_loop3A_121 : i32 to index
        %parallel_loop3A_165 = arith.constant 224 : index
        %parallel_loop3A_166 = tpu.vector_load %arg10[%parallel_loop3A_164, %parallel_loop3A_165] {strides = array<i32>} : memref<64x512xf32, #tpu.memory_space<vmem>>, vector<16xf32>,
        tpu.vector_store %arg10[%parallel_loop3A_164, %parallel_loop3A_165], %broadcast_in_dim3A_3 {strides = array<i32>} : memref<64x512xf32, #tpu.memory_space<vmem>>, vector<16xf32>,
        %parallel_loop3A_167 = arith.index_cast %parallel_loop3A_121 : i32 to index
        %parallel_loop3A_168 = arith.constant 240 : index
        %parallel_loop3A_169 = tpu.vector_load %arg10[%parallel_loop3A_167, %parallel_loop3A_168] {strides = array<i32>} : memref<64x512xf32, #tpu.memory_space<vmem>>, vector<16xf32>,
        tpu.vector_store %arg10[%parallel_loop3A_167, %parallel_loop3A_168], %broadcast_in_dim3A_3 {strides = array<i32>} : memref<64x512xf32, #tpu.memory_space<vmem>>, vector<16xf32>,
        %parallel_loop3A_170 = arith.index_cast %parallel_loop3A_121 : i32 to index
        %parallel_loop3A_171 = arith.constant 256 : index
        %parallel_loop3A_172 = tpu.vector_load %arg10[%parallel_loop3A_170, %parallel_loop3A_171] {strides = array<i32>} : memref<64x512xf32, #tpu.memory_space<vmem>>, vector<16xf32>,
        tpu.vector_store %arg10[%parallel_loop3A_170, %parallel_loop3A_171], %broadcast_in_dim3A_3 {strides = array<i32>} : memref<64x512xf32, #tpu.memory_space<vmem>>, vector<16xf32>,
        %parallel_loop3A_173 = arith.index_cast %parallel_loop3A_121 : i32 to index
        %parallel_loop3A_174 = arith.constant 272 : index
        %parallel_loop3A_175 = tpu.vector_load %arg10[%parallel_loop3A_173, %parallel_loop3A_174] {strides = array<i32>} : memref<64x512xf32, #tpu.memory_space<vmem>>, vector<16xf32>,
        tpu.vector_store %arg10[%parallel_loop3A_173, %parallel_loop3A_174], %broadcast_in_dim3A_3 {strides = array<i32>} : memref<64x512xf32, #tpu.memory_space<vmem>>, vector<16xf32>,
        %parallel_loop3A_176 = arith.index_cast %parallel_loop3A_121 : i32 to index
        %parallel_loop3A_177 = arith.constant 288 : index
        %parallel_loop3A_178 = tpu.vector_load %arg10[%parallel_loop3A_176, %parallel_loop3A_177] {strides = array<i32>} : memref<64x512xf32, #tpu.memory_space<vmem>>, vector<16xf32>,
        tpu.vector_store %arg10[%parallel_loop3A_176, %parallel_loop3A_177], %broadcast_in_dim3A_3 {strides = array<i32>} : memref<64x512xf32, #tpu.memory_space<vmem>>, vector<16xf32>,
        %parallel_loop3A_179 = arith.index_cast %parallel_loop3A_121 : i32 to index
        %parallel_loop3A_180 = arith.constant 304 : index
        %parallel_loop3A_181 = tpu.vector_load %arg10[%parallel_loop3A_179, %parallel_loop3A_180] {strides = array<i32>} : memref<64x512xf32, #tpu.memory_space<vmem>>, vector<16xf32>,
        tpu.vector_store %arg10[%parallel_loop3A_179, %parallel_loop3A_180], %broadcast_in_dim3A_3 {strides = array<i32>} : memref<64x512xf32, #tpu.memory_space<vmem>>, vector<16xf32>,
        %parallel_loop3A_182 = arith.index_cast %parallel_loop3A_121 : i32 to index
        %parallel_loop3A_183 = arith.constant 320 : index
        %parallel_loop3A_184 = tpu.vector_load %arg10[%parallel_loop3A_182, %parallel_loop3A_183] {strides = array<i32>} : memref<64x512xf32, #tpu.memory_space<vmem>>, vector<16xf32>,
        tpu.vector_store %arg10[%parallel_loop3A_182, %parallel_loop3A_183], %broadcast_in_dim3A_3 {strides = array<i32>} : memref<64x512xf32, #tpu.memory_space<vmem>>, vector<16xf32>,
        %parallel_loop3A_185 = arith.index_cast %parallel_loop3A_121 : i32 to index
        %parallel_loop3A_186 = arith.constant 336 : index
        %parallel_loop3A_187 = tpu.vector_load %arg10[%parallel_loop3A_185, %parallel_loop3A_186] {strides = array<i32>} : memref<64x512xf32, #tpu.memory_space<vmem>>, vector<16xf32>,
        tpu.vector_store %arg10[%parallel_loop3A_185, %parallel_loop3A_186], %broadcast_in_dim3A_3 {strides = array<i32>} : memref<64x512xf32, #tpu.memory_space<vmem>>, vector<16xf32>,
        %parallel_loop3A_188 = arith.index_cast %parallel_loop3A_121 : i32 to index
        %parallel_loop3A_189 = arith.constant 352 : index
        %parallel_loop3A_190 = tpu.vector_load %arg10[%parallel_loop3A_188, %parallel_loop3A_189] {strides = array<i32>} : memref<64x512xf32, #tpu.memory_space<vmem>>, vector<16xf32>,
        tpu.vector_store %arg10[%parallel_loop3A_188, %parallel_loop3A_189], %broadcast_in_dim3A_3 {strides = array<i32>} : memref<64x512xf32, #tpu.memory_space<vmem>>, vector<16xf32>,
        %parallel_loop3A_191 = arith.index_cast %parallel_loop3A_121 : i32 to index
        %parallel_loop3A_192 = arith.constant 368 : index
        %parallel_loop3A_193 = tpu.vector_load %arg10[%parallel_loop3A_191, %parallel_loop3A_192] {strides = array<i32>} : memref<64x512xf32, #tpu.memory_space<vmem>>, vector<16xf32>,
        tpu.vector_store %arg10[%parallel_loop3A_191, %parallel_loop3A_192], %broadcast_in_dim3A_3 {strides = array<i32>} : memref<64x512xf32, #tpu.memory_space<vmem>>, vector<16xf32>,
        %parallel_loop3A_194 = arith.index_cast %parallel_loop3A_121 : i32 to index
        %parallel_loop3A_195 = arith.constant 384 : index
        %parallel_loop3A_196 = tpu.vector_load %arg10[%parallel_loop3A_194, %parallel_loop3A_195] {strides = array<i32>} : memref<64x512xf32, #tpu.memory_space<vmem>>, vector<16xf32>,
        tpu.vector_store %arg10[%parallel_loop3A_194, %parallel_loop3A_195], %broadcast_in_dim3A_3 {strides = array<i32>} : memref<64x512xf32, #tpu.memory_space<vmem>>, vector<16xf32>,
        %parallel_loop3A_197 = arith.index_cast %parallel_loop3A_121 : i32 to index
        %parallel_loop3A_198 = arith.constant 400 : index
        %parallel_loop3A_199 = tpu.vector_load %arg10[%parallel_loop3A_197, %parallel_loop3A_198] {strides = array<i32>} : memref<64x512xf32, #tpu.memory_space<vmem>>, vector<16xf32>,
        tpu.vector_store %arg10[%parallel_loop3A_197, %parallel_loop3A_198], %broadcast_in_dim3A_3 {strides = array<i32>} : memref<64x512xf32, #tpu.memory_space<vmem>>, vector<16xf32>,
        %parallel_loop3A_200 = arith.index_cast %parallel_loop3A_121 : i32 to index
        %parallel_loop3A_201 = arith.constant 416 : index
        %parallel_loop3A_202 = tpu.vector_load %arg10[%parallel_loop3A_200, %parallel_loop3A_201] {strides = array<i32>} : memref<64x512xf32, #tpu.memory_space<vmem>>, vector<16xf32>,
        tpu.vector_store %arg10[%parallel_loop3A_200, %parallel_loop3A_201], %broadcast_in_dim3A_3 {strides = array<i32>} : memref<64x512xf32, #tpu.memory_space<vmem>>, vector<16xf32>,
        %parallel_loop3A_203 = arith.index_cast %parallel_loop3A_121 : i32 to index
        %parallel_loop3A_204 = arith.constant 432 : index
        %parallel_loop3A_205 = tpu.vector_load %arg10[%parallel_loop3A_203, %parallel_loop3A_204] {strides = array<i32>} : memref<64x512xf32, #tpu.memory_space<vmem>>, vector<16xf32>,
        tpu.vector_store %arg10[%parallel_loop3A_203, %parallel_loop3A_204], %broadcast_in_dim3A_3 {strides = array<i32>} : memref<64x512xf32, #tpu.memory_space<vmem>>, vector<16xf32>,
        %parallel_loop3A_206 = arith.index_cast %parallel_loop3A_121 : i32 to index
        %parallel_loop3A_207 = arith.constant 448 : index
        %parallel_loop3A_208 = tpu.vector_load %arg10[%parallel_loop3A_206, %parallel_loop3A_207] {strides = array<i32>} : memref<64x512xf32, #tpu.memory_space<vmem>>, vector<16xf32>,
        tpu.vector_store %arg10[%parallel_loop3A_206, %parallel_loop3A_207], %broadcast_in_dim3A_3 {strides = array<i32>} : memref<64x512xf32, #tpu.memory_space<vmem>>, vector<16xf32>,
        %parallel_loop3A_209 = arith.index_cast %parallel_loop3A_121 : i32 to index
        %parallel_loop3A_210 = arith.constant 464 : index
        %parallel_loop3A_211 = tpu.vector_load %arg10[%parallel_loop3A_209, %parallel_loop3A_210] {strides = array<i32>} : memref<64x512xf32, #tpu.memory_space<vmem>>, vector<16xf32>,
        tpu.vector_store %arg10[%parallel_loop3A_209, %parallel_loop3A_210], %broadcast_in_dim3A_3 {strides = array<i32>} : memref<64x512xf32, #tpu.memory_space<vmem>>, vector<16xf32>,
        %parallel_loop3A_212 = arith.index_cast %parallel_loop3A_121 : i32 to index
        %parallel_loop3A_213 = arith.constant 480 : index
        %parallel_loop3A_214 = tpu.vector_load %arg10[%parallel_loop3A_212, %parallel_loop3A_213] {strides = array<i32>} : memref<64x512xf32, #tpu.memory_space<vmem>>, vector<16xf32>,
        tpu.vector_store %arg10[%parallel_loop3A_212, %parallel_loop3A_213], %broadcast_in_dim3A_3 {strides = array<i32>} : memref<64x512xf32, #tpu.memory_space<vmem>>, vector<16xf32>,
        %parallel_loop3A_215 = arith.index_cast %parallel_loop3A_121 : i32 to index
        %parallel_loop3A_216 = arith.constant 496 : index
        %parallel_loop3A_217 = tpu.vector_load %arg10[%parallel_loop3A_215, %parallel_loop3A_216] {strides = array<i32>} : memref<64x512xf32, #tpu.memory_space<vmem>>, vector<16xf32>,
        tpu.vector_store %arg10[%parallel_loop3A_215, %parallel_loop3A_216], %broadcast_in_dim3A_3 {strides = array<i32>} : memref<64x512xf32, #tpu.memory_space<vmem>>, vector<16xf32>,
      } {sc.loop_unroll_factor = 2 : i64, sc.parallel_access}
      %mul3A_94 = arith.constant 32 : i32
      %mul3A_95 = arith.muli %add3A_82, %mul3A_94 : i32
      %add3A_96 = arith.addi %mul3A_2, %mul3A_95 : i32
      %dma_wait3A_97 = arith.constant 0 : i32
      %dma_wait3A_98 = tpu.memref_slice %arg2[%add3A_96, %dma_wait3A_97] : memref<49152x256xf32, #tpu.memory_space<hbm>> -> memref<32x256xf32, #tpu.memory_space<hbm>>
      %dma_wait3A_99 = arith.constant 0 : i32
      %dma_wait3A_100 = tpu.memref_slice %arg2[%add3A_96, %dma_wait3A_99] : memref<49152x256xf32, #tpu.memory_space<hbm>> -> memref<32x256xf32, #tpu.memory_space<hbm>>
      tpu.wait_dma2 semaphore(%arg12 : memref<!tpu.dma_semaphore, #tpu.memory_space<semaphore_mem>>) src(%dma_wait3A_100 : memref<32x256xf32, #tpu.memory_space<hbm>>) dst(%arg6 : memref<32x256xf32, #tpu.memory_space<vmem>>)
      %dma_wait3A_101 = arith.constant 0 : i32
      %dma_wait3A_102 = tpu.memref_slice %arg3[%add3A_96, %dma_wait3A_101] : memref<49152x256xi32, #tpu.memory_space<hbm>> -> memref<32x256xi32, #tpu.memory_space<hbm>>
      %dma_wait3A_103 = arith.constant 0 : i32
      %dma_wait3A_104 = tpu.memref_slice %arg3[%add3A_96, %dma_wait3A_103] : memref<49152x256xi32, #tpu.memory_space<hbm>> -> memref<32x256xi32, #tpu.memory_space<hbm>>
      tpu.wait_dma2 semaphore(%arg12 : memref<!tpu.dma_semaphore, #tpu.memory_space<semaphore_mem>>) src(%dma_wait3A_104 : memref<32x256xi32, #tpu.memory_space<hbm>>) dst(%arg8 : memref<32x256xi32, #tpu.memory_space<vmem>>)
      %parallel_loop3A_105 = arith.constant 0 : i32
      %parallel_loop3A_106 = arith.constant 32 : i32
      %parallel_loop3A_107 = arith.constant 1 : i32
      scf.for %parallel_loop3A_121 = %parallel_loop3A_105 to %parallel_loop3A_106 step %parallel_loop3A_107  : i32 {
        %parallel_loop3A_122 = arith.constant 2 : i32
        %parallel_loop3A_123 = arith.muli %parallel_loop3A_122, %parallel_loop3A_121 : i32
        %parallel_loop3A_124 = vector.broadcast %parallel_loop3A_123 : i32 to vector<16xi32>
        %parallel_loop3A_125 = arith.index_cast %parallel_loop3A_121 : i32 to index
        %parallel_loop3A_126 = arith.constant 0 : index
        %parallel_loop3A_127 = tpu.vector_load %arg8[%parallel_loop3A_125, %parallel_loop3A_126] {strides = array<i32>} : memref<32x256xi32, #tpu.memory_space<vmem>>, vector<16xi32>,
        %parallel_loop3A_128 = arith.index_cast %parallel_loop3A_121 : i32 to index
        %parallel_loop3A_129 = arith.constant 0 : index
        %parallel_loop3A_130 = tpu.vector_load %arg6[%parallel_loop3A_128, %parallel_loop3A_129] {strides = array<i32>} : memref<32x256xf32, #tpu.memory_space<vmem>>, vector<16xf32>,
        %parallel_loop3A_131 = arith.constant 1023 : i32
        %parallel_loop3A_132 = vector.broadcast %parallel_loop3A_131 : i32 to vector<16xi32>
        %parallel_loop3A_133 = arith.andi %parallel_loop3A_127, %parallel_loop3A_132 : vector<16xi32>
        %parallel_loop3A_134 = arith.constant 9 : i32
        %parallel_loop3A_135 = vector.broadcast %parallel_loop3A_134 : i32 to vector<16xi32>
        %parallel_loop3A_136 = arith.shrui %parallel_loop3A_133, %parallel_loop3A_135 : vector<16xi32>
        %parallel_loop3A_137 = arith.addi %parallel_loop3A_124, %parallel_loop3A_136 : vector<16xi32>
        %parallel_loop3A_138 = arith.constant 511 : i32
        %parallel_loop3A_139 = vector.broadcast %parallel_loop3A_138 : i32 to vector<16xi32>
        %parallel_loop3A_140 = arith.andi %parallel_loop3A_133, %parallel_loop3A_139 : vector<16xi32>
        tpu.vector_store_idx %arg10[%parallel_loop3A_137, %parallel_loop3A_140], %parallel_loop3A_130 : memref<64x512xf32, #tpu.memory_space<vmem>>[vector<16xi32>, vector<16xi32>], vector<16xf32>,
        %parallel_loop3A_141 = arith.index_cast %parallel_loop3A_121 : i32 to index
        %parallel_loop3A_142 = arith.constant 16 : index
        %parallel_loop3A_143 = tpu.vector_load %arg8[%parallel_loop3A_141, %parallel_loop3A_142] {strides = array<i32>} : memref<32x256xi32, #tpu.memory_space<vmem>>, vector<16xi32>,
        %parallel_loop3A_144 = arith.index_cast %parallel_loop3A_121 : i32 to index
        %parallel_loop3A_145 = arith.constant 16 : index
        %parallel_loop3A_146 = tpu.vector_load %arg6[%parallel_loop3A_144, %parallel_loop3A_145] {strides = array<i32>} : memref<32x256xf32, #tpu.memory_space<vmem>>, vector<16xf32>,
        %parallel_loop3A_147 = arith.constant 1023 : i32
        %parallel_loop3A_148 = vector.broadcast %parallel_loop3A_147 : i32 to vector<16xi32>
        %parallel_loop3A_149 = arith.andi %parallel_loop3A_143, %parallel_loop3A_148 : vector<16xi32>
        %parallel_loop3A_150 = arith.constant 9 : i32
        %parallel_loop3A_151 = vector.broadcast %parallel_loop3A_150 : i32 to vector<16xi32>
        %parallel_loop3A_152 = arith.shrui %parallel_loop3A_149, %parallel_loop3A_151 : vector<16xi32>
        %parallel_loop3A_153 = arith.addi %parallel_loop3A_124, %parallel_loop3A_152 : vector<16xi32>
        %parallel_loop3A_154 = arith.constant 511 : i32
        %parallel_loop3A_155 = vector.broadcast %parallel_loop3A_154 : i32 to vector<16xi32>
        %parallel_loop3A_156 = arith.andi %parallel_loop3A_149, %parallel_loop3A_155 : vector<16xi32>
        tpu.vector_store_idx %arg10[%parallel_loop3A_153, %parallel_loop3A_156], %parallel_loop3A_146 : memref<64x512xf32, #tpu.memory_space<vmem>>[vector<16xi32>, vector<16xi32>], vector<16xf32>,
        %parallel_loop3A_157 = arith.index_cast %parallel_loop3A_121 : i32 to index
        %parallel_loop3A_158 = arith.constant 32 : index
        %parallel_loop3A_159 = tpu.vector_load %arg8[%parallel_loop3A_157, %parallel_loop3A_158] {strides = array<i32>} : memref<32x256xi32, #tpu.memory_space<vmem>>, vector<16xi32>,
        %parallel_loop3A_160 = arith.index_cast %parallel_loop3A_121 : i32 to index
        %parallel_loop3A_161 = arith.constant 32 : index
        %parallel_loop3A_162 = tpu.vector_load %arg6[%parallel_loop3A_160, %parallel_loop3A_161] {strides = array<i32>} : memref<32x256xf32, #tpu.memory_space<vmem>>, vector<16xf32>,
        %parallel_loop3A_163 = arith.constant 1023 : i32
        %parallel_loop3A_164 = vector.broadcast %parallel_loop3A_163 : i32 to vector<16xi32>
        %parallel_loop3A_165 = arith.andi %parallel_loop3A_159, %parallel_loop3A_164 : vector<16xi32>
        %parallel_loop3A_166 = arith.constant 9 : i32
        %parallel_loop3A_167 = vector.broadcast %parallel_loop3A_166 : i32 to vector<16xi32>
        %parallel_loop3A_168 = arith.shrui %parallel_loop3A_165, %parallel_loop3A_167 : vector<16xi32>
        %parallel_loop3A_169 = arith.addi %parallel_loop3A_124, %parallel_loop3A_168 : vector<16xi32>
        %parallel_loop3A_170 = arith.constant 511 : i32
        %parallel_loop3A_171 = vector.broadcast %parallel_loop3A_170 : i32 to vector<16xi32>
        %parallel_loop3A_172 = arith.andi %parallel_loop3A_165, %parallel_loop3A_171 : vector<16xi32>
        tpu.vector_store_idx %arg10[%parallel_loop3A_169, %parallel_loop3A_172], %parallel_loop3A_162 : memref<64x512xf32, #tpu.memory_space<vmem>>[vector<16xi32>, vector<16xi32>], vector<16xf32>,
        %parallel_loop3A_173 = arith.index_cast %parallel_loop3A_121 : i32 to index
        %parallel_loop3A_174 = arith.constant 48 : index
        %parallel_loop3A_175 = tpu.vector_load %arg8[%parallel_loop3A_173, %parallel_loop3A_174] {strides = array<i32>} : memref<32x256xi32, #tpu.memory_space<vmem>>, vector<16xi32>,
        %parallel_loop3A_176 = arith.index_cast %parallel_loop3A_121 : i32 to index
        %parallel_loop3A_177 = arith.constant 48 : index
        %parallel_loop3A_178 = tpu.vector_load %arg6[%parallel_loop3A_176, %parallel_loop3A_177] {strides = array<i32>} : memref<32x256xf32, #tpu.memory_space<vmem>>, vector<16xf32>,
        %parallel_loop3A_179 = arith.constant 1023 : i32
        %parallel_loop3A_180 = vector.broadcast %parallel_loop3A_179 : i32 to vector<16xi32>
        %parallel_loop3A_181 = arith.andi %parallel_loop3A_175, %parallel_loop3A_180 : vector<16xi32>
        %parallel_loop3A_182 = arith.constant 9 : i32
        %parallel_loop3A_183 = vector.broadcast %parallel_loop3A_182 : i32 to vector<16xi32>
        %parallel_loop3A_184 = arith.shrui %parallel_loop3A_181, %parallel_loop3A_183 : vector<16xi32>
        %parallel_loop3A_185 = arith.addi %parallel_loop3A_124, %parallel_loop3A_184 : vector<16xi32>
        %parallel_loop3A_186 = arith.constant 511 : i32
        %parallel_loop3A_187 = vector.broadcast %parallel_loop3A_186 : i32 to vector<16xi32>
        %parallel_loop3A_188 = arith.andi %parallel_loop3A_181, %parallel_loop3A_187 : vector<16xi32>
        tpu.vector_store_idx %arg10[%parallel_loop3A_185, %parallel_loop3A_188], %parallel_loop3A_178 : memref<64x512xf32, #tpu.memory_space<vmem>>[vector<16xi32>, vector<16xi32>], vector<16xf32>,
        %parallel_loop3A_189 = arith.index_cast %parallel_loop3A_121 : i32 to index
        %parallel_loop3A_190 = arith.constant 64 : index
        %parallel_loop3A_191 = tpu.vector_load %arg8[%parallel_loop3A_189, %parallel_loop3A_190] {strides = array<i32>} : memref<32x256xi32, #tpu.memory_space<vmem>>, vector<16xi32>,
        %parallel_loop3A_192 = arith.index_cast %parallel_loop3A_121 : i32 to index
        %parallel_loop3A_193 = arith.constant 64 : index
        %parallel_loop3A_194 = tpu.vector_load %arg6[%parallel_loop3A_192, %parallel_loop3A_193] {strides = array<i32>} : memref<32x256xf32, #tpu.memory_space<vmem>>, vector<16xf32>,
        %parallel_loop3A_195 = arith.constant 1023 : i32
        %parallel_loop3A_196 = vector.broadcast %parallel_loop3A_195 : i32 to vector<16xi32>
        %parallel_loop3A_197 = arith.andi %parallel_loop3A_191, %parallel_loop3A_196 : vector<16xi32>
        %parallel_loop3A_198 = arith.constant 9 : i32
        %parallel_loop3A_199 = vector.broadcast %parallel_loop3A_198 : i32 to vector<16xi32>
        %parallel_loop3A_200 = arith.shrui %parallel_loop3A_197, %parallel_loop3A_199 : vector<16xi32>
        %parallel_loop3A_201 = arith.addi %parallel_loop3A_124, %parallel_loop3A_200 : vector<16xi32>
        %parallel_loop3A_202 = arith.constant 511 : i32
        %parallel_loop3A_203 = vector.broadcast %parallel_loop3A_202 : i32 to vector<16xi32>
        %parallel_loop3A_204 = arith.andi %parallel_loop3A_197, %parallel_loop3A_203 : vector<16xi32>
        tpu.vector_store_idx %arg10[%parallel_loop3A_201, %parallel_loop3A_204], %parallel_loop3A_194 : memref<64x512xf32, #tpu.memory_space<vmem>>[vector<16xi32>, vector<16xi32>], vector<16xf32>,
        %parallel_loop3A_205 = arith.index_cast %parallel_loop3A_121 : i32 to index
        %parallel_loop3A_206 = arith.constant 80 : index
        %parallel_loop3A_207 = tpu.vector_load %arg8[%parallel_loop3A_205, %parallel_loop3A_206] {strides = array<i32>} : memref<32x256xi32, #tpu.memory_space<vmem>>, vector<16xi32>,
        %parallel_loop3A_208 = arith.index_cast %parallel_loop3A_121 : i32 to index
        %parallel_loop3A_209 = arith.constant 80 : index
        %parallel_loop3A_210 = tpu.vector_load %arg6[%parallel_loop3A_208, %parallel_loop3A_209] {strides = array<i32>} : memref<32x256xf32, #tpu.memory_space<vmem>>, vector<16xf32>,
        %parallel_loop3A_211 = arith.constant 1023 : i32
        %parallel_loop3A_212 = vector.broadcast %parallel_loop3A_211 : i32 to vector<16xi32>
        %parallel_loop3A_213 = arith.andi %parallel_loop3A_207, %parallel_loop3A_212 : vector<16xi32>
        %parallel_loop3A_214 = arith.constant 9 : i32
        %parallel_loop3A_215 = vector.broadcast %parallel_loop3A_214 : i32 to vector<16xi32>
        %parallel_loop3A_216 = arith.shrui %parallel_loop3A_213, %parallel_loop3A_215 : vector<16xi32>
        %parallel_loop3A_217 = arith.addi %parallel_loop3A_124, %parallel_loop3A_216 : vector<16xi32>
        %parallel_loop3A_218 = arith.constant 511 : i32
        %parallel_loop3A_219 = vector.broadcast %parallel_loop3A_218 : i32 to vector<16xi32>
        %parallel_loop3A_220 = arith.andi %parallel_loop3A_213, %parallel_loop3A_219 : vector<16xi32>
        tpu.vector_store_idx %arg10[%parallel_loop3A_217, %parallel_loop3A_220], %parallel_loop3A_210 : memref<64x512xf32, #tpu.memory_space<vmem>>[vector<16xi32>, vector<16xi32>], vector<16xf32>,
        %parallel_loop3A_221 = arith.index_cast %parallel_loop3A_121 : i32 to index
        %parallel_loop3A_222 = arith.constant 96 : index
        %parallel_loop3A_223 = tpu.vector_load %arg8[%parallel_loop3A_221, %parallel_loop3A_222] {strides = array<i32>} : memref<32x256xi32, #tpu.memory_space<vmem>>, vector<16xi32>,
        %parallel_loop3A_224 = arith.index_cast %parallel_loop3A_121 : i32 to index
        %parallel_loop3A_225 = arith.constant 96 : index
        %parallel_loop3A_226 = tpu.vector_load %arg6[%parallel_loop3A_224, %parallel_loop3A_225] {strides = array<i32>} : memref<32x256xf32, #tpu.memory_space<vmem>>, vector<16xf32>,
        %parallel_loop3A_227 = arith.constant 1023 : i32
        %parallel_loop3A_228 = vector.broadcast %parallel_loop3A_227 : i32 to vector<16xi32>
        %parallel_loop3A_229 = arith.andi %parallel_loop3A_223, %parallel_loop3A_228 : vector<16xi32>
        %parallel_loop3A_230 = arith.constant 9 : i32
        %parallel_loop3A_231 = vector.broadcast %parallel_loop3A_230 : i32 to vector<16xi32>
        %parallel_loop3A_232 = arith.shrui %parallel_loop3A_229, %parallel_loop3A_231 : vector<16xi32>
        %parallel_loop3A_233 = arith.addi %parallel_loop3A_124, %parallel_loop3A_232 : vector<16xi32>
        %parallel_loop3A_234 = arith.constant 511 : i32
        %parallel_loop3A_235 = vector.broadcast %parallel_loop3A_234 : i32 to vector<16xi32>
        %parallel_loop3A_236 = arith.andi %parallel_loop3A_229, %parallel_loop3A_235 : vector<16xi32>
        tpu.vector_store_idx %arg10[%parallel_loop3A_233, %parallel_loop3A_236], %parallel_loop3A_226 : memref<64x512xf32, #tpu.memory_space<vmem>>[vector<16xi32>, vector<16xi32>], vector<16xf32>,
        %parallel_loop3A_237 = arith.index_cast %parallel_loop3A_121 : i32 to index
        %parallel_loop3A_238 = arith.constant 112 : index
        %parallel_loop3A_239 = tpu.vector_load %arg8[%parallel_loop3A_237, %parallel_loop3A_238] {strides = array<i32>} : memref<32x256xi32, #tpu.memory_space<vmem>>, vector<16xi32>,
        %parallel_loop3A_240 = arith.index_cast %parallel_loop3A_121 : i32 to index
        %parallel_loop3A_241 = arith.constant 112 : index
        %parallel_loop3A_242 = tpu.vector_load %arg6[%parallel_loop3A_240, %parallel_loop3A_241] {strides = array<i32>} : memref<32x256xf32, #tpu.memory_space<vmem>>, vector<16xf32>,
        %parallel_loop3A_243 = arith.constant 1023 : i32
        %parallel_loop3A_244 = vector.broadcast %parallel_loop3A_243 : i32 to vector<16xi32>
        %parallel_loop3A_245 = arith.andi %parallel_loop3A_239, %parallel_loop3A_244 : vector<16xi32>
        %parallel_loop3A_246 = arith.constant 9 : i32
        %parallel_loop3A_247 = vector.broadcast %parallel_loop3A_246 : i32 to vector<16xi32>
        %parallel_loop3A_248 = arith.shrui %parallel_loop3A_245, %parallel_loop3A_247 : vector<16xi32>
        %parallel_loop3A_249 = arith.addi %parallel_loop3A_124, %parallel_loop3A_248 : vector<16xi32>
        %parallel_loop3A_250 = arith.constant 511 : i32
        %parallel_loop3A_251 = vector.broadcast %parallel_loop3A_250 : i32 to vector<16xi32>
        %parallel_loop3A_252 = arith.andi %parallel_loop3A_245, %parallel_loop3A_251 : vector<16xi32>
        tpu.vector_store_idx %arg10[%parallel_loop3A_249, %parallel_loop3A_252], %parallel_loop3A_242 : memref<64x512xf32, #tpu.memory_space<vmem>>[vector<16xi32>, vector<16xi32>], vector<16xf32>,
        %parallel_loop3A_253 = arith.index_cast %parallel_loop3A_121 : i32 to index
        %parallel_loop3A_254 = arith.constant 128 : index
        %parallel_loop3A_255 = tpu.vector_load %arg8[%parallel_loop3A_253, %parallel_loop3A_254] {strides = array<i32>} : memref<32x256xi32, #tpu.memory_space<vmem>>, vector<16xi32>,
        %parallel_loop3A_256 = arith.index_cast %parallel_loop3A_121 : i32 to index
        %parallel_loop3A_257 = arith.constant 128 : index
        %parallel_loop3A_258 = tpu.vector_load %arg6[%parallel_loop3A_256, %parallel_loop3A_257] {strides = array<i32>} : memref<32x256xf32, #tpu.memory_space<vmem>>, vector<16xf32>,
        %parallel_loop3A_259 = arith.constant 1023 : i32
        %parallel_loop3A_260 = vector.broadcast %parallel_loop3A_259 : i32 to vector<16xi32>
        %parallel_loop3A_261 = arith.andi %parallel_loop3A_255, %parallel_loop3A_260 : vector<16xi32>
        %parallel_loop3A_262 = arith.constant 9 : i32
        %parallel_loop3A_263 = vector.broadcast %parallel_loop3A_262 : i32 to vector<16xi32>
        %parallel_loop3A_264 = arith.shrui %parallel_loop3A_261, %parallel_loop3A_263 : vector<16xi32>
        %parallel_loop3A_265 = arith.addi %parallel_loop3A_124, %parallel_loop3A_264 : vector<16xi32>
        %parallel_loop3A_266 = arith.constant 511 : i32
        %parallel_loop3A_267 = vector.broadcast %parallel_loop3A_266 : i32 to vector<16xi32>
        %parallel_loop3A_268 = arith.andi %parallel_loop3A_261, %parallel_loop3A_267 : vector<16xi32>
        tpu.vector_store_idx %arg10[%parallel_loop3A_265, %parallel_loop3A_268], %parallel_loop3A_258 : memref<64x512xf32, #tpu.memory_space<vmem>>[vector<16xi32>, vector<16xi32>], vector<16xf32>,
        %parallel_loop3A_269 = arith.index_cast %parallel_loop3A_121 : i32 to index
        %parallel_loop3A_270 = arith.constant 144 : index
        %parallel_loop3A_271 = tpu.vector_load %arg8[%parallel_loop3A_269, %parallel_loop3A_270] {strides = array<i32>} : memref<32x256xi32, #tpu.memory_space<vmem>>, vector<16xi32>,
        %parallel_loop3A_272 = arith.index_cast %parallel_loop3A_121 : i32 to index
        %parallel_loop3A_273 = arith.constant 144 : index
        %parallel_loop3A_274 = tpu.vector_load %arg6[%parallel_loop3A_272, %parallel_loop3A_273] {strides = array<i32>} : memref<32x256xf32, #tpu.memory_space<vmem>>, vector<16xf32>,
        %parallel_loop3A_275 = arith.constant 1023 : i32
        %parallel_loop3A_276 = vector.broadcast %parallel_loop3A_275 : i32 to vector<16xi32>
        %parallel_loop3A_277 = arith.andi %parallel_loop3A_271, %parallel_loop3A_276 : vector<16xi32>
        %parallel_loop3A_278 = arith.constant 9 : i32
        %parallel_loop3A_279 = vector.broadcast %parallel_loop3A_278 : i32 to vector<16xi32>
        %parallel_loop3A_280 = arith.shrui %parallel_loop3A_277, %parallel_loop3A_279 : vector<16xi32>
        %parallel_loop3A_281 = arith.addi %parallel_loop3A_124, %parallel_loop3A_280 : vector<16xi32>
        %parallel_loop3A_282 = arith.constant 511 : i32
        %parallel_loop3A_283 = vector.broadcast %parallel_loop3A_282 : i32 to vector<16xi32>
        %parallel_loop3A_284 = arith.andi %parallel_loop3A_277, %parallel_loop3A_283 : vector<16xi32>
        tpu.vector_store_idx %arg10[%parallel_loop3A_281, %parallel_loop3A_284], %parallel_loop3A_274 : memref<64x512xf32, #tpu.memory_space<vmem>>[vector<16xi32>, vector<16xi32>], vector<16xf32>,
        %parallel_loop3A_285 = arith.index_cast %parallel_loop3A_121 : i32 to index
        %parallel_loop3A_286 = arith.constant 160 : index
        %parallel_loop3A_287 = tpu.vector_load %arg8[%parallel_loop3A_285, %parallel_loop3A_286] {strides = array<i32>} : memref<32x256xi32, #tpu.memory_space<vmem>>, vector<16xi32>,
        %parallel_loop3A_288 = arith.index_cast %parallel_loop3A_121 : i32 to index
        %parallel_loop3A_289 = arith.constant 160 : index
        %parallel_loop3A_290 = tpu.vector_load %arg6[%parallel_loop3A_288, %parallel_loop3A_289] {strides = array<i32>} : memref<32x256xf32, #tpu.memory_space<vmem>>, vector<16xf32>,
        %parallel_loop3A_291 = arith.constant 1023 : i32
        %parallel_loop3A_292 = vector.broadcast %parallel_loop3A_291 : i32 to vector<16xi32>
        %parallel_loop3A_293 = arith.andi %parallel_loop3A_287, %parallel_loop3A_292 : vector<16xi32>
        %parallel_loop3A_294 = arith.constant 9 : i32
        %parallel_loop3A_295 = vector.broadcast %parallel_loop3A_294 : i32 to vector<16xi32>
        %parallel_loop3A_296 = arith.shrui %parallel_loop3A_293, %parallel_loop3A_295 : vector<16xi32>
        %parallel_loop3A_297 = arith.addi %parallel_loop3A_124, %parallel_loop3A_296 : vector<16xi32>
        %parallel_loop3A_298 = arith.constant 511 : i32
        %parallel_loop3A_299 = vector.broadcast %parallel_loop3A_298 : i32 to vector<16xi32>
        %parallel_loop3A_300 = arith.andi %parallel_loop3A_293, %parallel_loop3A_299 : vector<16xi32>
        tpu.vector_store_idx %arg10[%parallel_loop3A_297, %parallel_loop3A_300], %parallel_loop3A_290 : memref<64x512xf32, #tpu.memory_space<vmem>>[vector<16xi32>, vector<16xi32>], vector<16xf32>,
        %parallel_loop3A_301 = arith.index_cast %parallel_loop3A_121 : i32 to index
        %parallel_loop3A_302 = arith.constant 176 : index
        %parallel_loop3A_303 = tpu.vector_load %arg8[%parallel_loop3A_301, %parallel_loop3A_302] {strides = array<i32>} : memref<32x256xi32, #tpu.memory_space<vmem>>, vector<16xi32>,
        %parallel_loop3A_304 = arith.index_cast %parallel_loop3A_121 : i32 to index
        %parallel_loop3A_305 = arith.constant 176 : index
        %parallel_loop3A_306 = tpu.vector_load %arg6[%parallel_loop3A_304, %parallel_loop3A_305] {strides = array<i32>} : memref<32x256xf32, #tpu.memory_space<vmem>>, vector<16xf32>,
        %parallel_loop3A_307 = arith.constant 1023 : i32
        %parallel_loop3A_308 = vector.broadcast %parallel_loop3A_307 : i32 to vector<16xi32>
        %parallel_loop3A_309 = arith.andi %parallel_loop3A_303, %parallel_loop3A_308 : vector<16xi32>
        %parallel_loop3A_310 = arith.constant 9 : i32
        %parallel_loop3A_311 = vector.broadcast %parallel_loop3A_310 : i32 to vector<16xi32>
        %parallel_loop3A_312 = arith.shrui %parallel_loop3A_309, %parallel_loop3A_311 : vector<16xi32>
        %parallel_loop3A_313 = arith.addi %parallel_loop3A_124, %parallel_loop3A_312 : vector<16xi32>
        %parallel_loop3A_314 = arith.constant 511 : i32
        %parallel_loop3A_315 = vector.broadcast %parallel_loop3A_314 : i32 to vector<16xi32>
        %parallel_loop3A_316 = arith.andi %parallel_loop3A_309, %parallel_loop3A_315 : vector<16xi32>
        tpu.vector_store_idx %arg10[%parallel_loop3A_313, %parallel_loop3A_316], %parallel_loop3A_306 : memref<64x512xf32, #tpu.memory_space<vmem>>[vector<16xi32>, vector<16xi32>], vector<16xf32>,
        %parallel_loop3A_317 = arith.index_cast %parallel_loop3A_121 : i32 to index
        %parallel_loop3A_318 = arith.constant 192 : index
        %parallel_loop3A_319 = tpu.vector_load %arg8[%parallel_loop3A_317, %parallel_loop3A_318] {strides = array<i32>} : memref<32x256xi32, #tpu.memory_space<vmem>>, vector<16xi32>,
        %parallel_loop3A_320 = arith.index_cast %parallel_loop3A_121 : i32 to index
        %parallel_loop3A_321 = arith.constant 192 : index
        %parallel_loop3A_322 = tpu.vector_load %arg6[%parallel_loop3A_320, %parallel_loop3A_321] {strides = array<i32>} : memref<32x256xf32, #tpu.memory_space<vmem>>, vector<16xf32>,
        %parallel_loop3A_323 = arith.constant 1023 : i32
        %parallel_loop3A_324 = vector.broadcast %parallel_loop3A_323 : i32 to vector<16xi32>
        %parallel_loop3A_325 = arith.andi %parallel_loop3A_319, %parallel_loop3A_324 : vector<16xi32>
        %parallel_loop3A_326 = arith.constant 9 : i32
        %parallel_loop3A_327 = vector.broadcast %parallel_loop3A_326 : i32 to vector<16xi32>
        %parallel_loop3A_328 = arith.shrui %parallel_loop3A_325, %parallel_loop3A_327 : vector<16xi32>
        %parallel_loop3A_329 = arith.addi %parallel_loop3A_124, %parallel_loop3A_328 : vector<16xi32>
        %parallel_loop3A_330 = arith.constant 511 : i32
        %parallel_loop3A_331 = vector.broadcast %parallel_loop3A_330 : i32 to vector<16xi32>
        %parallel_loop3A_332 = arith.andi %parallel_loop3A_325, %parallel_loop3A_331 : vector<16xi32>
        tpu.vector_store_idx %arg10[%parallel_loop3A_329, %parallel_loop3A_332], %parallel_loop3A_322 : memref<64x512xf32, #tpu.memory_space<vmem>>[vector<16xi32>, vector<16xi32>], vector<16xf32>,
        %parallel_loop3A_333 = arith.index_cast %parallel_loop3A_121 : i32 to index
        %parallel_loop3A_334 = arith.constant 208 : index
        %parallel_loop3A_335 = tpu.vector_load %arg8[%parallel_loop3A_333, %parallel_loop3A_334] {strides = array<i32>} : memref<32x256xi32, #tpu.memory_space<vmem>>, vector<16xi32>,
        %parallel_loop3A_336 = arith.index_cast %parallel_loop3A_121 : i32 to index
        %parallel_loop3A_337 = arith.constant 208 : index
        %parallel_loop3A_338 = tpu.vector_load %arg6[%parallel_loop3A_336, %parallel_loop3A_337] {strides = array<i32>} : memref<32x256xf32, #tpu.memory_space<vmem>>, vector<16xf32>,
        %parallel_loop3A_339 = arith.constant 1023 : i32
        %parallel_loop3A_340 = vector.broadcast %parallel_loop3A_339 : i32 to vector<16xi32>
        %parallel_loop3A_341 = arith.andi %parallel_loop3A_335, %parallel_loop3A_340 : vector<16xi32>
        %parallel_loop3A_342 = arith.constant 9 : i32
        %parallel_loop3A_343 = vector.broadcast %parallel_loop3A_342 : i32 to vector<16xi32>
        %parallel_loop3A_344 = arith.shrui %parallel_loop3A_341, %parallel_loop3A_343 : vector<16xi32>
        %parallel_loop3A_345 = arith.addi %parallel_loop3A_124, %parallel_loop3A_344 : vector<16xi32>
        %parallel_loop3A_346 = arith.constant 511 : i32
        %parallel_loop3A_347 = vector.broadcast %parallel_loop3A_346 : i32 to vector<16xi32>
        %parallel_loop3A_348 = arith.andi %parallel_loop3A_341, %parallel_loop3A_347 : vector<16xi32>
        tpu.vector_store_idx %arg10[%parallel_loop3A_345, %parallel_loop3A_348], %parallel_loop3A_338 : memref<64x512xf32, #tpu.memory_space<vmem>>[vector<16xi32>, vector<16xi32>], vector<16xf32>,
        %parallel_loop3A_349 = arith.index_cast %parallel_loop3A_121 : i32 to index
        %parallel_loop3A_350 = arith.constant 224 : index
        %parallel_loop3A_351 = tpu.vector_load %arg8[%parallel_loop3A_349, %parallel_loop3A_350] {strides = array<i32>} : memref<32x256xi32, #tpu.memory_space<vmem>>, vector<16xi32>,
        %parallel_loop3A_352 = arith.index_cast %parallel_loop3A_121 : i32 to index
        %parallel_loop3A_353 = arith.constant 224 : index
        %parallel_loop3A_354 = tpu.vector_load %arg6[%parallel_loop3A_352, %parallel_loop3A_353] {strides = array<i32>} : memref<32x256xf32, #tpu.memory_space<vmem>>, vector<16xf32>,
        %parallel_loop3A_355 = arith.constant 1023 : i32
        %parallel_loop3A_356 = vector.broadcast %parallel_loop3A_355 : i32 to vector<16xi32>
        %parallel_loop3A_357 = arith.andi %parallel_loop3A_351, %parallel_loop3A_356 : vector<16xi32>
        %parallel_loop3A_358 = arith.constant 9 : i32
        %parallel_loop3A_359 = vector.broadcast %parallel_loop3A_358 : i32 to vector<16xi32>
        %parallel_loop3A_360 = arith.shrui %parallel_loop3A_357, %parallel_loop3A_359 : vector<16xi32>
        %parallel_loop3A_361 = arith.addi %parallel_loop3A_124, %parallel_loop3A_360 : vector<16xi32>
        %parallel_loop3A_362 = arith.constant 511 : i32
        %parallel_loop3A_363 = vector.broadcast %parallel_loop3A_362 : i32 to vector<16xi32>
        %parallel_loop3A_364 = arith.andi %parallel_loop3A_357, %parallel_loop3A_363 : vector<16xi32>
        tpu.vector_store_idx %arg10[%parallel_loop3A_361, %parallel_loop3A_364], %parallel_loop3A_354 : memref<64x512xf32, #tpu.memory_space<vmem>>[vector<16xi32>, vector<16xi32>], vector<16xf32>,
        %parallel_loop3A_365 = arith.index_cast %parallel_loop3A_121 : i32 to index
        %parallel_loop3A_366 = arith.constant 240 : index
        %parallel_loop3A_367 = tpu.vector_load %arg8[%parallel_loop3A_365, %parallel_loop3A_366] {strides = array<i32>} : memref<32x256xi32, #tpu.memory_space<vmem>>, vector<16xi32>,
        %parallel_loop3A_368 = arith.index_cast %parallel_loop3A_121 : i32 to index
        %parallel_loop3A_369 = arith.constant 240 : index
        %parallel_loop3A_370 = tpu.vector_load %arg6[%parallel_loop3A_368, %parallel_loop3A_369] {strides = array<i32>} : memref<32x256xf32, #tpu.memory_space<vmem>>, vector<16xf32>,
        %parallel_loop3A_371 = arith.constant 1023 : i32
        %parallel_loop3A_372 = vector.broadcast %parallel_loop3A_371 : i32 to vector<16xi32>
        %parallel_loop3A_373 = arith.andi %parallel_loop3A_367, %parallel_loop3A_372 : vector<16xi32>
        %parallel_loop3A_374 = arith.constant 9 : i32
        %parallel_loop3A_375 = vector.broadcast %parallel_loop3A_374 : i32 to vector<16xi32>
        %parallel_loop3A_376 = arith.shrui %parallel_loop3A_373, %parallel_loop3A_375 : vector<16xi32>
        %parallel_loop3A_377 = arith.addi %parallel_loop3A_124, %parallel_loop3A_376 : vector<16xi32>
        %parallel_loop3A_378 = arith.constant 511 : i32
        %parallel_loop3A_379 = vector.broadcast %parallel_loop3A_378 : i32 to vector<16xi32>
        %parallel_loop3A_380 = arith.andi %parallel_loop3A_373, %parallel_loop3A_379 : vector<16xi32>
        tpu.vector_store_idx %arg10[%parallel_loop3A_377, %parallel_loop3A_380], %parallel_loop3A_370 : memref<64x512xf32, #tpu.memory_space<vmem>>[vector<16xi32>, vector<16xi32>], vector<16xf32>,
      } {sc.loop_unroll_factor = 2 : i64, sc.parallel_access}
      %mul3A_108 = arith.constant 2 : i32
      %mul3A_109 = arith.muli %mul3A_108, %add3A_85 : i32
      %dma_start3A_110 = arith.constant 0 : i32
      %dma_start3A_111 = tpu.memref_slice %arg4[%mul3A_109, %dma_start3A_110] : memref<98304x512xf32, #tpu.memory_space<hbm>> -> memref<64x512xf32, #tpu.memory_space<hbm>>
      %dma_start3A_112 = arith.constant 0 : i32
      %dma_start3A_113 = tpu.memref_slice %arg4[%mul3A_109, %dma_start3A_112] : memref<98304x512xf32, #tpu.memory_space<hbm>> -> memref<64x512xf32, #tpu.memory_space<hbm>>
      tpu.enqueue_dma source(%arg10 : memref<64x512xf32, #tpu.memory_space<vmem>>) target(%dma_start3A_113 : memref<64x512xf32, #tpu.memory_space<hbm>>) target_semaphore(%arg14 : memref<!tpu.dma_semaphore, #tpu.memory_space<semaphore_mem>>)
      %add3A_114 = arith.constant 2 : i32
      %add3A_115 = arith.addi %add3A_82, %add3A_114 : i32
      %lt3A_116 = arith.constant 48 : i32
      %lt3A_117 = arith.cmpi slt, %add3A_115, %lt3A_116 : i32
      %convert_element_type3A_118 = arith.extui %lt3A_117 : i1 to i32
      %cond3A_119 = arith.constant 0 : i32
      %cond3A_120 = arith.cmpi ne, %convert_element_type3A_118, %cond3A_119 : i32
      scf.if %cond3A_120 {
        %add3A_121 = arith.constant 2 : i32
        %add3A_122 = arith.addi %add3A_82, %add3A_121 : i32
        %mul3A_123 = arith.constant 32 : i32
        %mul3A_124 = arith.muli %add3A_122, %mul3A_123 : i32
        %add3A_125 = arith.addi %mul3A_2, %mul3A_124 : i32
        %dma_start3A_126 = arith.constant 0 : i32
        %dma_start3A_127 = tpu.memref_slice %arg2[%add3A_125, %dma_start3A_126] : memref<49152x256xf32, #tpu.memory_space<hbm>> -> memref<32x256xf32, #tpu.memory_space<hbm>>
        %dma_start3A_128 = arith.constant 0 : i32
        %dma_start3A_129 = tpu.memref_slice %arg2[%add3A_125, %dma_start3A_128] : memref<49152x256xf32, #tpu.memory_space<hbm>> -> memref<32x256xf32, #tpu.memory_space<hbm>>
        tpu.enqueue_dma source(%dma_start3A_129 : memref<32x256xf32, #tpu.memory_space<hbm>>) target(%arg6 : memref<32x256xf32, #tpu.memory_space<vmem>>) target_semaphore(%arg12 : memref<!tpu.dma_semaphore, #tpu.memory_space<semaphore_mem>>)
        %dma_start3A_130 = arith.constant 0 : i32
        %dma_start3A_131 = tpu.memref_slice %arg3[%add3A_125, %dma_start3A_130] : memref<49152x256xi32, #tpu.memory_space<hbm>> -> memref<32x256xi32, #tpu.memory_space<hbm>>
        %dma_start3A_132 = arith.constant 0 : i32
        %dma_start3A_133 = tpu.memref_slice %arg3[%add3A_125, %dma_start3A_132] : memref<49152x256xi32, #tpu.memory_space<hbm>> -> memref<32x256xi32, #tpu.memory_space<hbm>>
        tpu.enqueue_dma source(%dma_start3A_133 : memref<32x256xi32, #tpu.memory_space<hbm>>) target(%arg8 : memref<32x256xi32, #tpu.memory_space<vmem>>) target_semaphore(%arg12 : memref<!tpu.dma_semaphore, #tpu.memory_space<semaphore_mem>>)
      } else {
      }
    }
    %scan3A_27 = arith.constant 24 : i32
    %add3A_28 = arith.constant 1472 : i32
    %add3A_29 = arith.addi %mul3A_2, %add3A_28 : i32
    %mul3A_30 = arith.constant 2 : i32
    %mul3A_31 = arith.muli %mul3A_30, %add3A_29 : i32
    %dma_wait3A = arith.constant 0 : i32
    %dma_wait3A_32 = tpu.memref_slice %arg4[%mul3A_31, %dma_wait3A] : memref<98304x512xf32, #tpu.memory_space<hbm>> -> memref<64x512xf32, #tpu.memory_space<hbm>>
    %dma_wait3A_33 = arith.constant 0 : i32
    %dma_wait3A_34 = tpu.memref_slice %arg4[%mul3A_31, %dma_wait3A_33] : memref<98304x512xf32, #tpu.memory_space<hbm>> -> memref<64x512xf32, #tpu.memory_space<hbm>>
    tpu.wait_dma2 semaphore(%arg13 : memref<!tpu.dma_semaphore, #tpu.memory_space<semaphore_mem>>) src(%arg9 : memref<64x512xf32, #tpu.memory_space<vmem>>) dst(%dma_wait3A_34 : memref<64x512xf32, #tpu.memory_space<hbm>>)
    %add3A_35 = arith.constant 32 : i32
    %add3A_36 = arith.addi %add3A_29, %add3A_35 : i32
    %mul3A_37 = arith.constant 2 : i32
    %mul3A_38 = arith.muli %mul3A_37, %add3A_36 : i32
    %dma_wait3A_39 = arith.constant 0 : i32
    %dma_wait3A_40 = tpu.memref_slice %arg4[%mul3A_38, %dma_wait3A_39] : memref<98304x512xf32, #tpu.memory_space<hbm>> -> memref<64x512xf32, #tpu.memory_space<hbm>>
    %dma_wait3A_41 = arith.constant 0 : i32
    %dma_wait3A_42 = tpu.memref_slice %arg4[%mul3A_38, %dma_wait3A_41] : memref<98304x512xf32, #tpu.memory_space<hbm>> -> memref<64x512xf32, #tpu.memory_space<hbm>>
    tpu.wait_dma2 semaphore(%arg14 : memref<!tpu.dma_semaphore, #tpu.memory_space<semaphore_mem>>) src(%arg10 : memref<64x512xf32, #tpu.memory_space<vmem>>) dst(%dma_wait3A_42 : memref<64x512xf32, #tpu.memory_space<hbm>>)
    return
  }
}

</mosaic_0001>

<sc_bundles>
// kernel: kernel.3.cloned.1.call-start
scs
__scs_entry_jumppad:
0x0: {  	(pc) =	sbr.rel $0x88, $3  }
0x1: {  	(tag) =	ssettag $0x0;
	lr =	simm.s32 $0x1  }
0x2: {  	[smem:$0x3F9F] =	sst lr;
	_ =	strace $0xD0000000  }
0x3: {  	_ = 	snop  }
0x4: {  	_ = 	snop  }
0x5: {  	_ = 	snop  }
0x6: {  	_ = 	snop  }
0x7: {  	_ = 	snop  }
__scs_overlays_trampoline_lowered:
0x8: {  	[smem:$0x3FAE] =	sst s0  }
0x9: {  	[smem:$0x3FAF] =	sst s1  }
0xa: {  	[smem:$0x3FB0] =	sst s2  }
0xb: {  	[smem:$0x3FB1] =	sst s3  }
0xc: {  	[smem:$0x3FB2] =	sst s4  }
0xd: {  	[smem:$0x3FB3] =	sst s5  }
0xe: {  	[smem:$0x3FB4] =	sst s6  }
0xf: {  	[smem:$0x3FB5] =	sst s7  }
0x10: {  	[smem:$0x3FB6] =	sst s8  }
0x11: {  	[smem:$0x3FB7] =	sst s9;
	s0 =	simm.s32 @!p0 $0x0  }
0x12: {  	s1 =	sld [smem:$0x3F9D];
	s0 =	simm.s32 @p0 $0x1  }
0x13: {  	[smem:$0x3FB8] =	sst s0;
	s0 =	simm.s32 @!p1 $0x0  }
0x14: {  	s2 =	sld [smem:$0x3F9C];
	s0 =	simm.s32 @p1 $0x1  }
0x15: {  	[smem:$0x3FB9] =	sst s0;
	s0 =	simm.s32 @!p2 $0x0  }
0x16: {  	s3 =	sld [smem:$0x3FDB];
	s0 =	simm.s32 @p2 $0x1  }
0x17: {  	s4 =	simm.s32 $0x1BF5;
	[smem:$0x3FBB] =	sst s0  }
0x18: {  	s0 =	sld [smem:$0x3F9E];
	_ =	swait.ge [sflag:s4], $0x0  }
0x19: {  	s7 =	sld [smem:$0x3F9F]  }
0x1a: {  	s8 =	sadd.s32 $0xFFFFE003, lr  }
0x1b: {  	s9 =	sadd.s32 $0xFFFFFEF7, lr;
	s5 =	simm.s32 $0xFFFFFFFF;
	p2 =	slt.u32 s8, $0xFFFFF086  }
0x1c: {  	p1 =	slt.u32 s9, $0xF7A;
	s5 =	simm.s32 @!p2 $0x0  }
0x1d: {  	s5 =	simm.s32 @p1 $0x1;
	p0 =	seq.s32 s7, s2  }
0x1e: {  	s7 =	smul.u32 @!p0 $0xF7A, s2;
	p2 =	seq.s32 @!p0 s5, $0x0  }
0x1f: {  	s9 =	smul.u32 $0xF7A, s1;
	s8 =	simm.s32 @!p0 $0x1BF5;
	p2 =	por !p2, p0  }
0x20: {  	[sflag:s8] =	ssyncset.s32 @!p0 $0xFFFFF086;
	s6 =	sadd.s32 @!p0 s3, s7;
	s7 =	simm.s32 @!p0 $0x108  }
0x21: {  	s3 =	sadd.s32 s3, s9;
	s6 =	sadd.s32 @!p0 $0x88, s6;
	s7 =	simm.s32 @p2 $0x1082  }
0x22: {  	[simem:s7], [sflag:s8] =	dma.local @!p0 [hbm:s6], $0xF7A  }
0x23: {  	s9 =	sor.u32 $0xD0000000, s2;
	s6 =	simm.s32 $0x108;
	_ =	swait.ge @!p0 [sflag:s8], $0x0  }
0x24: {  	s3 =	sadd.s32 $0x88, s3;
	s6 =	simm.s32 @!p1 $0x1082;
	[sflag:s4] =	ssyncset.s32 $0xFFFFF086  }
0x25: {  	[simem:s6], [sflag:s4] =	dma.local [hbm:s3], $0xF7A  }
0x26: {  	[smem:$0x3F9F] =	sst s1;
	(tag) =	ssettag s2;
	_ =	strace s9  }
0x27: {  	s1 =	sld [smem:$0x3FAF]  }
0x28: {  	s2 =	sld [smem:$0x3FB0]  }
0x29: {  	s4 =	sld [smem:$0x3FB2]  }
0x2a: {  	p0 =	seq.s32 s5, $0x0;
	s5 =	sld [smem:$0x3FB3]  }
0x2b: {  	s6 =	sld [smem:$0x3FB4]  }
0x2c: {  	s7 =	sld [smem:$0x3FB5]  }
0x2d: {  	s3 =	simm.s32 $0x108;
	s8 =	sld [smem:$0x3FB6]  }
0x2e: {  	s3 =	simm.s32 @!p0 $0x1082;
	s9 =	sld [smem:$0x3FB7]  }
0x2f: {  	lr =	sadd.s32 s0, s3;
	s0 =	sld [smem:$0x3FAE]  }
0x30: {  	s3 =	sld [smem:$0x3FB1]  }
0x31: {  	[smem:$0x3FBA] =	sst s10  }
0x32: {  	s10 =	sld [smem:$0x3FB8];
	_ =	sdelay $0x3  }
0x33: {  	p0 =	seq.s32 s10, $0x1;
	s10 =	sld [smem:$0x3FBA];
	_ =	sdelay $0x3  }
0x34: {  	[smem:$0x3FBA] =	sst s10  }
0x35: {  	s10 =	sld [smem:$0x3FB9];
	_ =	sdelay $0x3  }
0x36: {  	p1 =	seq.s32 s10, $0x1;
	s10 =	sld [smem:$0x3FBA];
	_ =	sdelay $0x3  }
0x37: {  	[smem:$0x3FBA] =	sst s10  }
0x38: {  	s10 =	sld [smem:$0x3FBB]  }
0x39: {  	_ = 	snop;
	(pc) =	sbr.ind lr, $3  }
0x3a: {  	_ = 	snop  }
0x3b: {  	_ = 	snop  }
0x3c: {  	p2 =	seq.s32 s10, $0x1;
	s10 =	sld [smem:$0x3FBA]  }
0x3d: {  	_ =	shalt  }
0x3e: {  	_ =	shalt  }
0x3f: {  	_ =	shalt  }
0x40: {  	_ =	shalt  }
0x41: {  	_ =	shalt  }
0x42: {  	_ =	shalt  }
0x43: {  	_ =	shalt  }
0x44: {  	_ =	shalt  }
0x45: {  	_ =	shalt  }
0x46: {  	_ =	shalt  }
0x47: {  	_ =	shalt  }
0x48: {  	_ =	shalt  }
0x49: {  	_ =	shalt  }
0x4a: {  	_ =	shalt  }
0x4b: {  	_ =	shalt  }
0x4c: {  	_ =	shalt  }
0x4d: {  	_ =	shalt  }
0x4e: {  	_ =	shalt  }
0x4f: {  	_ =	shalt  }
0x50: {  	_ =	shalt  }
0x51: {  	_ =	shalt  }
0x52: {  	_ =	shalt  }
0x53: {  	_ =	shalt  }
0x54: {  	_ =	shalt  }
0x55: {  	_ =	shalt  }
0x56: {  	_ =	shalt  }
0x57: {  	_ =	shalt  }
0x58: {  	_ =	shalt  }
0x59: {  	_ =	shalt  }
0x5a: {  	_ =	shalt  }
0x5b: {  	_ =	shalt  }
0x5c: {  	_ =	shalt  }
0x5d: {  	_ =	shalt  }
0x5e: {  	_ =	shalt  }
0x5f: {  	_ =	shalt  }
0x60: {  	_ =	shalt  }
0x61: {  	_ =	shalt  }
0x62: {  	_ =	shalt  }
0x63: {  	_ =	shalt  }
0x64: {  	_ =	shalt  }
0x65: {  	_ =	shalt  }
0x66: {  	_ =	shalt  }
0x67: {  	_ =	shalt  }
0x68: {  	_ =	shalt  }
0x69: {  	_ =	shalt  }
0x6a: {  	_ =	shalt  }
0x6b: {  	_ =	shalt  }
0x6c: {  	_ =	shalt  }
0x6d: {  	_ =	shalt  }
0x6e: {  	_ =	shalt  }
0x6f: {  	_ =	shalt  }
0x70: {  	_ =	shalt  }
0x71: {  	_ =	shalt  }
0x72: {  	_ =	shalt  }
0x73: {  	_ =	shalt  }
0x74: {  	_ =	shalt  }
0x75: {  	_ =	shalt  }
0x76: {  	_ =	shalt  }
0x77: {  	_ =	shalt  }
0x78: {  	_ =	shalt  }
0x79: {  	_ =	shalt  }
0x7a: {  	_ =	shalt  }
0x7b: {  	_ =	shalt  }
0x7c: {  	_ =	shalt  }
0x7d: {  	_ =	shalt  }
0x7e: {  	_ =	shalt  }
0x7f: {  	_ =	shalt  }
0x80: {  	_ =	shalt  }
0x81: {  	_ =	shalt  }
0x82: {  	_ =	shalt  }
0x83: {  	_ =	shalt  }
0x84: {  	_ =	shalt  }
0x85: {  	_ =	shalt  }
0x86: {  	_ =	shalt  }
0x87: {  	_ =	shalt  }
.Lfunc_end0:
.L_simem_size_0:
called_computation_lowered:
.L_overlay_start_0:
0x88: {  	s2 =	sld [smem:$0x3FD9]  }
0x89: {  	s3 =	sld [smem:$0x3FFE];
	_ =	sdelay $0x1  }
0x8a: {  	s1 =	srdreg.scid  }
0x8b: {  	s0 =	sand.u32 $0x1, s1  }
0x8c: {  	s18 =	sshll.u32 s0, $0xA;
	s2 =	sadd.s32 s3, s2  }
0x8d: {  	s2 =	sadd.s32 s2, s18  }
0x8e: {  	[smem:$0x3FC6] =	sst s2  }
0x8f: {  	_ = 	snop  }
0x90: {  	s2 =	sld [smem:$0x3FC9]  }
0x91: {  	s19 =	sld [smem:$0x3FC8]  }
0x92: {  	s4 =	sld [smem:$0x3FD0];
	(tm) =	ssettm $0x1  }
0x93: {  	s5 =	sld [smem:$0x3FFB];
	_ =	sdelay $0x3  }
0x94: {  	_ =	strace s5  }
0x95: {  	s5 =	sld [smem:$0x3FFC];
	_ =	sdelay $0x3  }
0x96: {  	_ =	strace s5  }
0x97: {  	s5 =	sld [smem:$0x3FFD];
	_ =	sdelay $0x3  }
0x98: {  	_ =	strace s5  }
0x99: {  	_ =	strace $0x8FFFFFFF  }
0x9a: {  	s20 =	sld [smem:$0x3FDB];
	_ =	sdelay $0x1  }
0x9b: {  	s6 =	simm.s32 $_scs_section_size  }
0x9c: {  	s7 =	simm.s32 $_size__tile_overlayer_lowered;
	s8 =	simm.s32 $_tile_overlayer_lowered  }
0x9d: {  	s23 =	simm.s32 $0x1BFF;
	s22 =	sshll.u32 s8, $0x1;
	s5 =	sadd.s32 s6, s20  }
0x9e: {  	s9 =	simm.s32 $0x0;
	s21 =	sshll.u32 s7, $0x1;
	s7 =	sadd.s32 s22, s5  }
0x9f: {  	[timem:s9], [sflag:s23] =	dma.local [hbm:s7], s21  }
0xa0: {  	_ =	swait.ge [sflag:s23], s21  }
0xa1: {  	s6 =	ssub.s32 $0x0, s21;
	[sflag:s23] =	ssyncset.done $0x0  }
0xa2: {  	[sflag:s23] =	ssyncadd.s32 s6;
	_ =	sdelay $0x1  }
0xa3: {  	s24 =	simm.s32 $0x1B8B  }
0xa4: {  	_ =	swait.ge [sflag:s24], $0x1  }
0xa5: {  	[sflag:s24] =	ssyncset.done $0x0  }
0xa6: {  	s25 =	simm.s32 $0x1B8E;
	[sflag:s24] =	ssyncadd.s32 $0xFFFFFFFF  }
0xa7: {  	s26 =	simm.s32 $execute0_lowered;
	[smem:$0x3FD2] =	sst s25  }
0xa8: {  	s6 =	sshll.u32 s26, $0x1;
	_ =	strace $0x80000046;
	[dreg:$0x1] =	wrdreg $0xFFFFFFFF  }
0xa9: {  	s28 =	simm.s32 $_size_execute0_lowered;
	s5 =	sadd.s32 s5, s6;
	[dreg:$0x0] =	wrdreg $0x0  }
0xaa: {  	s6 =	sshll.u32 s28, $0x1;
	[dreg:$0x2] =	wrdreg s5  }
0xab: {  	[dreg:$0x3] =	wrdreg s6  }
0xac: {  	[dreg:$0x4] =	wrdreg $0xC0  }
0xad: {  	_ =	task [dreg:s9], $0x5FFFF  }
0xae: {  	[dreg:$0x1] =	wrdreg $0xFFFFFFFF  }
0xaf: {  	[dreg:$0x0] =	wrdreg $0x60  }
0xb0: {  	[dreg:$0x2] =	wrdreg s2  }
0xb1: {  	[dreg:$0x3] =	wrdreg s19  }
0xb2: {  	[dreg:$0x4] =	wrdreg s4  }
0xb3: {  	[dreg:$0x5] =	wrdreg $0x9  }
0xb4: {  	_ =	task.clear_ibuf [dreg:s9], $0x6FFFF;
	_ =	strace $0x90000046  }
0xb5: {  	s29 =	simm.s32 $0x9;
	_ =	strace $0x80000048  }
0xb6: {  	_ =	swait.ge [sflag:s29], $0x1  }
0xb7: {  	[sflag:s29] =	ssyncadd.s32 $0xFFFFFFFF  }
0xb8: {  	_ =	strace $0x90000048  }
0xb9: {  	_ =	sfence  }
0xba: {  	s30 =	sld [smem:$0x0];
	_ =	sdelay $0x2  }
0xbb: {  	s31 =	sshll.u32 s1, $0xD;
	s1 =	sshrl.u32 s1, $0x2  }
0xbc: {  	s3 =	sand.u32 $0x4000, s31;
	s1 =	sadd.s32 s1, s30  }
0xbd: {  	s0 =	sor.u32 s3, s0;
	s1 =	sshll.u32 s1, $0x11  }
0xbe: {  	s0 =	sor.u32 s1, s0  }
0xbf: {  	s0 =	sadd.s32 $0x8F2B, s0  }
0xc0: {  	[sflag:s0] =	ssyncadd.remote.s32 $0x1  }
0xc1: {  	_ =	sfence.sel $0xFFFF  }
0xc2: {  	[dreg:$0x0] =	wrdreg $0xFFFFFFFF;
	(pc) =	sbr.abs _section_cstart, $3  }
0xc3: {  	[dreg:$0x1] =	wrdreg $0xFFFFFFFF  }
0xc4: {  	_ =	task.clear_ibuf [dreg:s9], $0x2FFFF;
	_ =	strace $0x9FFFFFFF  }
0xc5: {  	(tm) =	ssettm $0x7FFFFFFF  }
tec
execute0_lowered:
.L_overlay_start_1:
0x0: {  	(tag) =	ssettag $0x1  }
0x1: {  	s1 =	rddreg [dreg:$0x0]  }
0x2: {  	s2 =	rddreg [dreg:$0x1];
	s0 =	srdreg.scid  }
0x3: {  	s4 =	rddreg [dreg:$0x2];
	s6 =	stileid.u32;
	s0 =	sand.u32 $0x1, s0  }
0x4: {  	s5 =	simm.s32 $0x0;
	s19 =	simm.s32 $0x1;
	s3 =	sshll.u32 s0, $0x4  }
0x5: {  	s20 =	simm.s32 $0x8000;
	s21 =	simm.s32 $0x10000;
	s3 =	sor.u32 s6, s3  }
0x6: {  	s23 =	simm.s32 $0x4;
	s0 =	ssub.s32 $0x2, s0;
	s7 =	smul.u32 $0xC000, s3  }
0x7: {  	[smem:$0x7FF] =	sst s5;
	s26 =	sshrl.u32 s0, $0x1;
	s28 =	smul.u32 $0x600, s3  }
0x8: {  	_ =	strace $0x80000047;
	s0 =	ssub.s32 s0, s26;
	s9 =	smul.u32 $0x60000, s3  }
0x9: {  	s10 =	smul.u32 $0x180000, s3;
	s3 =	simm.s32 $0x0;
	s0 =	smax.u32 s0, $0x1  }
.Ltmp0:
0xa: {  	s8 =	sadd.s32 s1, s7;
	[dreg:$0x8] =	wrdreg s0;
	(pc) =	sbr.rel .LBB2_1-.Ltmp0, $4  }
0xb: {  	s29 =	sor.u32 $0x400, s7;
	s7 =	sadd.s32 s2, s7;
	[dreg:$0x4] =	wrdreg s8  }
0xc: {  	s11 =	sor.u32 $0x4000, s9;
	[dreg:$0x5] =	wrdreg s7;
	s30 =	sadd.s32 s1, s29  }
0xd: {  	s12 =	sor.u32 $0x20, s28;
	s31 =	sadd.s32 s2, s29;
	[dreg:$0x6] =	wrdreg s30  }
0xe: {  	v0 =	vimm.f32 $0.0e+00;
	s13 =	sadd.s32 $0x5E0, s28;
	s14 =	sor.u32 $0x6000, s9;
	[dreg:$0x7] =	wrdreg s31  }
.LBB2_14:
0xf: {  	s0 =	simm.s32 $0x3  }
0x10: {  	_ =	swait.ge [sflag:s0], $0x8000  }
0x11: {  	[sflag:s0] =	ssyncset.done $0x0  }
0x12: {  	[sflag:s0] =	ssyncadd.s32 $0xFFFF8000  }
0x13: {  	_ =	swait.ge [sflag:s23], $0x8000  }
0x14: {  	s3 =	rddreg [dreg:$0x9]  }
0x15: {  	s31 =	rddreg [dreg:$0x8];
	s3 =	sadd.s32 $0x1, s3  }
0x16: {  	p0 =	sne.s32 s3, s31  }
.Ltmp1:
0x17: {  	_ = 	snop;
	(pc) =	sbr.rel @!p0 .LBB2_15-.Ltmp1, $3  }
0x18: {  	_ =	sdelay $0x1  }
0x19: {  	[sflag:s23] =	ssyncset.done $0x0  }
0x1a: {  	[sflag:s23] =	ssyncadd.s32 $0xFFFF8000  }
.LBB2_1:
0x1b: {  	[dreg:$0x9] =	wrdreg s3  }
0x1c: {  	s0 =	rddreg [dreg:$0x4]  }
0x1d: {  	[tilespmem:s5], [sflag:$0x1] =	stream.linear.gather [hbm4b:s0+s5], $0x2000, $0x38;
	[tilespmem:$0x18000] =	vst v63  }
0x1e: {  	s25 =	rddreg [dreg:$0x5];
	s26 =	simm.s32 $0x4000  }
0x1f: {  	[tilespmem:s26], [sflag:$0x1] =	stream.linear.gather [hbm4b:s25+s5], $0x2000, $0x38;
	[tilespmem:$0x18000] =	vst v63  }
0x20: {  	s28 =	rddreg [dreg:$0x6];
	s29 =	simm.s32 $0x2000  }
0x21: {  	[tilespmem:s29], [sflag:$0x2] =	stream.linear.gather [hbm4b:s28+s5], $0x2000, $0x38;
	[tilespmem:$0x18000] =	vst v63  }
0x22: {  	s30 =	rddreg [dreg:$0x7];
	s31 =	simm.s32 $0x6000;
	s25 =	simm.s32 $0x0  }
0x23: {  	[tilespmem:s31], [sflag:$0x2] =	stream.linear.gather [hbm4b:s30+s5], $0x2000, $0x38;
	[tilespmem:$0x18000] =	vst v63  }
.LBB2_2:
0x24: {  	p0 =	seq.s32 s25, $0x0  }
0x25: {  	s3 =	simm.s32 @!p0 $0x3  }
0x26: {  	s0 =	simm.s32 $0x0;
	_ =	swait.ge @!p0 [sflag:s3], $0x8000  }
0x27: {  	s6 =	sand.u32 $0x7000, s0;
	s7 =	sand.u32 $0x300, s0;
	[sflag:s3] =	ssyncset.done @!p0 $0x0  }
0x28: {  	s29 =	sor.u32 s7, s6;
	[sflag:s3] =	ssyncadd.s32 @!p0 $0xFFFF8000  }
0x29: {  	[tilespmem:s29+$0x8080] =	vst v0  }
0x2a: {  	[tilespmem:s29+$0x8090] =	vst v0  }
0x2b: {  	[tilespmem:s29+$0x80A0] =	vst v0  }
0x2c: {  	[tilespmem:s29+$0x80B0] =	vst v0  }
0x2d: {  	[tilespmem:s29+$0x80C0] =	vst v0  }
0x2e: {  	[tilespmem:s29+$0x80D0] =	vst v0  }
0x2f: {  	[tilespmem:s29+$0x80E0] =	vst v0  }
0x30: {  	[tilespmem:s29+$0x80F0] =	vst v0  }
0x31: {  	[tilespmem:s29+$0x8480] =	vst v0  }
0x32: {  	[tilespmem:s29+$0x8490] =	vst v0  }
0x33: {  	[tilespmem:s29+$0x84A0] =	vst v0  }
0x34: {  	[tilespmem:s29+$0x84B0] =	vst v0  }
0x35: {  	[tilespmem:s29+$0x84C0] =	vst v0  }
0x36: {  	[tilespmem:s29+$0x84D0] =	vst v0  }
0x37: {  	[tilespmem:s29+$0x84E0] =	vst v0  }
0x38: {  	[tilespmem:s29+$0x84F0] =	vst v0  }
0x39: {  	[tilespmem:s29+$0x8880] =	vst v0  }
0x3a: {  	[tilespmem:s29+$0x8890] =	vst v0  }
0x3b: {  	[tilespmem:s29+$0x88A0] =	vst v0  }
0x3c: {  	[tilespmem:s29+$0x88B0] =	vst v0  }
0x3d: {  	[tilespmem:s29+$0x88C0] =	vst v0  }
0x3e: {  	[tilespmem:s29+$0x88D0] =	vst v0  }
0x3f: {  	[tilespmem:s29+$0x88E0] =	vst v0  }
0x40: {  	[tilespmem:s29+$0x88F0] =	vst v0  }
0x41: {  	[tilespmem:s29+$0x8000] =	vst v0  }
0x42: {  	[tilespmem:s29+$0x8010] =	vst v0  }
0x43: {  	[tilespmem:s29+$0x8020] =	vst v0  }
0x44: {  	[tilespmem:s29+$0x8030] =	vst v0  }
0x45: {  	[tilespmem:s29+$0x8040] =	vst v0  }
0x46: {  	[tilespmem:s29+$0x8050] =	vst v0  }
0x47: {  	[tilespmem:s29+$0x8060] =	vst v0  }
0x48: {  	[tilespmem:s29+$0x8070] =	vst v0  }
0x49: {  	[tilespmem:s29+$0x8400] =	vst v0  }
0x4a: {  	[tilespmem:s29+$0x8410] =	vst v0  }
0x4b: {  	[tilespmem:s29+$0x8420] =	vst v0  }
0x4c: {  	[tilespmem:s29+$0x8430] =	vst v0  }
0x4d: {  	[tilespmem:s29+$0x8440] =	vst v0  }
0x4e: {  	[tilespmem:s29+$0x8450] =	vst v0  }
0x4f: {  	[tilespmem:s29+$0x8460] =	vst v0  }
0x50: {  	s30 =	sand.u32 $0x3, s0;
	[tilespmem:s29+$0x8470] =	vst v0  }
0x51: {  	s6 =	sshll.u32 s30, $0x8;
	[tilespmem:s29+$0x8800] =	vst v0  }
0x52: {  	s6 =	sadd.s32 $0x0, s6;
	[tilespmem:s29+$0x8810] =	vst v0  }
0x53: {  	s31 =	sadd.s32 $0x80, s6;
	[tilespmem:s29+$0x8820] =	vst v0  }
0x54: {  	s8 =	sor.u32 $0xC00, s31;
	[tilespmem:s29+$0x8830] =	vst v0  }
0x55: {  	s24 =	sor.u32 $0xC00, s6;
	[tilespmem:s8+$0x8000] =	vst v0  }
0x56: {  	s9 =	sor.u32 $0xC10, s31;
	[tilespmem:s24+$0x8000] =	vst v0  }
0x57: {  	[tilespmem:s9+$0x8000] =	vst v0  }
0x58: {  	[tilespmem:s29+$0x8840] =	vst v0  }
0x59: {  	[tilespmem:s29+$0x8850] =	vst v0  }
0x5a: {  	[tilespmem:s29+$0x8860] =	vst v0  }
0x5b: {  	s15 =	sor.u32 $0xC20, s31;
	[tilespmem:s29+$0x8870] =	vst v0  }
0x5c: {  	s26 =	sor.u32 $0xC10, s6;
	[tilespmem:s15+$0x8000] =	vst v0  }
0x5d: {  	s16 =	sor.u32 $0xC30, s31;
	[tilespmem:s26+$0x8000] =	vst v0  }
0x5e: {  	s28 =	sor.u32 $0xC20, s6;
	[tilespmem:s16+$0x8000] =	vst v0  }
0x5f: {  	s17 =	sor.u32 $0xC40, s31;
	[tilespmem:s28+$0x8000] =	vst v0  }
0x60: {  	s29 =	sor.u32 $0xC30, s6;
	[tilespmem:s17+$0x8000] =	vst v0  }
0x61: {  	s18 =	sor.u32 $0xC50, s31;
	[tilespmem:s29+$0x8000] =	vst v0  }
0x62: {  	s30 =	sor.u32 $0xC40, s6;
	[tilespmem:s18+$0x8000] =	vst v0  }
0x63: {  	s22 =	sor.u32 $0xC60, s31;
	[tilespmem:s30+$0x8000] =	vst v0  }
0x64: {  	s7 =	sor.u32 $0xC70, s31;
	s31 =	sor.u32 $0xC50, s6;
	[tilespmem:s22+$0x8000] =	vst v0  }
0x65: {  	s3 =	simm.s32 $0x0;
	s9 =	sor.u32 $0xC70, s6;
	s26 =	sshll.u32 s25, $0xE;
	[tilespmem:s31+$0x8000] =	vst v0  }
0x66: {  	s15 =	sor.u32 $0xC60, s6;
	s6 =	simm.s32 $0x100;
	[tilespmem:s7+$0x8000] =	vst v0;
	s7 =	simm.s32 $0x400  }
.LBB2_3:
0x67: {  	s8 =	sand.u32 $0x7000, s7;
	s16 =	sand.u32 $0x300, s6;
	[tilespmem:s15+$0x8000] =	vst v0  }
0x68: {  	s8 =	sor.u32 s16, s8;
	[tilespmem:s9+$0x8000] =	vst v0  }
0x69: {  	[tilespmem:s8+$0x8080] =	vst v0  }
0x6a: {  	[tilespmem:s8+$0x8090] =	vst v0  }
0x6b: {  	[tilespmem:s8+$0x80A0] =	vst v0  }
0x6c: {  	[tilespmem:s8+$0x80B0] =	vst v0  }
0x6d: {  	[tilespmem:s8+$0x80C0] =	vst v0  }
0x6e: {  	[tilespmem:s8+$0x80D0] =	vst v0  }
0x6f: {  	[tilespmem:s8+$0x80E0] =	vst v0  }
0x70: {  	[tilespmem:s8+$0x80F0] =	vst v0  }
0x71: {  	[tilespmem:s8+$0x8480] =	vst v0  }
0x72: {  	[tilespmem:s8+$0x8490] =	vst v0  }
0x73: {  	[tilespmem:s8+$0x84A0] =	vst v0  }
0x74: {  	[tilespmem:s8+$0x84B0] =	vst v0  }
0x75: {  	[tilespmem:s8+$0x84C0] =	vst v0  }
0x76: {  	[tilespmem:s8+$0x84D0] =	vst v0  }
0x77: {  	[tilespmem:s8+$0x84E0] =	vst v0  }
0x78: {  	[tilespmem:s8+$0x84F0] =	vst v0  }
0x79: {  	[tilespmem:s8+$0x8880] =	vst v0  }
0x7a: {  	[tilespmem:s8+$0x8890] =	vst v0  }
0x7b: {  	s0 =	sadd.s32 $0x1, s0;
	[tilespmem:s8+$0x88A0] =	vst v0  }
0x7c: {  	s9 =	sand.u32 $0x3, s0;
	[tilespmem:s8+$0x88B0] =	vst v0  }
0x7d: {  	s9 =	sshll.u32 s9, $0x8;
	[tilespmem:s8+$0x88C0] =	vst v0  }
0x7e: {  	s9 =	sadd.s32 s9, s7;
	[tilespmem:s8+$0x88D0] =	vst v0  }
0x7f: {  	s22 =	sor.u32 $0xC00, s9;
	s16 =	sor.u32 $0xC10, s9;
	s24 =	sadd.s32 $0x80, s9;
	[tilespmem:s8+$0x88E0] =	vst v0  }
0x80: {  	s29 =	sor.u32 $0xC20, s9;
	s28 =	sor.u32 $0xC30, s9;
	s15 =	sor.u32 $0xC00, s24;
	[tilespmem:s8+$0x88F0] =	vst v0  }
0x81: {  	s31 =	sor.u32 $0xC40, s9;
	s30 =	sor.u32 $0xC50, s9;
	s17 =	sor.u32 $0xC10, s24;
	[tilespmem:s15+$0x8000] =	vst v0  }
0x82: {  	s15 =	sor.u32 $0xC60, s9;
	s9 =	sor.u32 $0xC70, s9;
	[tilespmem:s17+$0x8000] =	vst v0;
	s17 =	sor.u32 $0xC20, s24  }
0x83: {  	s3 =	sadd.s32 $0x2, s3;
	[tilespmem:s17+$0x8000] =	vst v0;
	s17 =	sor.u32 $0xC30, s24  }
0x84: {  	p0 =	slt.u32 s3, $0x3E;
	[tilespmem:s17+$0x8000] =	vst v0;
	s17 =	sor.u32 $0xC40, s24  }
0x85: {  	[tilespmem:s17+$0x8000] =	vst v0;
	s17 =	sor.u32 $0xC50, s24  }
0x86: {  	[tilespmem:s17+$0x8000] =	vst v0;
	s17 =	sor.u32 $0xC60, s24  }
0x87: {  	[tilespmem:s17+$0x8000] =	vst v0;
	s17 =	sor.u32 $0xC70, s24  }
0x88: {  	[tilespmem:s17+$0x8000] =	vst v0  }
0x89: {  	[tilespmem:s8+$0x8000] =	vst v0  }
0x8a: {  	[tilespmem:s8+$0x8010] =	vst v0  }
0x8b: {  	[tilespmem:s8+$0x8020] =	vst v0  }
0x8c: {  	[tilespmem:s8+$0x8030] =	vst v0  }
0x8d: {  	[tilespmem:s8+$0x8040] =	vst v0  }
0x8e: {  	[tilespmem:s8+$0x8050] =	vst v0  }
0x8f: {  	[tilespmem:s8+$0x8060] =	vst v0  }
0x90: {  	[tilespmem:s8+$0x8070] =	vst v0  }
0x91: {  	[tilespmem:s8+$0x8400] =	vst v0  }
0x92: {  	[tilespmem:s8+$0x8410] =	vst v0  }
0x93: {  	[tilespmem:s8+$0x8420] =	vst v0  }
0x94: {  	[tilespmem:s8+$0x8430] =	vst v0  }
0x95: {  	[tilespmem:s8+$0x8440] =	vst v0  }
0x96: {  	[tilespmem:s8+$0x8450] =	vst v0  }
0x97: {  	[tilespmem:s8+$0x8460] =	vst v0  }
0x98: {  	[tilespmem:s8+$0x8470] =	vst v0  }
0x99: {  	[tilespmem:s8+$0x8800] =	vst v0  }
0x9a: {  	[tilespmem:s8+$0x8810] =	vst v0  }
0x9b: {  	[tilespmem:s8+$0x8820] =	vst v0  }
0x9c: {  	[tilespmem:s8+$0x8830] =	vst v0  }
0x9d: {  	[tilespmem:s22+$0x8000] =	vst v0  }
0x9e: {  	[tilespmem:s8+$0x8840] =	vst v0  }
0x9f: {  	[tilespmem:s8+$0x8850] =	vst v0  }
0xa0: {  	[tilespmem:s8+$0x8860] =	vst v0  }
0xa1: {  	[tilespmem:s8+$0x8870] =	vst v0  }
.Ltmp2:
0xa2: {  	[tilespmem:s16+$0x8000] =	vst v0;
	(pc) =	sbr.rel @p0 .LBB2_3-.Ltmp2, $4  }
0xa3: {  	[tilespmem:s29+$0x8000] =	vst v0  }
0xa4: {  	[tilespmem:s28+$0x8000] =	vst v0  }
0xa5: {  	[tilespmem:s31+$0x8000] =	vst v0  }
0xa6: {  	s6 =	sadd.s32 $0x100, s6;
	s7 =	sadd.s32 $0x400, s7;
	[tilespmem:s30+$0x8000] =	vst v0  }
0xa7: {  	[tilespmem:s15+$0x8000] =	vst v0  }
0xa8: {  	[tilespmem:s9+$0x8000] =	vst v0  }
0xa9: {  	_ =	swait.ge [sflag:s19], $0x2000  }
0xaa: {  	[sflag:s19] =	ssyncset.done $0x0  }
0xab: {  	[sflag:s19] =	ssyncadd.s32 $0xFFFFE000  }
0xac: {  	s0 =	simm.s32 $0x0;
	s3 =	simm.s32 $0x0;
	_ =	swait.ge [sflag:s19], $0x2000  }
0xad: {  	s0 =	sand.u32 $0x1800, s0;
	s3 =	sand.u32 $0x300, s3;
	[sflag:s19] =	ssyncset.done $0x0  }
0xae: {  	s3 =	sor.u32 s3, s0;
	[sflag:s19] =	ssyncadd.s32 $0xFFFFE000  }
0xaf: {  	v1 =	vld [tilespmem:s3+$0x4000];
	_ =	sdelay $0x3  }
0xb0: {  	s6 =	simm.s32 $0x0  }
0xb1: {  	v2 =	vmov s6;
	v3 =	vshrl.u32 v1, $0x9  }
0xb2: {  	v9 =	vand.u32 $0x4, v2;
	v3 =	vand.u32 $0x1, v3  }
0xb3: {  	v4 =	vshll.u32 v1, $0x3;
	v3 =	vor.u32 v9, v3  }
0xb4: {  	v4 =	vand.u32 $0xC00, v4;
	v3 =	vshll.u32 v3, $0x7  }
0xb5: {  	v2 =	vshll.u32 v2, $0x9;
	v1 =	vand.u32 $0x7F, v1;
	v3 =	vor.u32 v4, v3  }
0xb6: {  	v8 =	vand.u32 $0x7000, v2;
	v1 =	vor.u32 v1, v3  }
0xb7: {  	v2 =	vld [tilespmem:s3+$0x0];
	v1 =	vor.u32 v8, v1;
	_ =	sdelay $0x4  }
0xb8: {  	[tilespmem:v1+s20+$0x0] =	vst.idx.msk $0xffff, v2  }
0xb9: {  	v1 =	vld [tilespmem:s3+$0x4010];
	_ =	sdelay $0x4  }
0xba: {  	v2 =	vshrl.u32 v1, $0x9  }
0xbb: {  	v2 =	vand.u32 $0x1, v2  }
0xbc: {  	v3 =	vshll.u32 v1, $0x3;
	v2 =	vor.u32 v9, v2  }
0xbd: {  	v3 =	vand.u32 $0xC00, v3;
	v2 =	vshll.u32 v2, $0x7  }
0xbe: {  	v1 =	vand.u32 $0x7F, v1;
	v2 =	vor.u32 v3, v2  }
0xbf: {  	v1 =	vor.u32 v1, v2  }
0xc0: {  	v2 =	vld [tilespmem:s3+$0x10];
	v1 =	vor.u32 v8, v1;
	_ =	sdelay $0x4  }
0xc1: {  	[tilespmem:v1+s20+$0x0] =	vst.idx.msk $0xffff, v2  }
0xc2: {  	v1 =	vld [tilespmem:s3+$0x4020];
	_ =	sdelay $0x4  }
0xc3: {  	v2 =	vshrl.u32 v1, $0x9  }
0xc4: {  	v2 =	vand.u32 $0x1, v2  }
0xc5: {  	s7 =	simm.s32 $0x80;
	v3 =	vshll.u32 v1, $0x3;
	v2 =	vor.u32 v9, v2  }
0xc6: {  	s6 =	sand.u32 $0x380, s7;
	v3 =	vand.u32 $0xC00, v3;
	v2 =	vshll.u32 v2, $0x7  }
0xc7: {  	s16 =	sor.u32 s0, s6;
	v1 =	vand.u32 $0x7F, v1;
	v2 =	vor.u32 v3, v2  }
0xc8: {  	v3 =	vld [tilespmem:s16+$0x4000];
	v1 =	vor.u32 v1, v2  }
0xc9: {  	v2 =	vld [tilespmem:s3+$0x20];
	v1 =	vor.u32 v8, v1;
	_ =	sdelay $0x2  }
0xca: {  	s8 =	simm.s32 $0x2  }
0xcb: {  	v4 =	vmov s8;
	v5 =	vshrl.u32 v3, $0x9  }
0xcc: {  	v12 =	vand.u32 $0x6, v4;
	v5 =	vand.u32 $0x1, v5;
	[tilespmem:v1+s20+$0x0] =	vst.idx.msk $0xffff, v2  }
0xcd: {  	v1 =	vshll.u32 v3, $0x3;
	v2 =	vor.u32 v12, v5;
	v5 =	vld [tilespmem:s3+$0x4030]  }
0xce: {  	v1 =	vand.u32 $0xC00, v1;
	v2 =	vshll.u32 v2, $0x7  }
0xcf: {  	v4 =	vshll.u32 v4, $0x9;
	v3 =	vand.u32 $0x7F, v3;
	v2 =	vor.u32 v1, v2  }
0xd0: {  	v1 =	vand.u32 $0x7000, v4;
	v2 =	vor.u32 v3, v2  }
0xd1: {  	v3 =	vld [tilespmem:s16+$0x0];
	v2 =	vor.u32 v1, v2  }
0xd2: {  	v4 =	vshrl.u32 v5, $0x9  }
0xd3: {  	v4 =	vand.u32 $0x1, v4  }
0xd4: {  	v6 =	vshll.u32 v5, $0x3;
	v4 =	vor.u32 v9, v4  }
0xd5: {  	v6 =	vand.u32 $0xC00, v6;
	v4 =	vshll.u32 v4, $0x7  }
0xd6: {  	[tilespmem:v2+s20+$0x0] =	vst.idx.msk $0xffff, v3;
	v2 =	vand.u32 $0x7F, v5;
	v3 =	vor.u32 v6, v4  }
0xd7: {  	v4 =	vld [tilespmem:s16+$0x4010];
	v2 =	vor.u32 v2, v3  }
0xd8: {  	v3 =	vld [tilespmem:s3+$0x30];
	v2 =	vor.u32 v8, v2;
	_ =	sdelay $0x3  }
0xd9: {  	v5 =	vshrl.u32 v4, $0x9  }
0xda: {  	v5 =	vand.u32 $0x1, v5;
	[tilespmem:v2+s20+$0x0] =	vst.idx.msk $0xffff, v3  }
0xdb: {  	v2 =	vshll.u32 v4, $0x3;
	v3 =	vor.u32 v12, v5;
	v5 =	vld [tilespmem:s3+$0x4040]  }
0xdc: {  	v2 =	vand.u32 $0xC00, v2;
	v3 =	vshll.u32 v3, $0x7  }
0xdd: {  	v4 =	vand.u32 $0x7F, v4;
	v2 =	vor.u32 v2, v3  }
0xde: {  	v2 =	vor.u32 v4, v2  }
0xdf: {  	v3 =	vld [tilespmem:s16+$0x10];
	v2 =	vor.u32 v1, v2  }
0xe0: {  	v4 =	vshrl.u32 v5, $0x9  }
0xe1: {  	v4 =	vand.u32 $0x1, v4  }
0xe2: {  	v6 =	vshll.u32 v5, $0x3;
	v4 =	vor.u32 v9, v4  }
0xe3: {  	v6 =	vand.u32 $0xC00, v6;
	v4 =	vshll.u32 v4, $0x7  }
0xe4: {  	[tilespmem:v2+s20+$0x0] =	vst.idx.msk $0xffff, v3;
	v2 =	vand.u32 $0x7F, v5;
	v3 =	vor.u32 v6, v4  }
0xe5: {  	v4 =	vld [tilespmem:s16+$0x4020];
	v2 =	vor.u32 v2, v3  }
0xe6: {  	v3 =	vld [tilespmem:s3+$0x40];
	v2 =	vor.u32 v8, v2;
	_ =	sdelay $0x3  }
0xe7: {  	v5 =	vshrl.u32 v4, $0x9  }
0xe8: {  	v5 =	vand.u32 $0x1, v5;
	[tilespmem:v2+s20+$0x0] =	vst.idx.msk $0xffff, v3  }
0xe9: {  	v2 =	vshll.u32 v4, $0x3;
	v3 =	vor.u32 v12, v5;
	v5 =	vld [tilespmem:s3+$0x4050]  }
0xea: {  	v2 =	vand.u32 $0xC00, v2;
	v3 =	vshll.u32 v3, $0x7  }
0xeb: {  	v4 =	vand.u32 $0x7F, v4;
	v2 =	vor.u32 v2, v3  }
0xec: {  	v2 =	vor.u32 v4, v2  }
0xed: {  	v3 =	vld [tilespmem:s16+$0x20];
	v2 =	vor.u32 v1, v2  }
0xee: {  	v4 =	vshrl.u32 v5, $0x9  }
0xef: {  	v4 =	vand.u32 $0x1, v4  }
0xf0: {  	v6 =	vshll.u32 v5, $0x3;
	v4 =	vor.u32 v9, v4  }
0xf1: {  	v6 =	vand.u32 $0xC00, v6;
	v4 =	vshll.u32 v4, $0x7  }
0xf2: {  	[tilespmem:v2+s20+$0x0] =	vst.idx.msk $0xffff, v3;
	v2 =	vand.u32 $0x7F, v5;
	v3 =	vor.u32 v6, v4  }
0xf3: {  	v4 =	vld [tilespmem:s16+$0x4030];
	v2 =	vor.u32 v2, v3  }
0xf4: {  	v3 =	vld [tilespmem:s3+$0x50];
	v2 =	vor.u32 v8, v2;
	_ =	sdelay $0x3  }
0xf5: {  	v5 =	vshrl.u32 v4, $0x9  }
0xf6: {  	v5 =	vand.u32 $0x1, v5;
	[tilespmem:v2+s20+$0x0] =	vst.idx.msk $0xffff, v3  }
0xf7: {  	v2 =	vshll.u32 v4, $0x3;
	v3 =	vor.u32 v12, v5;
	v5 =	vld [tilespmem:s3+$0x4060]  }
0xf8: {  	s15 =	simm.s32 $0x200;
	s9 =	simm.s32 $0x100;
	v2 =	vand.u32 $0xC00, v2;
	v3 =	vshll.u32 v3, $0x7  }
0xf9: {  	s7 =	sand.u32 $0x1800, s15;
	s0 =	sand.u32 $0x300, s9;
	v4 =	vand.u32 $0x7F, v4;
	v2 =	vor.u32 v2, v3  }
0xfa: {  	s6 =	sor.u32 s0, s7;
	v3 =	vld [tilespmem:s16+$0x30];
	v2 =	vor.u32 v4, v2  }
0xfb: {  	v4 =	vld [tilespmem:s6+$0x4000];
	v2 =	vor.u32 v1, v2  }
0xfc: {  	v6 =	vshrl.u32 v5, $0x9  }
0xfd: {  	v6 =	vand.u32 $0x1, v6  }
0xfe: {  	v7 =	vshll.u32 v5, $0x3;
	v6 =	vor.u32 v9, v6  }
0xff: {  	s17 =	simm.s32 $0x4;
	v7 =	vand.u32 $0xC00, v7;
	v6 =	vshll.u32 v6, $0x7  }
0x100: {  	[tilespmem:v2+s20+$0x0] =	vst.idx.msk $0xffff, v3;
	v2 =	vand.u32 $0x7F, v5;
	v3 =	vmov s17;
	v5 =	vshrl.u32 v4, $0x9  }
0x101: {  	v10 =	vld [tilespmem:s16+$0x4040];
	v6 =	vor.u32 v7, v6;
	v14 =	vand.u32 $0x4, v3;
	v5 =	vand.u32 $0x1, v5  }
0x102: {  	s18 =	simm.s32 $0x180;
	v2 =	vor.u32 v2, v6;
	v6 =	vshll.u32 v4, $0x3;
	v5 =	vor.u32 v14, v5  }
0x103: {  	s0 =	sand.u32 $0x380, s18;
	v7 =	vld [tilespmem:s3+$0x60];
	v2 =	vor.u32 v8, v2;
	v6 =	vand.u32 $0xC00, v6;
	v5 =	vshll.u32 v5, $0x7  }
0x104: {  	s28 =	sor.u32 s7, s0;
	v3 =	vshll.u32 v3, $0x9;
	v4 =	vand.u32 $0x7F, v4;
	v5 =	vor.u32 v6, v5  }
0x105: {  	v13 =	vand.u32 $0x7000, v3;
	v6 =	vld [tilespmem:s28+$0x4000];
	v3 =	vor.u32 v4, v5  }
0x106: {  	v5 =	vld [tilespmem:s6+$0x0];
	v4 =	vshrl.u32 v10, $0x9;
	v11 =	vor.u32 v13, v3  }
0x107: {  	v3 =	vand.u32 $0x1, v4  }
0x108: {  	v4 =	vshll.u32 v10, $0x3;
	v3 =	vor.u32 v12, v3;
	[tilespmem:v2+s20+$0x0] =	vst.idx.msk $0xffff, v7  }
0x109: {  	s22 =	simm.s32 $0x6;
	v2 =	vand.u32 $0x7F, v10;
	v4 =	vand.u32 $0xC00, v4;
	v3 =	vshll.u32 v3, $0x7;
	v7 =	vld [tilespmem:s3+$0x4070]  }
0x10a: {  	v10 =	vshrl.u32 v6, $0x9;
	v3 =	vor.u32 v4, v3;
	v4 =	vmov s22  }
0x10b: {  	v15 =	vld [tilespmem:s16+$0x40];
	v10 =	vand.u32 $0x1, v10;
	v2 =	vor.u32 v2, v3;
	v3 =	vand.u32 $0x6, v4;
	[tilespmem:v11+s20+$0x0] =	vst.idx.msk $0xffff, v5  }
0x10c: {  	v5 =	vor.u32 v1, v2;
	v2 =	vshll.u32 v6, $0x3;
	v10 =	vor.u32 v3, v10;
	v11 =	vld [tilespmem:s6+$0x4010]  }
0x10d: {  	v4 =	vshll.u32 v4, $0x9;
	v2 =	vand.u32 $0xC00, v2;
	v10 =	vshll.u32 v10, $0x7  }
0x10e: {  	v6 =	vand.u32 $0x7F, v6;
	v16 =	vshrl.u32 v7, $0x9;
	v10 =	vor.u32 v2, v10  }
0x10f: {  	v2 =	vand.u32 $0x7000, v4;
	v4 =	vand.u32 $0x1, v16;
	v6 =	vor.u32 v6, v10  }
0x110: {  	v10 =	vld [tilespmem:s28+$0x0];
	v16 =	vshll.u32 v7, $0x3;
	v4 =	vor.u32 v9, v4;
	v6 =	vor.u32 v2, v6  }
0x111: {  	[tilespmem:v5+s20+$0x0] =	vst.idx.msk $0xffff, v15;
	v5 =	vand.u32 $0xC00, v16;
	v4 =	vshll.u32 v4, $0x7;
	v15 =	vshrl.u32 v11, $0x9  }
0x112: {  	v7 =	vand.u32 $0x7F, v7;
	v16 =	vld [tilespmem:s16+$0x4050];
	v4 =	vor.u32 v5, v4;
	v5 =	vand.u32 $0x1, v15  }
0x113: {  	v4 =	vor.u32 v7, v4;
	v7 =	vshll.u32 v11, $0x3;
	v5 =	vor.u32 v14, v5  }
0x114: {  	v15 =	vld [tilespmem:s3+$0x70];
	v4 =	vor.u32 v8, v4;
	v7 =	vand.u32 $0xC00, v7;
	v5 =	vshll.u32 v5, $0x7  }
0x115: {  	v11 =	vand.u32 $0x7F, v11;
	[tilespmem:v6+s20+$0x0] =	vst.idx.msk $0xffff, v10;
	v5 =	vor.u32 v7, v5  }
0x116: {  	v6 =	vld [tilespmem:s28+$0x4010];
	v5 =	vor.u32 v11, v5  }
0x117: {  	v10 =	vld [tilespmem:s6+$0x10];
	v7 =	vshrl.u32 v16, $0x9;
	v5 =	vor.u32 v13, v5  }
0x118: {  	v7 =	vand.u32 $0x1, v7  }
0x119: {  	v11 =	vshll.u32 v16, $0x3;
	v7 =	vor.u32 v12, v7;
	[tilespmem:v4+s20+$0x0] =	vst.idx.msk $0xffff, v15  }
0x11a: {  	v4 =	vand.u32 $0xC00, v11;
	v7 =	vshll.u32 v7, $0x7;
	v11 =	vld [tilespmem:s3+$0x4400]  }
0x11b: {  	v15 =	vand.u32 $0x7F, v16;
	v4 =	vor.u32 v4, v7;
	v7 =	vshrl.u32 v6, $0x9  }
0x11c: {  	v16 =	vld [tilespmem:s16+$0x50];
	v4 =	vor.u32 v15, v4;
	v7 =	vand.u32 $0x1, v7;
	[tilespmem:v5+s20+$0x0] =	vst.idx.msk $0xffff, v10  }
0x11d: {  	v5 =	vshll.u32 v6, $0x3;
	v4 =	vor.u32 v1, v4;
	v7 =	vor.u32 v3, v7;
	v10 =	vld [tilespmem:s6+$0x4020]  }
0x11e: {  	v5 =	vand.u32 $0xC00, v5;
	v7 =	vshll.u32 v7, $0x7  }
0x11f: {  	v6 =	vand.u32 $0x7F, v6;
	v15 =	vshrl.u32 v11, $0x9;
	v5 =	vor.u32 v5, v7  }
0x120: {  	v7 =	vand.u32 $0x1, v15;
	v5 =	vor.u32 v6, v5  }
0x121: {  	v6 =	vld [tilespmem:s28+$0x10];
	v15 =	vshll.u32 v11, $0x3;
	v7 =	vor.u32 v9, v7;
	v5 =	vor.u32 v2, v5  }
0x122: {  	[tilespmem:v4+s20+$0x0] =	vst.idx.msk $0xffff, v16;
	v4 =	vand.u32 $0xC00, v15;
	v7 =	vshll.u32 v7, $0x7;
	v15 =	vshrl.u32 v10, $0x9  }
0x123: {  	v11 =	vand.u32 $0x7F, v11;
	v16 =	vld [tilespmem:s16+$0x4060];
	v4 =	vor.u32 v4, v7;
	v7 =	vand.u32 $0x1, v15  }
0x124: {  	v4 =	vor.u32 v11, v4;
	v11 =	vshll.u32 v10, $0x3;
	v7 =	vor.u32 v14, v7  }
0x125: {  	v15 =	vld [tilespmem:s3+$0x400];
	v4 =	vor.u32 v8, v4;
	v11 =	vand.u32 $0xC00, v11;
	v7 =	vshll.u32 v7, $0x7  }
0x126: {  	v10 =	vand.u32 $0x7F, v10;
	[tilespmem:v5+s20+$0x0] =	vst.idx.msk $0xffff, v6;
	v5 =	vor.u32 v11, v7  }
0x127: {  	v6 =	vld [tilespmem:s28+$0x4020];
	v5 =	vor.u32 v10, v5  }
0x128: {  	v10 =	vld [tilespmem:s6+$0x20];
	v7 =	vshrl.u32 v16, $0x9;
	v5 =	vor.u32 v13, v5  }
0x129: {  	v7 =	vand.u32 $0x1, v7  }
0x12a: {  	v11 =	vshll.u32 v16, $0x3;
	v7 =	vor.u32 v12, v7;
	[tilespmem:v4+s20+$0x0] =	vst.idx.msk $0xffff, v15  }
0x12b: {  	v4 =	vand.u32 $0xC00, v11;
	v7 =	vshll.u32 v7, $0x7;
	v11 =	vld [tilespmem:s3+$0x4410]  }
0x12c: {  	v15 =	vand.u32 $0x7F, v16;
	v4 =	vor.u32 v4, v7;
	v7 =	vshrl.u32 v6, $0x9  }
0x12d: {  	v16 =	vld [tilespmem:s16+$0x60];
	v4 =	vor.u32 v15, v4;
	v7 =	vand.u32 $0x1, v7;
	[tilespmem:v5+s20+$0x0] =	vst.idx.msk $0xffff, v10  }
0x12e: {  	v5 =	vshll.u32 v6, $0x3;
	v4 =	vor.u32 v1, v4;
	v7 =	vor.u32 v3, v7;
	v10 =	vld [tilespmem:s6+$0x4030]  }
0x12f: {  	v5 =	vand.u32 $0xC00, v5;
	v7 =	vshll.u32 v7, $0x7  }
0x130: {  	v6 =	vand.u32 $0x7F, v6;
	v15 =	vshrl.u32 v11, $0x9;
	v5 =	vor.u32 v5, v7  }
0x131: {  	v7 =	vand.u32 $0x1, v15;
	v5 =	vor.u32 v6, v5  }
0x132: {  	v6 =	vld [tilespmem:s28+$0x20];
	v15 =	vshll.u32 v11, $0x3;
	v7 =	vor.u32 v9, v7;
	v5 =	vor.u32 v2, v5  }
0x133: {  	[tilespmem:v4+s20+$0x0] =	vst.idx.msk $0xffff, v16;
	v4 =	vand.u32 $0xC00, v15;
	v7 =	vshll.u32 v7, $0x7;
	v15 =	vshrl.u32 v10, $0x9  }
0x134: {  	v11 =	vand.u32 $0x7F, v11;
	v16 =	vld [tilespmem:s16+$0x4070];
	v4 =	vor.u32 v4, v7;
	v7 =	vand.u32 $0x1, v15  }
0x135: {  	v4 =	vor.u32 v11, v4;
	v7 =	vor.u32 v14, v7;
	v11 =	vshll.u32 v10, $0x3  }
0x136: {  	v15 =	vld [tilespmem:s3+$0x410];
	v4 =	vor.u32 v8, v4;
	v11 =	vand.u32 $0xC00, v11;
	v7 =	vshll.u32 v7, $0x7  }
0x137: {  	[tilespmem:v5+s20+$0x0] =	vst.idx.msk $0xffff, v6;
	v5 =	vand.u32 $0x7F, v10;
	v6 =	vor.u32 v11, v7  }
0x138: {  	v7 =	vld [tilespmem:s28+$0x4030];
	v5 =	vor.u32 v5, v6  }
0x139: {  	v10 =	vld [tilespmem:s6+$0x30];
	v6 =	vshrl.u32 v16, $0x9;
	v5 =	vor.u32 v13, v5  }
0x13a: {  	v6 =	vand.u32 $0x1, v6  }
0x13b: {  	v11 =	vshll.u32 v16, $0x3;
	v6 =	vor.u32 v12, v6;
	[tilespmem:v4+s20+$0x0] =	vst.idx.msk $0xffff, v15  }
0x13c: {  	v4 =	vshll.u32 v6, $0x7;
	v6 =	vand.u32 $0xC00, v11;
	v11 =	vld [tilespmem:s3+$0x4420]  }
0x13d: {  	v15 =	vand.u32 $0x7F, v16;
	v4 =	vor.u32 v6, v4;
	v6 =	vshrl.u32 v7, $0x9  }
0x13e: {  	v16 =	vld [tilespmem:s16+$0x70];
	v4 =	vor.u32 v15, v4;
	v6 =	vand.u32 $0x1, v6;
	[tilespmem:v5+s20+$0x0] =	vst.idx.msk $0xffff, v10  }
0x13f: {  	v5 =	vshll.u32 v7, $0x3;
	v4 =	vor.u32 v1, v4;
	v6 =	vor.u32 v3, v6;
	v10 =	vld [tilespmem:s6+$0x4040]  }
0x140: {  	v5 =	vand.u32 $0xC00, v5;
	v6 =	vshll.u32 v6, $0x7  }
0x141: {  	v7 =	vand.u32 $0x7F, v7;
	v15 =	vshrl.u32 v11, $0x9;
	v5 =	vor.u32 v5, v6  }
0x142: {  	v6 =	vand.u32 $0x1, v15;
	v5 =	vor.u32 v7, v5  }
0x143: {  	v7 =	vld [tilespmem:s28+$0x30];
	v15 =	vshll.u32 v11, $0x3;
	v6 =	vor.u32 v9, v6;
	v5 =	vor.u32 v2, v5  }
0x144: {  	[tilespmem:v4+s20+$0x0] =	vst.idx.msk $0xffff, v16;
	v4 =	vand.u32 $0xC00, v15;
	v6 =	vshll.u32 v6, $0x7;
	v15 =	vshrl.u32 v10, $0x9  }
0x145: {  	v11 =	vand.u32 $0x7F, v11;
	v16 =	vld [tilespmem:s16+$0x4400];
	v4 =	vor.u32 v4, v6;
	v6 =	vand.u32 $0x1, v15  }
0x146: {  	v4 =	vor.u32 v11, v4;
	v6 =	vor.u32 v14, v6;
	v11 =	vshll.u32 v10, $0x3  }
0x147: {  	v15 =	vld [tilespmem:s3+$0x420];
	v4 =	vor.u32 v8, v4;
	v11 =	vand.u32 $0xC00, v11;
	v6 =	vshll.u32 v6, $0x7  }
0x148: {  	[tilespmem:v5+s20+$0x0] =	vst.idx.msk $0xffff, v7;
	v5 =	vand.u32 $0x7F, v10;
	v6 =	vor.u32 v11, v6  }
0x149: {  	v10 =	vld [tilespmem:s6+$0x40];
	v5 =	vor.u32 v5, v6  }
0x14a: {  	v7 =	vld [tilespmem:s28+$0x4040];
	v6 =	vshrl.u32 v16, $0x9;
	v5 =	vor.u32 v13, v5  }
0x14b: {  	v6 =	vand.u32 $0x1, v6  }
0x14c: {  	v11 =	vshll.u32 v16, $0x3;
	v6 =	vor.u32 v12, v6;
	[tilespmem:v4+s20+$0x0] =	vst.idx.msk $0xffff, v15  }
0x14d: {  	v4 =	vand.u32 $0xC00, v11;
	v6 =	vshll.u32 v6, $0x7;
	v11 =	vld [tilespmem:s3+$0x4430]  }
0x14e: {  	v15 =	vand.u32 $0x7F, v16;
	v4 =	vor.u32 v4, v6  }
0x14f: {  	v6 =	vld [tilespmem:s16+$0x400];
	v4 =	vor.u32 v15, v4;
	v15 =	vshrl.u32 v7, $0x9;
	[tilespmem:v5+s20+$0x0] =	vst.idx.msk $0xffff, v10  }
0x150: {  	v4 =	vor.u32 v1, v4;
	v5 =	vand.u32 $0x1, v15;
	v10 =	vld [tilespmem:s6+$0x4050]  }
0x151: {  	v15 =	vshll.u32 v7, $0x3;
	v5 =	vor.u32 v3, v5  }
0x152: {  	v15 =	vand.u32 $0xC00, v15;
	v5 =	vshll.u32 v5, $0x7;
	v16 =	vshrl.u32 v11, $0x9  }
0x153: {  	v7 =	vand.u32 $0x7F, v7;
	v5 =	vor.u32 v15, v5;
	v15 =	vand.u32 $0x1, v16  }
0x154: {  	v5 =	vor.u32 v7, v5;
	v7 =	vor.u32 v9, v15  }
0x155: {  	[tilespmem:v4+s20+$0x0] =	vst.idx.msk $0xffff, v6;
	v4 =	vshll.u32 v11, $0x3;
	v5 =	vor.u32 v2, v5;
	v6 =	vshrl.u32 v10, $0x9  }
0x156: {  	v7 =	vshll.u32 v7, $0x7;
	v11 =	vand.u32 $0x7F, v11;
	v15 =	vld [tilespmem:s16+$0x4410];
	v6 =	vand.u32 $0x1, v6  }
0x157: {  	v16 =	vld [tilespmem:s28+$0x40];
	v17 =	vshll.u32 v10, $0x3;
	v4 =	vand.u32 $0xC00, v4;
	v6 =	vor.u32 v14, v6  }
0x158: {  	v4 =	vor.u32 v4, v7;
	v7 =	vand.u32 $0xC00, v17;
	v6 =	vshll.u32 v6, $0x7  }
0x159: {  	v10 =	vand.u32 $0x7F, v10;
	v4 =	vor.u32 v11, v4;
	v6 =	vor.u32 v7, v6  }
0x15a: {  	v7 =	vld [tilespmem:s3+$0x430];
	v4 =	vor.u32 v8, v4;
	v6 =	vor.u32 v10, v6  }
0x15b: {  	v11 =	vld [tilespmem:s6+$0x50];
	v10 =	vshrl.u32 v15, $0x9;
	v6 =	vor.u32 v13, v6  }
0x15c: {  	[tilespmem:v5+s20+$0x0] =	vst.idx.msk $0xffff, v16;
	v10 =	vand.u32 $0x1, v10  }
0x15d: {  	v5 =	vshll.u32 v15, $0x3;
	v16 =	vld [tilespmem:s28+$0x4050];
	v10 =	vor.u32 v12, v10  }
0x15e: {  	v5 =	vand.u32 $0xC00, v5;
	v10 =	vshll.u32 v10, $0x7  }
0x15f: {  	v17 =	vld [tilespmem:s16+$0x410];
	v15 =	vand.u32 $0x7F, v15;
	[tilespmem:v4+s20+$0x0] =	vst.idx.msk $0xffff, v7;
	v5 =	vor.u32 v5, v10  }
0x160: {  	v4 =	vor.u32 v15, v5;
	v5 =	vld [tilespmem:s3+$0x4440];
	[tilespmem:v6+s20+$0x0] =	vst.idx.msk $0xffff, v11  }
0x161: {  	v4 =	vor.u32 v1, v4;
	v6 =	vld [tilespmem:s6+$0x4060]  }
0x162: {  	v7 =	vshrl.u32 v16, $0x9  }
0x163: {  	v7 =	vand.u32 $0x1, v7  }
0x164: {  	s24 =	simm.s32 $0x200;
	s8 =	simm.s32 $0x400;
	v10 =	vshll.u32 v16, $0x3;
	v11 =	vand.u32 $0x7F, v16;
	v7 =	vor.u32 v3, v7  }
0x165: {  	s0 =	sand.u32 $0x300, s24;
	s7 =	sand.u32 $0x1800, s8;
	v10 =	vand.u32 $0xC00, v10;
	v7 =	vshll.u32 v7, $0x7;
	v15 =	vshrl.u32 v5, $0x9  }
0x166: {  	s29 =	sor.u32 s0, s7;
	[tilespmem:v4+s20+$0x0] =	vst.idx.msk $0xffff, v17;
	v4 =	vor.u32 v10, v7;
	v7 =	vand.u32 $0x1, v15;
	v10 =	vshrl.u32 v6, $0x9  }
0x167: {  	s9 =	simm.s32 $0x280;
	v16 =	vshll.u32 v6, $0x3;
	v17 =	vld [tilespmem:s29+$0x4000];
	v6 =	vand.u32 $0x7F, v6;
	v10 =	vand.u32 $0x1, v10  }
0x168: {  	s0 =	sand.u32 $0x380, s9;
	v15 =	vld [tilespmem:s16+$0x4420];
	v4 =	vor.u32 v11, v4;
	v7 =	vor.u32 v9, v7;
	v10 =	vor.u32 v14, v10  }
0x169: {  	s30 =	sor.u32 s7, s0;
	v18 =	vor.u32 v2, v4;
	v4 =	vand.u32 $0xC00, v16;
	v10 =	vshll.u32 v10, $0x7  }
0x16a: {  	v20 =	vld [tilespmem:s30+$0x4000];
	v11 =	vshll.u32 v5, $0x3;
	v5 =	vand.u32 $0x7F, v5;
	v4 =	vor.u32 v4, v10  }
0x16b: {  	v11 =	vand.u32 $0xC00, v11;
	v7 =	vshll.u32 v7, $0x7;
	v4 =	vor.u32 v6, v4  }
0x16c: {  	s8 =	simm.s32 $0x8;
	v10 =	vld [tilespmem:s6+$0x60];
	v6 =	vor.u32 v11, v7;
	v11 =	vshrl.u32 v17, $0x9;
	v4 =	vor.u32 v13, v4  }
0x16d: {  	v7 =	vshrl.u32 v15, $0x9;
	v5 =	vor.u32 v5, v6;
	v6 =	vmov s8  }
0x16e: {  	v11 =	vand.u32 $0x1, v11;
	v16 =	vand.u32 $0x1, v7;
	v7 =	vand.u32 $0x4, v6  }
0x16f: {  	v23 =	vshrl.u32 v20, $0x9;
	v21 =	vshll.u32 v17, $0x3;
	v11 =	vor.u32 v7, v11  }
0x170: {  	v22 =	vor.u32 v8, v5;
	v5 =	vand.u32 $0xC00, v21;
	v21 =	vld [tilespmem:s3+$0x440];
	v11 =	vshll.u32 v11, $0x7  }
0x171: {  	v17 =	vand.u32 $0x7F, v17;
	v6 =	vshll.u32 v6, $0x9;
	[tilespmem:v4+s20+$0x0] =	vst.idx.msk $0xffff, v10;
	v4 =	vor.u32 v5, v11  }
0x172: {  	v23 =	vand.u32 $0x1, v23;
	v6 =	vand.u32 $0x7000, v6;
	v10 =	vld [tilespmem:s6+$0x4070];
	v4 =	vor.u32 v17, v4  }
0x173: {  	s15 =	simm.s32 $0xA;
	v19 =	vshll.u32 v15, $0x3;
	v5 =	vor.u32 v12, v16;
	v16 =	vld [tilespmem:s29+$0x0];
	v17 =	vor.u32 v6, v4  }
0x174: {  	v15 =	vand.u32 $0x7F, v15;
	v11 =	vand.u32 $0xC00, v19;
	v4 =	vmov s15  }
0x175: {  	v19 =	vshll.u32 v5, $0x7;
	[tilespmem:v22+s20+$0x0] =	vst.idx.msk $0xffff, v21;
	v21 =	vshll.u32 v20, $0x3;
	v5 =	vand.u32 $0x6, v4  }
0x176: {  	v20 =	vand.u32 $0x7F, v20;
	v21 =	vand.u32 $0xC00, v21;
	v22 =	vor.u32 v5, v23  }
0x177: {  	v4 =	vshll.u32 v4, $0x9;
	v23 =	vld [tilespmem:s3+$0x4450];
	v22 =	vshll.u32 v22, $0x7;
	v24 =	vshrl.u32 v10, $0x9  }
0x178: {  	v25 =	vld [tilespmem:s28+$0x50];
	v4 =	vand.u32 $0x7000, v4;
	v21 =	vor.u32 v21, v22;
	v22 =	vand.u32 $0x1, v24;
	[tilespmem:v17+s20+$0x0] =	vst.idx.msk $0xffff, v16  }
0x179: {  	v16 =	vor.u32 v20, v21;
	v20 =	vshll.u32 v10, $0x3;
	v17 =	vor.u32 v14, v22;
	v21 =	vld [tilespmem:s29+$0x4010]  }
0x17a: {  	v22 =	vld [tilespmem:s30+$0x0];
	v16 =	vor.u32 v4, v16;
	v20 =	vand.u32 $0xC00, v20;
	v17 =	vshll.u32 v17, $0x7  }
0x17b: {  	v11 =	vor.u32 v11, v19;
	v10 =	vand.u32 $0x7F, v10;
	v17 =	vor.u32 v20, v17  }
0x17c: {  	v11 =	vor.u32 v15, v11;
	v15 =	vshrl.u32 v23, $0x9;
	v10 =	vor.u32 v10, v17  }
0x17d: {  	[tilespmem:v18+s20+$0x0] =	vst.idx.msk $0xffff, v25;
	v11 =	vor.u32 v1, v11;
	v15 =	vand.u32 $0x1, v15;
	v17 =	vld [tilespmem:s6+$0x70];
	v10 =	vor.u32 v13, v10  }
0x17e: {  	v18 =	vld [tilespmem:s28+$0x4060];
	v19 =	vshll.u32 v23, $0x3;
	v15 =	vor.u32 v9, v15;
	v20 =	vshrl.u32 v21, $0x9  }
0x17f: {  	v19 =	vand.u32 $0xC00, v19;
	v15 =	vshll.u32 v15, $0x7;
	[tilespmem:v16+s20+$0x0] =	vst.idx.msk $0xffff, v22;
	v16 =	vand.u32 $0x1, v20  }
0x180: {  	v22 =	vshll.u32 v21, $0x3;
	v20 =	vand.u32 $0x7F, v23;
	v23 =	vld [tilespmem:s30+$0x4010];
	v16 =	vor.u32 v7, v16  }
0x181: {  	v24 =	vld [tilespmem:s16+$0x420];
	v15 =	vor.u32 v19, v15;
	v19 =	vand.u32 $0xC00, v22;
	v16 =	vshll.u32 v16, $0x7  }
0x182: {  	v21 =	vand.u32 $0x7F, v21;
	v15 =	vor.u32 v20, v15;
	v20 =	vld [tilespmem:s3+$0x450];
	[tilespmem:v10+s20+$0x0] =	vst.idx.msk $0xffff, v17;
	v10 =	vor.u32 v19, v16  }
0x183: {  	v15 =	vor.u32 v8, v15;
	v16 =	vshrl.u32 v18, $0x9;
	v17 =	vld [tilespmem:s6+$0x4400];
	v10 =	vor.u32 v21, v10  }
0x184: {  	v19 =	vshll.u32 v18, $0x3;
	v16 =	vand.u32 $0x1, v16;
	v21 =	vld [tilespmem:s29+$0x10];
	v10 =	vor.u32 v6, v10  }
0x185: {  	v18 =	vand.u32 $0x7F, v18;
	v16 =	vor.u32 v3, v16;
	v22 =	vshrl.u32 v23, $0x9  }
0x186: {  	v19 =	vand.u32 $0xC00, v19;
	v16 =	vshll.u32 v16, $0x7;
	v22 =	vand.u32 $0x1, v22  }
0x187: {  	[tilespmem:v11+s20+$0x0] =	vst.idx.msk $0xffff, v24;
	v11 =	vor.u32 v19, v16;
	v16 =	vshll.u32 v23, $0x3;
	v19 =	vor.u32 v5, v22  }
0x188: {  	v22 =	vld [tilespmem:s16+$0x4430];
	[tilespmem:v15+s20+$0x0] =	vst.idx.msk $0xffff, v20;
	v15 =	vand.u32 $0xC00, v16;
	v16 =	vshll.u32 v19, $0x7;
	v19 =	vshrl.u32 v17, $0x9  }
0x189: {  	v23 =	vand.u32 $0x7F, v23;
	v20 =	vld [tilespmem:s3+$0x4460];
	v15 =	vor.u32 v15, v16;
	v16 =	vand.u32 $0x1, v19;
	[tilespmem:v10+s20+$0x0] =	vst.idx.msk $0xffff, v21  }
0x18a: {  	v10 =	vor.u32 v23, v15;
	v15 =	vor.u32 v14, v16;
	v16 =	vshll.u32 v17, $0x3;
	v19 =	vld [tilespmem:s29+$0x4020]  }
0x18b: {  	v21 =	vld [tilespmem:s30+$0x10];
	v10 =	vor.u32 v4, v10;
	v16 =	vand.u32 $0xC00, v16;
	v15 =	vshll.u32 v15, $0x7  }
0x18c: {  	v11 =	vor.u32 v18, v11;
	v17 =	vand.u32 $0x7F, v17;
	v15 =	vor.u32 v16, v15  }
0x18d: {  	v11 =	vor.u32 v2, v11;
	v16 =	vld [tilespmem:s28+$0x60];
	v15 =	vor.u32 v17, v15  }
0x18e: {  	v23 =	vld [tilespmem:s6+$0x400];
	v18 =	vshrl.u32 v20, $0x9;
	v24 =	vshll.u32 v20, $0x3;
	v15 =	vor.u32 v13, v15  }
0x18f: {  	v20 =	vand.u32 $0x7F, v20;
	v17 =	vshrl.u32 v22, $0x9;
	v25 =	vshrl.u32 v19, $0x9  }
0x190: {  	v18 =	vand.u32 $0x1, v18;
	v24 =	vand.u32 $0xC00, v24;
	[tilespmem:v10+s20+$0x0] =	vst.idx.msk $0xffff, v21;
	v10 =	vand.u32 $0x1, v25  }
0x191: {  	v18 =	vor.u32 v9, v18;
	v21 =	vshll.u32 v19, $0x3;
	v10 =	vor.u32 v7, v10  }
0x192: {  	v18 =	vshll.u32 v18, $0x7;
	v25 =	vld [tilespmem:s30+$0x4020];
	[tilespmem:v11+s20+$0x0] =	vst.idx.msk $0xffff, v16;
	v11 =	vand.u32 $0xC00, v21;
	v10 =	vshll.u32 v10, $0x7  }
0x193: {  	v19 =	vand.u32 $0x7F, v19;
	v16 =	vor.u32 v24, v18;
	v18 =	vld [tilespmem:s28+$0x4070];
	[tilespmem:v15+s20+$0x0] =	vst.idx.msk $0xffff, v23;
	v10 =	vor.u32 v11, v10  }
0x194: {  	v11 =	vor.u32 v20, v16;
	v15 =	vand.u32 $0x1, v17;
	v16 =	vld [tilespmem:s6+$0x4410];
	v10 =	vor.u32 v19, v10  }
0x195: {  	v21 =	vand.u32 $0x7F, v22;
	v17 =	vld [tilespmem:s29+$0x20];
	v15 =	vor.u32 v12, v15;
	v10 =	vor.u32 v6, v10  }
0x196: {  	v11 =	vor.u32 v8, v11;
	v19 =	vshll.u32 v22, $0x3;
	v15 =	vshll.u32 v15, $0x7  }
0x197: {  	v20 =	vshrl.u32 v25, $0x9;
	v19 =	vand.u32 $0xC00, v19;
	v22 =	vand.u32 $0x7F, v25  }
0x198: {  	v20 =	vand.u32 $0x1, v20;
	v15 =	vor.u32 v19, v15;
	v19 =	vshll.u32 v25, $0x3  }
0x199: {  	v20 =	vor.u32 v5, v20;
	v19 =	vand.u32 $0xC00, v19;
	v23 =	vshrl.u32 v16, $0x9  }
0x19a: {  	v24 =	vld [tilespmem:s3+$0x460];
	v25 =	vshrl.u32 v18, $0x9;
	v20 =	vshll.u32 v20, $0x7;
	v23 =	vand.u32 $0x1, v23;
	[tilespmem:v10+s20+$0x0] =	vst.idx.msk $0xffff, v17  }
0x19b: {  	v10 =	vor.u32 v19, v20;
	v19 =	vshll.u32 v16, $0x3;
	v17 =	vor.u32 v14, v23;
	v20 =	vld [tilespmem:s29+$0x4030]  }
0x19c: {  	v10 =	vor.u32 v22, v10;
	v19 =	vand.u32 $0xC00, v19;
	v17 =	vshll.u32 v17, $0x7  }
0x19d: {  	v22 =	vld [tilespmem:s30+$0x20];
	v23 =	vor.u32 v4, v10;
	v10 =	vand.u32 $0x7F, v16;
	v16 =	vor.u32 v19, v17  }
0x19e: {  	v15 =	vor.u32 v21, v15;
	v17 =	vand.u32 $0x1, v25;
	v10 =	vor.u32 v10, v16  }
0x19f: {  	v19 =	vld [tilespmem:s6+$0x410];
	v16 =	vor.u32 v3, v17;
	v17 =	vshll.u32 v18, $0x3;
	v21 =	vor.u32 v13, v10  }
0x1a0: {  	[tilespmem:v11+s20+$0x0] =	vst.idx.msk $0xffff, v24;
	v11 =	vshll.u32 v16, $0x7;
	v16 =	vand.u32 $0xC00, v17;
	v17 =	vshrl.u32 v20, $0x9  }
0x1a1: {  	v15 =	vor.u32 v1, v15;
	v10 =	vld [tilespmem:s3+$0x4470];
	v11 =	vor.u32 v16, v11;
	v16 =	vand.u32 $0x1, v17  }
0x1a2: {  	v18 =	vand.u32 $0x7F, v18;
	v17 =	vld [tilespmem:s16+$0x430];
	[tilespmem:v23+s20+$0x0] =	vst.idx.msk $0xffff, v22;
	v22 =	vshll.u32 v20, $0x3;
	v16 =	vor.u32 v7, v16  }
0x1a3: {  	v11 =	vor.u32 v18, v11;
	v18 =	vld [tilespmem:s30+$0x4030];
	v22 =	vand.u32 $0xC00, v22;
	v16 =	vshll.u32 v16, $0x7  }
0x1a4: {  	v23 =	vld [tilespmem:s28+$0x70];
	v11 =	vor.u32 v2, v11;
	[tilespmem:v21+s20+$0x0] =	vst.idx.msk $0xffff, v19;
	v19 =	vand.u32 $0x7F, v20;
	v16 =	vor.u32 v22, v16  }
0x1a5: {  	v20 =	vld [tilespmem:s6+$0x4420];
	v16 =	vor.u32 v19, v16  }
0x1a6: {  	v21 =	vld [tilespmem:s29+$0x30];
	v16 =	vor.u32 v6, v16  }
0x1a7: {  	v19 =	vshrl.u32 v10, $0x9  }
0x1a8: {  	v19 =	vand.u32 $0x1, v19;
	[tilespmem:v15+s20+$0x0] =	vst.idx.msk $0xffff, v17;
	v17 =	vshll.u32 v10, $0x3;
	v15 =	vshrl.u32 v18, $0x9  }
0x1a9: {  	v9 =	vor.u32 v9, v19;
	v19 =	vld [tilespmem:s16+$0x4440];
	v22 =	vshll.u32 v18, $0x3;
	[tilespmem:v11+s20+$0x0] =	vst.idx.msk $0xffff, v23;
	v11 =	vand.u32 $0x1, v15  }
0x1aa: {  	v15 =	vand.u32 $0x7F, v18;
	v18 =	vld [tilespmem:s28+$0x4400];
	v11 =	vor.u32 v5, v11;
	v23 =	vshrl.u32 v20, $0x9  }
0x1ab: {  	v22 =	vand.u32 $0xC00, v22;
	v11 =	vshll.u32 v11, $0x7;
	v23 =	vand.u32 $0x1, v23;
	[tilespmem:v16+s20+$0x0] =	vst.idx.msk $0xffff, v21  }
0x1ac: {  	v11 =	vor.u32 v22, v11;
	v21 =	vshll.u32 v20, $0x3;
	v16 =	vor.u32 v14, v23;
	v22 =	vld [tilespmem:s29+$0x4040]  }
0x1ad: {  	v11 =	vor.u32 v15, v11;
	v15 =	vand.u32 $0xC00, v21;
	v16 =	vshll.u32 v16, $0x7  }
0x1ae: {  	v20 =	vand.u32 $0x7F, v20;
	v21 =	vld [tilespmem:s30+$0x30];
	v11 =	vor.u32 v4, v11;
	v15 =	vor.u32 v15, v16  }
0x1af: {  	v23 =	vshrl.u32 v18, $0x9;
	v16 =	vshrl.u32 v19, $0x9;
	v15 =	vor.u32 v20, v15  }
0x1b0: {  	v24 =	vld [tilespmem:s6+$0x420];
	v20 =	vand.u32 $0x1, v23;
	v23 =	vshll.u32 v18, $0x3;
	v15 =	vor.u32 v13, v15  }
0x1b1: {  	v18 =	vand.u32 $0x7F, v18;
	v20 =	vor.u32 v3, v20;
	v25 =	vshrl.u32 v22, $0x9  }
0x1b2: {  	v23 =	vand.u32 $0xC00, v23;
	v20 =	vshll.u32 v20, $0x7;
	v25 =	vand.u32 $0x1, v25  }
0x1b3: {  	[tilespmem:v11+s20+$0x0] =	vst.idx.msk $0xffff, v21;
	v11 =	vor.u32 v23, v20;
	v21 =	vshll.u32 v22, $0x3;
	v20 =	vor.u32 v7, v25  }
0x1b4: {  	v23 =	vld [tilespmem:s30+$0x4040];
	v11 =	vor.u32 v18, v11;
	v18 =	vand.u32 $0xC00, v21;
	v20 =	vshll.u32 v20, $0x7  }
0x1b5: {  	v21 =	vld [tilespmem:s28+$0x400];
	v11 =	vor.u32 v2, v11;
	[tilespmem:v15+s20+$0x0] =	vst.idx.msk $0xffff, v24;
	v15 =	vand.u32 $0x7F, v22;
	v18 =	vor.u32 v18, v20  }
0x1b6: {  	v17 =	vand.u32 $0xC00, v17;
	v16 =	vand.u32 $0x1, v16;
	v20 =	vld [tilespmem:s6+$0x4430];
	v15 =	vor.u32 v15, v18  }
0x1b7: {  	v16 =	vor.u32 v12, v16;
	v22 =	vld [tilespmem:s29+$0x40];
	v18 =	vshll.u32 v19, $0x3;
	v15 =	vor.u32 v6, v15  }
0x1b8: {  	v16 =	vshll.u32 v16, $0x7;
	v19 =	vand.u32 $0x7F, v19;
	v18 =	vand.u32 $0xC00, v18  }
0x1b9: {  	v16 =	vor.u32 v18, v16;
	v18 =	vshrl.u32 v23, $0x9;
	v24 =	vshll.u32 v23, $0x3  }
0x1ba: {  	v23 =	vand.u32 $0x7F, v23;
	v18 =	vand.u32 $0x1, v18;
	v24 =	vand.u32 $0xC00, v24;
	[tilespmem:v11+s20+$0x0] =	vst.idx.msk $0xffff, v21  }
0x1bb: {  	v16 =	vor.u32 v19, v16;
	v11 =	vor.u32 v5, v18;
	v18 =	vld [tilespmem:s28+$0x4410];
	v19 =	vshrl.u32 v20, $0x9  }
0x1bc: {  	v21 =	vld [tilespmem:s16+$0x440];
	v16 =	vor.u32 v1, v16;
	v11 =	vshll.u32 v11, $0x7;
	v19 =	vand.u32 $0x1, v19;
	[tilespmem:v15+s20+$0x0] =	vst.idx.msk $0xffff, v22  }
0x1bd: {  	v11 =	vor.u32 v24, v11;
	v15 =	vor.u32 v14, v19;
	v19 =	vshll.u32 v20, $0x3;
	v22 =	vld [tilespmem:s29+$0x4050]  }
0x1be: {  	v11 =	vor.u32 v23, v11;
	v19 =	vand.u32 $0xC00, v19;
	v15 =	vshll.u32 v15, $0x7  }
0x1bf: {  	v23 =	vld [tilespmem:s30+$0x40];
	v20 =	vand.u32 $0x7F, v20;
	v11 =	vor.u32 v4, v11;
	v15 =	vor.u32 v19, v15  }
0x1c0: {  	v9 =	vshll.u32 v9, $0x7;
	v19 =	vshrl.u32 v18, $0x9;
	v15 =	vor.u32 v20, v15  }
0x1c1: {  	s7 =	simm.s32 $0x600;
	s17 =	simm.s32 $0x300;
	v24 =	vld [tilespmem:s6+$0x430];
	v19 =	vand.u32 $0x1, v19;
	v20 =	vshll.u32 v18, $0x3;
	v15 =	vor.u32 v13, v15  }
0x1c2: {  	s18 =	sand.u32 $0x1800, s7;
	s0 =	sand.u32 $0x300, s17;
	[tilespmem:v16+s20+$0x0] =	vst.idx.msk $0xffff, v21;
	v16 =	vor.u32 v3, v19;
	v19 =	vand.u32 $0xC00, v20;
	v20 =	vshrl.u32 v22, $0x9  }
0x1c3: {  	s31 =	sor.u32 s0, s18;
	v18 =	vand.u32 $0x7F, v18;
	v21 =	vld [tilespmem:s16+$0x4450];
	v16 =	vshll.u32 v16, $0x7;
	v20 =	vand.u32 $0x1, v20  }
0x1c4: {  	[tilespmem:v11+s20+$0x0] =	vst.idx.msk $0xffff, v23;
	v11 =	vor.u32 v19, v16;
	v19 =	vshll.u32 v22, $0x3;
	v23 =	vld [tilespmem:s31+$0x4000];
	v16 =	vor.u32 v7, v20  }
0x1c5: {  	v20 =	vld [tilespmem:s30+$0x4050];
	v11 =	vor.u32 v18, v11;
	v18 =	vand.u32 $0xC00, v19;
	v16 =	vshll.u32 v16, $0x7  }
0x1c6: {  	v19 =	vld [tilespmem:s28+$0x410];
	v11 =	vor.u32 v2, v11;
	[tilespmem:v15+s20+$0x0] =	vst.idx.msk $0xffff, v24;
	v15 =	vand.u32 $0x7F, v22;
	v16 =	vor.u32 v18, v16  }
0x1c7: {  	v10 =	vand.u32 $0x7F, v10;
	v9 =	vor.u32 v17, v9;
	v17 =	vld [tilespmem:s6+$0x4440];
	v15 =	vor.u32 v15, v16  }
0x1c8: {  	v9 =	vor.u32 v10, v9;
	v10 =	vshrl.u32 v21, $0x9;
	v18 =	vld [tilespmem:s29+$0x50];
	v15 =	vor.u32 v6, v15  }
0x1c9: {  	v16 =	vor.u32 v8, v9;
	v8 =	vand.u32 $0x1, v10;
	v9 =	vshll.u32 v21, $0x3  }
0x1ca: {  	v8 =	vor.u32 v12, v8;
	v9 =	vand.u32 $0xC00, v9  }
0x1cb: {  	v26 =	vshrl.u32 v23, $0x9;
	v10 =	vshrl.u32 v20, $0x9;
	v22 =	vshll.u32 v20, $0x3;
	[tilespmem:v11+s20+$0x0] =	vst.idx.msk $0xffff, v19  }
0x1cc: {  	v8 =	vshll.u32 v8, $0x7;
	v10 =	vand.u32 $0x1, v10;
	v11 =	vld [tilespmem:s28+$0x4420];
	v19 =	vshrl.u32 v17, $0x9  }
0x1cd: {  	v22 =	vand.u32 $0xC00, v22;
	v10 =	vor.u32 v5, v10;
	v19 =	vand.u32 $0x1, v19;
	[tilespmem:v15+s20+$0x0] =	vst.idx.msk $0xffff, v18  }
0x1ce: {  	v10 =	vshll.u32 v10, $0x7;
	v18 =	vshll.u32 v17, $0x3;
	v15 =	vor.u32 v14, v19;
	v19 =	vld [tilespmem:s29+$0x4060]  }
0x1cf: {  	v10 =	vor.u32 v22, v10;
	v18 =	vand.u32 $0xC00, v18;
	v15 =	vshll.u32 v15, $0x7  }
0x1d0: {  	v22 =	vor.u32 v9, v8;
	v8 =	vand.u32 $0x7F, v17;
	v9 =	vor.u32 v18, v15  }
0x1d1: {  	v20 =	vand.u32 $0x7F, v20;
	v15 =	vshrl.u32 v11, $0x9;
	v8 =	vor.u32 v8, v9  }
0x1d2: {  	v10 =	vor.u32 v20, v10;
	v9 =	vand.u32 $0x1, v15;
	v15 =	vld [tilespmem:s6+$0x440];
	v8 =	vor.u32 v13, v8  }
0x1d3: {  	v17 =	vshll.u32 v11, $0x3;
	v11 =	vand.u32 $0x7F, v11;
	v18 =	vshrl.u32 v19, $0x9  }
0x1d4: {  	v17 =	vand.u32 $0xC00, v17;
	v9 =	vor.u32 v3, v9;
	v18 =	vand.u32 $0x1, v18  }
0x1d5: {  	v9 =	vshll.u32 v9, $0x7;
	v20 =	vshll.u32 v19, $0x3;
	v18 =	vor.u32 v7, v18  }
0x1d6: {  	v20 =	vand.u32 $0xC00, v20;
	v9 =	vor.u32 v17, v9;
	v18 =	vshll.u32 v18, $0x7  }
0x1d7: {  	v9 =	vor.u32 v11, v9;
	[tilespmem:v8+s20+$0x0] =	vst.idx.msk $0xffff, v15;
	v8 =	vand.u32 $0x7F, v19;
	v15 =	vor.u32 v20, v18  }
0x1d8: {  	s24 =	simm.s32 $0x380;
	s22 =	simm.s32 $0xC;
	s8 =	simm.s32 $0xE;
	v27 =	vand.u32 $0x7F, v23;
	v18 =	vor.u32 v2, v9;
	v17 =	vld [tilespmem:s6+$0x4450];
	v8 =	vor.u32 v8, v15  }
0x1d9: {  	s0 =	sand.u32 $0x380, s24;
	v9 =	vmov s8;
	v19 =	vld [tilespmem:s29+$0x60];
	v15 =	vmov s22;
	v20 =	vor.u32 v6, v8  }
0x1da: {  	s0 =	sor.u32 s18, s0;
	v25 =	vshll.u32 v9, $0x9;
	v11 =	vand.u32 $0x4, v15;
	v15 =	vshll.u32 v15, $0x9  }
0x1db: {  	v28 =	vld [tilespmem:s0+$0x4000];
	v8 =	vand.u32 $0x6, v9;
	v9 =	vand.u32 $0x7000, v15;
	v15 =	vand.u32 $0x1, v26  }
0x1dc: {  	v24 =	vld [tilespmem:s30+$0x50];
	v23 =	vshll.u32 v23, $0x3;
	v10 =	vor.u32 v4, v10;
	v15 =	vor.u32 v11, v15  }
0x1dd: {  	v23 =	vand.u32 $0xC00, v23;
	v15 =	vshll.u32 v15, $0x7;
	v26 =	vshrl.u32 v17, $0x9  }
0x1de: {  	v21 =	vand.u32 $0x7F, v21;
	v15 =	vor.u32 v23, v15;
	v26 =	vand.u32 $0x1, v26;
	[tilespmem:v20+s20+$0x0] =	vst.idx.msk $0xffff, v19  }
0x1df: {  	v19 =	vshll.u32 v17, $0x3;
	v15 =	vor.u32 v27, v15;
	v20 =	vor.u32 v14, v26;
	v23 =	vld [tilespmem:s29+$0x4070]  }
0x1e0: {  	v17 =	vand.u32 $0x7F, v17;
	v19 =	vand.u32 $0xC00, v19;
	v20 =	vshll.u32 v20, $0x7  }
0x1e1: {  	[tilespmem:v10+s20+$0x0] =	vst.idx.msk $0xffff, v24;
	v15 =	vor.u32 v9, v15;
	v10 =	vor.u32 v19, v20;
	v19 =	vld [tilespmem:s31+$0x0];
	v20 =	vshrl.u32 v28, $0x9  }
0x1e2: {  	v24 =	vld [tilespmem:s30+$0x4060];
	v10 =	vor.u32 v17, v10;
	v17 =	vand.u32 $0x1, v20;
	v20 =	vshll.u32 v28, $0x3  }
0x1e3: {  	v26 =	vld [tilespmem:s6+$0x450];
	v27 =	vor.u32 v13, v10;
	v10 =	vor.u32 v8, v17;
	v17 =	vand.u32 $0x7F, v28  }
0x1e4: {  	v20 =	vand.u32 $0xC00, v20;
	v28 =	vshll.u32 v10, $0x7;
	v29 =	vshrl.u32 v23, $0x9  }
0x1e5: {  	v10 =	vand.u32 $0x7000, v25;
	v20 =	vor.u32 v20, v28;
	v25 =	vand.u32 $0x1, v29  }
0x1e6: {  	v28 =	vld [tilespmem:s0+$0x0];
	[tilespmem:v15+s20+$0x0] =	vst.idx.msk $0xffff, v19;
	v15 =	vor.u32 v17, v20;
	v17 =	vor.u32 v7, v25;
	v19 =	vshll.u32 v23, $0x3  }
0x1e7: {  	v20 =	vld [tilespmem:s31+$0x4010];
	v15 =	vor.u32 v10, v15;
	v19 =	vand.u32 $0xC00, v19;
	v17 =	vshll.u32 v17, $0x7  }
0x1e8: {  	v29 =	vshrl.u32 v24, $0x9;
	v25 =	vld [tilespmem:s28+$0x420];
	v23 =	vand.u32 $0x7F, v23;
	[tilespmem:v27+s20+$0x0] =	vst.idx.msk $0xffff, v26;
	v17 =	vor.u32 v19, v17  }
0x1e9: {  	v19 =	vor.u32 v21, v22;
	v21 =	vand.u32 $0x1, v29;
	v22 =	vld [tilespmem:s6+$0x4460];
	v17 =	vor.u32 v23, v17  }
0x1ea: {  	v26 =	vld [tilespmem:s29+$0x70];
	v21 =	vor.u32 v5, v21;
	v23 =	vshll.u32 v24, $0x3;
	v17 =	vor.u32 v6, v17  }
0x1eb: {  	v19 =	vor.u32 v1, v19;
	v23 =	vand.u32 $0xC00, v23;
	v21 =	vshll.u32 v21, $0x7  }
0x1ec: {  	v24 =	vand.u32 $0x7F, v24;
	v21 =	vor.u32 v23, v21;
	v23 =	vshrl.u32 v20, $0x9;
	[tilespmem:v15+s20+$0x0] =	vst.idx.msk $0xffff, v28  }
0x1ed: {  	[tilespmem:v18+s20+$0x0] =	vst.idx.msk $0xffff, v25;
	v15 =	vand.u32 $0x7F, v20;
	v20 =	vshll.u32 v20, $0x3;
	v18 =	vand.u32 $0x1, v23;
	v23 =	vld [tilespmem:s0+$0x4010]  }
0x1ee: {  	v20 =	vand.u32 $0xC00, v20;
	v27 =	vshrl.u32 v22, $0x9;
	v18 =	vor.u32 v11, v18  }
0x1ef: {  	v28 =	vld [tilespmem:s16+$0x450];
	v27 =	vand.u32 $0x1, v27;
	v18 =	vshll.u32 v18, $0x7;
	[tilespmem:v17+s20+$0x0] =	vst.idx.msk $0xffff, v26;
	v17 =	vshll.u32 v22, $0x3  }
0x1f0: {  	v26 =	vor.u32 v14, v27;
	v18 =	vor.u32 v20, v18;
	v20 =	vld [tilespmem:s29+$0x4400];
	v17 =	vand.u32 $0xC00, v17  }
0x1f1: {  	v26 =	vshll.u32 v26, $0x7;
	v15 =	vor.u32 v15, v18;
	v18 =	vand.u32 $0x7F, v22  }
0x1f2: {  	v22 =	vld [tilespmem:s31+$0x10];
	v17 =	vor.u32 v17, v26;
	v15 =	vor.u32 v9, v15;
	v26 =	vshrl.u32 v23, $0x9  }
0x1f3: {  	v29 =	vld [tilespmem:s6+$0x460];
	v21 =	vor.u32 v24, v21;
	v17 =	vor.u32 v18, v17;
	v18 =	vand.u32 $0x1, v26  }
0x1f4: {  	v25 =	vld [tilespmem:s28+$0x4430];
	v26 =	vshll.u32 v23, $0x3;
	v17 =	vor.u32 v13, v17;
	v18 =	vor.u32 v8, v18  }
0x1f5: {  	[tilespmem:v19+s20+$0x0] =	vst.idx.msk $0xffff, v28;
	v19 =	vand.u32 $0xC00, v26;
	v18 =	vshll.u32 v18, $0x7;
	v26 =	vshrl.u32 v20, $0x9  }
0x1f6: {  	v28 =	vld [tilespmem:s16+$0x4460];
	v23 =	vand.u32 $0x7F, v23;
	v18 =	vor.u32 v19, v18;
	v19 =	vand.u32 $0x1, v26  }
0x1f7: {  	v26 =	vld [tilespmem:s0+$0x10];
	[tilespmem:v15+s20+$0x0] =	vst.idx.msk $0xffff, v22;
	v15 =	vor.u32 v23, v18;
	v18 =	vor.u32 v7, v19;
	v19 =	vshll.u32 v20, $0x3  }
0x1f8: {  	v22 =	vld [tilespmem:s31+$0x4020];
	v15 =	vor.u32 v10, v15;
	v19 =	vand.u32 $0xC00, v19;
	v18 =	vshll.u32 v18, $0x7  }
0x1f9: {  	v27 =	vshrl.u32 v25, $0x9;
	[tilespmem:v17+s20+$0x0] =	vst.idx.msk $0xffff, v29;
	v17 =	vand.u32 $0x7F, v20;
	v18 =	vor.u32 v19, v18  }
0x1fa: {  	v23 =	vld [tilespmem:s29+$0x400];
	v19 =	vor.u32 v4, v21;
	v20 =	vand.u32 $0x1, v27;
	v17 =	vor.u32 v17, v18  }
0x1fb: {  	v21 =	vld [tilespmem:s6+$0x4470];
	v18 =	vor.u32 v3, v20;
	v20 =	vshll.u32 v25, $0x3;
	v17 =	vor.u32 v6, v17  }
0x1fc: {  	v24 =	vld [tilespmem:s30+$0x60];
	v25 =	vand.u32 $0x7F, v25;
	v18 =	vshll.u32 v18, $0x7;
	v20 =	vand.u32 $0xC00, v20  }
0x1fd: {  	v18 =	vor.u32 v20, v18;
	v20 =	vshrl.u32 v28, $0x9;
	v27 =	vshrl.u32 v22, $0x9;
	[tilespmem:v15+s20+$0x0] =	vst.idx.msk $0xffff, v26  }
0x1fe: {  	v15 =	vshll.u32 v28, $0x3;
	v26 =	vand.u32 $0x7F, v22;
	v27 =	vand.u32 $0x1, v27;
	v29 =	vld [tilespmem:s0+$0x4020]  }
0x1ff: {  	v18 =	vor.u32 v25, v18;
	v22 =	vshll.u32 v22, $0x3;
	v25 =	vor.u32 v11, v27  }
0x200: {  	v22 =	vand.u32 $0xC00, v22;
	v27 =	vshrl.u32 v21, $0x9;
	v25 =	vshll.u32 v25, $0x7;
	[tilespmem:v17+s20+$0x0] =	vst.idx.msk $0xffff, v23  }
0x201: {  	[tilespmem:v19+s20+$0x0] =	vst.idx.msk $0xffff, v24;
	v19 =	vshll.u32 v21, $0x3;
	v17 =	vand.u32 $0x1, v27;
	v22 =	vor.u32 v22, v25;
	v23 =	vld [tilespmem:s29+$0x4410]  }
0x202: {  	v14 =	vor.u32 v14, v17;
	v17 =	vand.u32 $0xC00, v19;
	v19 =	vor.u32 v26, v22  }
0x203: {  	v14 =	vshll.u32 v14, $0x7;
	v22 =	vld [tilespmem:s31+$0x20];
	v19 =	vor.u32 v9, v19;
	v25 =	vshrl.u32 v29, $0x9  }
0x204: {  	v20 =	vand.u32 $0x1, v20;
	v14 =	vor.u32 v17, v14;
	v17 =	vand.u32 $0x1, v25  }
0x205: {  	v24 =	vld [tilespmem:s30+$0x4070];
	v21 =	vand.u32 $0x7F, v21;
	v25 =	vshll.u32 v29, $0x3;
	v17 =	vor.u32 v8, v17  }
0x206: {  	v25 =	vand.u32 $0xC00, v25;
	v17 =	vshll.u32 v17, $0x7;
	v27 =	vshrl.u32 v23, $0x9  }
0x207: {  	v26 =	vand.u32 $0x7F, v29;
	v17 =	vor.u32 v25, v17;
	v25 =	vand.u32 $0x1, v27  }
0x208: {  	v27 =	vld [tilespmem:s0+$0x20];
	[tilespmem:v19+s20+$0x0] =	vst.idx.msk $0xffff, v22;
	v17 =	vor.u32 v26, v17;
	v19 =	vor.u32 v7, v25;
	v22 =	vshll.u32 v23, $0x3  }
0x209: {  	v25 =	vld [tilespmem:s31+$0x4030];
	v17 =	vor.u32 v10, v17;
	v22 =	vand.u32 $0xC00, v22;
	v19 =	vshll.u32 v19, $0x7  }
0x20a: {  	v29 =	vshrl.u32 v24, $0x9;
	v23 =	vand.u32 $0x7F, v23;
	v19 =	vor.u32 v22, v19  }
0x20b: {  	v14 =	vor.u32 v21, v14;
	v26 =	vand.u32 $0x1, v29;
	v19 =	vor.u32 v23, v19  }
0x20c: {  	v21 =	vor.u32 v5, v26;
	v22 =	vshll.u32 v24, $0x3;
	v23 =	vld [tilespmem:s29+$0x410];
	v19 =	vor.u32 v6, v19  }
0x20d: {  	v18 =	vor.u32 v2, v18;
	v26 =	vld [tilespmem:s28+$0x430];
	v21 =	vshll.u32 v21, $0x7;
	v22 =	vand.u32 $0xC00, v22  }
0x20e: {  	v24 =	vand.u32 $0x7F, v24;
	v21 =	vor.u32 v22, v21;
	v22 =	vshrl.u32 v25, $0x9;
	[tilespmem:v17+s20+$0x0] =	vst.idx.msk $0xffff, v27  }
0x20f: {  	v20 =	vor.u32 v12, v20;
	v17 =	vor.u32 v24, v21;
	v21 =	vand.u32 $0x1, v22;
	v22 =	vld [tilespmem:s0+$0x4030]  }
0x210: {  	v24 =	vld [tilespmem:s30+$0x70];
	v27 =	vshll.u32 v25, $0x3;
	v17 =	vor.u32 v4, v17;
	v21 =	vor.u32 v11, v21  }
0x211: {  	v15 =	vand.u32 $0xC00, v15;
	v27 =	vand.u32 $0xC00, v27;
	v21 =	vshll.u32 v21, $0x7;
	[tilespmem:v19+s20+$0x0] =	vst.idx.msk $0xffff, v23  }
0x212: {  	v20 =	vshll.u32 v20, $0x7;
	[tilespmem:v18+s20+$0x0] =	vst.idx.msk $0xffff, v26;
	v19 =	vand.u32 $0x7F, v25;
	v23 =	vor.u32 v27, v21;
	v25 =	vld [tilespmem:s29+$0x4420]  }
0x213: {  	v21 =	vor.u32 v13, v14;
	v13 =	vor.u32 v15, v20;
	v15 =	vld [tilespmem:s28+$0x4440];
	v14 =	vor.u32 v19, v23  }
0x214: {  	v18 =	vand.u32 $0x7F, v28;
	v19 =	vld [tilespmem:s31+$0x30];
	v14 =	vor.u32 v9, v14;
	v20 =	vshrl.u32 v22, $0x9  }
0x215: {  	v13 =	vor.u32 v18, v13;
	v18 =	vshll.u32 v22, $0x3;
	[tilespmem:v17+s20+$0x0] =	vst.idx.msk $0xffff, v24;
	v17 =	vand.u32 $0x1, v20  }
0x216: {  	v13 =	vor.u32 v1, v13;
	v20 =	vand.u32 $0x7F, v22;
	v22 =	vld [tilespmem:s30+$0x4400];
	v17 =	vor.u32 v8, v17  }
0x217: {  	v18 =	vand.u32 $0xC00, v18;
	v17 =	vshll.u32 v17, $0x7;
	v23 =	vshrl.u32 v25, $0x9  }
0x218: {  	v17 =	vor.u32 v18, v17;
	v18 =	vand.u32 $0x1, v23;
	v23 =	vshrl.u32 v15, $0x9  }
0x219: {  	v24 =	vld [tilespmem:s0+$0x30];
	[tilespmem:v14+s20+$0x0] =	vst.idx.msk $0xffff, v19;
	v14 =	vor.u32 v20, v17;
	v17 =	vor.u32 v7, v18;
	v18 =	vshll.u32 v25, $0x3  }
0x21a: {  	v19 =	vld [tilespmem:s31+$0x4040];
	v14 =	vor.u32 v10, v14;
	v18 =	vand.u32 $0xC00, v18;
	v17 =	vshll.u32 v17, $0x7  }
0x21b: {  	v20 =	vand.u32 $0x7F, v25;
	v25 =	vld [tilespmem:s16+$0x460];
	v17 =	vor.u32 v18, v17;
	v18 =	vshrl.u32 v22, $0x9  }
0x21c: {  	v23 =	vand.u32 $0x1, v23;
	v18 =	vand.u32 $0x1, v18  }
0x21d: {  	v17 =	vor.u32 v20, v17;
	v20 =	vshll.u32 v22, $0x3;
	v18 =	vor.u32 v5, v18  }
0x21e: {  	v26 =	vld [tilespmem:s29+$0x420];
	v17 =	vor.u32 v6, v17;
	v20 =	vand.u32 $0xC00, v20;
	v18 =	vshll.u32 v18, $0x7  }
0x21f: {  	v22 =	vand.u32 $0x7F, v22;
	v27 =	vshrl.u32 v19, $0x9;
	[tilespmem:v14+s20+$0x0] =	vst.idx.msk $0xffff, v24;
	v14 =	vor.u32 v20, v18  }
0x220: {  	[tilespmem:v13+s20+$0x0] =	vst.idx.msk $0xffff, v25;
	v18 =	vor.u32 v3, v23;
	v25 =	vshll.u32 v19, $0x3;
	v20 =	vand.u32 $0x1, v27;
	v23 =	vld [tilespmem:s0+$0x4040]  }
0x221: {  	v24 =	vld [tilespmem:s30+$0x400];
	v14 =	vor.u32 v22, v14;
	v22 =	vshll.u32 v15, $0x3;
	v20 =	vor.u32 v11, v20  }
0x222: {  	v13 =	vld [tilespmem:s16+$0x4470];
	v25 =	vand.u32 $0xC00, v25;
	v14 =	vor.u32 v4, v14;
	v20 =	vshll.u32 v20, $0x7  }
0x223: {  	[tilespmem:v17+s20+$0x0] =	vst.idx.msk $0xffff, v26;
	v17 =	vshll.u32 v18, $0x7;
	v18 =	vand.u32 $0x7F, v19;
	v19 =	vor.u32 v25, v20  }
0x224: {  	v15 =	vand.u32 $0x7F, v15;
	v22 =	vand.u32 $0xC00, v22;
	v20 =	vld [tilespmem:s29+$0x4430];
	v18 =	vor.u32 v18, v19  }
0x225: {  	v17 =	vor.u32 v22, v17;
	v19 =	vld [tilespmem:s31+$0x40];
	v18 =	vor.u32 v9, v18;
	v22 =	vshrl.u32 v23, $0x9  }
0x226: {  	v15 =	vor.u32 v15, v17;
	v22 =	vand.u32 $0x1, v22  }
0x227: {  	v17 =	vshrl.u32 v13, $0x9;
	v25 =	vshll.u32 v23, $0x3;
	[tilespmem:v14+s20+$0x0] =	vst.idx.msk $0xffff, v24;
	v14 =	vor.u32 v8, v22  }
0x228: {  	v23 =	vand.u32 $0x7F, v23;
	v25 =	vand.u32 $0xC00, v25;
	v22 =	vld [tilespmem:s30+$0x4410];
	v14 =	vshll.u32 v14, $0x7  }
0x229: {  	v26 =	vld [tilespmem:s28+$0x440];
	v15 =	vor.u32 v2, v15;
	v24 =	vshrl.u32 v20, $0x9;
	v14 =	vor.u32 v25, v14  }
0x22a: {  	v17 =	vand.u32 $0x1, v17;
	v24 =	vand.u32 $0x1, v24;
	v25 =	vld [tilespmem:s0+$0x40];
	[tilespmem:v18+s20+$0x0] =	vst.idx.msk $0xffff, v19;
	v14 =	vor.u32 v23, v14  }
0x22b: {  	v18 =	vor.u32 v7, v24;
	v19 =	vshll.u32 v20, $0x3;
	v23 =	vld [tilespmem:s31+$0x4050];
	v14 =	vor.u32 v10, v14  }
0x22c: {  	v12 =	vor.u32 v12, v17;
	v19 =	vand.u32 $0xC00, v19;
	v18 =	vshll.u32 v18, $0x7  }
0x22d: {  	v20 =	vand.u32 $0x7F, v20;
	v18 =	vor.u32 v19, v18;
	v19 =	vshrl.u32 v22, $0x9  }
0x22e: {  	v18 =	vor.u32 v20, v18;
	v19 =	vand.u32 $0x1, v19;
	v20 =	vshll.u32 v22, $0x3  }
0x22f: {  	[tilespmem:v15+s20+$0x0] =	vst.idx.msk $0xffff, v26;
	v15 =	vld [tilespmem:s29+$0x430];
	v22 =	vand.u32 $0x7F, v22;
	v18 =	vor.u32 v6, v18;
	v19 =	vor.u32 v5, v19  }
0x230: {  	v28 =	vld [tilespmem:s28+$0x4450];
	v20 =	vand.u32 $0xC00, v20;
	v19 =	vshll.u32 v19, $0x7;
	v17 =	vshrl.u32 v23, $0x9;
	[tilespmem:v14+s20+$0x0] =	vst.idx.msk $0xffff, v25  }
0x231: {  	v14 =	vor.u32 v20, v19;
	v24 =	vshll.u32 v23, $0x3;
	v17 =	vand.u32 $0x1, v17;
	v20 =	vld [tilespmem:s0+$0x4050]  }
0x232: {  	v22 =	vor.u32 v22, v14;
	v14 =	vshll.u32 v12, $0x7;
	v17 =	vor.u32 v11, v17  }
0x233: {  	v12 =	vld [tilespmem:s30+$0x410];
	v24 =	vand.u32 $0xC00, v24;
	v22 =	vor.u32 v4, v22;
	v17 =	vshll.u32 v17, $0x7  }
0x234: {  	v19 =	vshll.u32 v13, $0x3;
	[tilespmem:v18+s20+$0x0] =	vst.idx.msk $0xffff, v15;
	v18 =	vand.u32 $0x7F, v23;
	v17 =	vor.u32 v24, v17  }
0x235: {  	v15 =	vand.u32 $0xC00, v19;
	v19 =	vld [tilespmem:s29+$0x4440];
	v17 =	vor.u32 v18, v17  }
0x236: {  	v23 =	vshrl.u32 v28, $0x9;
	v24 =	vor.u32 v9, v17;
	v17 =	vshrl.u32 v20, $0x9  }
0x237: {  	v29 =	vld [tilespmem:s6+$0x470];
	v18 =	vand.u32 $0x1, v23;
	v23 =	vshll.u32 v28, $0x3;
	v17 =	vand.u32 $0x1, v17  }
0x238: {  	[tilespmem:v22+s20+$0x0] =	vst.idx.msk $0xffff, v12;
	v12 =	vor.u32 v8, v17;
	v17 =	vor.u32 v3, v18;
	v18 =	vand.u32 $0xC00, v23;
	v23 =	vld [tilespmem:s31+$0x50]  }
0x239: {  	v26 =	vld [tilespmem:s3+$0x470];
	v25 =	vshll.u32 v20, $0x3  }
0x23a: {  	v25 =	vand.u32 $0xC00, v25;
	v22 =	vld [tilespmem:s30+$0x4420];
	v12 =	vshll.u32 v12, $0x7;
	v27 =	vshrl.u32 v19, $0x9  }
0x23b: {  	v20 =	vand.u32 $0x7F, v20;
	v25 =	vor.u32 v25, v12;
	v27 =	vand.u32 $0x1, v27  }
0x23c: {  	v20 =	vor.u32 v20, v25;
	v25 =	vor.u32 v7, v27  }
0x23d: {  	v17 =	vshll.u32 v17, $0x7;
	v30 =	vshll.u32 v19, $0x3;
	v62 =	vshll.u32 v25, $0x7;
	v25 =	vld [tilespmem:s0+$0x50];
	[tilespmem:v24+s20+$0x0] =	vst.idx.msk $0xffff, v23  }
0x23e: {  	[tilespmem:v16+s20+$0x0] =	vst.idx.msk $0xffff, v26;
	v31 =	vand.u32 $0x7F, v19;
	v27 =	vor.u32 v10, v20;
	v20 =	vand.u32 $0xC00, v30;
	v26 =	vld [tilespmem:s31+$0x4060]  }
0x23f: {  	[tilespmem:v21+s20+$0x0] =	vst.idx.msk $0xffff, v29;
	v21 =	vld [tilespmem:s29+$0x440];
	v18 =	vor.u32 v18, v17;
	v20 =	vor.u32 v20, v62;
	v63 =	vshrl.u32 v22, $0x9  }
0x240: {  	v19 =	vld [tilespmem:s30+$0x420];
	v24 =	vshll.u32 v22, $0x3;
	v20 =	vor.u32 v31, v20;
	v23 =	vand.u32 $0x1, v63  }
0x241: {  	v12 =	vld [tilespmem:s16+$0x470];
	v22 =	vand.u32 $0x7F, v22;
	v20 =	vor.u32 v6, v20;
	v16 =	vor.u32 v5, v23  }
0x242: {  	s6 =	simm.s32 $0x480;
	s3 =	simm.s32 $0x6;
	v17 =	vld [tilespmem:s28+$0x450];
	v23 =	vand.u32 $0xC00, v24;
	v24 =	vshll.u32 v16, $0x7;
	v16 =	vand.u32 $0x7F, v28  }
.LBB2_5:
0x243: {  	s9 =	sadd.s32 $0xFFFFFF80, s6;
	s3 =	sadd.s32 $0x2, s3;
	v28 =	vshrl.u32 v26, $0x9;
	[tilespmem:v27+s20+$0x0] =	vst.idx.msk $0xffff, v25;
	s7 =	sadd.s32 $0x200, s7;
	v23 =	vor.u32 v23, v24;
	v16 =	vor.u32 v16, v18  }
0x244: {  	s15 =	sand.u32 $0x1800, s7;
	s9 =	sand.u32 $0x300, s9;
	p0 =	slt.u32 s3, $0x1E;
	v18 =	vand.u32 $0x1, v28;
	v24 =	vld [tilespmem:s0+$0x4060];
	v23 =	vor.u32 v22, v23;
	v16 =	vor.u32 v2, v16  }
0x245: {  	v25 =	vshll.u32 v26, $0x3;
	s16 =	sor.u32 s9, s15;
	s9 =	sand.u32 $0x380, s6;
	v18 =	vor.u32 v11, v18;
	v22 =	vld [tilespmem:s0+$0x60];
	v23 =	vor.u32 v4, v23  }
0x246: {  	v14 =	vor.u32 v15, v14;
	v25 =	vand.u32 $0xC00, v25;
	v27 =	vld [tilespmem:s16+$0x4000];
	s9 =	sor.u32 s15, s9;
	v18 =	vshll.u32 v18, $0x7;
	[tilespmem:v20+s20+$0x0] =	vst.idx.msk $0xffff, v21  }
0x247: {  	v15 =	vand.u32 $0x7F, v26;
	s8 =	sadd.s32 $0x4, s8;
	v13 =	vand.u32 $0x7F, v13;
	v18 =	vor.u32 v25, v18;
	v25 =	vld [tilespmem:s29+$0x4450]  }
0x248: {  	s15 =	sadd.s32 $0xFFFFFFFE, s8;
	v21 =	vmov s8;
	v26 =	vld [tilespmem:s9+$0x4000];
	v18 =	vor.u32 v15, v18;
	v15 =	vor.u32 v13, v14  }
0x249: {  	v13 =	vmov s15;
	v14 =	vand.u32 $0x6, v21;
	v28 =	vld [tilespmem:s31+$0x60];
	v18 =	vor.u32 v9, v18;
	[tilespmem:v16+s20+$0x0] =	vst.idx.msk $0xffff, v17  }
0x24a: {  	v30 =	vshll.u32 v21, $0x9;
	v20 =	vand.u32 $0x4, v13;
	v13 =	vshll.u32 v13, $0x9;
	v29 =	vld [tilespmem:s9+$0x0];
	[tilespmem:v23+s20+$0x0] =	vst.idx.msk $0xffff, v19  }
0x24b: {  	v19 =	vand.u32 $0x7000, v13;
	v16 =	vshrl.u32 v27, $0x9;
	v23 =	vand.u32 $0x7F, v27;
	v21 =	vld [tilespmem:s30+$0x4430]  }
0x24c: {  	v17 =	vshll.u32 v27, $0x3;
	v13 =	vand.u32 $0x1, v16;
	v27 =	vshrl.u32 v25, $0x9;
	v16 =	vld [tilespmem:s30+$0x430]  }
0x24d: {  	v31 =	vand.u32 $0xC00, v17;
	v13 =	vor.u32 v20, v13;
	v27 =	vand.u32 $0x1, v27;
	v17 =	vld [tilespmem:s28+$0x4460]  }
0x24e: {  	v32 =	vshll.u32 v13, $0x7;
	[tilespmem:v18+s20+$0x0] =	vst.idx.msk $0xffff, v28;
	v18 =	vor.u32 v7, v27;
	v27 =	vshll.u32 v25, $0x3;
	v13 =	vld [tilespmem:s28+$0x460]  }
0x24f: {  	v28 =	vor.u32 v31, v32;
	v31 =	vld [tilespmem:s31+$0x4070];
	v27 =	vand.u32 $0xC00, v27;
	v18 =	vshll.u32 v18, $0x7  }
0x250: {  	v25 =	vand.u32 $0x7F, v25;
	v23 =	vor.u32 v23, v28;
	v18 =	vor.u32 v27, v18  }
0x251: {  	v28 =	vshrl.u32 v26, $0x9;
	v27 =	vld [tilespmem:s16+$0x0];
	v23 =	vor.u32 v19, v23;
	v18 =	vor.u32 v25, v18  }
0x252: {  	v25 =	vand.u32 $0x1, v28;
	v28 =	vshll.u32 v26, $0x3;
	v32 =	vld [tilespmem:s29+$0x450];
	v33 =	vor.u32 v6, v18  }
0x253: {  	v26 =	vand.u32 $0x7F, v26;
	v25 =	vor.u32 v14, v25;
	v28 =	vand.u32 $0xC00, v28  }
0x254: {  	v18 =	vand.u32 $0x7000, v30;
	v25 =	vshll.u32 v25, $0x7;
	v30 =	vshrl.u32 v31, $0x9  }
0x255: {  	v25 =	vor.u32 v28, v25;
	v28 =	vand.u32 $0x1, v30;
	v30 =	vshrl.u32 v24, $0x9  }
0x256: {  	[tilespmem:v23+s20+$0x0] =	vst.idx.msk $0xffff, v27;
	v23 =	vor.u32 v26, v25;
	v25 =	vor.u32 v11, v28;
	v26 =	vshll.u32 v31, $0x3  }
0x257: {  	v27 =	vld [tilespmem:s16+$0x4010];
	v23 =	vor.u32 v18, v23;
	v26 =	vand.u32 $0xC00, v26;
	v25 =	vshll.u32 v25, $0x7;
	[tilespmem:v33+s20+$0x0] =	vst.idx.msk $0xffff, v32  }
0x258: {  	v28 =	vand.u32 $0x7F, v31;
	v25 =	vor.u32 v26, v25;
	v26 =	vand.u32 $0x1, v30;
	v30 =	vld [tilespmem:s29+$0x4460]  }
0x259: {  	v25 =	vor.u32 v28, v25;
	v26 =	vor.u32 v8, v26;
	v28 =	vshll.u32 v24, $0x3  }
0x25a: {  	v31 =	vld [tilespmem:s31+$0x70];
	v25 =	vor.u32 v9, v25;
	v28 =	vand.u32 $0xC00, v28;
	v26 =	vshll.u32 v26, $0x7  }
0x25b: {  	v24 =	vand.u32 $0x7F, v24;
	v26 =	vor.u32 v28, v26;
	v28 =	vshrl.u32 v21, $0x9  }
0x25c: {  	v32 =	vshrl.u32 v27, $0x9;
	v33 =	vand.u32 $0x7F, v27;
	[tilespmem:v23+s20+$0x0] =	vst.idx.msk $0xffff, v29;
	v23 =	vor.u32 v24, v26  }
0x25d: {  	v26 =	vshll.u32 v27, $0x3;
	v24 =	vand.u32 $0x1, v32;
	v27 =	vld [tilespmem:s9+$0x4010];
	v29 =	vshrl.u32 v30, $0x9  }
0x25e: {  	v26 =	vand.u32 $0xC00, v26;
	v24 =	vor.u32 v20, v24;
	v32 =	vld [tilespmem:s9+$0x10];
	v29 =	vand.u32 $0x1, v29  }
0x25f: {  	v24 =	vshll.u32 v24, $0x7;
	[tilespmem:v25+s20+$0x0] =	vst.idx.msk $0xffff, v31;
	v25 =	vor.u32 v7, v29;
	v29 =	vshll.u32 v30, $0x3  }
0x260: {  	v24 =	vor.u32 v26, v24;
	v26 =	vld [tilespmem:s31+$0x4400];
	v29 =	vand.u32 $0xC00, v29;
	v25 =	vshll.u32 v25, $0x7  }
0x261: {  	v30 =	vand.u32 $0x7F, v30;
	v24 =	vor.u32 v33, v24;
	v25 =	vor.u32 v29, v25  }
0x262: {  	v29 =	vld [tilespmem:s16+$0x10];
	v24 =	vor.u32 v19, v24;
	v31 =	vshrl.u32 v27, $0x9;
	v25 =	vor.u32 v30, v25  }
0x263: {  	v30 =	vand.u32 $0x1, v31;
	v31 =	vshll.u32 v27, $0x3;
	v33 =	vld [tilespmem:s29+$0x460];
	v25 =	vor.u32 v6, v25  }
0x264: {  	v27 =	vand.u32 $0x7F, v27;
	v30 =	vor.u32 v14, v30;
	v31 =	vand.u32 $0xC00, v31  }
0x265: {  	v23 =	vor.u32 v10, v23;
	v30 =	vshll.u32 v30, $0x7;
	v34 =	vshrl.u32 v26, $0x9  }
0x266: {  	v28 =	vand.u32 $0x1, v28;
	v30 =	vor.u32 v31, v30;
	v31 =	vand.u32 $0x1, v34  }
0x267: {  	[tilespmem:v24+s20+$0x0] =	vst.idx.msk $0xffff, v29;
	v24 =	vor.u32 v27, v30;
	v27 =	vor.u32 v11, v31;
	v29 =	vshll.u32 v26, $0x3  }
0x268: {  	v30 =	vld [tilespmem:s16+$0x4020];
	v24 =	vor.u32 v18, v24;
	v29 =	vand.u32 $0xC00, v29;
	v27 =	vshll.u32 v27, $0x7;
	[tilespmem:v25+s20+$0x0] =	vst.idx.msk $0xffff, v33  }
0x269: {  	v28 =	vor.u32 v5, v28;
	v25 =	vand.u32 $0x7F, v26;
	v26 =	vor.u32 v29, v27;
	v27 =	vld [tilespmem:s29+$0x4470]  }
0x26a: {  	v25 =	vor.u32 v25, v26;
	[tilespmem:v23+s20+$0x0] =	vst.idx.msk $0xffff, v22;
	v22 =	vshll.u32 v21, $0x3;
	v23 =	vshll.u32 v28, $0x7  }
0x26b: {  	v21 =	vand.u32 $0x7F, v21;
	v26 =	vld [tilespmem:s31+$0x400];
	v25 =	vor.u32 v9, v25;
	v22 =	vand.u32 $0xC00, v22  }
0x26c: {  	v29 =	vshll.u32 v17, $0x3;
	v28 =	vld [tilespmem:s0+$0x4070];
	v22 =	vor.u32 v22, v23;
	v23 =	vshrl.u32 v17, $0x9  }
0x26d: {  	v31 =	vshrl.u32 v30, $0x9;
	v33 =	vand.u32 $0x7F, v30;
	[tilespmem:v24+s20+$0x0] =	vst.idx.msk $0xffff, v32;
	v24 =	vld [tilespmem:s0+$0x70];
	v21 =	vor.u32 v21, v22  }
0x26e: {  	v30 =	vshll.u32 v30, $0x3;
	v22 =	vand.u32 $0x1, v31;
	v31 =	vld [tilespmem:s9+$0x4020];
	v32 =	vshrl.u32 v27, $0x9  }
0x26f: {  	v30 =	vand.u32 $0xC00, v30;
	v22 =	vor.u32 v20, v22;
	v34 =	vld [tilespmem:s9+$0x20];
	v32 =	vand.u32 $0x1, v32  }
0x270: {  	v22 =	vshll.u32 v22, $0x7;
	[tilespmem:v25+s20+$0x0] =	vst.idx.msk $0xffff, v26;
	v25 =	vor.u32 v7, v32;
	v26 =	vshll.u32 v27, $0x3;
	v7 =	vmovc v11  }
0x271: {  	v11 =	vmovc v20;
	v22 =	vor.u32 v30, v22;
	v30 =	vld [tilespmem:s31+$0x4410];
	v26 =	vand.u32 $0xC00, v26;
	v25 =	vshll.u32 v25, $0x7  }
0x272: {  	v20 =	vor.u32 v33, v22;
	v22 =	vand.u32 $0x7F, v27;
	v25 =	vor.u32 v26, v25  }
0x273: {  	v26 =	vld [tilespmem:s16+$0x20];
	v20 =	vor.u32 v19, v20;
	v27 =	vshrl.u32 v31, $0x9;
	v22 =	vor.u32 v22, v25  }
0x274: {  	v25 =	vand.u32 $0x1, v27;
	v27 =	vshll.u32 v31, $0x3;
	v32 =	vld [tilespmem:s29+$0x470];
	v22 =	vor.u32 v6, v22;
	v6 =	vmovc v9;
	v9 =	vmovc v19;
	s29 =	smov.u32 s31;
	s31 =	smov.u32 s16  }
0x275: {  	v19 =	vor.u32 v14, v25;
	v25 =	vand.u32 $0x7F, v31;
	v27 =	vand.u32 $0xC00, v27  }
0x276: {  	v33 =	vshrl.u32 v28, $0x9;
	v19 =	vshll.u32 v19, $0x7;
	v31 =	vshrl.u32 v30, $0x9  }
0x277: {  	v19 =	vor.u32 v27, v19;
	v27 =	vand.u32 $0x1, v31;
	v31 =	vand.u32 $0x1, v33  }
0x278: {  	[tilespmem:v20+s20+$0x0] =	vst.idx.msk $0xffff, v26;
	v19 =	vor.u32 v25, v19;
	v20 =	vor.u32 v7, v27;
	v25 =	vshll.u32 v30, $0x3  }
0x279: {  	v26 =	vld [tilespmem:s31+$0x4030];
	v19 =	vor.u32 v18, v19;
	v25 =	vand.u32 $0xC00, v25;
	v20 =	vshll.u32 v20, $0x7;
	[tilespmem:v22+s20+$0x0] =	vst.idx.msk $0xffff, v32  }
0x27a: {  	v22 =	vand.u32 $0x7F, v30;
	v20 =	vor.u32 v25, v20;
	v25 =	vor.u32 v8, v31  }
0x27b: {  	v20 =	vor.u32 v22, v20;
	v22 =	vshll.u32 v28, $0x3;
	v25 =	vshll.u32 v25, $0x7  }
0x27c: {  	v28 =	vand.u32 $0x7F, v28;
	v27 =	vld [tilespmem:s29+$0x410];
	v20 =	vor.u32 v6, v20;
	v22 =	vand.u32 $0xC00, v22  }
0x27d: {  	v23 =	vand.u32 $0x1, v23;
	v21 =	vor.u32 v4, v21;
	v22 =	vor.u32 v22, v25  }
0x27e: {  	v25 =	vshrl.u32 v26, $0x9;
	[tilespmem:v19+s20+$0x0] =	vst.idx.msk $0xffff, v34;
	v19 =	vor.u32 v28, v22;
	v22 =	vor.u32 v3, v23  }
0x27f: {  	v23 =	vand.u32 $0x1, v25;
	v25 =	vld [tilespmem:s9+$0x4030];
	v19 =	vor.u32 v10, v19;
	v22 =	vshll.u32 v22, $0x7  }
0x280: {  	v29 =	vand.u32 $0xC00, v29;
	v28 =	vshll.u32 v26, $0x3;
	v23 =	vor.u32 v11, v23;
	v30 =	vld [tilespmem:s9+$0x30]  }
0x281: {  	v28 =	vand.u32 $0xC00, v28;
	v23 =	vshll.u32 v23, $0x7;
	[tilespmem:v20+s20+$0x0] =	vst.idx.msk $0xffff, v27;
	v20 =	vor.u32 v29, v22  }
0x282: {  	v22 =	vand.u32 $0x7F, v26;
	v23 =	vor.u32 v28, v23;
	v26 =	vld [tilespmem:s29+$0x4420];
	[tilespmem:v21+s20+$0x0] =	vst.idx.msk $0xffff, v16;
	v16 =	vand.u32 $0x7F, v17  }
0x283: {  	v15 =	vor.u32 v1, v15;
	v1 =	vmovc v2;
	v17 =	vor.u32 v22, v23;
	v21 =	vld [tilespmem:s30+$0x4440];
	v16 =	vor.u32 v16, v20  }
0x284: {  	v2 =	vmovc v4;
	v20 =	vld [tilespmem:s31+$0x30];
	v17 =	vor.u32 v9, v17;
	v22 =	vshrl.u32 v25, $0x9;
	v23 =	vshll.u32 v25, $0x3;
	[tilespmem:v19+s20+$0x0] =	vst.idx.msk $0xffff, v24  }
0x285: {  	v4 =	vmovc v10;
	v10 =	vmovc v18;
	v19 =	vand.u32 $0x1, v22;
	v22 =	vand.u32 $0x7F, v25;
	v23 =	vand.u32 $0xC00, v23;
	v24 =	vld [tilespmem:s0+$0x4400]  }
0x286: {  	v16 =	vor.u32 v1, v16;
	v18 =	vor.u32 v14, v19;
	v19 =	vld [tilespmem:s0+$0x400]  }
0x287: {  	v18 =	vshll.u32 v18, $0x7;
	v25 =	vshrl.u32 v26, $0x9;
	v27 =	vld [tilespmem:s30+$0x440]  }
0x288: {  	v18 =	vor.u32 v23, v18;
	v23 =	vand.u32 $0x1, v25;
	v25 =	vshrl.u32 v21, $0x9;
	[tilespmem:v15+s20+$0x0] =	vst.idx.msk $0xffff, v12  }
0x289: {  	[tilespmem:v17+s20+$0x0] =	vst.idx.msk $0xffff, v20;
	v12 =	vor.u32 v22, v18;
	v15 =	vor.u32 v7, v23;
	v17 =	vshll.u32 v26, $0x3  }
0x28a: {  	v18 =	vld [tilespmem:s31+$0x4040];
	v20 =	vor.u32 v10, v12;
	v12 =	vand.u32 $0xC00, v17;
	v15 =	vshll.u32 v15, $0x7  }
0x28b: {  	v17 =	vand.u32 $0x7F, v26;
	v12 =	vor.u32 v12, v15;
	v15 =	vshrl.u32 v24, $0x9;
	[tilespmem:v16+s20+$0x0] =	vst.idx.msk $0xffff, v13  }
0x28c: {  	v16 =	vshll.u32 v24, $0x3;
	v12 =	vor.u32 v17, v12;
	v15 =	vand.u32 $0x1, v15;
	v13 =	vld [tilespmem:s28+$0x4470]  }
0x28d: {  	v17 =	vld [tilespmem:s29+$0x420];
	v22 =	vor.u32 v6, v12;
	v12 =	vor.u32 v8, v15;
	v15 =	vand.u32 $0xC00, v16  }
0x28e: {  	v16 =	vand.u32 $0x7F, v24;
	v24 =	vand.u32 $0x1, v25;
	v23 =	vshll.u32 v12, $0x7;
	v12 =	vld [tilespmem:s28+$0x470];
	s28 =	smov.u32 s30;
	s30 =	smov.u32 s0;
	s0 =	smov.u32 s9  }
0x28f: {  	v25 =	vshrl.u32 v18, $0x9;
	[tilespmem:v20+s20+$0x0] =	vst.idx.msk $0xffff, v30;
	v15 =	vor.u32 v15, v23;
	v20 =	vor.u32 v5, v24  }
0x290: {  	v23 =	vand.u32 $0x1, v25;
	v24 =	vld [tilespmem:s0+$0x4040];
	v15 =	vor.u32 v16, v15;
	v16 =	vshll.u32 v21, $0x3  }
0x291: {  	v25 =	vshll.u32 v18, $0x3;
	v23 =	vor.u32 v11, v23;
	v26 =	vld [tilespmem:s0+$0x40];
	v15 =	vor.u32 v4, v15  }
0x292: {  	v25 =	vand.u32 $0xC00, v25;
	v23 =	vshll.u32 v23, $0x7;
	[tilespmem:v22+s20+$0x0] =	vst.idx.msk $0xffff, v17;
	v17 =	vshll.u32 v20, $0x7  }
0x293: {  	v18 =	vand.u32 $0x7F, v18;
	v16 =	vand.u32 $0xC00, v16;
	v20 =	vor.u32 v25, v23;
	v22 =	vld [tilespmem:s29+$0x4430]  }
0x294: {  	v16 =	vor.u32 v16, v17;
	v18 =	vor.u32 v18, v20;
	v20 =	vand.u32 $0x7F, v21  }
0x295: {  	v17 =	vld [tilespmem:s31+$0x40];
	v18 =	vor.u32 v9, v18;
	v21 =	vshrl.u32 v24, $0x9;
	v23 =	vshll.u32 v24, $0x3  }
0x296: {  	v24 =	vand.u32 $0x7F, v24;
	v21 =	vand.u32 $0x1, v21;
	v23 =	vand.u32 $0xC00, v23;
	[tilespmem:v15+s20+$0x0] =	vst.idx.msk $0xffff, v19  }
0x297: {  	v16 =	vor.u32 v20, v16;
	v20 =	vshrl.u32 v13, $0x9;
	v15 =	vor.u32 v14, v21;
	v19 =	vld [tilespmem:s30+$0x4410]  }
0x298: {  	v16 =	vor.u32 v2, v16;
	v15 =	vshll.u32 v15, $0x7;
	v21 =	vshrl.u32 v22, $0x9;
	v28 =	vld [tilespmem:s30+$0x410]  }
0x299: {  	v20 =	vand.u32 $0x1, v20;
	v15 =	vor.u32 v23, v15;
	v21 =	vand.u32 $0x1, v21  }
0x29a: {  	[tilespmem:v18+s20+$0x0] =	vst.idx.msk $0xffff, v17;
	v15 =	vor.u32 v24, v15;
	v17 =	vor.u32 v7, v21;
	v18 =	vshll.u32 v22, $0x3  }
0x29b: {  	v21 =	vld [tilespmem:s31+$0x4050];
	v15 =	vor.u32 v10, v15;
	v18 =	vand.u32 $0xC00, v18;
	v17 =	vshll.u32 v17, $0x7  }
0x29c: {  	v22 =	vand.u32 $0x7F, v22;
	v17 =	vor.u32 v18, v17;
	v18 =	vshrl.u32 v19, $0x9  }
0x29d: {  	v17 =	vor.u32 v22, v17;
	v18 =	vand.u32 $0x1, v18;
	v22 =	vshll.u32 v19, $0x3;
	[tilespmem:v16+s20+$0x0] =	vst.idx.msk $0xffff, v27  }
0x29e: {  	v16 =	vld [tilespmem:s29+$0x430];
	v23 =	vor.u32 v6, v17;
	v17 =	vor.u32 v8, v18;
	v18 =	vand.u32 $0xC00, v22  }
0x29f: {  	v20 =	vor.u32 v3, v20;
	v3 =	vmovc v5;
	v5 =	vmovc v8;
	v19 =	vand.u32 $0x7F, v19;
	v17 =	vshll.u32 v17, $0x7;
	v29 =	vld [tilespmem:s28+$0x4450]  }
0x2a0: {  	v8 =	vmovc v14;
	v22 =	vshrl.u32 v21, $0x9;
	[tilespmem:v15+s20+$0x0] =	vst.idx.msk $0xffff, v26;
	v15 =	vor.u32 v18, v17;
	v17 =	vld [tilespmem:s28+$0x450];
	v18 =	vshll.u32 v13, $0x3  }
0x2a1: {  	v14 =	vshll.u32 v20, $0x7;
	v22 =	vand.u32 $0x1, v22;
	v24 =	vld [tilespmem:s0+$0x4050];
	v15 =	vor.u32 v19, v15  }
0x2a2: {  	v20 =	vshll.u32 v21, $0x3;
	v19 =	vor.u32 v11, v22;
	v25 =	vld [tilespmem:s0+$0x50];
	v22 =	vor.u32 v4, v15  }
0x2a3: {  	v20 =	vand.u32 $0xC00, v20;
	v15 =	vand.u32 $0xC00, v18;
	v19 =	vshll.u32 v19, $0x7;
	[tilespmem:v23+s20+$0x0] =	vst.idx.msk $0xffff, v16  }
0x2a4: {  	v16 =	vand.u32 $0x7F, v21;
	v18 =	vor.u32 v20, v19;
	v20 =	vld [tilespmem:s29+$0x4440];
	v19 =	vshrl.u32 v29, $0x9  }
0x2a5: {  	v16 =	vor.u32 v16, v18;
	v18 =	vand.u32 $0x1, v19;
	v19 =	vshll.u32 v29, $0x3  }
0x2a6: {  	v21 =	vld [tilespmem:s31+$0x50];
	v16 =	vor.u32 v9, v16;
	v23 =	vshrl.u32 v24, $0x9;
	v26 =	vshll.u32 v24, $0x3  }
0x2a7: {  	v24 =	vand.u32 $0x7F, v24;
	v23 =	vand.u32 $0x1, v23;
	v26 =	vand.u32 $0xC00, v26;
	[tilespmem:v22+s20+$0x0] =	vst.idx.msk $0xffff, v28  }
0x2a8: {  	v18 =	vor.u32 v3, v18;
	v22 =	vor.u32 v8, v23;
	v28 =	vld [tilespmem:s30+$0x4420];
	v23 =	vand.u32 $0xC00, v19  }
0x2a9: {  	v18 =	vshll.u32 v18, $0x7;
	v22 =	vshll.u32 v22, $0x7;
	v27 =	vshrl.u32 v20, $0x9;
	v19 =	vld [tilespmem:s30+$0x420]  }
0x2aa: {  	v18 =	vor.u32 v23, v18;
	v22 =	vor.u32 v26, v22;
	v26 =	vand.u32 $0x1, v27  }
0x2ab: {  	[tilespmem:v16+s20+$0x0] =	vst.idx.msk $0xffff, v21;
	v16 =	vor.u32 v24, v22;
	v21 =	vor.u32 v7, v26;
	v22 =	vshll.u32 v20, $0x3  }
.Ltmp3:
0x2ac: {  	v26 =	vld [tilespmem:s31+$0x4060];
	v27 =	vor.u32 v10, v16;
	v16 =	vand.u32 $0xC00, v22;
	v21 =	vshll.u32 v21, $0x7;
	(pc) =	sbr.rel @p0 .LBB2_5-.Ltmp3, $4  }
0x2ad: {  	v20 =	vand.u32 $0x7F, v20;
	v16 =	vor.u32 v16, v21;
	v21 =	vshrl.u32 v28, $0x9  }
0x2ae: {  	v23 =	vshll.u32 v28, $0x3;
	v16 =	vor.u32 v20, v16;
	v22 =	vand.u32 $0x1, v21  }
0x2af: {  	v23 =	vand.u32 $0xC00, v23;
	v21 =	vld [tilespmem:s29+$0x440];
	v20 =	vor.u32 v6, v16;
	v16 =	vor.u32 v5, v22  }
0x2b0: {  	s6 =	sadd.s32 $0x100, s6;
	v22 =	vand.u32 $0x7F, v28;
	v24 =	vshll.u32 v16, $0x7;
	v16 =	vand.u32 $0x7F, v29  }
0x2b1: {  	_ =	sdelay $0x3  }
0x2b2: {  	v28 =	vshrl.u32 v26, $0x9;
	[tilespmem:v27+s20+$0x0] =	vst.idx.msk $0xffff, v25  }
0x2b3: {  	v37 =	vand.u32 $0x1, v28;
	v27 =	vld [tilespmem:s0+$0x4060]  }
0x2b4: {  	v38 =	vshll.u32 v26, $0x3;
	v25 =	vor.u32 v11, v37  }
0x2b5: {  	v28 =	vand.u32 $0xC00, v38;
	v25 =	vshll.u32 v25, $0x7  }
0x2b6: {  	v39 =	vand.u32 $0x7F, v26;
	v25 =	vor.u32 v28, v25  }
0x2b7: {  	v25 =	vor.u32 v39, v25  }
0x2b8: {  	v40 =	vld [tilespmem:s31+$0x60];
	v25 =	vor.u32 v9, v25;
	v41 =	vshrl.u32 v27, $0x9  }
0x2b9: {  	v28 =	vand.u32 $0x1, v41  }
0x2ba: {  	v29 =	vshll.u32 v27, $0x3;
	v28 =	vor.u32 v8, v28  }
0x2bb: {  	v29 =	vand.u32 $0xC00, v29;
	v28 =	vshll.u32 v28, $0x7  }
0x2bc: {  	v42 =	vand.u32 $0x7F, v27;
	v43 =	vor.u32 v29, v28  }
0x2bd: {  	v45 =	vld [tilespmem:s0+$0x60];
	[tilespmem:v25+s20+$0x0] =	vst.idx.msk $0xffff, v40;
	v25 =	vor.u32 v42, v43  }
0x2be: {  	v44 =	vld [tilespmem:s31+$0x4070];
	v25 =	vor.u32 v10, v25;
	_ =	sdelay $0x4  }
0x2bf: {  	v46 =	vshrl.u32 v44, $0x9;
	[tilespmem:v25+s20+$0x0] =	vst.idx.msk $0xffff, v45  }
0x2c0: {  	v28 =	vand.u32 $0x1, v46;
	v49 =	vld [tilespmem:s0+$0x4070]  }
0x2c1: {  	v48 =	vshll.u32 v44, $0x3;
	v47 =	vor.u32 v11, v28  }
0x2c2: {  	v26 =	vand.u32 $0xC00, v48;
	v25 =	vshll.u32 v47, $0x7  }
0x2c3: {  	v27 =	vand.u32 $0x7F, v44;
	v25 =	vor.u32 v26, v25  }
0x2c4: {  	v25 =	vor.u32 v27, v25  }
0x2c5: {  	v50 =	vld [tilespmem:s31+$0x70];
	v25 =	vor.u32 v9, v25;
	v51 =	vshrl.u32 v49, $0x9  }
0x2c6: {  	v27 =	vand.u32 $0x1, v51  }
0x2c7: {  	v52 =	vshll.u32 v49, $0x3;
	v27 =	vor.u32 v8, v27  }
0x2c8: {  	v29 =	vand.u32 $0xC00, v52;
	v27 =	vshll.u32 v27, $0x7  }
0x2c9: {  	v53 =	vand.u32 $0x7F, v49;
	v54 =	vor.u32 v29, v27  }
0x2ca: {  	v56 =	vld [tilespmem:s0+$0x70];
	[tilespmem:v25+s20+$0x0] =	vst.idx.msk $0xffff, v50;
	v25 =	vor.u32 v53, v54  }
0x2cb: {  	v55 =	vld [tilespmem:s31+$0x4400];
	v25 =	vor.u32 v10, v25;
	_ =	sdelay $0x4  }
0x2cc: {  	v57 =	vshrl.u32 v55, $0x9;
	[tilespmem:v25+s20+$0x0] =	vst.idx.msk $0xffff, v56  }
0x2cd: {  	v28 =	vand.u32 $0x1, v57;
	v60 =	vld [tilespmem:s0+$0x4400]  }
0x2ce: {  	v59 =	vshll.u32 v55, $0x3;
	v58 =	vor.u32 v11, v28  }
0x2cf: {  	v26 =	vand.u32 $0xC00, v59;
	v25 =	vshll.u32 v58, $0x7  }
0x2d0: {  	v27 =	vand.u32 $0x7F, v55;
	v25 =	vor.u32 v26, v25  }
0x2d1: {  	v25 =	vor.u32 v27, v25  }
0x2d2: {  	v61 =	vld [tilespmem:s31+$0x400];
	v25 =	vor.u32 v9, v25;
	v62 =	vshrl.u32 v60, $0x9  }
0x2d3: {  	v27 =	vand.u32 $0x1, v62  }
0x2d4: {  	v63 =	vshll.u32 v60, $0x3;
	v27 =	vor.u32 v8, v27  }
0x2d5: {  	v29 =	vand.u32 $0xC00, v63;
	v27 =	vshll.u32 v27, $0x7  }
0x2d6: {  	v31 =	vand.u32 $0x7F, v60;
	v32 =	vor.u32 v29, v27  }
0x2d7: {  	v34 =	vld [tilespmem:s0+$0x400];
	[tilespmem:v25+s20+$0x0] =	vst.idx.msk $0xffff, v61;
	v25 =	vor.u32 v31, v32  }
0x2d8: {  	v33 =	vld [tilespmem:s31+$0x4410];
	v25 =	vor.u32 v10, v25;
	_ =	sdelay $0x4  }
0x2d9: {  	v35 =	vshrl.u32 v33, $0x9;
	[tilespmem:v25+s20+$0x0] =	vst.idx.msk $0xffff, v34  }
0x2da: {  	v28 =	vand.u32 $0x1, v35;
	v38 =	vld [tilespmem:s0+$0x4410]  }
0x2db: {  	v37 =	vshll.u32 v33, $0x3;
	v36 =	vor.u32 v11, v28  }
0x2dc: {  	v26 =	vand.u32 $0xC00, v37;
	v25 =	vshll.u32 v36, $0x7  }
0x2dd: {  	v27 =	vand.u32 $0x7F, v33;
	v25 =	vor.u32 v26, v25  }
0x2de: {  	v25 =	vor.u32 v27, v25  }
0x2df: {  	v39 =	vld [tilespmem:s31+$0x410];
	v25 =	vor.u32 v9, v25;
	v40 =	vshrl.u32 v38, $0x9  }
0x2e0: {  	v27 =	vand.u32 $0x1, v40  }
0x2e1: {  	v41 =	vshll.u32 v38, $0x3;
	v27 =	vor.u32 v8, v27  }
0x2e2: {  	v29 =	vand.u32 $0xC00, v41;
	v27 =	vshll.u32 v27, $0x7  }
0x2e3: {  	v42 =	vand.u32 $0x7F, v38;
	v43 =	vor.u32 v29, v27  }
0x2e4: {  	v45 =	vld [tilespmem:s0+$0x410];
	[tilespmem:v25+s20+$0x0] =	vst.idx.msk $0xffff, v39;
	v25 =	vor.u32 v42, v43  }
0x2e5: {  	v44 =	vld [tilespmem:s31+$0x4420];
	v25 =	vor.u32 v10, v25;
	_ =	sdelay $0x4  }
0x2e6: {  	v46 =	vshrl.u32 v44, $0x9;
	[tilespmem:v25+s20+$0x0] =	vst.idx.msk $0xffff, v45  }
0x2e7: {  	v28 =	vand.u32 $0x1, v46;
	v49 =	vld [tilespmem:s0+$0x4420]  }
0x2e8: {  	v48 =	vshll.u32 v44, $0x3;
	v47 =	vor.u32 v11, v28  }
0x2e9: {  	v26 =	vand.u32 $0xC00, v48;
	v25 =	vshll.u32 v47, $0x7  }
0x2ea: {  	v27 =	vand.u32 $0x7F, v44;
	v25 =	vor.u32 v26, v25  }
0x2eb: {  	v25 =	vor.u32 v27, v25  }
0x2ec: {  	v50 =	vld [tilespmem:s31+$0x420];
	v25 =	vor.u32 v9, v25;
	v51 =	vshrl.u32 v49, $0x9  }
0x2ed: {  	v23 =	vor.u32 v23, v24;
	v52 =	vand.u32 $0x1, v51  }
0x2ee: {  	v22 =	vor.u32 v22, v23;
	v53 =	vshll.u32 v49, $0x3;
	v24 =	vor.u32 v8, v52  }
0x2ef: {  	v22 =	vor.u32 v4, v22;
	v23 =	vand.u32 $0xC00, v53;
	v24 =	vshll.u32 v24, $0x7  }
0x2f0: {  	v54 =	vand.u32 $0x7F, v49;
	v23 =	vor.u32 v23, v24  }
0x2f1: {  	v56 =	vld [tilespmem:s0+$0x420];
	[tilespmem:v25+s20+$0x0] =	vst.idx.msk $0xffff, v50;
	v23 =	vor.u32 v54, v23  }
0x2f2: {  	v55 =	vld [tilespmem:s31+$0x4430];
	v23 =	vor.u32 v10, v23;
	_ =	sdelay $0x1  }
0x2f3: {  	[tilespmem:v22+s20+$0x0] =	vst.idx.msk $0xffff, v19  }
0x2f4: {  	v19 =	vld [tilespmem:s30+$0x4430];
	_ =	sdelay $0x1  }
0x2f5: {  	v57 =	vshrl.u32 v55, $0x9;
	[tilespmem:v23+s20+$0x0] =	vst.idx.msk $0xffff, v56  }
0x2f6: {  	v22 =	vand.u32 $0x1, v57;
	v25 =	vld [tilespmem:s0+$0x4430]  }
0x2f7: {  	v58 =	vshll.u32 v55, $0x3;
	v22 =	vor.u32 v11, v22  }
0x2f8: {  	v59 =	vshrl.u32 v19, $0x9;
	v23 =	vand.u32 $0xC00, v58;
	v22 =	vshll.u32 v22, $0x7  }
0x2f9: {  	v60 =	vand.u32 $0x1, v59;
	v24 =	vand.u32 $0x7F, v55;
	v22 =	vor.u32 v23, v22  }
0x2fa: {  	v61 =	vshll.u32 v19, $0x3;
	v19 =	vand.u32 $0x7F, v19;
	v22 =	vor.u32 v24, v22  }
0x2fb: {  	v62 =	vld [tilespmem:s31+$0x430];
	v23 =	vor.u32 v5, v60;
	v22 =	vor.u32 v9, v22;
	v63 =	vshrl.u32 v25, $0x9  }
0x2fc: {  	[tilespmem:v20+s20+$0x0] =	vst.idx.msk $0xffff, v21;
	v23 =	vshll.u32 v23, $0x7;
	v24 =	vand.u32 $0xC00, v61;
	v30 =	vand.u32 $0x1, v63  }
0x2fd: {  	v31 =	vld [tilespmem:s29+$0x4450];
	v29 =	vor.u32 v24, v23;
	v33 =	vshll.u32 v25, $0x3;
	v32 =	vor.u32 v8, v30  }
0x2fe: {  	v19 =	vor.u32 v19, v29;
	v21 =	vand.u32 $0xC00, v33;
	v20 =	vshll.u32 v32, $0x7  }
0x2ff: {  	v34 =	vld [tilespmem:s30+$0x430];
	v35 =	vand.u32 $0x7F, v25;
	v19 =	vor.u32 v4, v19;
	v20 =	vor.u32 v21, v20  }
0x300: {  	v37 =	vld [tilespmem:s0+$0x430];
	[tilespmem:v22+s20+$0x0] =	vst.idx.msk $0xffff, v62;
	v20 =	vor.u32 v35, v20  }
0x301: {  	v36 =	vld [tilespmem:s31+$0x4440];
	v20 =	vor.u32 v10, v20  }
0x302: {  	v38 =	vshrl.u32 v31, $0x9  }
0x303: {  	v25 =	vand.u32 $0x1, v38  }
0x304: {  	v40 =	vshll.u32 v31, $0x3;
	v39 =	vor.u32 v7, v25;
	[tilespmem:v19+s20+$0x0] =	vst.idx.msk $0xffff, v34  }
0x305: {  	v24 =	vand.u32 $0xC00, v40;
	v19 =	vshll.u32 v39, $0x7;
	v41 =	vld [tilespmem:s30+$0x4440]  }
0x306: {  	v23 =	vand.u32 $0x7F, v31;
	v19 =	vor.u32 v24, v19;
	v42 =	vshrl.u32 v36, $0x9;
	[tilespmem:v20+s20+$0x0] =	vst.idx.msk $0xffff, v37  }
0x307: {  	v19 =	vor.u32 v23, v19;
	v43 =	vand.u32 $0x1, v42;
	v46 =	vld [tilespmem:s0+$0x4440]  }
0x308: {  	v19 =	vor.u32 v6, v19;
	v45 =	vshll.u32 v36, $0x3;
	v44 =	vor.u32 v11, v43  }
0x309: {  	v47 =	vld [tilespmem:s29+$0x450];
	v21 =	vand.u32 $0x7F, v36;
	v22 =	vand.u32 $0xC00, v45;
	v20 =	vshll.u32 v44, $0x7  }
0x30a: {  	v48 =	vshrl.u32 v41, $0x9;
	v51 =	vshll.u32 v41, $0x3;
	v20 =	vor.u32 v22, v20  }
0x30b: {  	v54 =	vand.u32 $0x7F, v41;
	v49 =	vand.u32 $0x1, v48;
	v20 =	vor.u32 v21, v20  }
0x30c: {  	v52 =	vld [tilespmem:s31+$0x440];
	v50 =	vor.u32 v5, v49;
	v20 =	vor.u32 v9, v20;
	v53 =	vshrl.u32 v46, $0x9  }
0x30d: {  	v22 =	vand.u32 $0xC00, v51;
	v21 =	vshll.u32 v50, $0x7;
	v55 =	vand.u32 $0x1, v53  }
0x30e: {  	[tilespmem:v19+s20+$0x0] =	vst.idx.msk $0xffff, v47;
	v21 =	vor.u32 v22, v21;
	v57 =	vshll.u32 v46, $0x3;
	v56 =	vor.u32 v8, v55  }
0x30f: {  	v24 =	vld [tilespmem:s29+$0x4460];
	v19 =	vor.u32 v54, v21;
	v22 =	vand.u32 $0xC00, v57;
	v21 =	vshll.u32 v56, $0x7  }
0x310: {  	v58 =	vld [tilespmem:s30+$0x440];
	v59 =	vand.u32 $0x7F, v46;
	v19 =	vor.u32 v4, v19;
	v21 =	vor.u32 v22, v21  }
0x311: {  	v61 =	vld [tilespmem:s0+$0x440];
	[tilespmem:v20+s20+$0x0] =	vst.idx.msk $0xffff, v52;
	v20 =	vor.u32 v59, v21  }
0x312: {  	v60 =	vld [tilespmem:s31+$0x4450];
	v20 =	vor.u32 v10, v20;
	_ =	sdelay $0x1  }
0x313: {  	v62 =	vshrl.u32 v24, $0x9  }
0x314: {  	v16 =	vor.u32 v16, v18;
	v18 =	vand.u32 $0x1, v62;
	[tilespmem:v19+s20+$0x0] =	vst.idx.msk $0xffff, v58  }
0x315: {  	v16 =	vor.u32 v2, v16;
	v63 =	vshll.u32 v24, $0x3;
	v18 =	vor.u32 v7, v18;
	v19 =	vld [tilespmem:s30+$0x4450]  }
0x316: {  	v23 =	vand.u32 $0xC00, v63;
	v18 =	vshll.u32 v18, $0x7;
	v28 =	vshrl.u32 v60, $0x9;
	[tilespmem:v20+s20+$0x0] =	vst.idx.msk $0xffff, v61  }
0x317: {  	v29 =	vand.u32 $0x7F, v24;
	v18 =	vor.u32 v23, v18;
	v25 =	vand.u32 $0x1, v28;
	v32 =	vld [tilespmem:s0+$0x4450]  }
0x318: {  	v18 =	vor.u32 v29, v18;
	v31 =	vshll.u32 v60, $0x3;
	v30 =	vor.u32 v11, v25  }
0x319: {  	v22 =	vand.u32 $0x7F, v60;
	v33 =	vand.u32 $0xC00, v31;
	v21 =	vshll.u32 v30, $0x7  }
0x31a: {  	v34 =	vshrl.u32 v19, $0x9;
	v36 =	vshll.u32 v19, $0x3;
	v21 =	vor.u32 v33, v21  }
0x31b: {  	v40 =	vand.u32 $0x7F, v19;
	v35 =	vand.u32 $0x1, v34;
	v21 =	vor.u32 v22, v21  }
0x31c: {  	v37 =	vld [tilespmem:s31+$0x450];
	v20 =	vor.u32 v5, v35;
	v21 =	vor.u32 v9, v21;
	v38 =	vshrl.u32 v32, $0x9  }
0x31d: {  	[tilespmem:v16+s20+$0x0] =	vst.idx.msk $0xffff, v17;
	v22 =	vand.u32 $0xC00, v36;
	v20 =	vshll.u32 v20, $0x7;
	v41 =	vand.u32 $0x1, v38  }
0x31e: {  	v42 =	vld [tilespmem:s28+$0x4460];
	v39 =	vor.u32 v22, v20;
	v43 =	vshll.u32 v32, $0x3;
	v19 =	vor.u32 v8, v41  }
0x31f: {  	v45 =	vld [tilespmem:s29+$0x460];
	v16 =	vor.u32 v40, v39;
	v17 =	vand.u32 $0xC00, v43;
	v19 =	vshll.u32 v19, $0x7  }
0x320: {  	v44 =	vld [tilespmem:s30+$0x450];
	v46 =	vand.u32 $0x7F, v32;
	v16 =	vor.u32 v4, v16;
	v17 =	vor.u32 v17, v19  }
0x321: {  	v18 =	vor.u32 v6, v18;
	v47 =	vld [tilespmem:s0+$0x450];
	[tilespmem:v21+s20+$0x0] =	vst.idx.msk $0xffff, v37;
	v17 =	vor.u32 v46, v17  }
0x322: {  	v21 =	vld [tilespmem:s31+$0x4460];
	v17 =	vor.u32 v10, v17  }
0x323: {  	v48 =	vshrl.u32 v42, $0x9  }
0x324: {  	v23 =	vand.u32 $0x1, v48  }
0x325: {  	v14 =	vor.u32 v15, v14;
	v49 =	vshll.u32 v42, $0x3;
	v50 =	vor.u32 v3, v23;
	[tilespmem:v16+s20+$0x0] =	vst.idx.msk $0xffff, v44  }
0x326: {  	v13 =	vand.u32 $0x7F, v13;
	[tilespmem:v18+s20+$0x0] =	vst.idx.msk $0xffff, v45;
	v18 =	vshll.u32 v50, $0x7;
	v16 =	vand.u32 $0xC00, v49;
	v22 =	vld [tilespmem:s30+$0x4460]  }
0x327: {  	v53 =	vand.u32 $0x7F, v42;
	v16 =	vor.u32 v16, v18;
	v52 =	vshrl.u32 v21, $0x9;
	[tilespmem:v17+s20+$0x0] =	vst.idx.msk $0xffff, v47  }
0x328: {  	v13 =	vor.u32 v13, v14;
	v16 =	vor.u32 v53, v16;
	v54 =	vand.u32 $0x1, v52;
	v19 =	vld [tilespmem:s0+$0x4460]  }
0x329: {  	v57 =	vld [tilespmem:s28+$0x460];
	v16 =	vor.u32 v2, v16;
	v56 =	vshll.u32 v21, $0x3;
	v55 =	vor.u32 v11, v54  }
0x32a: {  	v21 =	vand.u32 $0x7F, v21;
	v18 =	vand.u32 $0xC00, v56;
	v17 =	vshll.u32 v55, $0x7  }
0x32b: {  	v58 =	vshrl.u32 v22, $0x9;
	v61 =	vshll.u32 v22, $0x3;
	v17 =	vor.u32 v18, v17  }
0x32c: {  	v28 =	vand.u32 $0x7F, v22;
	v18 =	vand.u32 $0x1, v58;
	v17 =	vor.u32 v21, v17  }
0x32d: {  	v60 =	vld [tilespmem:s31+$0x460];
	v18 =	vor.u32 v5, v18;
	v17 =	vor.u32 v9, v17;
	v62 =	vshrl.u32 v19, $0x9  }
0x32e: {  	v51 =	vld [tilespmem:s29+$0x4470];
	v25 =	vand.u32 $0xC00, v61;
	[tilespmem:v16+s20+$0x0] =	vst.idx.msk $0xffff, v57;
	v18 =	vshll.u32 v18, $0x7;
	v63 =	vand.u32 $0x1, v62  }
0x32f: {  	v31 =	vld [tilespmem:s28+$0x4470];
	v29 =	vshll.u32 v19, $0x3;
	v18 =	vor.u32 v25, v18;
	v30 =	vor.u32 v8, v63  }
0x330: {  	v20 =	vand.u32 $0xC00, v29;
	v16 =	vor.u32 v28, v18;
	v32 =	vshll.u32 v30, $0x7  }
0x331: {  	v33 =	vld [tilespmem:s30+$0x460];
	v35 =	vand.u32 $0x7F, v19;
	v16 =	vor.u32 v4, v16;
	v34 =	vor.u32 v20, v32  }
0x332: {  	v1 =	vor.u32 v1, v13;
	[tilespmem:v17+s20+$0x0] =	vst.idx.msk $0xffff, v60;
	v17 =	vor.u32 v35, v34  }
0x333: {  	v59 =	vshrl.u32 v51, $0x9;
	v41 =	vand.u32 $0x7F, v51;
	v40 =	vld [tilespmem:s0+$0x460];
	v17 =	vor.u32 v10, v17  }
0x334: {  	v24 =	vand.u32 $0x1, v59;
	v37 =	vshll.u32 v51, $0x3;
	v42 =	vshrl.u32 v31, $0x9;
	v38 =	vld [tilespmem:s31+$0x4470]  }
0x335: {  	v36 =	vor.u32 v7, v24;
	v39 =	vand.u32 $0xC00, v37;
	v44 =	vand.u32 $0x1, v42  }
0x336: {  	v7 =	vshll.u32 v36, $0x7;
	v47 =	vshll.u32 v31, $0x3;
	v3 =	vor.u32 v3, v44;
	[tilespmem:v16+s20+$0x0] =	vst.idx.msk $0xffff, v33  }
0x337: {  	v7 =	vor.u32 v39, v7;
	v14 =	vand.u32 $0xC00, v47;
	v3 =	vshll.u32 v3, $0x7;
	v46 =	vld [tilespmem:s30+$0x4470]  }
0x338: {  	v7 =	vor.u32 v41, v7;
	v50 =	vand.u32 $0x7F, v31;
	v3 =	vor.u32 v14, v3;
	[tilespmem:v17+s20+$0x0] =	vst.idx.msk $0xffff, v40  }
0x339: {  	v43 =	vor.u32 v6, v7;
	v3 =	vor.u32 v50, v3;
	v45 =	vshrl.u32 v38, $0x9;
	v49 =	vld [tilespmem:s0+$0x4470]  }
0x33a: {  	v2 =	vor.u32 v2, v3;
	v48 =	vshll.u32 v38, $0x3;
	v7 =	vand.u32 $0x1, v45  }
0x33b: {  	v51 =	vand.u32 $0x7F, v38;
	v7 =	vor.u32 v11, v7;
	v11 =	vand.u32 $0xC00, v48  }
0x33c: {  	v7 =	vshll.u32 v7, $0x7;
	v52 =	vshrl.u32 v46, $0x9;
	v53 =	vshll.u32 v46, $0x3  }
0x33d: {  	v13 =	vand.u32 $0x7F, v46;
	v7 =	vor.u32 v11, v7;
	v3 =	vand.u32 $0x1, v52  }
0x33e: {  	v7 =	vor.u32 v51, v7;
	v3 =	vor.u32 v5, v3;
	v54 =	vshrl.u32 v49, $0x9  }
0x33f: {  	v5 =	vand.u32 $0xC00, v53;
	v7 =	vor.u32 v9, v7;
	v9 =	vand.u32 $0x1, v54  }
0x340: {  	v55 =	vld [tilespmem:s29+$0x470];
	v3 =	vshll.u32 v3, $0x7;
	v57 =	vshll.u32 v49, $0x3;
	v56 =	vor.u32 v8, v9  }
0x341: {  	v59 =	vld [tilespmem:s28+$0x470];
	v3 =	vor.u32 v5, v3;
	v8 =	vand.u32 $0xC00, v57;
	v5 =	vshll.u32 v56, $0x7  }
0x342: {  	v58 =	vld [tilespmem:s31+$0x470];
	v60 =	vand.u32 $0x7F, v49;
	v3 =	vor.u32 v13, v3;
	v5 =	vor.u32 v8, v5  }
0x343: {  	v61 =	vld [tilespmem:s30+$0x470];
	v3 =	vor.u32 v4, v3;
	v62 =	vor.u32 v60, v5  }
0x344: {  	[tilespmem:v1+s20+$0x0] =	vst.idx.msk $0xffff, v12;
	v63 =	vld [tilespmem:s0+$0x470];
	v4 =	vor.u32 v10, v62  }
0x345: {  	[tilespmem:v43+s20+$0x0] =	vst.idx.msk $0xffff, v55  }
0x346: {  	s31 =	sshll.u32 s25, $0x10;
	[tilespmem:v2+s20+$0x0] =	vst.idx.msk $0xffff, v59  }
0x347: {  	s0 =	sadd.s32 s10, s31;
	[tilespmem:v7+s20+$0x0] =	vst.idx.msk $0xffff, v58  }
0x348: {  	s0 =	sshrl.u32 s0, $0x3;
	[tilespmem:v3+s20+$0x0] =	vst.idx.msk $0xffff, v61  }
0x349: {  	p0 =	seq.s32 s25, $0x17;
	s0 =	sadd.s32 s4, s0;
	[tilespmem:v4+s20+$0x0] =	vst.idx.msk $0xffff, v63  }
0x34a: {  	[hbm4b:s0+s5] =	stream.linear.scatter [tilespmem:s20], [sflag:$0x3], $0x8000, $0x38;
	[tilespmem:$0x18000] =	vst v63  }
0x34b: {  	s0 =	sadd.s32 @!p0 s26, s11  }
0x34c: {  	p1 =	seq.s32 @!p0 s25, $0x0;
	s0 =	sshrl.u32 @!p0 s0, $0x3  }
0x34d: {  	s6 =	simm.s32 @!p0 $0x0;
	p1 =	por p0, !p1;
	s3 =	sadd.s32 @!p0 s1, s0  }
0x34e: {  	[tilespmem:s6], [sflag:$0x1] =	stream.linear.gather @!p0 [hbm4b:s3+s6], $0x2000, $0x38;
	[tilespmem:$0x18000] =	vst v63  }
.Ltmp4:
0x34f: {  	_ = 	snop;
	(pc) =	sbr.rel @!p1 .LBB2_8-.Ltmp4, $4  }
0x350: {  	s0 =	sadd.s32 @!p0 s2, s0;
	s3 =	simm.s32 @!p0 $0x4000  }
0x351: {  	[tilespmem:s3], [sflag:$0x1] =	stream.linear.gather @!p0 [hbm4b:s0+s6], $0x2000, $0x38;
	[tilespmem:$0x18000] =	vst v63  }
0x352: {  	s0 =	sshll.u32 @!p0 s25, $0x6  }
0x353: {  	s28 =	sadd.s32 @!p0 s0, s12  }
0x354: {  	_ =	swait.ge [sflag:s23], $0x8000  }
0x355: {  	[sflag:s23] =	ssyncset.done $0x0  }
0x356: {  	s28 =	smov.u32 @p0 s13;
	[sflag:s23] =	ssyncadd.s32 $0xFFFF8000  }
.LBB2_8:
0x357: {  	s0 =	simm.s32 $0x0  }
0x358: {  	s3 =	sand.u32 $0x7000, s0;
	s6 =	sand.u32 $0x300, s0  }
0x359: {  	s3 =	sor.u32 s6, s3  }
0x35a: {  	[tilespmem:s3+$0x10080] =	vst v0  }
0x35b: {  	[tilespmem:s3+$0x10090] =	vst v0  }
0x35c: {  	[tilespmem:s3+$0x100A0] =	vst v0  }
0x35d: {  	[tilespmem:s3+$0x100B0] =	vst v0  }
0x35e: {  	[tilespmem:s3+$0x100C0] =	vst v0  }
0x35f: {  	[tilespmem:s3+$0x100D0] =	vst v0  }
0x360: {  	[tilespmem:s3+$0x100E0] =	vst v0  }
0x361: {  	[tilespmem:s3+$0x100F0] =	vst v0  }
0x362: {  	[tilespmem:s3+$0x10480] =	vst v0  }
0x363: {  	[tilespmem:s3+$0x10490] =	vst v0  }
0x364: {  	[tilespmem:s3+$0x104A0] =	vst v0  }
0x365: {  	[tilespmem:s3+$0x104B0] =	vst v0  }
0x366: {  	[tilespmem:s3+$0x104C0] =	vst v0  }
0x367: {  	[tilespmem:s3+$0x104D0] =	vst v0  }
0x368: {  	[tilespmem:s3+$0x104E0] =	vst v0  }
0x369: {  	[tilespmem:s3+$0x104F0] =	vst v0  }
0x36a: {  	[tilespmem:s3+$0x10880] =	vst v0  }
0x36b: {  	[tilespmem:s3+$0x10890] =	vst v0  }
0x36c: {  	[tilespmem:s3+$0x108A0] =	vst v0  }
0x36d: {  	[tilespmem:s3+$0x108B0] =	vst v0  }
0x36e: {  	[tilespmem:s3+$0x108C0] =	vst v0  }
0x36f: {  	[tilespmem:s3+$0x108D0] =	vst v0  }
0x370: {  	[tilespmem:s3+$0x108E0] =	vst v0  }
0x371: {  	[tilespmem:s3+$0x108F0] =	vst v0  }
0x372: {  	[tilespmem:s3+$0x10000] =	vst v0  }
0x373: {  	[tilespmem:s3+$0x10010] =	vst v0  }
0x374: {  	[tilespmem:s3+$0x10020] =	vst v0  }
0x375: {  	[tilespmem:s3+$0x10030] =	vst v0  }
0x376: {  	[tilespmem:s3+$0x10040] =	vst v0  }
0x377: {  	[tilespmem:s3+$0x10050] =	vst v0  }
0x378: {  	[tilespmem:s3+$0x10060] =	vst v0  }
0x379: {  	[tilespmem:s3+$0x10070] =	vst v0  }
0x37a: {  	[tilespmem:s3+$0x10400] =	vst v0  }
0x37b: {  	[tilespmem:s3+$0x10410] =	vst v0  }
0x37c: {  	[tilespmem:s3+$0x10420] =	vst v0  }
0x37d: {  	[tilespmem:s3+$0x10430] =	vst v0  }
0x37e: {  	[tilespmem:s3+$0x10440] =	vst v0  }
0x37f: {  	[tilespmem:s3+$0x10450] =	vst v0  }
0x380: {  	[tilespmem:s3+$0x10460] =	vst v0  }
0x381: {  	[tilespmem:s3+$0x10470] =	vst v0  }
0x382: {  	s29 =	sand.u32 $0x3, s0;
	[tilespmem:s3+$0x10800] =	vst v0  }
0x383: {  	s6 =	sshll.u32 s29, $0x8;
	[tilespmem:s3+$0x10810] =	vst v0  }
0x384: {  	s6 =	sadd.s32 $0x0, s6;
	[tilespmem:s3+$0x10820] =	vst v0  }
0x385: {  	[tilespmem:s3+$0x10830] =	vst v0;
	s7 =	sadd.s32 $0x80, s6;
	s18 =	sor.u32 $0xC00, s6  }
0x386: {  	s8 =	sor.u32 $0xC00, s7;
	[tilespmem:s18+$0x10000] =	vst v0  }
0x387: {  	[tilespmem:s8+$0x10000] =	vst v0  }
0x388: {  	[tilespmem:s3+$0x10840] =	vst v0  }
0x389: {  	[tilespmem:s3+$0x10850] =	vst v0  }
0x38a: {  	[tilespmem:s3+$0x10860] =	vst v0  }
0x38b: {  	s30 =	sor.u32 $0xC10, s7;
	[tilespmem:s3+$0x10870] =	vst v0  }
0x38c: {  	s22 =	sor.u32 $0xC10, s6;
	[tilespmem:s30+$0x10000] =	vst v0  }
0x38d: {  	s31 =	sor.u32 $0xC20, s7;
	[tilespmem:s22+$0x10000] =	vst v0  }
0x38e: {  	s24 =	sor.u32 $0xC20, s6;
	[tilespmem:s31+$0x10000] =	vst v0  }
0x38f: {  	s9 =	sor.u32 $0xC30, s7;
	[tilespmem:s24+$0x10000] =	vst v0  }
0x390: {  	s29 =	sor.u32 $0xC30, s6;
	[tilespmem:s9+$0x10000] =	vst v0  }
0x391: {  	s15 =	sor.u32 $0xC40, s7;
	[tilespmem:s29+$0x10000] =	vst v0  }
0x392: {  	s30 =	sor.u32 $0xC40, s6;
	[tilespmem:s15+$0x10000] =	vst v0  }
0x393: {  	s16 =	sor.u32 $0xC50, s7;
	[tilespmem:s30+$0x10000] =	vst v0  }
0x394: {  	s31 =	sor.u32 $0xC50, s6;
	[tilespmem:s16+$0x10000] =	vst v0  }
0x395: {  	s17 =	sor.u32 $0xC60, s7;
	[tilespmem:s31+$0x10000] =	vst v0  }
0x396: {  	s7 =	sor.u32 $0xC70, s7;
	s3 =	simm.s32 $0x0;
	s9 =	sor.u32 $0xC70, s6;
	[tilespmem:s17+$0x10000] =	vst v0  }
0x397: {  	s15 =	sor.u32 $0xC60, s6;
	s6 =	simm.s32 $0x100;
	[tilespmem:s7+$0x10000] =	vst v0;
	s7 =	simm.s32 $0x400  }
.LBB2_9:
0x398: {  	s8 =	sand.u32 $0x7000, s7;
	s16 =	sand.u32 $0x300, s6;
	[tilespmem:s15+$0x10000] =	vst v0  }
0x399: {  	s8 =	sor.u32 s16, s8;
	[tilespmem:s9+$0x10000] =	vst v0  }
0x39a: {  	[tilespmem:s8+$0x10080] =	vst v0  }
0x39b: {  	[tilespmem:s8+$0x10090] =	vst v0  }
0x39c: {  	[tilespmem:s8+$0x100A0] =	vst v0  }
0x39d: {  	[tilespmem:s8+$0x100B0] =	vst v0  }
0x39e: {  	[tilespmem:s8+$0x100C0] =	vst v0  }
0x39f: {  	[tilespmem:s8+$0x100D0] =	vst v0  }
0x3a0: {  	[tilespmem:s8+$0x100E0] =	vst v0  }
0x3a1: {  	[tilespmem:s8+$0x100F0] =	vst v0  }
0x3a2: {  	[tilespmem:s8+$0x10480] =	vst v0  }
0x3a3: {  	[tilespmem:s8+$0x10490] =	vst v0  }
0x3a4: {  	[tilespmem:s8+$0x104A0] =	vst v0  }
0x3a5: {  	[tilespmem:s8+$0x104B0] =	vst v0  }
0x3a6: {  	[tilespmem:s8+$0x104C0] =	vst v0  }
0x3a7: {  	[tilespmem:s8+$0x104D0] =	vst v0  }
0x3a8: {  	[tilespmem:s8+$0x104E0] =	vst v0  }
0x3a9: {  	[tilespmem:s8+$0x104F0] =	vst v0  }
0x3aa: {  	[tilespmem:s8+$0x10880] =	vst v0  }
0x3ab: {  	[tilespmem:s8+$0x10890] =	vst v0  }
0x3ac: {  	s0 =	sadd.s32 $0x1, s0;
	[tilespmem:s8+$0x108A0] =	vst v0  }
0x3ad: {  	s9 =	sand.u32 $0x3, s0;
	[tilespmem:s8+$0x108B0] =	vst v0  }
0x3ae: {  	s9 =	sshll.u32 s9, $0x8;
	[tilespmem:s8+$0x108C0] =	vst v0  }
0x3af: {  	s9 =	sadd.s32 s9, s7;
	[tilespmem:s8+$0x108D0] =	vst v0  }
0x3b0: {  	s24 =	sor.u32 $0xC00, s9;
	s16 =	sor.u32 $0xC10, s9;
	s17 =	sadd.s32 $0x80, s9;
	[tilespmem:s8+$0x108E0] =	vst v0  }
0x3b1: {  	s30 =	sor.u32 $0xC20, s9;
	s29 =	sor.u32 $0xC30, s9;
	s15 =	sor.u32 $0xC00, s17;
	[tilespmem:s8+$0x108F0] =	vst v0  }
0x3b2: {  	s22 =	sor.u32 $0xC40, s9;
	s31 =	sor.u32 $0xC50, s9;
	s18 =	sor.u32 $0xC10, s17;
	[tilespmem:s15+$0x10000] =	vst v0  }
0x3b3: {  	s15 =	sor.u32 $0xC60, s9;
	s9 =	sor.u32 $0xC70, s9;
	[tilespmem:s18+$0x10000] =	vst v0;
	s18 =	sor.u32 $0xC20, s17  }
0x3b4: {  	s3 =	sadd.s32 $0x2, s3;
	[tilespmem:s18+$0x10000] =	vst v0;
	s18 =	sor.u32 $0xC30, s17  }
0x3b5: {  	p1 =	slt.u32 s3, $0x3E;
	[tilespmem:s18+$0x10000] =	vst v0;
	s18 =	sor.u32 $0xC40, s17  }
0x3b6: {  	[tilespmem:s18+$0x10000] =	vst v0;
	s18 =	sor.u32 $0xC50, s17  }
0x3b7: {  	[tilespmem:s18+$0x10000] =	vst v0;
	s18 =	sor.u32 $0xC60, s17  }
0x3b8: {  	s17 =	sor.u32 $0xC70, s17;
	[tilespmem:s18+$0x10000] =	vst v0  }
0x3b9: {  	[tilespmem:s17+$0x10000] =	vst v0  }
0x3ba: {  	[tilespmem:s8+$0x10000] =	vst v0  }
0x3bb: {  	[tilespmem:s8+$0x10010] =	vst v0  }
0x3bc: {  	[tilespmem:s8+$0x10020] =	vst v0  }
0x3bd: {  	[tilespmem:s8+$0x10030] =	vst v0  }
0x3be: {  	[tilespmem:s8+$0x10040] =	vst v0  }
0x3bf: {  	[tilespmem:s8+$0x10050] =	vst v0  }
0x3c0: {  	[tilespmem:s8+$0x10060] =	vst v0  }
0x3c1: {  	[tilespmem:s8+$0x10070] =	vst v0  }
0x3c2: {  	[tilespmem:s8+$0x10400] =	vst v0  }
0x3c3: {  	[tilespmem:s8+$0x10410] =	vst v0  }
0x3c4: {  	[tilespmem:s8+$0x10420] =	vst v0  }
0x3c5: {  	[tilespmem:s8+$0x10430] =	vst v0  }
0x3c6: {  	[tilespmem:s8+$0x10440] =	vst v0  }
0x3c7: {  	[tilespmem:s8+$0x10450] =	vst v0  }
0x3c8: {  	[tilespmem:s8+$0x10460] =	vst v0  }
0x3c9: {  	[tilespmem:s8+$0x10470] =	vst v0  }
0x3ca: {  	[tilespmem:s8+$0x10800] =	vst v0  }
0x3cb: {  	[tilespmem:s8+$0x10810] =	vst v0  }
0x3cc: {  	[tilespmem:s8+$0x10820] =	vst v0  }
0x3cd: {  	[tilespmem:s8+$0x10830] =	vst v0  }
0x3ce: {  	[tilespmem:s24+$0x10000] =	vst v0  }
0x3cf: {  	[tilespmem:s8+$0x10840] =	vst v0  }
0x3d0: {  	[tilespmem:s8+$0x10850] =	vst v0  }
0x3d1: {  	[tilespmem:s8+$0x10860] =	vst v0  }
0x3d2: {  	[tilespmem:s8+$0x10870] =	vst v0  }
.Ltmp5:
0x3d3: {  	[tilespmem:s16+$0x10000] =	vst v0;
	(pc) =	sbr.rel @p1 .LBB2_9-.Ltmp5, $4  }
0x3d4: {  	[tilespmem:s30+$0x10000] =	vst v0  }
0x3d5: {  	[tilespmem:s29+$0x10000] =	vst v0  }
0x3d6: {  	[tilespmem:s22+$0x10000] =	vst v0  }
0x3d7: {  	s6 =	sadd.s32 $0x100, s6;
	s7 =	sadd.s32 $0x400, s7;
	[tilespmem:s31+$0x10000] =	vst v0  }
0x3d8: {  	[tilespmem:s15+$0x10000] =	vst v0  }
0x3d9: {  	s0 =	simm.s32 $0x2;
	[tilespmem:s9+$0x10000] =	vst v0  }
0x3da: {  	_ =	swait.ge [sflag:s0], $0x2000  }
0x3db: {  	[sflag:s0] =	ssyncset.done $0x0  }
0x3dc: {  	[sflag:s0] =	ssyncadd.s32 $0xFFFFE000  }
0x3dd: {  	s3 =	simm.s32 $0x0;
	s6 =	simm.s32 $0x0;
	_ =	swait.ge [sflag:s0], $0x2000  }
0x3de: {  	s3 =	sand.u32 $0x1800, s3;
	s6 =	sand.u32 $0x300, s6;
	[sflag:s0] =	ssyncset.done $0x0  }
0x3df: {  	s16 =	sor.u32 s6, s3;
	[sflag:s0] =	ssyncadd.s32 $0xFFFFE000  }
0x3e0: {  	v1 =	vld [tilespmem:s16+$0x6000];
	_ =	sdelay $0x3  }
0x3e1: {  	s7 =	simm.s32 $0x0  }
0x3e2: {  	v2 =	vmov s7;
	v3 =	vshrl.u32 v1, $0x9  }
0x3e3: {  	v9 =	vand.u32 $0x4, v2;
	v3 =	vand.u32 $0x1, v3  }
0x3e4: {  	v4 =	vshll.u32 v1, $0x3;
	v3 =	vor.u32 v9, v3  }
0x3e5: {  	v4 =	vand.u32 $0xC00, v4;
	v3 =	vshll.u32 v3, $0x7  }
0x3e6: {  	v2 =	vshll.u32 v2, $0x9;
	v1 =	vand.u32 $0x7F, v1;
	v3 =	vor.u32 v4, v3  }
0x3e7: {  	v8 =	vand.u32 $0x7000, v2;
	v1 =	vor.u32 v1, v3  }
0x3e8: {  	v2 =	vld [tilespmem:s16+$0x2000];
	v1 =	vor.u32 v8, v1;
	_ =	sdelay $0x4  }
0x3e9: {  	[tilespmem:v1+s21+$0x0] =	vst.idx.msk $0xffff, v2  }
0x3ea: {  	v1 =	vld [tilespmem:s16+$0x6010];
	_ =	sdelay $0x4  }
0x3eb: {  	v2 =	vshrl.u32 v1, $0x9  }
0x3ec: {  	v2 =	vand.u32 $0x1, v2  }
0x3ed: {  	v3 =	vshll.u32 v1, $0x3;
	v2 =	vor.u32 v9, v2  }
0x3ee: {  	v3 =	vand.u32 $0xC00, v3;
	v2 =	vshll.u32 v2, $0x7  }
0x3ef: {  	v1 =	vand.u32 $0x7F, v1;
	v2 =	vor.u32 v3, v2  }
0x3f0: {  	v1 =	vor.u32 v1, v2  }
0x3f1: {  	v2 =	vld [tilespmem:s16+$0x2010];
	v1 =	vor.u32 v8, v1;
	_ =	sdelay $0x4  }
0x3f2: {  	[tilespmem:v1+s21+$0x0] =	vst.idx.msk $0xffff, v2  }
0x3f3: {  	v1 =	vld [tilespmem:s16+$0x6020];
	_ =	sdelay $0x4  }
0x3f4: {  	v2 =	vshrl.u32 v1, $0x9  }
0x3f5: {  	v2 =	vand.u32 $0x1, v2  }
0x3f6: {  	s8 =	simm.s32 $0x80;
	v3 =	vshll.u32 v1, $0x3;
	v2 =	vor.u32 v9, v2  }
0x3f7: {  	s6 =	sand.u32 $0x380, s8;
	v3 =	vand.u32 $0xC00, v3;
	v2 =	vshll.u32 v2, $0x7  }
0x3f8: {  	s6 =	sor.u32 s3, s6;
	v1 =	vand.u32 $0x7F, v1;
	v2 =	vor.u32 v3, v2  }
0x3f9: {  	v3 =	vld [tilespmem:s6+$0x6000];
	v1 =	vor.u32 v1, v2  }
0x3fa: {  	v2 =	vld [tilespmem:s16+$0x2020];
	v1 =	vor.u32 v8, v1;
	_ =	sdelay $0x3  }
0x3fb: {  	v4 =	vmov s0;
	v5 =	vshrl.u32 v3, $0x9  }
0x3fc: {  	v12 =	vand.u32 $0x6, v4;
	v5 =	vand.u32 $0x1, v5;
	[tilespmem:v1+s21+$0x0] =	vst.idx.msk $0xffff, v2  }
0x3fd: {  	v1 =	vshll.u32 v3, $0x3;
	v2 =	vor.u32 v12, v5;
	v5 =	vld [tilespmem:s16+$0x6030]  }
0x3fe: {  	v1 =	vand.u32 $0xC00, v1;
	v2 =	vshll.u32 v2, $0x7  }
0x3ff: {  	v4 =	vshll.u32 v4, $0x9;
	v3 =	vand.u32 $0x7F, v3;
	v2 =	vor.u32 v1, v2  }
0x400: {  	v1 =	vand.u32 $0x7000, v4;
	v2 =	vor.u32 v3, v2  }
0x401: {  	v3 =	vld [tilespmem:s6+$0x2000];
	v2 =	vor.u32 v1, v2  }
0x402: {  	v4 =	vshrl.u32 v5, $0x9  }
0x403: {  	v4 =	vand.u32 $0x1, v4  }
0x404: {  	v6 =	vshll.u32 v5, $0x3;
	v4 =	vor.u32 v9, v4  }
0x405: {  	v6 =	vand.u32 $0xC00, v6;
	v4 =	vshll.u32 v4, $0x7  }
0x406: {  	[tilespmem:v2+s21+$0x0] =	vst.idx.msk $0xffff, v3;
	v2 =	vand.u32 $0x7F, v5;
	v3 =	vor.u32 v6, v4  }
0x407: {  	v4 =	vld [tilespmem:s6+$0x6010];
	v2 =	vor.u32 v2, v3  }
0x408: {  	v3 =	vld [tilespmem:s16+$0x2030];
	v2 =	vor.u32 v8, v2;
	_ =	sdelay $0x3  }
0x409: {  	v5 =	vshrl.u32 v4, $0x9  }
0x40a: {  	v5 =	vand.u32 $0x1, v5;
	[tilespmem:v2+s21+$0x0] =	vst.idx.msk $0xffff, v3  }
0x40b: {  	v2 =	vshll.u32 v4, $0x3;
	v3 =	vor.u32 v12, v5;
	v5 =	vld [tilespmem:s16+$0x6040]  }
0x40c: {  	v2 =	vand.u32 $0xC00, v2;
	v3 =	vshll.u32 v3, $0x7  }
0x40d: {  	v4 =	vand.u32 $0x7F, v4;
	v2 =	vor.u32 v2, v3  }
0x40e: {  	v2 =	vor.u32 v4, v2  }
0x40f: {  	v3 =	vld [tilespmem:s6+$0x2010];
	v2 =	vor.u32 v1, v2  }
0x410: {  	v4 =	vshrl.u32 v5, $0x9  }
0x411: {  	v4 =	vand.u32 $0x1, v4  }
0x412: {  	v6 =	vshll.u32 v5, $0x3;
	v4 =	vor.u32 v9, v4  }
0x413: {  	v6 =	vand.u32 $0xC00, v6;
	v4 =	vshll.u32 v4, $0x7  }
0x414: {  	[tilespmem:v2+s21+$0x0] =	vst.idx.msk $0xffff, v3;
	v2 =	vand.u32 $0x7F, v5;
	v3 =	vor.u32 v6, v4  }
0x415: {  	v4 =	vld [tilespmem:s6+$0x6020];
	v2 =	vor.u32 v2, v3  }
0x416: {  	v3 =	vld [tilespmem:s16+$0x2040];
	v2 =	vor.u32 v8, v2;
	_ =	sdelay $0x3  }
0x417: {  	v5 =	vshrl.u32 v4, $0x9  }
0x418: {  	v5 =	vand.u32 $0x1, v5;
	[tilespmem:v2+s21+$0x0] =	vst.idx.msk $0xffff, v3  }
0x419: {  	v2 =	vshll.u32 v4, $0x3;
	v3 =	vor.u32 v12, v5;
	v5 =	vld [tilespmem:s16+$0x6050]  }
0x41a: {  	v2 =	vand.u32 $0xC00, v2;
	v3 =	vshll.u32 v3, $0x7  }
0x41b: {  	v4 =	vand.u32 $0x7F, v4;
	v2 =	vor.u32 v2, v3  }
0x41c: {  	v2 =	vor.u32 v4, v2  }
0x41d: {  	v3 =	vld [tilespmem:s6+$0x2020];
	v2 =	vor.u32 v1, v2  }
0x41e: {  	v4 =	vshrl.u32 v5, $0x9  }
0x41f: {  	v4 =	vand.u32 $0x1, v4  }
0x420: {  	v6 =	vshll.u32 v5, $0x3;
	v4 =	vor.u32 v9, v4  }
0x421: {  	v6 =	vand.u32 $0xC00, v6;
	v4 =	vshll.u32 v4, $0x7  }
0x422: {  	[tilespmem:v2+s21+$0x0] =	vst.idx.msk $0xffff, v3;
	v2 =	vand.u32 $0x7F, v5;
	v3 =	vor.u32 v6, v4  }
0x423: {  	v4 =	vld [tilespmem:s6+$0x6030];
	v2 =	vor.u32 v2, v3  }
0x424: {  	v3 =	vld [tilespmem:s16+$0x2050];
	v2 =	vor.u32 v8, v2;
	_ =	sdelay $0x3  }
0x425: {  	v5 =	vshrl.u32 v4, $0x9  }
0x426: {  	v5 =	vand.u32 $0x1, v5;
	[tilespmem:v2+s21+$0x0] =	vst.idx.msk $0xffff, v3  }
0x427: {  	v2 =	vshll.u32 v4, $0x3;
	v3 =	vor.u32 v12, v5;
	v5 =	vld [tilespmem:s16+$0x6060]  }
0x428: {  	s15 =	simm.s32 $0x200;
	s9 =	simm.s32 $0x100;
	v2 =	vand.u32 $0xC00, v2;
	v3 =	vshll.u32 v3, $0x7  }
0x429: {  	s3 =	sand.u32 $0x1800, s15;
	s0 =	sand.u32 $0x300, s9;
	v4 =	vand.u32 $0x7F, v4;
	v2 =	vor.u32 v2, v3  }
0x42a: {  	s7 =	sor.u32 s0, s3;
	v3 =	vld [tilespmem:s6+$0x2030];
	v2 =	vor.u32 v4, v2  }
0x42b: {  	v4 =	vld [tilespmem:s7+$0x6000];
	v2 =	vor.u32 v1, v2  }
0x42c: {  	v6 =	vshrl.u32 v5, $0x9  }
0x42d: {  	v6 =	vand.u32 $0x1, v6  }
0x42e: {  	v7 =	vshll.u32 v5, $0x3;
	v6 =	vor.u32 v9, v6  }
0x42f: {  	s17 =	simm.s32 $0x4;
	v7 =	vand.u32 $0xC00, v7;
	v6 =	vshll.u32 v6, $0x7  }
0x430: {  	[tilespmem:v2+s21+$0x0] =	vst.idx.msk $0xffff, v3;
	v2 =	vand.u32 $0x7F, v5;
	v3 =	vmov s17;
	v5 =	vshrl.u32 v4, $0x9  }
0x431: {  	v10 =	vld [tilespmem:s6+$0x6040];
	v6 =	vor.u32 v7, v6;
	v14 =	vand.u32 $0x4, v3;
	v5 =	vand.u32 $0x1, v5  }
0x432: {  	s18 =	simm.s32 $0x180;
	v2 =	vor.u32 v2, v6;
	v6 =	vshll.u32 v4, $0x3;
	v5 =	vor.u32 v14, v5  }
0x433: {  	s0 =	sand.u32 $0x380, s18;
	v7 =	vld [tilespmem:s16+$0x2060];
	v2 =	vor.u32 v8, v2;
	v6 =	vand.u32 $0xC00, v6;
	v5 =	vshll.u32 v5, $0x7  }
0x434: {  	s29 =	sor.u32 s3, s0;
	v3 =	vshll.u32 v3, $0x9;
	v4 =	vand.u32 $0x7F, v4;
	v5 =	vor.u32 v6, v5  }
0x435: {  	v13 =	vand.u32 $0x7000, v3;
	v6 =	vld [tilespmem:s29+$0x6000];
	v3 =	vor.u32 v4, v5  }
0x436: {  	v5 =	vld [tilespmem:s7+$0x2000];
	v4 =	vshrl.u32 v10, $0x9;
	v11 =	vor.u32 v13, v3  }
0x437: {  	v3 =	vand.u32 $0x1, v4  }
0x438: {  	v4 =	vshll.u32 v10, $0x3;
	v3 =	vor.u32 v12, v3;
	[tilespmem:v2+s21+$0x0] =	vst.idx.msk $0xffff, v7  }
0x439: {  	s22 =	simm.s32 $0x6;
	v2 =	vand.u32 $0x7F, v10;
	v4 =	vand.u32 $0xC00, v4;
	v3 =	vshll.u32 v3, $0x7;
	v7 =	vld [tilespmem:s16+$0x6070]  }
0x43a: {  	v10 =	vshrl.u32 v6, $0x9;
	v3 =	vor.u32 v4, v3;
	v4 =	vmov s22  }
0x43b: {  	v15 =	vld [tilespmem:s6+$0x2040];
	v10 =	vand.u32 $0x1, v10;
	v2 =	vor.u32 v2, v3;
	v3 =	vand.u32 $0x6, v4;
	[tilespmem:v11+s21+$0x0] =	vst.idx.msk $0xffff, v5  }
0x43c: {  	v5 =	vor.u32 v1, v2;
	v2 =	vshll.u32 v6, $0x3;
	v10 =	vor.u32 v3, v10;
	v11 =	vld [tilespmem:s7+$0x6010]  }
0x43d: {  	v4 =	vshll.u32 v4, $0x9;
	v2 =	vand.u32 $0xC00, v2;
	v10 =	vshll.u32 v10, $0x7  }
0x43e: {  	v6 =	vand.u32 $0x7F, v6;
	v16 =	vshrl.u32 v7, $0x9;
	v10 =	vor.u32 v2, v10  }
0x43f: {  	v2 =	vand.u32 $0x7000, v4;
	v4 =	vand.u32 $0x1, v16;
	v6 =	vor.u32 v6, v10  }
0x440: {  	v10 =	vld [tilespmem:s29+$0x2000];
	v16 =	vshll.u32 v7, $0x3;
	v4 =	vor.u32 v9, v4;
	v6 =	vor.u32 v2, v6  }
0x441: {  	[tilespmem:v5+s21+$0x0] =	vst.idx.msk $0xffff, v15;
	v5 =	vand.u32 $0xC00, v16;
	v4 =	vshll.u32 v4, $0x7;
	v15 =	vshrl.u32 v11, $0x9  }
0x442: {  	v7 =	vand.u32 $0x7F, v7;
	v16 =	vld [tilespmem:s6+$0x6050];
	v4 =	vor.u32 v5, v4;
	v5 =	vand.u32 $0x1, v15  }
0x443: {  	v4 =	vor.u32 v7, v4;
	v7 =	vshll.u32 v11, $0x3;
	v5 =	vor.u32 v14, v5  }
0x444: {  	v15 =	vld [tilespmem:s16+$0x2070];
	v4 =	vor.u32 v8, v4;
	v7 =	vand.u32 $0xC00, v7;
	v5 =	vshll.u32 v5, $0x7  }
0x445: {  	v11 =	vand.u32 $0x7F, v11;
	[tilespmem:v6+s21+$0x0] =	vst.idx.msk $0xffff, v10;
	v5 =	vor.u32 v7, v5  }
0x446: {  	v6 =	vld [tilespmem:s29+$0x6010];
	v5 =	vor.u32 v11, v5  }
0x447: {  	v10 =	vld [tilespmem:s7+$0x2010];
	v7 =	vshrl.u32 v16, $0x9;
	v5 =	vor.u32 v13, v5  }
0x448: {  	v7 =	vand.u32 $0x1, v7  }
0x449: {  	v11 =	vshll.u32 v16, $0x3;
	v7 =	vor.u32 v12, v7;
	[tilespmem:v4+s21+$0x0] =	vst.idx.msk $0xffff, v15  }
0x44a: {  	v4 =	vand.u32 $0xC00, v11;
	v7 =	vshll.u32 v7, $0x7;
	v11 =	vld [tilespmem:s16+$0x6400]  }
0x44b: {  	v15 =	vand.u32 $0x7F, v16;
	v4 =	vor.u32 v4, v7;
	v7 =	vshrl.u32 v6, $0x9  }
0x44c: {  	v16 =	vld [tilespmem:s6+$0x2050];
	v4 =	vor.u32 v15, v4;
	v7 =	vand.u32 $0x1, v7;
	[tilespmem:v5+s21+$0x0] =	vst.idx.msk $0xffff, v10  }
0x44d: {  	v5 =	vshll.u32 v6, $0x3;
	v4 =	vor.u32 v1, v4;
	v7 =	vor.u32 v3, v7;
	v10 =	vld [tilespmem:s7+$0x6020]  }
0x44e: {  	v5 =	vand.u32 $0xC00, v5;
	v7 =	vshll.u32 v7, $0x7  }
0x44f: {  	v6 =	vand.u32 $0x7F, v6;
	v15 =	vshrl.u32 v11, $0x9;
	v5 =	vor.u32 v5, v7  }
0x450: {  	v7 =	vand.u32 $0x1, v15;
	v5 =	vor.u32 v6, v5  }
0x451: {  	v6 =	vld [tilespmem:s29+$0x2010];
	v15 =	vshll.u32 v11, $0x3;
	v7 =	vor.u32 v9, v7;
	v5 =	vor.u32 v2, v5  }
0x452: {  	[tilespmem:v4+s21+$0x0] =	vst.idx.msk $0xffff, v16;
	v4 =	vand.u32 $0xC00, v15;
	v7 =	vshll.u32 v7, $0x7;
	v15 =	vshrl.u32 v10, $0x9  }
0x453: {  	v11 =	vand.u32 $0x7F, v11;
	v16 =	vld [tilespmem:s6+$0x6060];
	v4 =	vor.u32 v4, v7;
	v7 =	vand.u32 $0x1, v15  }
0x454: {  	v4 =	vor.u32 v11, v4;
	v11 =	vshll.u32 v10, $0x3;
	v7 =	vor.u32 v14, v7  }
0x455: {  	v15 =	vld [tilespmem:s16+$0x2400];
	v4 =	vor.u32 v8, v4;
	v11 =	vand.u32 $0xC00, v11;
	v7 =	vshll.u32 v7, $0x7  }
0x456: {  	v10 =	vand.u32 $0x7F, v10;
	[tilespmem:v5+s21+$0x0] =	vst.idx.msk $0xffff, v6;
	v5 =	vor.u32 v11, v7  }
0x457: {  	v6 =	vld [tilespmem:s29+$0x6020];
	v5 =	vor.u32 v10, v5  }
0x458: {  	v10 =	vld [tilespmem:s7+$0x2020];
	v7 =	vshrl.u32 v16, $0x9;
	v5 =	vor.u32 v13, v5  }
0x459: {  	v7 =	vand.u32 $0x1, v7  }
0x45a: {  	v11 =	vshll.u32 v16, $0x3;
	v7 =	vor.u32 v12, v7;
	[tilespmem:v4+s21+$0x0] =	vst.idx.msk $0xffff, v15  }
0x45b: {  	v4 =	vand.u32 $0xC00, v11;
	v7 =	vshll.u32 v7, $0x7;
	v11 =	vld [tilespmem:s16+$0x6410]  }
0x45c: {  	v15 =	vand.u32 $0x7F, v16;
	v4 =	vor.u32 v4, v7;
	v7 =	vshrl.u32 v6, $0x9  }
0x45d: {  	v16 =	vld [tilespmem:s6+$0x2060];
	v4 =	vor.u32 v15, v4;
	v7 =	vand.u32 $0x1, v7;
	[tilespmem:v5+s21+$0x0] =	vst.idx.msk $0xffff, v10  }
0x45e: {  	v5 =	vshll.u32 v6, $0x3;
	v4 =	vor.u32 v1, v4;
	v7 =	vor.u32 v3, v7;
	v10 =	vld [tilespmem:s7+$0x6030]  }
0x45f: {  	v5 =	vand.u32 $0xC00, v5;
	v7 =	vshll.u32 v7, $0x7  }
0x460: {  	v6 =	vand.u32 $0x7F, v6;
	v15 =	vshrl.u32 v11, $0x9;
	v5 =	vor.u32 v5, v7  }
0x461: {  	v7 =	vand.u32 $0x1, v15;
	v5 =	vor.u32 v6, v5  }
0x462: {  	v6 =	vld [tilespmem:s29+$0x2020];
	v15 =	vshll.u32 v11, $0x3;
	v7 =	vor.u32 v9, v7;
	v5 =	vor.u32 v2, v5  }
0x463: {  	[tilespmem:v4+s21+$0x0] =	vst.idx.msk $0xffff, v16;
	v4 =	vand.u32 $0xC00, v15;
	v7 =	vshll.u32 v7, $0x7;
	v15 =	vshrl.u32 v10, $0x9  }
0x464: {  	v11 =	vand.u32 $0x7F, v11;
	v16 =	vld [tilespmem:s6+$0x6070];
	v4 =	vor.u32 v4, v7;
	v7 =	vand.u32 $0x1, v15  }
0x465: {  	v4 =	vor.u32 v11, v4;
	v7 =	vor.u32 v14, v7;
	v11 =	vshll.u32 v10, $0x3  }
0x466: {  	v15 =	vld [tilespmem:s16+$0x2410];
	v4 =	vor.u32 v8, v4;
	v11 =	vand.u32 $0xC00, v11;
	v7 =	vshll.u32 v7, $0x7  }
0x467: {  	[tilespmem:v5+s21+$0x0] =	vst.idx.msk $0xffff, v6;
	v5 =	vand.u32 $0x7F, v10;
	v6 =	vor.u32 v11, v7  }
0x468: {  	v7 =	vld [tilespmem:s29+$0x6030];
	v5 =	vor.u32 v5, v6  }
0x469: {  	v10 =	vld [tilespmem:s7+$0x2030];
	v6 =	vshrl.u32 v16, $0x9;
	v5 =	vor.u32 v13, v5  }
0x46a: {  	v6 =	vand.u32 $0x1, v6  }
0x46b: {  	v11 =	vshll.u32 v16, $0x3;
	v6 =	vor.u32 v12, v6;
	[tilespmem:v4+s21+$0x0] =	vst.idx.msk $0xffff, v15  }
0x46c: {  	v4 =	vshll.u32 v6, $0x7;
	v6 =	vand.u32 $0xC00, v11;
	v11 =	vld [tilespmem:s16+$0x6420]  }
0x46d: {  	v15 =	vand.u32 $0x7F, v16;
	v4 =	vor.u32 v6, v4;
	v6 =	vshrl.u32 v7, $0x9  }
0x46e: {  	v16 =	vld [tilespmem:s6+$0x2070];
	v4 =	vor.u32 v15, v4;
	v6 =	vand.u32 $0x1, v6;
	[tilespmem:v5+s21+$0x0] =	vst.idx.msk $0xffff, v10  }
0x46f: {  	v5 =	vshll.u32 v7, $0x3;
	v4 =	vor.u32 v1, v4;
	v6 =	vor.u32 v3, v6;
	v10 =	vld [tilespmem:s7+$0x6040]  }
0x470: {  	v5 =	vand.u32 $0xC00, v5;
	v6 =	vshll.u32 v6, $0x7  }
0x471: {  	v7 =	vand.u32 $0x7F, v7;
	v15 =	vshrl.u32 v11, $0x9;
	v5 =	vor.u32 v5, v6  }
0x472: {  	v6 =	vand.u32 $0x1, v15;
	v5 =	vor.u32 v7, v5  }
0x473: {  	v7 =	vld [tilespmem:s29+$0x2030];
	v15 =	vshll.u32 v11, $0x3;
	v6 =	vor.u32 v9, v6;
	v5 =	vor.u32 v2, v5  }
0x474: {  	[tilespmem:v4+s21+$0x0] =	vst.idx.msk $0xffff, v16;
	v4 =	vand.u32 $0xC00, v15;
	v6 =	vshll.u32 v6, $0x7;
	v15 =	vshrl.u32 v10, $0x9  }
0x475: {  	v11 =	vand.u32 $0x7F, v11;
	v16 =	vld [tilespmem:s6+$0x6400];
	v4 =	vor.u32 v4, v6;
	v6 =	vand.u32 $0x1, v15  }
0x476: {  	v4 =	vor.u32 v11, v4;
	v6 =	vor.u32 v14, v6;
	v11 =	vshll.u32 v10, $0x3  }
0x477: {  	v15 =	vld [tilespmem:s16+$0x2420];
	v4 =	vor.u32 v8, v4;
	v11 =	vand.u32 $0xC00, v11;
	v6 =	vshll.u32 v6, $0x7  }
0x478: {  	[tilespmem:v5+s21+$0x0] =	vst.idx.msk $0xffff, v7;
	v5 =	vand.u32 $0x7F, v10;
	v6 =	vor.u32 v11, v6  }
0x479: {  	v10 =	vld [tilespmem:s7+$0x2040];
	v5 =	vor.u32 v5, v6  }
0x47a: {  	v7 =	vld [tilespmem:s29+$0x6040];
	v6 =	vshrl.u32 v16, $0x9;
	v5 =	vor.u32 v13, v5  }
0x47b: {  	v6 =	vand.u32 $0x1, v6  }
0x47c: {  	v11 =	vshll.u32 v16, $0x3;
	v6 =	vor.u32 v12, v6;
	[tilespmem:v4+s21+$0x0] =	vst.idx.msk $0xffff, v15  }
0x47d: {  	v4 =	vand.u32 $0xC00, v11;
	v6 =	vshll.u32 v6, $0x7;
	v11 =	vld [tilespmem:s16+$0x6430]  }
0x47e: {  	v15 =	vand.u32 $0x7F, v16;
	v4 =	vor.u32 v4, v6  }
0x47f: {  	v6 =	vld [tilespmem:s6+$0x2400];
	v4 =	vor.u32 v15, v4;
	v15 =	vshrl.u32 v7, $0x9;
	[tilespmem:v5+s21+$0x0] =	vst.idx.msk $0xffff, v10  }
0x480: {  	v4 =	vor.u32 v1, v4;
	v5 =	vand.u32 $0x1, v15;
	v10 =	vld [tilespmem:s7+$0x6050]  }
0x481: {  	v15 =	vshll.u32 v7, $0x3;
	v5 =	vor.u32 v3, v5  }
0x482: {  	v15 =	vand.u32 $0xC00, v15;
	v5 =	vshll.u32 v5, $0x7;
	v16 =	vshrl.u32 v11, $0x9  }
0x483: {  	v7 =	vand.u32 $0x7F, v7;
	v5 =	vor.u32 v15, v5;
	v15 =	vand.u32 $0x1, v16  }
0x484: {  	v5 =	vor.u32 v7, v5;
	v7 =	vor.u32 v9, v15  }
0x485: {  	[tilespmem:v4+s21+$0x0] =	vst.idx.msk $0xffff, v6;
	v4 =	vshll.u32 v11, $0x3;
	v5 =	vor.u32 v2, v5;
	v6 =	vshrl.u32 v10, $0x9  }
0x486: {  	v7 =	vshll.u32 v7, $0x7;
	v11 =	vand.u32 $0x7F, v11;
	v15 =	vld [tilespmem:s6+$0x6410];
	v6 =	vand.u32 $0x1, v6  }
0x487: {  	v16 =	vld [tilespmem:s29+$0x2040];
	v17 =	vshll.u32 v10, $0x3;
	v4 =	vand.u32 $0xC00, v4;
	v6 =	vor.u32 v14, v6  }
0x488: {  	v4 =	vor.u32 v4, v7;
	v7 =	vand.u32 $0xC00, v17;
	v6 =	vshll.u32 v6, $0x7  }
0x489: {  	v10 =	vand.u32 $0x7F, v10;
	v4 =	vor.u32 v11, v4;
	v6 =	vor.u32 v7, v6  }
0x48a: {  	v7 =	vld [tilespmem:s16+$0x2430];
	v4 =	vor.u32 v8, v4;
	v6 =	vor.u32 v10, v6  }
0x48b: {  	v11 =	vld [tilespmem:s7+$0x2050];
	v10 =	vshrl.u32 v15, $0x9;
	v6 =	vor.u32 v13, v6  }
0x48c: {  	[tilespmem:v5+s21+$0x0] =	vst.idx.msk $0xffff, v16;
	v10 =	vand.u32 $0x1, v10  }
0x48d: {  	v5 =	vshll.u32 v15, $0x3;
	v16 =	vld [tilespmem:s29+$0x6050];
	v10 =	vor.u32 v12, v10  }
0x48e: {  	v5 =	vand.u32 $0xC00, v5;
	v10 =	vshll.u32 v10, $0x7  }
0x48f: {  	v17 =	vld [tilespmem:s6+$0x2410];
	v15 =	vand.u32 $0x7F, v15;
	[tilespmem:v4+s21+$0x0] =	vst.idx.msk $0xffff, v7;
	v5 =	vor.u32 v5, v10  }
0x490: {  	v4 =	vor.u32 v15, v5;
	v5 =	vld [tilespmem:s16+$0x6440];
	[tilespmem:v6+s21+$0x0] =	vst.idx.msk $0xffff, v11  }
0x491: {  	v4 =	vor.u32 v1, v4;
	v6 =	vld [tilespmem:s7+$0x6060]  }
0x492: {  	v7 =	vshrl.u32 v16, $0x9  }
0x493: {  	v7 =	vand.u32 $0x1, v7  }
0x494: {  	s24 =	simm.s32 $0x200;
	s8 =	simm.s32 $0x400;
	v10 =	vshll.u32 v16, $0x3;
	v11 =	vand.u32 $0x7F, v16;
	v7 =	vor.u32 v3, v7  }
0x495: {  	s3 =	sand.u32 $0x1800, s8;
	s0 =	sand.u32 $0x300, s24;
	v10 =	vand.u32 $0xC00, v10;
	v7 =	vshll.u32 v7, $0x7;
	v15 =	vshrl.u32 v5, $0x9  }
0x496: {  	s30 =	sor.u32 s0, s3;
	[tilespmem:v4+s21+$0x0] =	vst.idx.msk $0xffff, v17;
	v4 =	vor.u32 v10, v7;
	v7 =	vand.u32 $0x1, v15;
	v10 =	vshrl.u32 v6, $0x9  }
0x497: {  	s9 =	simm.s32 $0x280;
	v16 =	vshll.u32 v6, $0x3;
	v17 =	vld [tilespmem:s30+$0x6000];
	v6 =	vand.u32 $0x7F, v6;
	v10 =	vand.u32 $0x1, v10  }
0x498: {  	s0 =	sand.u32 $0x380, s9;
	v15 =	vld [tilespmem:s6+$0x6420];
	v4 =	vor.u32 v11, v4;
	v7 =	vor.u32 v9, v7;
	v10 =	vor.u32 v14, v10  }
0x499: {  	s31 =	sor.u32 s3, s0;
	v18 =	vor.u32 v2, v4;
	v4 =	vand.u32 $0xC00, v16;
	v10 =	vshll.u32 v10, $0x7  }
0x49a: {  	v20 =	vld [tilespmem:s31+$0x6000];
	v11 =	vshll.u32 v5, $0x3;
	v5 =	vand.u32 $0x7F, v5;
	v4 =	vor.u32 v4, v10  }
0x49b: {  	v11 =	vand.u32 $0xC00, v11;
	v7 =	vshll.u32 v7, $0x7;
	v4 =	vor.u32 v6, v4  }
0x49c: {  	s8 =	simm.s32 $0x8;
	v10 =	vld [tilespmem:s7+$0x2060];
	v6 =	vor.u32 v11, v7;
	v11 =	vshrl.u32 v17, $0x9;
	v4 =	vor.u32 v13, v4  }
0x49d: {  	v7 =	vshrl.u32 v15, $0x9;
	v5 =	vor.u32 v5, v6;
	v6 =	vmov s8  }
0x49e: {  	v11 =	vand.u32 $0x1, v11;
	v16 =	vand.u32 $0x1, v7;
	v7 =	vand.u32 $0x4, v6  }
0x49f: {  	v23 =	vshrl.u32 v20, $0x9;
	v21 =	vshll.u32 v17, $0x3;
	v11 =	vor.u32 v7, v11  }
0x4a0: {  	v22 =	vor.u32 v8, v5;
	v5 =	vand.u32 $0xC00, v21;
	v21 =	vld [tilespmem:s16+$0x2440];
	v11 =	vshll.u32 v11, $0x7  }
0x4a1: {  	v17 =	vand.u32 $0x7F, v17;
	v6 =	vshll.u32 v6, $0x9;
	[tilespmem:v4+s21+$0x0] =	vst.idx.msk $0xffff, v10;
	v4 =	vor.u32 v5, v11  }
0x4a2: {  	v23 =	vand.u32 $0x1, v23;
	v6 =	vand.u32 $0x7000, v6;
	v10 =	vld [tilespmem:s7+$0x6070];
	v4 =	vor.u32 v17, v4  }
0x4a3: {  	s15 =	simm.s32 $0xA;
	v19 =	vshll.u32 v15, $0x3;
	v5 =	vor.u32 v12, v16;
	v16 =	vld [tilespmem:s30+$0x2000];
	v17 =	vor.u32 v6, v4  }
0x4a4: {  	v15 =	vand.u32 $0x7F, v15;
	v11 =	vand.u32 $0xC00, v19;
	v4 =	vmov s15  }
0x4a5: {  	v19 =	vshll.u32 v5, $0x7;
	[tilespmem:v22+s21+$0x0] =	vst.idx.msk $0xffff, v21;
	v21 =	vshll.u32 v20, $0x3;
	v5 =	vand.u32 $0x6, v4  }
0x4a6: {  	v20 =	vand.u32 $0x7F, v20;
	v21 =	vand.u32 $0xC00, v21;
	v22 =	vor.u32 v5, v23  }
0x4a7: {  	v4 =	vshll.u32 v4, $0x9;
	v23 =	vld [tilespmem:s16+$0x6450];
	v22 =	vshll.u32 v22, $0x7;
	v24 =	vshrl.u32 v10, $0x9  }
0x4a8: {  	v25 =	vld [tilespmem:s29+$0x2050];
	v4 =	vand.u32 $0x7000, v4;
	v21 =	vor.u32 v21, v22;
	v22 =	vand.u32 $0x1, v24;
	[tilespmem:v17+s21+$0x0] =	vst.idx.msk $0xffff, v16  }
0x4a9: {  	v16 =	vor.u32 v20, v21;
	v20 =	vshll.u32 v10, $0x3;
	v17 =	vor.u32 v14, v22;
	v21 =	vld [tilespmem:s30+$0x6010]  }
0x4aa: {  	v22 =	vld [tilespmem:s31+$0x2000];
	v16 =	vor.u32 v4, v16;
	v20 =	vand.u32 $0xC00, v20;
	v17 =	vshll.u32 v17, $0x7  }
0x4ab: {  	v11 =	vor.u32 v11, v19;
	v10 =	vand.u32 $0x7F, v10;
	v17 =	vor.u32 v20, v17  }
0x4ac: {  	v11 =	vor.u32 v15, v11;
	v15 =	vshrl.u32 v23, $0x9;
	v10 =	vor.u32 v10, v17  }
0x4ad: {  	[tilespmem:v18+s21+$0x0] =	vst.idx.msk $0xffff, v25;
	v11 =	vor.u32 v1, v11;
	v15 =	vand.u32 $0x1, v15;
	v17 =	vld [tilespmem:s7+$0x2070];
	v10 =	vor.u32 v13, v10  }
0x4ae: {  	v18 =	vld [tilespmem:s29+$0x6060];
	v19 =	vshll.u32 v23, $0x3;
	v15 =	vor.u32 v9, v15;
	v20 =	vshrl.u32 v21, $0x9  }
0x4af: {  	v19 =	vand.u32 $0xC00, v19;
	v15 =	vshll.u32 v15, $0x7;
	[tilespmem:v16+s21+$0x0] =	vst.idx.msk $0xffff, v22;
	v16 =	vand.u32 $0x1, v20  }
0x4b0: {  	v22 =	vshll.u32 v21, $0x3;
	v20 =	vand.u32 $0x7F, v23;
	v23 =	vld [tilespmem:s31+$0x6010];
	v16 =	vor.u32 v7, v16  }
0x4b1: {  	v24 =	vld [tilespmem:s6+$0x2420];
	v15 =	vor.u32 v19, v15;
	v19 =	vand.u32 $0xC00, v22;
	v16 =	vshll.u32 v16, $0x7  }
0x4b2: {  	v21 =	vand.u32 $0x7F, v21;
	v15 =	vor.u32 v20, v15;
	v20 =	vld [tilespmem:s16+$0x2450];
	[tilespmem:v10+s21+$0x0] =	vst.idx.msk $0xffff, v17;
	v10 =	vor.u32 v19, v16  }
0x4b3: {  	v15 =	vor.u32 v8, v15;
	v16 =	vshrl.u32 v18, $0x9;
	v17 =	vld [tilespmem:s7+$0x6400];
	v10 =	vor.u32 v21, v10  }
0x4b4: {  	v19 =	vshll.u32 v18, $0x3;
	v16 =	vand.u32 $0x1, v16;
	v21 =	vld [tilespmem:s30+$0x2010];
	v10 =	vor.u32 v6, v10  }
0x4b5: {  	v18 =	vand.u32 $0x7F, v18;
	v16 =	vor.u32 v3, v16;
	v22 =	vshrl.u32 v23, $0x9  }
0x4b6: {  	v19 =	vand.u32 $0xC00, v19;
	v16 =	vshll.u32 v16, $0x7;
	v22 =	vand.u32 $0x1, v22  }
0x4b7: {  	[tilespmem:v11+s21+$0x0] =	vst.idx.msk $0xffff, v24;
	v11 =	vor.u32 v19, v16;
	v16 =	vshll.u32 v23, $0x3;
	v19 =	vor.u32 v5, v22  }
0x4b8: {  	v22 =	vld [tilespmem:s6+$0x6430];
	[tilespmem:v15+s21+$0x0] =	vst.idx.msk $0xffff, v20;
	v15 =	vand.u32 $0xC00, v16;
	v16 =	vshll.u32 v19, $0x7;
	v19 =	vshrl.u32 v17, $0x9  }
0x4b9: {  	v23 =	vand.u32 $0x7F, v23;
	v20 =	vld [tilespmem:s16+$0x6460];
	v15 =	vor.u32 v15, v16;
	v16 =	vand.u32 $0x1, v19;
	[tilespmem:v10+s21+$0x0] =	vst.idx.msk $0xffff, v21  }
0x4ba: {  	v10 =	vor.u32 v23, v15;
	v15 =	vor.u32 v14, v16;
	v16 =	vshll.u32 v17, $0x3;
	v19 =	vld [tilespmem:s30+$0x6020]  }
0x4bb: {  	v21 =	vld [tilespmem:s31+$0x2010];
	v10 =	vor.u32 v4, v10;
	v16 =	vand.u32 $0xC00, v16;
	v15 =	vshll.u32 v15, $0x7  }
0x4bc: {  	v11 =	vor.u32 v18, v11;
	v17 =	vand.u32 $0x7F, v17;
	v15 =	vor.u32 v16, v15  }
0x4bd: {  	v11 =	vor.u32 v2, v11;
	v16 =	vld [tilespmem:s29+$0x2060];
	v15 =	vor.u32 v17, v15  }
0x4be: {  	v23 =	vld [tilespmem:s7+$0x2400];
	v18 =	vshrl.u32 v20, $0x9;
	v24 =	vshll.u32 v20, $0x3;
	v15 =	vor.u32 v13, v15  }
0x4bf: {  	v20 =	vand.u32 $0x7F, v20;
	v17 =	vshrl.u32 v22, $0x9;
	v25 =	vshrl.u32 v19, $0x9  }
0x4c0: {  	v18 =	vand.u32 $0x1, v18;
	v24 =	vand.u32 $0xC00, v24;
	[tilespmem:v10+s21+$0x0] =	vst.idx.msk $0xffff, v21;
	v10 =	vand.u32 $0x1, v25  }
0x4c1: {  	v18 =	vor.u32 v9, v18;
	v21 =	vshll.u32 v19, $0x3;
	v10 =	vor.u32 v7, v10  }
0x4c2: {  	v18 =	vshll.u32 v18, $0x7;
	v25 =	vld [tilespmem:s31+$0x6020];
	[tilespmem:v11+s21+$0x0] =	vst.idx.msk $0xffff, v16;
	v11 =	vand.u32 $0xC00, v21;
	v10 =	vshll.u32 v10, $0x7  }
0x4c3: {  	v19 =	vand.u32 $0x7F, v19;
	v16 =	vor.u32 v24, v18;
	v18 =	vld [tilespmem:s29+$0x6070];
	[tilespmem:v15+s21+$0x0] =	vst.idx.msk $0xffff, v23;
	v10 =	vor.u32 v11, v10  }
0x4c4: {  	v11 =	vor.u32 v20, v16;
	v15 =	vand.u32 $0x1, v17;
	v16 =	vld [tilespmem:s7+$0x6410];
	v10 =	vor.u32 v19, v10  }
0x4c5: {  	v21 =	vand.u32 $0x7F, v22;
	v17 =	vld [tilespmem:s30+$0x2020];
	v15 =	vor.u32 v12, v15;
	v10 =	vor.u32 v6, v10  }
0x4c6: {  	v11 =	vor.u32 v8, v11;
	v19 =	vshll.u32 v22, $0x3;
	v15 =	vshll.u32 v15, $0x7  }
0x4c7: {  	v20 =	vshrl.u32 v25, $0x9;
	v19 =	vand.u32 $0xC00, v19;
	v22 =	vand.u32 $0x7F, v25  }
0x4c8: {  	v20 =	vand.u32 $0x1, v20;
	v15 =	vor.u32 v19, v15;
	v19 =	vshll.u32 v25, $0x3  }
0x4c9: {  	v20 =	vor.u32 v5, v20;
	v19 =	vand.u32 $0xC00, v19;
	v23 =	vshrl.u32 v16, $0x9  }
0x4ca: {  	v24 =	vld [tilespmem:s16+$0x2460];
	v25 =	vshrl.u32 v18, $0x9;
	v20 =	vshll.u32 v20, $0x7;
	v23 =	vand.u32 $0x1, v23;
	[tilespmem:v10+s21+$0x0] =	vst.idx.msk $0xffff, v17  }
0x4cb: {  	v10 =	vor.u32 v19, v20;
	v19 =	vshll.u32 v16, $0x3;
	v17 =	vor.u32 v14, v23;
	v20 =	vld [tilespmem:s30+$0x6030]  }
0x4cc: {  	v10 =	vor.u32 v22, v10;
	v19 =	vand.u32 $0xC00, v19;
	v17 =	vshll.u32 v17, $0x7  }
0x4cd: {  	v22 =	vld [tilespmem:s31+$0x2020];
	v23 =	vor.u32 v4, v10;
	v10 =	vand.u32 $0x7F, v16;
	v16 =	vor.u32 v19, v17  }
0x4ce: {  	v15 =	vor.u32 v21, v15;
	v17 =	vand.u32 $0x1, v25;
	v10 =	vor.u32 v10, v16  }
0x4cf: {  	v19 =	vld [tilespmem:s7+$0x2410];
	v16 =	vor.u32 v3, v17;
	v17 =	vshll.u32 v18, $0x3;
	v21 =	vor.u32 v13, v10  }
0x4d0: {  	[tilespmem:v11+s21+$0x0] =	vst.idx.msk $0xffff, v24;
	v11 =	vshll.u32 v16, $0x7;
	v16 =	vand.u32 $0xC00, v17;
	v17 =	vshrl.u32 v20, $0x9  }
0x4d1: {  	v15 =	vor.u32 v1, v15;
	v10 =	vld [tilespmem:s16+$0x6470];
	v11 =	vor.u32 v16, v11;
	v16 =	vand.u32 $0x1, v17  }
0x4d2: {  	v18 =	vand.u32 $0x7F, v18;
	v17 =	vld [tilespmem:s6+$0x2430];
	[tilespmem:v23+s21+$0x0] =	vst.idx.msk $0xffff, v22;
	v22 =	vshll.u32 v20, $0x3;
	v16 =	vor.u32 v7, v16  }
0x4d3: {  	v11 =	vor.u32 v18, v11;
	v18 =	vld [tilespmem:s31+$0x6030];
	v22 =	vand.u32 $0xC00, v22;
	v16 =	vshll.u32 v16, $0x7  }
0x4d4: {  	v23 =	vld [tilespmem:s29+$0x2070];
	v11 =	vor.u32 v2, v11;
	[tilespmem:v21+s21+$0x0] =	vst.idx.msk $0xffff, v19;
	v19 =	vand.u32 $0x7F, v20;
	v16 =	vor.u32 v22, v16  }
0x4d5: {  	v20 =	vld [tilespmem:s7+$0x6420];
	v16 =	vor.u32 v19, v16  }
0x4d6: {  	v21 =	vld [tilespmem:s30+$0x2030];
	v16 =	vor.u32 v6, v16  }
0x4d7: {  	v19 =	vshrl.u32 v10, $0x9  }
0x4d8: {  	v19 =	vand.u32 $0x1, v19;
	[tilespmem:v15+s21+$0x0] =	vst.idx.msk $0xffff, v17;
	v17 =	vshll.u32 v10, $0x3;
	v15 =	vshrl.u32 v18, $0x9  }
0x4d9: {  	v9 =	vor.u32 v9, v19;
	v19 =	vld [tilespmem:s6+$0x6440];
	v22 =	vshll.u32 v18, $0x3;
	[tilespmem:v11+s21+$0x0] =	vst.idx.msk $0xffff, v23;
	v11 =	vand.u32 $0x1, v15  }
0x4da: {  	v15 =	vand.u32 $0x7F, v18;
	v18 =	vld [tilespmem:s29+$0x6400];
	v11 =	vor.u32 v5, v11;
	v23 =	vshrl.u32 v20, $0x9  }
0x4db: {  	v22 =	vand.u32 $0xC00, v22;
	v11 =	vshll.u32 v11, $0x7;
	v23 =	vand.u32 $0x1, v23;
	[tilespmem:v16+s21+$0x0] =	vst.idx.msk $0xffff, v21  }
0x4dc: {  	v11 =	vor.u32 v22, v11;
	v21 =	vshll.u32 v20, $0x3;
	v16 =	vor.u32 v14, v23;
	v22 =	vld [tilespmem:s30+$0x6040]  }
0x4dd: {  	v11 =	vor.u32 v15, v11;
	v15 =	vand.u32 $0xC00, v21;
	v16 =	vshll.u32 v16, $0x7  }
0x4de: {  	v20 =	vand.u32 $0x7F, v20;
	v21 =	vld [tilespmem:s31+$0x2030];
	v11 =	vor.u32 v4, v11;
	v15 =	vor.u32 v15, v16  }
0x4df: {  	v23 =	vshrl.u32 v18, $0x9;
	v16 =	vshrl.u32 v19, $0x9;
	v15 =	vor.u32 v20, v15  }
0x4e0: {  	v24 =	vld [tilespmem:s7+$0x2420];
	v20 =	vand.u32 $0x1, v23;
	v23 =	vshll.u32 v18, $0x3;
	v15 =	vor.u32 v13, v15  }
0x4e1: {  	v18 =	vand.u32 $0x7F, v18;
	v20 =	vor.u32 v3, v20;
	v25 =	vshrl.u32 v22, $0x9  }
0x4e2: {  	v23 =	vand.u32 $0xC00, v23;
	v20 =	vshll.u32 v20, $0x7;
	v25 =	vand.u32 $0x1, v25  }
0x4e3: {  	[tilespmem:v11+s21+$0x0] =	vst.idx.msk $0xffff, v21;
	v11 =	vor.u32 v23, v20;
	v21 =	vshll.u32 v22, $0x3;
	v20 =	vor.u32 v7, v25  }
0x4e4: {  	v23 =	vld [tilespmem:s31+$0x6040];
	v11 =	vor.u32 v18, v11;
	v18 =	vand.u32 $0xC00, v21;
	v20 =	vshll.u32 v20, $0x7  }
0x4e5: {  	v21 =	vld [tilespmem:s29+$0x2400];
	v11 =	vor.u32 v2, v11;
	[tilespmem:v15+s21+$0x0] =	vst.idx.msk $0xffff, v24;
	v15 =	vand.u32 $0x7F, v22;
	v18 =	vor.u32 v18, v20  }
0x4e6: {  	v17 =	vand.u32 $0xC00, v17;
	v16 =	vand.u32 $0x1, v16;
	v20 =	vld [tilespmem:s7+$0x6430];
	v15 =	vor.u32 v15, v18  }
0x4e7: {  	v16 =	vor.u32 v12, v16;
	v22 =	vld [tilespmem:s30+$0x2040];
	v18 =	vshll.u32 v19, $0x3;
	v15 =	vor.u32 v6, v15  }
0x4e8: {  	v16 =	vshll.u32 v16, $0x7;
	v19 =	vand.u32 $0x7F, v19;
	v18 =	vand.u32 $0xC00, v18  }
0x4e9: {  	v16 =	vor.u32 v18, v16;
	v18 =	vshrl.u32 v23, $0x9;
	v24 =	vshll.u32 v23, $0x3  }
0x4ea: {  	v23 =	vand.u32 $0x7F, v23;
	v18 =	vand.u32 $0x1, v18;
	v24 =	vand.u32 $0xC00, v24;
	[tilespmem:v11+s21+$0x0] =	vst.idx.msk $0xffff, v21  }
0x4eb: {  	v16 =	vor.u32 v19, v16;
	v11 =	vor.u32 v5, v18;
	v18 =	vld [tilespmem:s29+$0x6410];
	v19 =	vshrl.u32 v20, $0x9  }
0x4ec: {  	v21 =	vld [tilespmem:s6+$0x2440];
	v16 =	vor.u32 v1, v16;
	v11 =	vshll.u32 v11, $0x7;
	v19 =	vand.u32 $0x1, v19;
	[tilespmem:v15+s21+$0x0] =	vst.idx.msk $0xffff, v22  }
0x4ed: {  	v11 =	vor.u32 v24, v11;
	v15 =	vor.u32 v14, v19;
	v19 =	vshll.u32 v20, $0x3;
	v22 =	vld [tilespmem:s30+$0x6050]  }
0x4ee: {  	v11 =	vor.u32 v23, v11;
	v19 =	vand.u32 $0xC00, v19;
	v15 =	vshll.u32 v15, $0x7  }
0x4ef: {  	v23 =	vld [tilespmem:s31+$0x2040];
	v20 =	vand.u32 $0x7F, v20;
	v11 =	vor.u32 v4, v11;
	v15 =	vor.u32 v19, v15  }
0x4f0: {  	v9 =	vshll.u32 v9, $0x7;
	v19 =	vshrl.u32 v18, $0x9;
	v15 =	vor.u32 v20, v15  }
0x4f1: {  	s17 =	simm.s32 $0x300;
	s8 =	simm.s32 $0x600;
	v24 =	vld [tilespmem:s7+$0x2430];
	v19 =	vand.u32 $0x1, v19;
	v20 =	vshll.u32 v18, $0x3;
	v15 =	vor.u32 v13, v15  }
0x4f2: {  	s0 =	sand.u32 $0x300, s17;
	s18 =	sand.u32 $0x1800, s8;
	[tilespmem:v16+s21+$0x0] =	vst.idx.msk $0xffff, v21;
	v16 =	vor.u32 v3, v19;
	v19 =	vand.u32 $0xC00, v20;
	v20 =	vshrl.u32 v22, $0x9  }
0x4f3: {  	s0 =	sor.u32 s0, s18;
	v18 =	vand.u32 $0x7F, v18;
	v21 =	vld [tilespmem:s6+$0x6450];
	v16 =	vshll.u32 v16, $0x7;
	v20 =	vand.u32 $0x1, v20  }
0x4f4: {  	[tilespmem:v11+s21+$0x0] =	vst.idx.msk $0xffff, v23;
	v11 =	vor.u32 v19, v16;
	v19 =	vshll.u32 v22, $0x3;
	v23 =	vld [tilespmem:s0+$0x6000];
	v16 =	vor.u32 v7, v20  }
0x4f5: {  	v20 =	vld [tilespmem:s31+$0x6050];
	v11 =	vor.u32 v18, v11;
	v18 =	vand.u32 $0xC00, v19;
	v16 =	vshll.u32 v16, $0x7  }
0x4f6: {  	v19 =	vld [tilespmem:s29+$0x2410];
	v11 =	vor.u32 v2, v11;
	[tilespmem:v15+s21+$0x0] =	vst.idx.msk $0xffff, v24;
	v15 =	vand.u32 $0x7F, v22;
	v16 =	vor.u32 v18, v16  }
0x4f7: {  	v10 =	vand.u32 $0x7F, v10;
	v9 =	vor.u32 v17, v9;
	v17 =	vld [tilespmem:s7+$0x6440];
	v15 =	vor.u32 v15, v16  }
0x4f8: {  	v9 =	vor.u32 v10, v9;
	v10 =	vshrl.u32 v21, $0x9;
	v18 =	vld [tilespmem:s30+$0x2050];
	v15 =	vor.u32 v6, v15  }
0x4f9: {  	v16 =	vor.u32 v8, v9;
	v8 =	vand.u32 $0x1, v10;
	v9 =	vshll.u32 v21, $0x3  }
0x4fa: {  	v8 =	vor.u32 v12, v8;
	v9 =	vand.u32 $0xC00, v9  }
0x4fb: {  	v26 =	vshrl.u32 v23, $0x9;
	v10 =	vshrl.u32 v20, $0x9;
	v22 =	vshll.u32 v20, $0x3;
	[tilespmem:v11+s21+$0x0] =	vst.idx.msk $0xffff, v19  }
0x4fc: {  	v8 =	vshll.u32 v8, $0x7;
	v10 =	vand.u32 $0x1, v10;
	v11 =	vld [tilespmem:s29+$0x6420];
	v19 =	vshrl.u32 v17, $0x9  }
0x4fd: {  	v22 =	vand.u32 $0xC00, v22;
	v10 =	vor.u32 v5, v10;
	v19 =	vand.u32 $0x1, v19;
	[tilespmem:v15+s21+$0x0] =	vst.idx.msk $0xffff, v18  }
0x4fe: {  	v10 =	vshll.u32 v10, $0x7;
	v18 =	vshll.u32 v17, $0x3;
	v15 =	vor.u32 v14, v19;
	v19 =	vld [tilespmem:s30+$0x6060]  }
0x4ff: {  	v10 =	vor.u32 v22, v10;
	v18 =	vand.u32 $0xC00, v18;
	v15 =	vshll.u32 v15, $0x7  }
0x500: {  	v22 =	vor.u32 v9, v8;
	v8 =	vand.u32 $0x7F, v17;
	v9 =	vor.u32 v18, v15  }
0x501: {  	v20 =	vand.u32 $0x7F, v20;
	v15 =	vshrl.u32 v11, $0x9;
	v8 =	vor.u32 v8, v9  }
0x502: {  	v10 =	vor.u32 v20, v10;
	v9 =	vand.u32 $0x1, v15;
	v15 =	vld [tilespmem:s7+$0x2440];
	v8 =	vor.u32 v13, v8  }
0x503: {  	v17 =	vshll.u32 v11, $0x3;
	v11 =	vand.u32 $0x7F, v11;
	v18 =	vshrl.u32 v19, $0x9  }
0x504: {  	v17 =	vand.u32 $0xC00, v17;
	v9 =	vor.u32 v3, v9;
	v18 =	vand.u32 $0x1, v18  }
0x505: {  	v9 =	vshll.u32 v9, $0x7;
	v20 =	vshll.u32 v19, $0x3;
	v18 =	vor.u32 v7, v18  }
0x506: {  	v20 =	vand.u32 $0xC00, v20;
	v9 =	vor.u32 v17, v9;
	v18 =	vshll.u32 v18, $0x7  }
0x507: {  	v9 =	vor.u32 v11, v9;
	[tilespmem:v8+s21+$0x0] =	vst.idx.msk $0xffff, v15;
	v8 =	vand.u32 $0x7F, v19;
	v15 =	vor.u32 v20, v18  }
0x508: {  	s24 =	simm.s32 $0x380;
	s9 =	simm.s32 $0xE;
	s22 =	simm.s32 $0xC;
	v27 =	vand.u32 $0x7F, v23;
	v18 =	vor.u32 v2, v9;
	v17 =	vld [tilespmem:s7+$0x6450];
	v8 =	vor.u32 v8, v15  }
0x509: {  	s15 =	sand.u32 $0x380, s24;
	v9 =	vmov s9;
	v19 =	vld [tilespmem:s30+$0x2060];
	v15 =	vmov s22;
	v20 =	vor.u32 v6, v8  }
0x50a: {  	s3 =	sor.u32 s18, s15;
	v25 =	vshll.u32 v9, $0x9;
	v11 =	vand.u32 $0x4, v15;
	v15 =	vshll.u32 v15, $0x9  }
0x50b: {  	v28 =	vld [tilespmem:s3+$0x6000];
	v8 =	vand.u32 $0x6, v9;
	v9 =	vand.u32 $0x7000, v15;
	v15 =	vand.u32 $0x1, v26  }
0x50c: {  	v24 =	vld [tilespmem:s31+$0x2050];
	v23 =	vshll.u32 v23, $0x3;
	v10 =	vor.u32 v4, v10;
	v15 =	vor.u32 v11, v15  }
0x50d: {  	v23 =	vand.u32 $0xC00, v23;
	v15 =	vshll.u32 v15, $0x7;
	v26 =	vshrl.u32 v17, $0x9  }
0x50e: {  	v21 =	vand.u32 $0x7F, v21;
	v15 =	vor.u32 v23, v15;
	v26 =	vand.u32 $0x1, v26;
	[tilespmem:v20+s21+$0x0] =	vst.idx.msk $0xffff, v19  }
0x50f: {  	v19 =	vshll.u32 v17, $0x3;
	v15 =	vor.u32 v27, v15;
	v20 =	vor.u32 v14, v26;
	v23 =	vld [tilespmem:s30+$0x6070]  }
0x510: {  	v17 =	vand.u32 $0x7F, v17;
	v19 =	vand.u32 $0xC00, v19;
	v20 =	vshll.u32 v20, $0x7  }
0x511: {  	[tilespmem:v10+s21+$0x0] =	vst.idx.msk $0xffff, v24;
	v15 =	vor.u32 v9, v15;
	v10 =	vor.u32 v19, v20;
	v19 =	vld [tilespmem:s0+$0x2000];
	v20 =	vshrl.u32 v28, $0x9  }
0x512: {  	v24 =	vld [tilespmem:s31+$0x6060];
	v10 =	vor.u32 v17, v10;
	v17 =	vand.u32 $0x1, v20;
	v20 =	vshll.u32 v28, $0x3  }
0x513: {  	v26 =	vld [tilespmem:s7+$0x2450];
	v27 =	vor.u32 v13, v10;
	v10 =	vor.u32 v8, v17;
	v17 =	vand.u32 $0x7F, v28  }
0x514: {  	v20 =	vand.u32 $0xC00, v20;
	v28 =	vshll.u32 v10, $0x7;
	v29 =	vshrl.u32 v23, $0x9  }
0x515: {  	v10 =	vand.u32 $0x7000, v25;
	v20 =	vor.u32 v20, v28;
	v25 =	vand.u32 $0x1, v29  }
0x516: {  	v28 =	vld [tilespmem:s3+$0x2000];
	[tilespmem:v15+s21+$0x0] =	vst.idx.msk $0xffff, v19;
	v15 =	vor.u32 v17, v20;
	v17 =	vor.u32 v7, v25;
	v19 =	vshll.u32 v23, $0x3  }
0x517: {  	v20 =	vld [tilespmem:s0+$0x6010];
	v15 =	vor.u32 v10, v15;
	v19 =	vand.u32 $0xC00, v19;
	v17 =	vshll.u32 v17, $0x7  }
0x518: {  	v29 =	vshrl.u32 v24, $0x9;
	v25 =	vld [tilespmem:s29+$0x2420];
	v23 =	vand.u32 $0x7F, v23;
	[tilespmem:v27+s21+$0x0] =	vst.idx.msk $0xffff, v26;
	v17 =	vor.u32 v19, v17  }
0x519: {  	v19 =	vor.u32 v21, v22;
	v21 =	vand.u32 $0x1, v29;
	v22 =	vld [tilespmem:s7+$0x6460];
	v17 =	vor.u32 v23, v17  }
0x51a: {  	v26 =	vld [tilespmem:s30+$0x2070];
	v21 =	vor.u32 v5, v21;
	v23 =	vshll.u32 v24, $0x3;
	v17 =	vor.u32 v6, v17  }
0x51b: {  	v19 =	vor.u32 v1, v19;
	v23 =	vand.u32 $0xC00, v23;
	v21 =	vshll.u32 v21, $0x7  }
0x51c: {  	v24 =	vand.u32 $0x7F, v24;
	v21 =	vor.u32 v23, v21;
	v23 =	vshrl.u32 v20, $0x9;
	[tilespmem:v15+s21+$0x0] =	vst.idx.msk $0xffff, v28  }
0x51d: {  	[tilespmem:v18+s21+$0x0] =	vst.idx.msk $0xffff, v25;
	v15 =	vand.u32 $0x7F, v20;
	v20 =	vshll.u32 v20, $0x3;
	v18 =	vand.u32 $0x1, v23;
	v23 =	vld [tilespmem:s3+$0x6010]  }
0x51e: {  	v20 =	vand.u32 $0xC00, v20;
	v27 =	vshrl.u32 v22, $0x9;
	v18 =	vor.u32 v11, v18  }
0x51f: {  	v28 =	vld [tilespmem:s6+$0x2450];
	v27 =	vand.u32 $0x1, v27;
	v18 =	vshll.u32 v18, $0x7;
	[tilespmem:v17+s21+$0x0] =	vst.idx.msk $0xffff, v26;
	v17 =	vshll.u32 v22, $0x3  }
0x520: {  	v26 =	vor.u32 v14, v27;
	v18 =	vor.u32 v20, v18;
	v20 =	vld [tilespmem:s30+$0x6400];
	v17 =	vand.u32 $0xC00, v17  }
0x521: {  	v26 =	vshll.u32 v26, $0x7;
	v15 =	vor.u32 v15, v18;
	v18 =	vand.u32 $0x7F, v22  }
0x522: {  	v22 =	vld [tilespmem:s0+$0x2010];
	v17 =	vor.u32 v17, v26;
	v15 =	vor.u32 v9, v15;
	v26 =	vshrl.u32 v23, $0x9  }
0x523: {  	v29 =	vld [tilespmem:s7+$0x2460];
	v21 =	vor.u32 v24, v21;
	v17 =	vor.u32 v18, v17;
	v18 =	vand.u32 $0x1, v26  }
0x524: {  	v25 =	vld [tilespmem:s29+$0x6430];
	v26 =	vshll.u32 v23, $0x3;
	v17 =	vor.u32 v13, v17;
	v18 =	vor.u32 v8, v18  }
0x525: {  	[tilespmem:v19+s21+$0x0] =	vst.idx.msk $0xffff, v28;
	v19 =	vand.u32 $0xC00, v26;
	v18 =	vshll.u32 v18, $0x7;
	v26 =	vshrl.u32 v20, $0x9  }
0x526: {  	v28 =	vld [tilespmem:s6+$0x6460];
	v23 =	vand.u32 $0x7F, v23;
	v18 =	vor.u32 v19, v18;
	v19 =	vand.u32 $0x1, v26  }
0x527: {  	v26 =	vld [tilespmem:s3+$0x2010];
	[tilespmem:v15+s21+$0x0] =	vst.idx.msk $0xffff, v22;
	v15 =	vor.u32 v23, v18;
	v18 =	vor.u32 v7, v19;
	v19 =	vshll.u32 v20, $0x3  }
0x528: {  	v22 =	vld [tilespmem:s0+$0x6020];
	v15 =	vor.u32 v10, v15;
	v19 =	vand.u32 $0xC00, v19;
	v18 =	vshll.u32 v18, $0x7  }
0x529: {  	v27 =	vshrl.u32 v25, $0x9;
	[tilespmem:v17+s21+$0x0] =	vst.idx.msk $0xffff, v29;
	v17 =	vand.u32 $0x7F, v20;
	v18 =	vor.u32 v19, v18  }
0x52a: {  	v23 =	vld [tilespmem:s30+$0x2400];
	v19 =	vor.u32 v4, v21;
	v20 =	vand.u32 $0x1, v27;
	v17 =	vor.u32 v17, v18  }
0x52b: {  	v21 =	vld [tilespmem:s7+$0x6470];
	v18 =	vor.u32 v3, v20;
	v20 =	vshll.u32 v25, $0x3;
	v17 =	vor.u32 v6, v17  }
0x52c: {  	v24 =	vld [tilespmem:s31+$0x2060];
	v25 =	vand.u32 $0x7F, v25;
	v18 =	vshll.u32 v18, $0x7;
	v20 =	vand.u32 $0xC00, v20  }
0x52d: {  	v18 =	vor.u32 v20, v18;
	v20 =	vshrl.u32 v28, $0x9;
	v27 =	vshrl.u32 v22, $0x9;
	[tilespmem:v15+s21+$0x0] =	vst.idx.msk $0xffff, v26  }
0x52e: {  	v15 =	vshll.u32 v28, $0x3;
	v26 =	vand.u32 $0x7F, v22;
	v27 =	vand.u32 $0x1, v27;
	v29 =	vld [tilespmem:s3+$0x6020]  }
0x52f: {  	v18 =	vor.u32 v25, v18;
	v22 =	vshll.u32 v22, $0x3;
	v25 =	vor.u32 v11, v27  }
0x530: {  	v22 =	vand.u32 $0xC00, v22;
	v27 =	vshrl.u32 v21, $0x9;
	v25 =	vshll.u32 v25, $0x7;
	[tilespmem:v17+s21+$0x0] =	vst.idx.msk $0xffff, v23  }
0x531: {  	[tilespmem:v19+s21+$0x0] =	vst.idx.msk $0xffff, v24;
	v19 =	vshll.u32 v21, $0x3;
	v17 =	vand.u32 $0x1, v27;
	v22 =	vor.u32 v22, v25;
	v23 =	vld [tilespmem:s30+$0x6410]  }
0x532: {  	v14 =	vor.u32 v14, v17;
	v17 =	vand.u32 $0xC00, v19;
	v19 =	vor.u32 v26, v22  }
0x533: {  	v14 =	vshll.u32 v14, $0x7;
	v22 =	vld [tilespmem:s0+$0x2020];
	v19 =	vor.u32 v9, v19;
	v25 =	vshrl.u32 v29, $0x9  }
0x534: {  	v20 =	vand.u32 $0x1, v20;
	v14 =	vor.u32 v17, v14;
	v17 =	vand.u32 $0x1, v25  }
0x535: {  	v24 =	vld [tilespmem:s31+$0x6070];
	v21 =	vand.u32 $0x7F, v21;
	v25 =	vshll.u32 v29, $0x3;
	v17 =	vor.u32 v8, v17  }
0x536: {  	v25 =	vand.u32 $0xC00, v25;
	v17 =	vshll.u32 v17, $0x7;
	v27 =	vshrl.u32 v23, $0x9  }
0x537: {  	v26 =	vand.u32 $0x7F, v29;
	v17 =	vor.u32 v25, v17;
	v25 =	vand.u32 $0x1, v27  }
0x538: {  	v27 =	vld [tilespmem:s3+$0x2020];
	[tilespmem:v19+s21+$0x0] =	vst.idx.msk $0xffff, v22;
	v17 =	vor.u32 v26, v17;
	v19 =	vor.u32 v7, v25;
	v22 =	vshll.u32 v23, $0x3  }
0x539: {  	v25 =	vld [tilespmem:s0+$0x6030];
	v17 =	vor.u32 v10, v17;
	v22 =	vand.u32 $0xC00, v22;
	v19 =	vshll.u32 v19, $0x7  }
0x53a: {  	v29 =	vshrl.u32 v24, $0x9;
	v23 =	vand.u32 $0x7F, v23;
	v19 =	vor.u32 v22, v19  }
0x53b: {  	v14 =	vor.u32 v21, v14;
	v26 =	vand.u32 $0x1, v29;
	v19 =	vor.u32 v23, v19  }
0x53c: {  	v21 =	vor.u32 v5, v26;
	v22 =	vshll.u32 v24, $0x3;
	v23 =	vld [tilespmem:s30+$0x2410];
	v19 =	vor.u32 v6, v19  }
0x53d: {  	v18 =	vor.u32 v2, v18;
	v26 =	vld [tilespmem:s29+$0x2430];
	v21 =	vshll.u32 v21, $0x7;
	v22 =	vand.u32 $0xC00, v22  }
0x53e: {  	v24 =	vand.u32 $0x7F, v24;
	v21 =	vor.u32 v22, v21;
	v22 =	vshrl.u32 v25, $0x9;
	[tilespmem:v17+s21+$0x0] =	vst.idx.msk $0xffff, v27  }
0x53f: {  	v20 =	vor.u32 v12, v20;
	v17 =	vor.u32 v24, v21;
	v21 =	vand.u32 $0x1, v22;
	v22 =	vld [tilespmem:s3+$0x6030]  }
0x540: {  	v24 =	vld [tilespmem:s31+$0x2070];
	v27 =	vshll.u32 v25, $0x3;
	v17 =	vor.u32 v4, v17;
	v21 =	vor.u32 v11, v21  }
0x541: {  	v15 =	vand.u32 $0xC00, v15;
	v27 =	vand.u32 $0xC00, v27;
	v21 =	vshll.u32 v21, $0x7;
	[tilespmem:v19+s21+$0x0] =	vst.idx.msk $0xffff, v23  }
0x542: {  	v20 =	vshll.u32 v20, $0x7;
	[tilespmem:v18+s21+$0x0] =	vst.idx.msk $0xffff, v26;
	v19 =	vand.u32 $0x7F, v25;
	v23 =	vor.u32 v27, v21;
	v25 =	vld [tilespmem:s30+$0x6420]  }
0x543: {  	v21 =	vor.u32 v13, v14;
	v13 =	vor.u32 v15, v20;
	v15 =	vld [tilespmem:s29+$0x6440];
	v14 =	vor.u32 v19, v23  }
0x544: {  	v18 =	vand.u32 $0x7F, v28;
	v19 =	vld [tilespmem:s0+$0x2030];
	v14 =	vor.u32 v9, v14;
	v20 =	vshrl.u32 v22, $0x9  }
0x545: {  	v13 =	vor.u32 v18, v13;
	v18 =	vshll.u32 v22, $0x3;
	[tilespmem:v17+s21+$0x0] =	vst.idx.msk $0xffff, v24;
	v17 =	vand.u32 $0x1, v20  }
0x546: {  	v13 =	vor.u32 v1, v13;
	v20 =	vand.u32 $0x7F, v22;
	v22 =	vld [tilespmem:s31+$0x6400];
	v17 =	vor.u32 v8, v17  }
0x547: {  	v18 =	vand.u32 $0xC00, v18;
	v17 =	vshll.u32 v17, $0x7;
	v23 =	vshrl.u32 v25, $0x9  }
0x548: {  	v17 =	vor.u32 v18, v17;
	v18 =	vand.u32 $0x1, v23;
	v23 =	vshrl.u32 v15, $0x9  }
0x549: {  	v24 =	vld [tilespmem:s3+$0x2030];
	[tilespmem:v14+s21+$0x0] =	vst.idx.msk $0xffff, v19;
	v14 =	vor.u32 v20, v17;
	v17 =	vor.u32 v7, v18;
	v18 =	vshll.u32 v25, $0x3  }
0x54a: {  	v19 =	vld [tilespmem:s0+$0x6040];
	v14 =	vor.u32 v10, v14;
	v18 =	vand.u32 $0xC00, v18;
	v17 =	vshll.u32 v17, $0x7  }
0x54b: {  	v20 =	vand.u32 $0x7F, v25;
	v25 =	vld [tilespmem:s6+$0x2460];
	v17 =	vor.u32 v18, v17;
	v18 =	vshrl.u32 v22, $0x9  }
0x54c: {  	v23 =	vand.u32 $0x1, v23;
	v18 =	vand.u32 $0x1, v18  }
0x54d: {  	v17 =	vor.u32 v20, v17;
	v20 =	vshll.u32 v22, $0x3;
	v18 =	vor.u32 v5, v18  }
0x54e: {  	v26 =	vld [tilespmem:s30+$0x2420];
	v17 =	vor.u32 v6, v17;
	v20 =	vand.u32 $0xC00, v20;
	v18 =	vshll.u32 v18, $0x7  }
0x54f: {  	v22 =	vand.u32 $0x7F, v22;
	v27 =	vshrl.u32 v19, $0x9;
	[tilespmem:v14+s21+$0x0] =	vst.idx.msk $0xffff, v24;
	v14 =	vor.u32 v20, v18  }
0x550: {  	[tilespmem:v13+s21+$0x0] =	vst.idx.msk $0xffff, v25;
	v18 =	vor.u32 v3, v23;
	v25 =	vshll.u32 v19, $0x3;
	v20 =	vand.u32 $0x1, v27;
	v23 =	vld [tilespmem:s3+$0x6040]  }
0x551: {  	v24 =	vld [tilespmem:s31+$0x2400];
	v14 =	vor.u32 v22, v14;
	v22 =	vshll.u32 v15, $0x3;
	v20 =	vor.u32 v11, v20  }
0x552: {  	v13 =	vld [tilespmem:s6+$0x6470];
	v25 =	vand.u32 $0xC00, v25;
	v14 =	vor.u32 v4, v14;
	v20 =	vshll.u32 v20, $0x7  }
0x553: {  	[tilespmem:v17+s21+$0x0] =	vst.idx.msk $0xffff, v26;
	v17 =	vshll.u32 v18, $0x7;
	v18 =	vand.u32 $0x7F, v19;
	v19 =	vor.u32 v25, v20  }
0x554: {  	v15 =	vand.u32 $0x7F, v15;
	v22 =	vand.u32 $0xC00, v22;
	v20 =	vld [tilespmem:s30+$0x6430];
	v18 =	vor.u32 v18, v19  }
0x555: {  	v17 =	vor.u32 v22, v17;
	v19 =	vld [tilespmem:s0+$0x2040];
	v18 =	vor.u32 v9, v18;
	v22 =	vshrl.u32 v23, $0x9  }
0x556: {  	v15 =	vor.u32 v15, v17;
	v22 =	vand.u32 $0x1, v22  }
0x557: {  	v17 =	vshrl.u32 v13, $0x9;
	v25 =	vshll.u32 v23, $0x3;
	[tilespmem:v14+s21+$0x0] =	vst.idx.msk $0xffff, v24;
	v14 =	vor.u32 v8, v22  }
0x558: {  	v23 =	vand.u32 $0x7F, v23;
	v25 =	vand.u32 $0xC00, v25;
	v22 =	vld [tilespmem:s31+$0x6410];
	v14 =	vshll.u32 v14, $0x7  }
0x559: {  	v26 =	vld [tilespmem:s29+$0x2440];
	v15 =	vor.u32 v2, v15;
	v24 =	vshrl.u32 v20, $0x9;
	v14 =	vor.u32 v25, v14  }
0x55a: {  	v17 =	vand.u32 $0x1, v17;
	v24 =	vand.u32 $0x1, v24;
	v25 =	vld [tilespmem:s3+$0x2040];
	[tilespmem:v18+s21+$0x0] =	vst.idx.msk $0xffff, v19;
	v14 =	vor.u32 v23, v14  }
0x55b: {  	v18 =	vor.u32 v7, v24;
	v19 =	vshll.u32 v20, $0x3;
	v23 =	vld [tilespmem:s0+$0x6050];
	v14 =	vor.u32 v10, v14  }
0x55c: {  	v12 =	vor.u32 v12, v17;
	v19 =	vand.u32 $0xC00, v19;
	v18 =	vshll.u32 v18, $0x7  }
0x55d: {  	v20 =	vand.u32 $0x7F, v20;
	v18 =	vor.u32 v19, v18;
	v19 =	vshrl.u32 v22, $0x9  }
0x55e: {  	v18 =	vor.u32 v20, v18;
	v19 =	vand.u32 $0x1, v19;
	v20 =	vshll.u32 v22, $0x3  }
0x55f: {  	[tilespmem:v15+s21+$0x0] =	vst.idx.msk $0xffff, v26;
	v15 =	vld [tilespmem:s30+$0x2430];
	v22 =	vand.u32 $0x7F, v22;
	v18 =	vor.u32 v6, v18;
	v19 =	vor.u32 v5, v19  }
0x560: {  	v28 =	vld [tilespmem:s29+$0x6450];
	v20 =	vand.u32 $0xC00, v20;
	v19 =	vshll.u32 v19, $0x7;
	v17 =	vshrl.u32 v23, $0x9;
	[tilespmem:v14+s21+$0x0] =	vst.idx.msk $0xffff, v25  }
0x561: {  	v14 =	vor.u32 v20, v19;
	v24 =	vshll.u32 v23, $0x3;
	v17 =	vand.u32 $0x1, v17;
	v20 =	vld [tilespmem:s3+$0x6050]  }
0x562: {  	v22 =	vor.u32 v22, v14;
	v14 =	vshll.u32 v12, $0x7;
	v17 =	vor.u32 v11, v17  }
0x563: {  	v12 =	vld [tilespmem:s31+$0x2410];
	v24 =	vand.u32 $0xC00, v24;
	v22 =	vor.u32 v4, v22;
	v17 =	vshll.u32 v17, $0x7  }
0x564: {  	v19 =	vshll.u32 v13, $0x3;
	[tilespmem:v18+s21+$0x0] =	vst.idx.msk $0xffff, v15;
	v18 =	vand.u32 $0x7F, v23;
	v17 =	vor.u32 v24, v17  }
0x565: {  	v15 =	vand.u32 $0xC00, v19;
	v19 =	vld [tilespmem:s30+$0x6440];
	v17 =	vor.u32 v18, v17  }
0x566: {  	v23 =	vshrl.u32 v28, $0x9;
	v24 =	vor.u32 v9, v17;
	v17 =	vshrl.u32 v20, $0x9  }
0x567: {  	v29 =	vld [tilespmem:s7+$0x2470];
	v18 =	vand.u32 $0x1, v23;
	v23 =	vshll.u32 v28, $0x3;
	v17 =	vand.u32 $0x1, v17  }
0x568: {  	[tilespmem:v22+s21+$0x0] =	vst.idx.msk $0xffff, v12;
	v12 =	vor.u32 v8, v17;
	v17 =	vor.u32 v3, v18;
	v18 =	vand.u32 $0xC00, v23;
	v23 =	vld [tilespmem:s0+$0x2050]  }
0x569: {  	v26 =	vld [tilespmem:s16+$0x2470];
	v25 =	vshll.u32 v20, $0x3  }
0x56a: {  	v25 =	vand.u32 $0xC00, v25;
	v22 =	vld [tilespmem:s31+$0x6420];
	v12 =	vshll.u32 v12, $0x7;
	v27 =	vshrl.u32 v19, $0x9  }
0x56b: {  	v20 =	vand.u32 $0x7F, v20;
	v25 =	vor.u32 v25, v12;
	v27 =	vand.u32 $0x1, v27  }
0x56c: {  	v20 =	vor.u32 v20, v25;
	v25 =	vor.u32 v7, v27  }
0x56d: {  	v17 =	vshll.u32 v17, $0x7;
	v30 =	vshll.u32 v19, $0x3;
	v62 =	vshll.u32 v25, $0x7;
	v25 =	vld [tilespmem:s3+$0x2050];
	[tilespmem:v24+s21+$0x0] =	vst.idx.msk $0xffff, v23  }
0x56e: {  	[tilespmem:v16+s21+$0x0] =	vst.idx.msk $0xffff, v26;
	v31 =	vand.u32 $0x7F, v19;
	v27 =	vor.u32 v10, v20;
	v20 =	vand.u32 $0xC00, v30;
	v26 =	vld [tilespmem:s0+$0x6060]  }
0x56f: {  	[tilespmem:v21+s21+$0x0] =	vst.idx.msk $0xffff, v29;
	v21 =	vld [tilespmem:s30+$0x2440];
	v18 =	vor.u32 v18, v17;
	v20 =	vor.u32 v20, v62;
	v63 =	vshrl.u32 v22, $0x9  }
0x570: {  	v19 =	vld [tilespmem:s31+$0x2420];
	v24 =	vshll.u32 v22, $0x3;
	v20 =	vor.u32 v31, v20;
	v23 =	vand.u32 $0x1, v63  }
0x571: {  	v12 =	vld [tilespmem:s6+$0x2470];
	v22 =	vand.u32 $0x7F, v22;
	v20 =	vor.u32 v6, v20;
	v16 =	vor.u32 v5, v23  }
0x572: {  	s7 =	simm.s32 $0x480;
	v17 =	vld [tilespmem:s29+$0x2450];
	s6 =	simm.s32 $0x6;
	v23 =	vand.u32 $0xC00, v24;
	v24 =	vshll.u32 v16, $0x7;
	v16 =	vand.u32 $0x7F, v28  }
.LBB2_11:
0x573: {  	s15 =	sadd.s32 $0xFFFFFF80, s7;
	s6 =	sadd.s32 $0x2, s6;
	v28 =	vshrl.u32 v26, $0x9;
	[tilespmem:v27+s21+$0x0] =	vst.idx.msk $0xffff, v25;
	s8 =	sadd.s32 $0x200, s8;
	v23 =	vor.u32 v23, v24;
	v16 =	vor.u32 v16, v18  }
0x574: {  	s16 =	sand.u32 $0x1800, s8;
	s15 =	sand.u32 $0x300, s15;
	p1 =	slt.u32 s6, $0x1E;
	v18 =	vand.u32 $0x1, v28;
	v24 =	vld [tilespmem:s3+$0x6060];
	v23 =	vor.u32 v22, v23;
	v16 =	vor.u32 v2, v16  }
0x575: {  	s17 =	sand.u32 $0x380, s7;
	v25 =	vshll.u32 v26, $0x3;
	s15 =	sor.u32 s15, s16;
	v18 =	vor.u32 v11, v18;
	v22 =	vld [tilespmem:s3+$0x2060];
	v23 =	vor.u32 v4, v23  }
0x576: {  	v14 =	vor.u32 v15, v14;
	v25 =	vand.u32 $0xC00, v25;
	s16 =	sor.u32 s16, s17;
	v27 =	vld [tilespmem:s15+$0x6000];
	v18 =	vshll.u32 v18, $0x7;
	[tilespmem:v20+s21+$0x0] =	vst.idx.msk $0xffff, v21  }
0x577: {  	v15 =	vand.u32 $0x7F, v26;
	s9 =	sadd.s32 $0x4, s9;
	v13 =	vand.u32 $0x7F, v13;
	v18 =	vor.u32 v25, v18;
	v25 =	vld [tilespmem:s30+$0x6450]  }
0x578: {  	s17 =	sadd.s32 $0xFFFFFFFE, s9;
	v21 =	vmov s9;
	v26 =	vld [tilespmem:s16+$0x6000];
	v18 =	vor.u32 v15, v18;
	v15 =	vor.u32 v13, v14  }
0x579: {  	v13 =	vmov s17;
	v14 =	vand.u32 $0x6, v21;
	v28 =	vld [tilespmem:s0+$0x2060];
	v18 =	vor.u32 v9, v18;
	[tilespmem:v16+s21+$0x0] =	vst.idx.msk $0xffff, v17  }
0x57a: {  	v30 =	vshll.u32 v21, $0x9;
	v20 =	vand.u32 $0x4, v13;
	v13 =	vshll.u32 v13, $0x9;
	v29 =	vld [tilespmem:s16+$0x2000];
	[tilespmem:v23+s21+$0x0] =	vst.idx.msk $0xffff, v19  }
0x57b: {  	v19 =	vand.u32 $0x7000, v13;
	v16 =	vshrl.u32 v27, $0x9;
	v23 =	vand.u32 $0x7F, v27;
	v21 =	vld [tilespmem:s31+$0x6430]  }
0x57c: {  	v17 =	vshll.u32 v27, $0x3;
	v13 =	vand.u32 $0x1, v16;
	v27 =	vshrl.u32 v25, $0x9;
	v16 =	vld [tilespmem:s31+$0x2430]  }
0x57d: {  	v31 =	vand.u32 $0xC00, v17;
	v13 =	vor.u32 v20, v13;
	v27 =	vand.u32 $0x1, v27;
	v17 =	vld [tilespmem:s29+$0x6460]  }
0x57e: {  	v32 =	vshll.u32 v13, $0x7;
	[tilespmem:v18+s21+$0x0] =	vst.idx.msk $0xffff, v28;
	v18 =	vor.u32 v7, v27;
	v27 =	vshll.u32 v25, $0x3;
	v13 =	vld [tilespmem:s29+$0x2460]  }
0x57f: {  	v28 =	vor.u32 v31, v32;
	v31 =	vld [tilespmem:s0+$0x6070];
	v27 =	vand.u32 $0xC00, v27;
	v18 =	vshll.u32 v18, $0x7  }
0x580: {  	v25 =	vand.u32 $0x7F, v25;
	v23 =	vor.u32 v23, v28;
	v18 =	vor.u32 v27, v18  }
0x581: {  	v28 =	vshrl.u32 v26, $0x9;
	v27 =	vld [tilespmem:s15+$0x2000];
	v23 =	vor.u32 v19, v23;
	v18 =	vor.u32 v25, v18  }
0x582: {  	v25 =	vand.u32 $0x1, v28;
	v28 =	vshll.u32 v26, $0x3;
	v32 =	vld [tilespmem:s30+$0x2450];
	v33 =	vor.u32 v6, v18  }
0x583: {  	v26 =	vand.u32 $0x7F, v26;
	v25 =	vor.u32 v14, v25;
	v28 =	vand.u32 $0xC00, v28  }
0x584: {  	v18 =	vand.u32 $0x7000, v30;
	v25 =	vshll.u32 v25, $0x7;
	v30 =	vshrl.u32 v31, $0x9  }
0x585: {  	v25 =	vor.u32 v28, v25;
	v28 =	vand.u32 $0x1, v30;
	v30 =	vshrl.u32 v24, $0x9  }
0x586: {  	[tilespmem:v23+s21+$0x0] =	vst.idx.msk $0xffff, v27;
	v23 =	vor.u32 v26, v25;
	v25 =	vor.u32 v11, v28;
	v26 =	vshll.u32 v31, $0x3  }
0x587: {  	v27 =	vld [tilespmem:s15+$0x6010];
	v23 =	vor.u32 v18, v23;
	v26 =	vand.u32 $0xC00, v26;
	v25 =	vshll.u32 v25, $0x7;
	[tilespmem:v33+s21+$0x0] =	vst.idx.msk $0xffff, v32  }
0x588: {  	v28 =	vand.u32 $0x7F, v31;
	v25 =	vor.u32 v26, v25;
	v26 =	vand.u32 $0x1, v30;
	v30 =	vld [tilespmem:s30+$0x6460]  }
0x589: {  	v25 =	vor.u32 v28, v25;
	v26 =	vor.u32 v8, v26;
	v28 =	vshll.u32 v24, $0x3  }
0x58a: {  	v31 =	vld [tilespmem:s0+$0x2070];
	v25 =	vor.u32 v9, v25;
	v28 =	vand.u32 $0xC00, v28;
	v26 =	vshll.u32 v26, $0x7  }
0x58b: {  	v24 =	vand.u32 $0x7F, v24;
	v26 =	vor.u32 v28, v26;
	v28 =	vshrl.u32 v21, $0x9  }
0x58c: {  	v32 =	vshrl.u32 v27, $0x9;
	v33 =	vand.u32 $0x7F, v27;
	[tilespmem:v23+s21+$0x0] =	vst.idx.msk $0xffff, v29;
	v23 =	vor.u32 v24, v26  }
0x58d: {  	v26 =	vshll.u32 v27, $0x3;
	v24 =	vand.u32 $0x1, v32;
	v27 =	vld [tilespmem:s16+$0x6010];
	v29 =	vshrl.u32 v30, $0x9  }
0x58e: {  	v26 =	vand.u32 $0xC00, v26;
	v24 =	vor.u32 v20, v24;
	v32 =	vld [tilespmem:s16+$0x2010];
	v29 =	vand.u32 $0x1, v29  }
0x58f: {  	v24 =	vshll.u32 v24, $0x7;
	[tilespmem:v25+s21+$0x0] =	vst.idx.msk $0xffff, v31;
	v25 =	vor.u32 v7, v29;
	v29 =	vshll.u32 v30, $0x3  }
0x590: {  	v24 =	vor.u32 v26, v24;
	v26 =	vld [tilespmem:s0+$0x6400];
	v29 =	vand.u32 $0xC00, v29;
	v25 =	vshll.u32 v25, $0x7  }
0x591: {  	v30 =	vand.u32 $0x7F, v30;
	v24 =	vor.u32 v33, v24;
	v25 =	vor.u32 v29, v25  }
0x592: {  	v29 =	vld [tilespmem:s15+$0x2010];
	v24 =	vor.u32 v19, v24;
	v31 =	vshrl.u32 v27, $0x9;
	v25 =	vor.u32 v30, v25  }
0x593: {  	v30 =	vand.u32 $0x1, v31;
	v31 =	vshll.u32 v27, $0x3;
	v33 =	vld [tilespmem:s30+$0x2460];
	v25 =	vor.u32 v6, v25  }
0x594: {  	v27 =	vand.u32 $0x7F, v27;
	v30 =	vor.u32 v14, v30;
	v31 =	vand.u32 $0xC00, v31  }
0x595: {  	v23 =	vor.u32 v10, v23;
	v30 =	vshll.u32 v30, $0x7;
	v34 =	vshrl.u32 v26, $0x9  }
0x596: {  	v28 =	vand.u32 $0x1, v28;
	v30 =	vor.u32 v31, v30;
	v31 =	vand.u32 $0x1, v34  }
0x597: {  	[tilespmem:v24+s21+$0x0] =	vst.idx.msk $0xffff, v29;
	v24 =	vor.u32 v27, v30;
	v27 =	vor.u32 v11, v31;
	v29 =	vshll.u32 v26, $0x3  }
0x598: {  	v30 =	vld [tilespmem:s15+$0x6020];
	v24 =	vor.u32 v18, v24;
	v29 =	vand.u32 $0xC00, v29;
	v27 =	vshll.u32 v27, $0x7;
	[tilespmem:v25+s21+$0x0] =	vst.idx.msk $0xffff, v33  }
0x599: {  	v28 =	vor.u32 v5, v28;
	v25 =	vand.u32 $0x7F, v26;
	v26 =	vor.u32 v29, v27;
	v27 =	vld [tilespmem:s30+$0x6470]  }
0x59a: {  	v25 =	vor.u32 v25, v26;
	[tilespmem:v23+s21+$0x0] =	vst.idx.msk $0xffff, v22;
	v22 =	vshll.u32 v21, $0x3;
	v23 =	vshll.u32 v28, $0x7  }
0x59b: {  	v21 =	vand.u32 $0x7F, v21;
	v26 =	vld [tilespmem:s0+$0x2400];
	v25 =	vor.u32 v9, v25;
	v22 =	vand.u32 $0xC00, v22  }
0x59c: {  	v29 =	vshll.u32 v17, $0x3;
	v28 =	vld [tilespmem:s3+$0x6070];
	v22 =	vor.u32 v22, v23;
	v23 =	vshrl.u32 v17, $0x9  }
0x59d: {  	v31 =	vshrl.u32 v30, $0x9;
	v33 =	vand.u32 $0x7F, v30;
	[tilespmem:v24+s21+$0x0] =	vst.idx.msk $0xffff, v32;
	v24 =	vld [tilespmem:s3+$0x2070];
	v21 =	vor.u32 v21, v22  }
0x59e: {  	v30 =	vshll.u32 v30, $0x3;
	v22 =	vand.u32 $0x1, v31;
	v31 =	vld [tilespmem:s16+$0x6020];
	v32 =	vshrl.u32 v27, $0x9  }
0x59f: {  	v30 =	vand.u32 $0xC00, v30;
	v22 =	vor.u32 v20, v22;
	v34 =	vld [tilespmem:s16+$0x2020];
	v32 =	vand.u32 $0x1, v32  }
0x5a0: {  	v22 =	vshll.u32 v22, $0x7;
	[tilespmem:v25+s21+$0x0] =	vst.idx.msk $0xffff, v26;
	v25 =	vor.u32 v7, v32;
	v26 =	vshll.u32 v27, $0x3;
	v7 =	vmovc v11  }
0x5a1: {  	v11 =	vmovc v20;
	v22 =	vor.u32 v30, v22;
	v30 =	vld [tilespmem:s0+$0x6410];
	v26 =	vand.u32 $0xC00, v26;
	v25 =	vshll.u32 v25, $0x7  }
0x5a2: {  	v20 =	vor.u32 v33, v22;
	v22 =	vand.u32 $0x7F, v27;
	v25 =	vor.u32 v26, v25  }
0x5a3: {  	v26 =	vld [tilespmem:s15+$0x2020];
	v20 =	vor.u32 v19, v20;
	v27 =	vshrl.u32 v31, $0x9;
	v22 =	vor.u32 v22, v25  }
0x5a4: {  	v25 =	vand.u32 $0x1, v27;
	v27 =	vshll.u32 v31, $0x3;
	v32 =	vld [tilespmem:s30+$0x2470];
	v22 =	vor.u32 v6, v22;
	v6 =	vmovc v9;
	v9 =	vmovc v19;
	s30 =	smov.u32 s0;
	s0 =	smov.u32 s15  }
0x5a5: {  	v19 =	vor.u32 v14, v25;
	v25 =	vand.u32 $0x7F, v31;
	v27 =	vand.u32 $0xC00, v27  }
0x5a6: {  	v33 =	vshrl.u32 v28, $0x9;
	v19 =	vshll.u32 v19, $0x7;
	v31 =	vshrl.u32 v30, $0x9  }
0x5a7: {  	v19 =	vor.u32 v27, v19;
	v27 =	vand.u32 $0x1, v31;
	v31 =	vand.u32 $0x1, v33  }
0x5a8: {  	[tilespmem:v20+s21+$0x0] =	vst.idx.msk $0xffff, v26;
	v19 =	vor.u32 v25, v19;
	v20 =	vor.u32 v7, v27;
	v25 =	vshll.u32 v30, $0x3  }
0x5a9: {  	v26 =	vld [tilespmem:s0+$0x6030];
	v19 =	vor.u32 v18, v19;
	v25 =	vand.u32 $0xC00, v25;
	v20 =	vshll.u32 v20, $0x7;
	[tilespmem:v22+s21+$0x0] =	vst.idx.msk $0xffff, v32  }
0x5aa: {  	v22 =	vand.u32 $0x7F, v30;
	v20 =	vor.u32 v25, v20;
	v25 =	vor.u32 v8, v31  }
0x5ab: {  	v20 =	vor.u32 v22, v20;
	v22 =	vshll.u32 v28, $0x3;
	v25 =	vshll.u32 v25, $0x7  }
0x5ac: {  	v28 =	vand.u32 $0x7F, v28;
	v27 =	vld [tilespmem:s30+$0x2410];
	v20 =	vor.u32 v6, v20;
	v22 =	vand.u32 $0xC00, v22  }
0x5ad: {  	v23 =	vand.u32 $0x1, v23;
	v21 =	vor.u32 v4, v21;
	v22 =	vor.u32 v22, v25  }
0x5ae: {  	v25 =	vshrl.u32 v26, $0x9;
	[tilespmem:v19+s21+$0x0] =	vst.idx.msk $0xffff, v34;
	v19 =	vor.u32 v28, v22;
	v22 =	vor.u32 v3, v23  }
0x5af: {  	v23 =	vand.u32 $0x1, v25;
	v25 =	vld [tilespmem:s16+$0x6030];
	v19 =	vor.u32 v10, v19;
	v22 =	vshll.u32 v22, $0x7  }
0x5b0: {  	v29 =	vand.u32 $0xC00, v29;
	v28 =	vshll.u32 v26, $0x3;
	v23 =	vor.u32 v11, v23;
	v30 =	vld [tilespmem:s16+$0x2030]  }
0x5b1: {  	v28 =	vand.u32 $0xC00, v28;
	v23 =	vshll.u32 v23, $0x7;
	[tilespmem:v20+s21+$0x0] =	vst.idx.msk $0xffff, v27;
	v20 =	vor.u32 v29, v22  }
0x5b2: {  	v22 =	vand.u32 $0x7F, v26;
	v23 =	vor.u32 v28, v23;
	v26 =	vld [tilespmem:s30+$0x6420];
	[tilespmem:v21+s21+$0x0] =	vst.idx.msk $0xffff, v16;
	v16 =	vand.u32 $0x7F, v17  }
0x5b3: {  	v15 =	vor.u32 v1, v15;
	v1 =	vmovc v2;
	v17 =	vor.u32 v22, v23;
	v21 =	vld [tilespmem:s31+$0x6440];
	v16 =	vor.u32 v16, v20  }
0x5b4: {  	v2 =	vmovc v4;
	v20 =	vld [tilespmem:s0+$0x2030];
	v17 =	vor.u32 v9, v17;
	v22 =	vshrl.u32 v25, $0x9;
	v23 =	vshll.u32 v25, $0x3;
	[tilespmem:v19+s21+$0x0] =	vst.idx.msk $0xffff, v24  }
0x5b5: {  	v4 =	vmovc v10;
	v10 =	vmovc v18;
	v19 =	vand.u32 $0x1, v22;
	v22 =	vand.u32 $0x7F, v25;
	v23 =	vand.u32 $0xC00, v23;
	v24 =	vld [tilespmem:s3+$0x6400]  }
0x5b6: {  	v16 =	vor.u32 v1, v16;
	v18 =	vor.u32 v14, v19;
	v19 =	vld [tilespmem:s3+$0x2400]  }
0x5b7: {  	v18 =	vshll.u32 v18, $0x7;
	v25 =	vshrl.u32 v26, $0x9;
	v27 =	vld [tilespmem:s31+$0x2440]  }
0x5b8: {  	v18 =	vor.u32 v23, v18;
	v23 =	vand.u32 $0x1, v25;
	v25 =	vshrl.u32 v21, $0x9;
	[tilespmem:v15+s21+$0x0] =	vst.idx.msk $0xffff, v12  }
0x5b9: {  	[tilespmem:v17+s21+$0x0] =	vst.idx.msk $0xffff, v20;
	v12 =	vor.u32 v22, v18;
	v15 =	vor.u32 v7, v23;
	v17 =	vshll.u32 v26, $0x3  }
0x5ba: {  	v18 =	vld [tilespmem:s0+$0x6040];
	v20 =	vor.u32 v10, v12;
	v12 =	vand.u32 $0xC00, v17;
	v15 =	vshll.u32 v15, $0x7  }
0x5bb: {  	v17 =	vand.u32 $0x7F, v26;
	v12 =	vor.u32 v12, v15;
	v15 =	vshrl.u32 v24, $0x9;
	[tilespmem:v16+s21+$0x0] =	vst.idx.msk $0xffff, v13  }
0x5bc: {  	v16 =	vshll.u32 v24, $0x3;
	v12 =	vor.u32 v17, v12;
	v15 =	vand.u32 $0x1, v15;
	v13 =	vld [tilespmem:s29+$0x6470]  }
0x5bd: {  	v17 =	vld [tilespmem:s30+$0x2420];
	v22 =	vor.u32 v6, v12;
	v12 =	vor.u32 v8, v15;
	v15 =	vand.u32 $0xC00, v16  }
0x5be: {  	v16 =	vand.u32 $0x7F, v24;
	v24 =	vand.u32 $0x1, v25;
	v23 =	vshll.u32 v12, $0x7;
	v12 =	vld [tilespmem:s29+$0x2470];
	s29 =	smov.u32 s31;
	s31 =	smov.u32 s3;
	s3 =	smov.u32 s16  }
0x5bf: {  	v25 =	vshrl.u32 v18, $0x9;
	[tilespmem:v20+s21+$0x0] =	vst.idx.msk $0xffff, v30;
	v15 =	vor.u32 v15, v23;
	v20 =	vor.u32 v5, v24  }
0x5c0: {  	v23 =	vand.u32 $0x1, v25;
	v24 =	vld [tilespmem:s3+$0x6040];
	v15 =	vor.u32 v16, v15;
	v16 =	vshll.u32 v21, $0x3  }
0x5c1: {  	v25 =	vshll.u32 v18, $0x3;
	v23 =	vor.u32 v11, v23;
	v26 =	vld [tilespmem:s3+$0x2040];
	v15 =	vor.u32 v4, v15  }
0x5c2: {  	v25 =	vand.u32 $0xC00, v25;
	v23 =	vshll.u32 v23, $0x7;
	[tilespmem:v22+s21+$0x0] =	vst.idx.msk $0xffff, v17;
	v17 =	vshll.u32 v20, $0x7  }
0x5c3: {  	v18 =	vand.u32 $0x7F, v18;
	v16 =	vand.u32 $0xC00, v16;
	v20 =	vor.u32 v25, v23;
	v22 =	vld [tilespmem:s30+$0x6430]  }
0x5c4: {  	v16 =	vor.u32 v16, v17;
	v18 =	vor.u32 v18, v20;
	v20 =	vand.u32 $0x7F, v21  }
0x5c5: {  	v17 =	vld [tilespmem:s0+$0x2040];
	v18 =	vor.u32 v9, v18;
	v21 =	vshrl.u32 v24, $0x9;
	v23 =	vshll.u32 v24, $0x3  }
0x5c6: {  	v24 =	vand.u32 $0x7F, v24;
	v21 =	vand.u32 $0x1, v21;
	v23 =	vand.u32 $0xC00, v23;
	[tilespmem:v15+s21+$0x0] =	vst.idx.msk $0xffff, v19  }
0x5c7: {  	v16 =	vor.u32 v20, v16;
	v20 =	vshrl.u32 v13, $0x9;
	v15 =	vor.u32 v14, v21;
	v19 =	vld [tilespmem:s31+$0x6410]  }
0x5c8: {  	v16 =	vor.u32 v2, v16;
	v15 =	vshll.u32 v15, $0x7;
	v21 =	vshrl.u32 v22, $0x9;
	v28 =	vld [tilespmem:s31+$0x2410]  }
0x5c9: {  	v20 =	vand.u32 $0x1, v20;
	v15 =	vor.u32 v23, v15;
	v21 =	vand.u32 $0x1, v21  }
0x5ca: {  	[tilespmem:v18+s21+$0x0] =	vst.idx.msk $0xffff, v17;
	v15 =	vor.u32 v24, v15;
	v17 =	vor.u32 v7, v21;
	v18 =	vshll.u32 v22, $0x3  }
0x5cb: {  	v21 =	vld [tilespmem:s0+$0x6050];
	v15 =	vor.u32 v10, v15;
	v18 =	vand.u32 $0xC00, v18;
	v17 =	vshll.u32 v17, $0x7  }
0x5cc: {  	v22 =	vand.u32 $0x7F, v22;
	v17 =	vor.u32 v18, v17;
	v18 =	vshrl.u32 v19, $0x9  }
0x5cd: {  	v17 =	vor.u32 v22, v17;
	v18 =	vand.u32 $0x1, v18;
	v22 =	vshll.u32 v19, $0x3;
	[tilespmem:v16+s21+$0x0] =	vst.idx.msk $0xffff, v27  }
0x5ce: {  	v16 =	vld [tilespmem:s30+$0x2430];
	v23 =	vor.u32 v6, v17;
	v17 =	vor.u32 v8, v18;
	v18 =	vand.u32 $0xC00, v22  }
0x5cf: {  	v20 =	vor.u32 v3, v20;
	v3 =	vmovc v5;
	v5 =	vmovc v8;
	v19 =	vand.u32 $0x7F, v19;
	v17 =	vshll.u32 v17, $0x7;
	v29 =	vld [tilespmem:s29+$0x6450]  }
0x5d0: {  	v8 =	vmovc v14;
	v22 =	vshrl.u32 v21, $0x9;
	[tilespmem:v15+s21+$0x0] =	vst.idx.msk $0xffff, v26;
	v15 =	vor.u32 v18, v17;
	v17 =	vld [tilespmem:s29+$0x2450];
	v18 =	vshll.u32 v13, $0x3  }
0x5d1: {  	v14 =	vshll.u32 v20, $0x7;
	v22 =	vand.u32 $0x1, v22;
	v24 =	vld [tilespmem:s3+$0x6050];
	v15 =	vor.u32 v19, v15  }
0x5d2: {  	v20 =	vshll.u32 v21, $0x3;
	v19 =	vor.u32 v11, v22;
	v25 =	vld [tilespmem:s3+$0x2050];
	v22 =	vor.u32 v4, v15  }
0x5d3: {  	v20 =	vand.u32 $0xC00, v20;
	v15 =	vand.u32 $0xC00, v18;
	v19 =	vshll.u32 v19, $0x7;
	[tilespmem:v23+s21+$0x0] =	vst.idx.msk $0xffff, v16  }
0x5d4: {  	v16 =	vand.u32 $0x7F, v21;
	v18 =	vor.u32 v20, v19;
	v20 =	vld [tilespmem:s30+$0x6440];
	v19 =	vshrl.u32 v29, $0x9  }
0x5d5: {  	v16 =	vor.u32 v16, v18;
	v18 =	vand.u32 $0x1, v19;
	v19 =	vshll.u32 v29, $0x3  }
0x5d6: {  	v21 =	vld [tilespmem:s0+$0x2050];
	v16 =	vor.u32 v9, v16;
	v23 =	vshrl.u32 v24, $0x9;
	v26 =	vshll.u32 v24, $0x3  }
0x5d7: {  	v24 =	vand.u32 $0x7F, v24;
	v23 =	vand.u32 $0x1, v23;
	v26 =	vand.u32 $0xC00, v26;
	[tilespmem:v22+s21+$0x0] =	vst.idx.msk $0xffff, v28  }
0x5d8: {  	v18 =	vor.u32 v3, v18;
	v22 =	vor.u32 v8, v23;
	v28 =	vld [tilespmem:s31+$0x6420];
	v23 =	vand.u32 $0xC00, v19  }
0x5d9: {  	v18 =	vshll.u32 v18, $0x7;
	v22 =	vshll.u32 v22, $0x7;
	v27 =	vshrl.u32 v20, $0x9;
	v19 =	vld [tilespmem:s31+$0x2420]  }
0x5da: {  	v18 =	vor.u32 v23, v18;
	v22 =	vor.u32 v26, v22;
	v26 =	vand.u32 $0x1, v27  }
0x5db: {  	[tilespmem:v16+s21+$0x0] =	vst.idx.msk $0xffff, v21;
	v16 =	vor.u32 v24, v22;
	v21 =	vor.u32 v7, v26;
	v22 =	vshll.u32 v20, $0x3  }
.Ltmp6:
0x5dc: {  	v26 =	vld [tilespmem:s0+$0x6060];
	v27 =	vor.u32 v10, v16;
	v16 =	vand.u32 $0xC00, v22;
	v21 =	vshll.u32 v21, $0x7;
	(pc) =	sbr.rel @p1 .LBB2_11-.Ltmp6, $4  }
0x5dd: {  	v20 =	vand.u32 $0x7F, v20;
	v16 =	vor.u32 v16, v21;
	v21 =	vshrl.u32 v28, $0x9  }
0x5de: {  	v23 =	vshll.u32 v28, $0x3;
	v16 =	vor.u32 v20, v16;
	v22 =	vand.u32 $0x1, v21  }
0x5df: {  	v23 =	vand.u32 $0xC00, v23;
	v21 =	vld [tilespmem:s30+$0x2440];
	v20 =	vor.u32 v6, v16;
	v16 =	vor.u32 v5, v22  }
0x5e0: {  	s7 =	sadd.s32 $0x100, s7;
	v22 =	vand.u32 $0x7F, v28;
	v24 =	vshll.u32 v16, $0x7;
	v16 =	vand.u32 $0x7F, v29  }
0x5e1: {  	_ =	sdelay $0x3  }
0x5e2: {  	v28 =	vshrl.u32 v26, $0x9;
	[tilespmem:v27+s21+$0x0] =	vst.idx.msk $0xffff, v25  }
0x5e3: {  	v37 =	vand.u32 $0x1, v28;
	v27 =	vld [tilespmem:s3+$0x6060]  }
0x5e4: {  	v38 =	vshll.u32 v26, $0x3;
	v25 =	vor.u32 v11, v37  }
0x5e5: {  	v28 =	vand.u32 $0xC00, v38;
	v25 =	vshll.u32 v25, $0x7  }
0x5e6: {  	v39 =	vand.u32 $0x7F, v26;
	v25 =	vor.u32 v28, v25  }
0x5e7: {  	v25 =	vor.u32 v39, v25  }
0x5e8: {  	v40 =	vld [tilespmem:s0+$0x2060];
	v25 =	vor.u32 v9, v25;
	v41 =	vshrl.u32 v27, $0x9  }
0x5e9: {  	v28 =	vand.u32 $0x1, v41  }
0x5ea: {  	v29 =	vshll.u32 v27, $0x3;
	v28 =	vor.u32 v8, v28  }
0x5eb: {  	v29 =	vand.u32 $0xC00, v29;
	v28 =	vshll.u32 v28, $0x7  }
0x5ec: {  	v42 =	vand.u32 $0x7F, v27;
	v43 =	vor.u32 v29, v28  }
0x5ed: {  	v45 =	vld [tilespmem:s3+$0x2060];
	[tilespmem:v25+s21+$0x0] =	vst.idx.msk $0xffff, v40;
	v25 =	vor.u32 v42, v43  }
0x5ee: {  	v44 =	vld [tilespmem:s0+$0x6070];
	v25 =	vor.u32 v10, v25;
	_ =	sdelay $0x4  }
0x5ef: {  	v46 =	vshrl.u32 v44, $0x9;
	[tilespmem:v25+s21+$0x0] =	vst.idx.msk $0xffff, v45  }
0x5f0: {  	v28 =	vand.u32 $0x1, v46;
	v49 =	vld [tilespmem:s3+$0x6070]  }
0x5f1: {  	v48 =	vshll.u32 v44, $0x3;
	v47 =	vor.u32 v11, v28  }
0x5f2: {  	v26 =	vand.u32 $0xC00, v48;
	v25 =	vshll.u32 v47, $0x7  }
0x5f3: {  	v27 =	vand.u32 $0x7F, v44;
	v25 =	vor.u32 v26, v25  }
0x5f4: {  	v25 =	vor.u32 v27, v25  }
0x5f5: {  	v50 =	vld [tilespmem:s0+$0x2070];
	v25 =	vor.u32 v9, v25;
	v51 =	vshrl.u32 v49, $0x9  }
0x5f6: {  	v27 =	vand.u32 $0x1, v51  }
0x5f7: {  	v52 =	vshll.u32 v49, $0x3;
	v27 =	vor.u32 v8, v27  }
0x5f8: {  	v29 =	vand.u32 $0xC00, v52;
	v27 =	vshll.u32 v27, $0x7  }
0x5f9: {  	v53 =	vand.u32 $0x7F, v49;
	v54 =	vor.u32 v29, v27  }
0x5fa: {  	v56 =	vld [tilespmem:s3+$0x2070];
	[tilespmem:v25+s21+$0x0] =	vst.idx.msk $0xffff, v50;
	v25 =	vor.u32 v53, v54  }
0x5fb: {  	v55 =	vld [tilespmem:s0+$0x6400];
	v25 =	vor.u32 v10, v25;
	_ =	sdelay $0x4  }
0x5fc: {  	v57 =	vshrl.u32 v55, $0x9;
	[tilespmem:v25+s21+$0x0] =	vst.idx.msk $0xffff, v56  }
0x5fd: {  	v28 =	vand.u32 $0x1, v57;
	v60 =	vld [tilespmem:s3+$0x6400]  }
0x5fe: {  	v59 =	vshll.u32 v55, $0x3;
	v58 =	vor.u32 v11, v28  }
0x5ff: {  	v26 =	vand.u32 $0xC00, v59;
	v25 =	vshll.u32 v58, $0x7  }
0x600: {  	v27 =	vand.u32 $0x7F, v55;
	v25 =	vor.u32 v26, v25  }
0x601: {  	v25 =	vor.u32 v27, v25  }
0x602: {  	v61 =	vld [tilespmem:s0+$0x2400];
	v25 =	vor.u32 v9, v25;
	v62 =	vshrl.u32 v60, $0x9  }
0x603: {  	v27 =	vand.u32 $0x1, v62  }
0x604: {  	v63 =	vshll.u32 v60, $0x3;
	v27 =	vor.u32 v8, v27  }
0x605: {  	v29 =	vand.u32 $0xC00, v63;
	v27 =	vshll.u32 v27, $0x7  }
0x606: {  	v31 =	vand.u32 $0x7F, v60;
	v32 =	vor.u32 v29, v27  }
0x607: {  	v34 =	vld [tilespmem:s3+$0x2400];
	[tilespmem:v25+s21+$0x0] =	vst.idx.msk $0xffff, v61;
	v25 =	vor.u32 v31, v32  }
0x608: {  	v33 =	vld [tilespmem:s0+$0x6410];
	v25 =	vor.u32 v10, v25;
	_ =	sdelay $0x4  }
0x609: {  	v35 =	vshrl.u32 v33, $0x9;
	[tilespmem:v25+s21+$0x0] =	vst.idx.msk $0xffff, v34  }
0x60a: {  	v28 =	vand.u32 $0x1, v35;
	v38 =	vld [tilespmem:s3+$0x6410]  }
0x60b: {  	v37 =	vshll.u32 v33, $0x3;
	v36 =	vor.u32 v11, v28  }
0x60c: {  	v26 =	vand.u32 $0xC00, v37;
	v25 =	vshll.u32 v36, $0x7  }
0x60d: {  	v27 =	vand.u32 $0x7F, v33;
	v25 =	vor.u32 v26, v25  }
0x60e: {  	v25 =	vor.u32 v27, v25  }
0x60f: {  	v39 =	vld [tilespmem:s0+$0x2410];
	v25 =	vor.u32 v9, v25;
	v40 =	vshrl.u32 v38, $0x9  }
0x610: {  	v27 =	vand.u32 $0x1, v40  }
0x611: {  	v41 =	vshll.u32 v38, $0x3;
	v27 =	vor.u32 v8, v27  }
0x612: {  	v29 =	vand.u32 $0xC00, v41;
	v27 =	vshll.u32 v27, $0x7  }
0x613: {  	v42 =	vand.u32 $0x7F, v38;
	v43 =	vor.u32 v29, v27  }
0x614: {  	v45 =	vld [tilespmem:s3+$0x2410];
	[tilespmem:v25+s21+$0x0] =	vst.idx.msk $0xffff, v39;
	v25 =	vor.u32 v42, v43  }
0x615: {  	v44 =	vld [tilespmem:s0+$0x6420];
	v25 =	vor.u32 v10, v25;
	_ =	sdelay $0x4  }
0x616: {  	v46 =	vshrl.u32 v44, $0x9;
	[tilespmem:v25+s21+$0x0] =	vst.idx.msk $0xffff, v45  }
0x617: {  	v28 =	vand.u32 $0x1, v46;
	v49 =	vld [tilespmem:s3+$0x6420]  }
0x618: {  	v48 =	vshll.u32 v44, $0x3;
	v47 =	vor.u32 v11, v28  }
0x619: {  	v26 =	vand.u32 $0xC00, v48;
	v25 =	vshll.u32 v47, $0x7  }
0x61a: {  	v27 =	vand.u32 $0x7F, v44;
	v25 =	vor.u32 v26, v25  }
0x61b: {  	v25 =	vor.u32 v27, v25  }
0x61c: {  	v50 =	vld [tilespmem:s0+$0x2420];
	v25 =	vor.u32 v9, v25;
	v51 =	vshrl.u32 v49, $0x9  }
0x61d: {  	v23 =	vor.u32 v23, v24;
	v52 =	vand.u32 $0x1, v51  }
0x61e: {  	v22 =	vor.u32 v22, v23;
	v53 =	vshll.u32 v49, $0x3;
	v24 =	vor.u32 v8, v52  }
0x61f: {  	v22 =	vor.u32 v4, v22;
	v23 =	vand.u32 $0xC00, v53;
	v24 =	vshll.u32 v24, $0x7  }
0x620: {  	v54 =	vand.u32 $0x7F, v49;
	v23 =	vor.u32 v23, v24  }
0x621: {  	v56 =	vld [tilespmem:s3+$0x2420];
	[tilespmem:v25+s21+$0x0] =	vst.idx.msk $0xffff, v50;
	v23 =	vor.u32 v54, v23  }
0x622: {  	v55 =	vld [tilespmem:s0+$0x6430];
	v23 =	vor.u32 v10, v23;
	_ =	sdelay $0x1  }
0x623: {  	[tilespmem:v22+s21+$0x0] =	vst.idx.msk $0xffff, v19  }
0x624: {  	v19 =	vld [tilespmem:s31+$0x6430];
	_ =	sdelay $0x1  }
0x625: {  	v57 =	vshrl.u32 v55, $0x9;
	[tilespmem:v23+s21+$0x0] =	vst.idx.msk $0xffff, v56  }
0x626: {  	v22 =	vand.u32 $0x1, v57;
	v25 =	vld [tilespmem:s3+$0x6430]  }
0x627: {  	v58 =	vshll.u32 v55, $0x3;
	v22 =	vor.u32 v11, v22  }
0x628: {  	v59 =	vshrl.u32 v19, $0x9;
	v23 =	vand.u32 $0xC00, v58;
	v22 =	vshll.u32 v22, $0x7  }
0x629: {  	v60 =	vand.u32 $0x1, v59;
	v24 =	vand.u32 $0x7F, v55;
	v22 =	vor.u32 v23, v22  }
0x62a: {  	v61 =	vshll.u32 v19, $0x3;
	v19 =	vand.u32 $0x7F, v19;
	v22 =	vor.u32 v24, v22  }
0x62b: {  	v62 =	vld [tilespmem:s0+$0x2430];
	v23 =	vor.u32 v5, v60;
	v22 =	vor.u32 v9, v22;
	v63 =	vshrl.u32 v25, $0x9  }
0x62c: {  	[tilespmem:v20+s21+$0x0] =	vst.idx.msk $0xffff, v21;
	v23 =	vshll.u32 v23, $0x7;
	v24 =	vand.u32 $0xC00, v61;
	v30 =	vand.u32 $0x1, v63  }
0x62d: {  	v31 =	vld [tilespmem:s30+$0x6450];
	v29 =	vor.u32 v24, v23;
	v33 =	vshll.u32 v25, $0x3;
	v32 =	vor.u32 v8, v30  }
0x62e: {  	v19 =	vor.u32 v19, v29;
	v21 =	vand.u32 $0xC00, v33;
	v20 =	vshll.u32 v32, $0x7  }
0x62f: {  	v34 =	vld [tilespmem:s31+$0x2430];
	v35 =	vand.u32 $0x7F, v25;
	v19 =	vor.u32 v4, v19;
	v20 =	vor.u32 v21, v20  }
0x630: {  	v37 =	vld [tilespmem:s3+$0x2430];
	[tilespmem:v22+s21+$0x0] =	vst.idx.msk $0xffff, v62;
	v20 =	vor.u32 v35, v20  }
0x631: {  	v36 =	vld [tilespmem:s0+$0x6440];
	v20 =	vor.u32 v10, v20  }
0x632: {  	v38 =	vshrl.u32 v31, $0x9  }
0x633: {  	v25 =	vand.u32 $0x1, v38  }
0x634: {  	v40 =	vshll.u32 v31, $0x3;
	v39 =	vor.u32 v7, v25;
	[tilespmem:v19+s21+$0x0] =	vst.idx.msk $0xffff, v34  }
0x635: {  	v24 =	vand.u32 $0xC00, v40;
	v19 =	vshll.u32 v39, $0x7;
	v41 =	vld [tilespmem:s31+$0x6440]  }
0x636: {  	v23 =	vand.u32 $0x7F, v31;
	v19 =	vor.u32 v24, v19;
	v42 =	vshrl.u32 v36, $0x9;
	[tilespmem:v20+s21+$0x0] =	vst.idx.msk $0xffff, v37  }
0x637: {  	v19 =	vor.u32 v23, v19;
	v43 =	vand.u32 $0x1, v42;
	v46 =	vld [tilespmem:s3+$0x6440]  }
0x638: {  	v19 =	vor.u32 v6, v19;
	v45 =	vshll.u32 v36, $0x3;
	v44 =	vor.u32 v11, v43  }
0x639: {  	v47 =	vld [tilespmem:s30+$0x2450];
	v21 =	vand.u32 $0x7F, v36;
	v22 =	vand.u32 $0xC00, v45;
	v20 =	vshll.u32 v44, $0x7  }
0x63a: {  	v48 =	vshrl.u32 v41, $0x9;
	v51 =	vshll.u32 v41, $0x3;
	v20 =	vor.u32 v22, v20  }
0x63b: {  	v54 =	vand.u32 $0x7F, v41;
	v49 =	vand.u32 $0x1, v48;
	v20 =	vor.u32 v21, v20  }
0x63c: {  	v52 =	vld [tilespmem:s0+$0x2440];
	v50 =	vor.u32 v5, v49;
	v20 =	vor.u32 v9, v20;
	v53 =	vshrl.u32 v46, $0x9  }
0x63d: {  	v22 =	vand.u32 $0xC00, v51;
	v21 =	vshll.u32 v50, $0x7;
	v55 =	vand.u32 $0x1, v53  }
0x63e: {  	[tilespmem:v19+s21+$0x0] =	vst.idx.msk $0xffff, v47;
	v21 =	vor.u32 v22, v21;
	v57 =	vshll.u32 v46, $0x3;
	v56 =	vor.u32 v8, v55  }
0x63f: {  	v24 =	vld [tilespmem:s30+$0x6460];
	v19 =	vor.u32 v54, v21;
	v22 =	vand.u32 $0xC00, v57;
	v21 =	vshll.u32 v56, $0x7  }
0x640: {  	v58 =	vld [tilespmem:s31+$0x2440];
	v59 =	vand.u32 $0x7F, v46;
	v19 =	vor.u32 v4, v19;
	v21 =	vor.u32 v22, v21  }
0x641: {  	v61 =	vld [tilespmem:s3+$0x2440];
	[tilespmem:v20+s21+$0x0] =	vst.idx.msk $0xffff, v52;
	v20 =	vor.u32 v59, v21  }
0x642: {  	v60 =	vld [tilespmem:s0+$0x6450];
	v20 =	vor.u32 v10, v20;
	_ =	sdelay $0x1  }
0x643: {  	v62 =	vshrl.u32 v24, $0x9  }
0x644: {  	v16 =	vor.u32 v16, v18;
	v18 =	vand.u32 $0x1, v62;
	[tilespmem:v19+s21+$0x0] =	vst.idx.msk $0xffff, v58  }
0x645: {  	v16 =	vor.u32 v2, v16;
	v63 =	vshll.u32 v24, $0x3;
	v18 =	vor.u32 v7, v18;
	v19 =	vld [tilespmem:s31+$0x6450]  }
0x646: {  	v23 =	vand.u32 $0xC00, v63;
	v18 =	vshll.u32 v18, $0x7;
	v28 =	vshrl.u32 v60, $0x9;
	[tilespmem:v20+s21+$0x0] =	vst.idx.msk $0xffff, v61  }
0x647: {  	v29 =	vand.u32 $0x7F, v24;
	v18 =	vor.u32 v23, v18;
	v25 =	vand.u32 $0x1, v28;
	v32 =	vld [tilespmem:s3+$0x6450]  }
0x648: {  	v18 =	vor.u32 v29, v18;
	v31 =	vshll.u32 v60, $0x3;
	v30 =	vor.u32 v11, v25  }
0x649: {  	v22 =	vand.u32 $0x7F, v60;
	v33 =	vand.u32 $0xC00, v31;
	v21 =	vshll.u32 v30, $0x7  }
0x64a: {  	v34 =	vshrl.u32 v19, $0x9;
	v36 =	vshll.u32 v19, $0x3;
	v21 =	vor.u32 v33, v21  }
0x64b: {  	v40 =	vand.u32 $0x7F, v19;
	v35 =	vand.u32 $0x1, v34;
	v21 =	vor.u32 v22, v21  }
0x64c: {  	v37 =	vld [tilespmem:s0+$0x2450];
	v20 =	vor.u32 v5, v35;
	v21 =	vor.u32 v9, v21;
	v38 =	vshrl.u32 v32, $0x9  }
0x64d: {  	[tilespmem:v16+s21+$0x0] =	vst.idx.msk $0xffff, v17;
	v22 =	vand.u32 $0xC00, v36;
	v20 =	vshll.u32 v20, $0x7;
	v41 =	vand.u32 $0x1, v38  }
0x64e: {  	v42 =	vld [tilespmem:s29+$0x6460];
	v39 =	vor.u32 v22, v20;
	v43 =	vshll.u32 v32, $0x3;
	v19 =	vor.u32 v8, v41  }
0x64f: {  	v45 =	vld [tilespmem:s30+$0x2460];
	v16 =	vor.u32 v40, v39;
	v17 =	vand.u32 $0xC00, v43;
	v19 =	vshll.u32 v19, $0x7  }
0x650: {  	v44 =	vld [tilespmem:s31+$0x2450];
	v46 =	vand.u32 $0x7F, v32;
	v16 =	vor.u32 v4, v16;
	v17 =	vor.u32 v17, v19  }
0x651: {  	v18 =	vor.u32 v6, v18;
	v47 =	vld [tilespmem:s3+$0x2450];
	[tilespmem:v21+s21+$0x0] =	vst.idx.msk $0xffff, v37;
	v17 =	vor.u32 v46, v17  }
0x652: {  	v21 =	vld [tilespmem:s0+$0x6460];
	v17 =	vor.u32 v10, v17  }
0x653: {  	v48 =	vshrl.u32 v42, $0x9  }
0x654: {  	v23 =	vand.u32 $0x1, v48  }
0x655: {  	v14 =	vor.u32 v15, v14;
	v49 =	vshll.u32 v42, $0x3;
	v50 =	vor.u32 v3, v23;
	[tilespmem:v16+s21+$0x0] =	vst.idx.msk $0xffff, v44  }
0x656: {  	v13 =	vand.u32 $0x7F, v13;
	[tilespmem:v18+s21+$0x0] =	vst.idx.msk $0xffff, v45;
	v18 =	vshll.u32 v50, $0x7;
	v16 =	vand.u32 $0xC00, v49;
	v22 =	vld [tilespmem:s31+$0x6460]  }
0x657: {  	v53 =	vand.u32 $0x7F, v42;
	v16 =	vor.u32 v16, v18;
	v52 =	vshrl.u32 v21, $0x9;
	[tilespmem:v17+s21+$0x0] =	vst.idx.msk $0xffff, v47  }
0x658: {  	v13 =	vor.u32 v13, v14;
	v16 =	vor.u32 v53, v16;
	v54 =	vand.u32 $0x1, v52;
	v19 =	vld [tilespmem:s3+$0x6460]  }
0x659: {  	v57 =	vld [tilespmem:s29+$0x2460];
	v16 =	vor.u32 v2, v16;
	v56 =	vshll.u32 v21, $0x3;
	v55 =	vor.u32 v11, v54  }
0x65a: {  	v21 =	vand.u32 $0x7F, v21;
	v18 =	vand.u32 $0xC00, v56;
	v17 =	vshll.u32 v55, $0x7  }
0x65b: {  	v58 =	vshrl.u32 v22, $0x9;
	v61 =	vshll.u32 v22, $0x3;
	v17 =	vor.u32 v18, v17  }
0x65c: {  	v28 =	vand.u32 $0x7F, v22;
	v18 =	vand.u32 $0x1, v58;
	v17 =	vor.u32 v21, v17  }
0x65d: {  	v60 =	vld [tilespmem:s0+$0x2460];
	v18 =	vor.u32 v5, v18;
	v17 =	vor.u32 v9, v17;
	v62 =	vshrl.u32 v19, $0x9  }
0x65e: {  	v51 =	vld [tilespmem:s30+$0x6470];
	v25 =	vand.u32 $0xC00, v61;
	[tilespmem:v16+s21+$0x0] =	vst.idx.msk $0xffff, v57;
	v18 =	vshll.u32 v18, $0x7;
	v63 =	vand.u32 $0x1, v62  }
0x65f: {  	v31 =	vld [tilespmem:s29+$0x6470];
	v29 =	vshll.u32 v19, $0x3;
	v18 =	vor.u32 v25, v18;
	v30 =	vor.u32 v8, v63  }
0x660: {  	v20 =	vand.u32 $0xC00, v29;
	v16 =	vor.u32 v28, v18;
	v32 =	vshll.u32 v30, $0x7  }
0x661: {  	v33 =	vld [tilespmem:s31+$0x2460];
	v35 =	vand.u32 $0x7F, v19;
	v16 =	vor.u32 v4, v16;
	v34 =	vor.u32 v20, v32  }
0x662: {  	v1 =	vor.u32 v1, v13;
	[tilespmem:v17+s21+$0x0] =	vst.idx.msk $0xffff, v60;
	v17 =	vor.u32 v35, v34  }
0x663: {  	v59 =	vshrl.u32 v51, $0x9;
	v41 =	vand.u32 $0x7F, v51;
	v40 =	vld [tilespmem:s3+$0x2460];
	v17 =	vor.u32 v10, v17  }
0x664: {  	v24 =	vand.u32 $0x1, v59;
	v37 =	vshll.u32 v51, $0x3;
	v42 =	vshrl.u32 v31, $0x9;
	v38 =	vld [tilespmem:s0+$0x6470]  }
0x665: {  	v36 =	vor.u32 v7, v24;
	v39 =	vand.u32 $0xC00, v37;
	v44 =	vand.u32 $0x1, v42  }
0x666: {  	v7 =	vshll.u32 v36, $0x7;
	v47 =	vshll.u32 v31, $0x3;
	v3 =	vor.u32 v3, v44;
	[tilespmem:v16+s21+$0x0] =	vst.idx.msk $0xffff, v33  }
0x667: {  	v7 =	vor.u32 v39, v7;
	v14 =	vand.u32 $0xC00, v47;
	v3 =	vshll.u32 v3, $0x7;
	v46 =	vld [tilespmem:s31+$0x6470]  }
0x668: {  	v7 =	vor.u32 v41, v7;
	v50 =	vand.u32 $0x7F, v31;
	v3 =	vor.u32 v14, v3;
	[tilespmem:v17+s21+$0x0] =	vst.idx.msk $0xffff, v40  }
0x669: {  	v43 =	vor.u32 v6, v7;
	v3 =	vor.u32 v50, v3;
	v45 =	vshrl.u32 v38, $0x9;
	v49 =	vld [tilespmem:s3+$0x6470]  }
0x66a: {  	v2 =	vor.u32 v2, v3;
	v48 =	vshll.u32 v38, $0x3;
	v7 =	vand.u32 $0x1, v45  }
0x66b: {  	v51 =	vand.u32 $0x7F, v38;
	v7 =	vor.u32 v11, v7;
	v11 =	vand.u32 $0xC00, v48  }
0x66c: {  	v7 =	vshll.u32 v7, $0x7;
	v52 =	vshrl.u32 v46, $0x9;
	v53 =	vshll.u32 v46, $0x3  }
0x66d: {  	v13 =	vand.u32 $0x7F, v46;
	v7 =	vor.u32 v11, v7;
	v3 =	vand.u32 $0x1, v52  }
0x66e: {  	v7 =	vor.u32 v51, v7;
	v3 =	vor.u32 v5, v3;
	v54 =	vshrl.u32 v49, $0x9  }
0x66f: {  	v5 =	vand.u32 $0xC00, v53;
	v7 =	vor.u32 v9, v7;
	v9 =	vand.u32 $0x1, v54  }
0x670: {  	v55 =	vld [tilespmem:s30+$0x2470];
	v3 =	vshll.u32 v3, $0x7;
	v57 =	vshll.u32 v49, $0x3;
	v56 =	vor.u32 v8, v9  }
0x671: {  	v59 =	vld [tilespmem:s29+$0x2470];
	v3 =	vor.u32 v5, v3;
	v8 =	vand.u32 $0xC00, v57;
	v5 =	vshll.u32 v56, $0x7  }
0x672: {  	v58 =	vld [tilespmem:s0+$0x2470];
	v60 =	vand.u32 $0x7F, v49;
	v3 =	vor.u32 v13, v3;
	v5 =	vor.u32 v8, v5  }
0x673: {  	v61 =	vld [tilespmem:s31+$0x2470];
	v3 =	vor.u32 v4, v3;
	v62 =	vor.u32 v60, v5  }
0x674: {  	[tilespmem:v1+s21+$0x0] =	vst.idx.msk $0xffff, v12;
	v63 =	vld [tilespmem:s3+$0x2470];
	v4 =	vor.u32 v10, v62  }
0x675: {  	[tilespmem:v43+s21+$0x0] =	vst.idx.msk $0xffff, v55  }
.Ltmp7:
0x676: {  	[tilespmem:v2+s21+$0x0] =	vst.idx.msk $0xffff, v59;
	(pc) =	sbr.rel @p0 .LBB2_14-.Ltmp7, $4  }
0x677: {  	s31 =	sshll.u32 s28, $0x7;
	[tilespmem:v7+s21+$0x0] =	vst.idx.msk $0xffff, v58  }
0x678: {  	s0 =	sand.u32 $0x1FFFF000, s31;
	[tilespmem:v3+s21+$0x0] =	vst.idx.msk $0xffff, v61  }
0x679: {  	s0 =	sadd.s32 s4, s0;
	[tilespmem:v4+s21+$0x0] =	vst.idx.msk $0xffff, v63  }
0x67a: {  	[hbm4b:s0+s5] =	stream.linear.scatter [tilespmem:s21], [sflag:$0x4], $0x8000, $0x38;
	[tilespmem:$0x18000] =	vst v63  }
0x67b: {  	s0 =	sadd.s32 s26, s14  }
.Ltmp8:
0x67c: {  	s0 =	sshrl.u32 s0, $0x3;
	(pc) =	sbr.rel .LBB2_2-.Ltmp8, $4  }
0x67d: {  	s6 =	simm.s32 $0x2000;
	s3 =	sadd.s32 s1, s0  }
0x67e: {  	[tilespmem:s6], [sflag:$0x2] =	stream.linear.gather [hbm4b:s3+s5], $0x2000, $0x38;
	[tilespmem:$0x18000] =	vst v63  }
0x67f: {  	s31 =	simm.s32 $0x6000;
	s25 =	sadd.s32 $0x1, s25;
	s0 =	sadd.s32 s2, s0  }
0x680: {  	[tilespmem:s31], [sflag:$0x2] =	stream.linear.gather [hbm4b:s0+s5], $0x2000, $0x38;
	[tilespmem:$0x18000] =	vst v63  }
.LBB2_15:
0x681: {  	_ =	sfence.sel $0x180000  }
0x682: {  	[bflag:$0x0] =	sbarrier.arrive $0xFFFF  }
0x683: {  	_ =	strace $0x90000047  }
0x684: {  	s0 =	stileid.u32;
	[bflag:$0x2] =	sbarrier.arrive $0xFFFF  }
0x685: {  	p0 =	sne.s32 s0, $0x0;
	s0 =	rddreg [dreg:$0x3]  }
0x686: {  	s0 =	sadd.s32 @!p0 $0x100000, s0  }
0x687: {  	[sflag:s0] =	ssyncadd.tile.s32 @!p0 $0x1;
	_ =	shalt  }
.Lfunc_end2:
_tile_overlayer_lowered:
.L_overlay_start_2:
0x688: {  	(tag) =	ssettag $0x2  }
0x689: {  	s0 =	rddreg [dreg:$0x0];
	s2 =	stileid.u32  }
0x68a: {  	s1 =	rddreg [dreg:$0x1];
	p0 =	sne.s32 s2, $0x0  }
0x68b: {  	s3 =	rddreg [dreg:$0x2];
	[bflag:$0x3] =	sbarrier.arrive $0xFFFF;
	s2 =	simm.s32 @!p0 $0x1C05  }
0x68c: {  	[timem:s3], [sflag:s2] =	dma.local @!p0 [hbm:s0], s1  }
0x68d: {  	s0 =	simm.s32 @!p0 $0x5  }
0x68e: {  	_ =	swait.ge @!p0 [sflag:s0], s1  }
0x68f: {  	s1 =	ssub.s32 @!p0 $0x0, s1;
	[sflag:s0] =	ssyncset.done @!p0 $0x0  }
0x690: {  	[sflag:s0] =	ssyncadd.s32 @!p0 s1  }
0x691: {  	[bflag:$0x3] =	sbarrier.arrive $0xFFFF  }
0x692: {  	_ =	shalt  }

</sc_bundles>
